<compile_context>
chip_gen: v7x
topology: tpu7x:2x2x1
jax: 0.10.2.dev20260603
libtpu: 0.0.44.dev20260713+nightly
codegen_flags: <defaults>
</compile_context>

<pallas_src>
import functools

import jax
import jax.numpy as jnp
from jax import lax
from jax.experimental import pallas as pl
from jax.experimental.pallas import tpu as pltpu
from jax.experimental.pallas import tpu_sc as plsc

NUM_CLS = 151
FILL_V = 1000.0
LANES = 16
STRIP = 128


def _sc_workers():
    try:
        info = plsc.get_sparse_core_info()
        return info.num_cores, info.num_subcores
    except Exception:
        return 2, 16


def _onehot_call(n_rows: int):
    NC, NS = _sc_workers()
    NW = NC * NS
    C = NUM_CLS
    assert n_rows % 8 == 0 and n_rows >= STRIP
    c_pad = -(-C // 8) * 8
    n_tiles = c_pad // 8
    n_strips = -(-n_rows // STRIP)
    max_strips = -(-n_strips // NW)
    kF = max_strips - 1
    last_w = n_rows - (n_strips - 1) * STRIP
    i0_last = (n_strips - 1) * STRIP
    shift = i0_last - (n_rows - STRIP)

    mesh = plsc.VectorSubcoreMesh(core_axis_name="c", subcore_axis_name="s")

    scratch = [pltpu.VMEM((STRIP,), jnp.int32) for _ in range(max_strips)]
    scratch += [pltpu.VMEM((c_pad, STRIP), jnp.float32) for _ in range(2)]
    scratch += [pltpu.SemaphoreType.DMA for _ in range(max_strips + 2)]

    @functools.partial(
        pl.kernel,
        out_type=jax.ShapeDtypeStruct((C, n_rows), jnp.float32),
        mesh=mesh,
        scratch_types=scratch,
        compiler_params=pltpu.CompilerParams(needs_layout_passes=False),
    )
    def onehot_kernel(labels_hbm, out_hbm, *scr):
        labs = scr[:max_strips]
        bufs = scr[max_strips:max_strips + 2]
        sem_labs = scr[max_strips + 2:2 * max_strips + 2]
        sems = scr[2 * max_strips + 2:2 * max_strips + 4]
        wid = lax.axis_index("s") * NC + lax.axis_index("c")

        neg = jnp.full((LANES,), -FILL_V, dtype=jnp.float32)
        pos = jnp.full((LANES,), FILL_V, dtype=jnp.float32)
        lane = lax.iota(jnp.int32, LANES)

        lab_descs = []
        for k in range(max_strips):
            s = wid + k * NW
            i0_lab = jnp.minimum(s * STRIP, n_rows - STRIP)
            d = pltpu.make_async_copy(
                labels_hbm.at[pl.ds(i0_lab, STRIP)], labs[k], sem_labs[k])
            d.start()
            lab_descs.append(d)

        def fill_body(rr, _):
            for b in range(2):
                for o in range(0, STRIP, LANES):
                    bufs[b][rr, pl.ds(o, LANES)] = neg
            return _

        lax.fori_loop(0, c_pad, fill_body, None)

        for d in lab_descs:
            d.wait()

        def scatter(buf, labref, val):
            for j in range(STRIP // LANES):
                lab = labref[pl.ds(j * LANES, LANES)]
                plsc.store_scatter(buf, [lab, (j * LANES) + lane], val)

        def fire(buf, i0, sem):
            descs = []
            for tr in range(n_tiles):
                rows = min(8, C - tr * 8)
                d = pltpu.make_async_copy(
                    buf.at[pl.ds(tr * 8, rows)],
                    out_hbm.at[pl.ds(tr * 8, rows), pl.ds(i0, STRIP)],
                    sem,
                )
                d.start()
                descs.append(d)
            return descs

        out_descs = []
        for k in range(kF):
            b = k % 2
            if k >= 2:
                for d in out_descs[k - 2]:
                    d.wait()
                scatter(bufs[b], labs[k - 2], neg)
            scatter(bufs[b], labs[k], pos)
            out_descs.append(fire(bufs[b], (wid + k * NW) * STRIP, sems[b]))

        bF = kF % 2
        sF = wid + kF * NW
        if kF >= 2:
            for d in out_descs[kF - 2]:
                d.wait()

            @pl.when(sF < n_strips)
            def _():
                scatter(bufs[bF], labs[kF - 2], neg)

        @pl.when(sF < n_strips - 1)
        def _():
            scatter(bufs[bF], labs[kF], pos)
            for d in fire(bufs[bF], sF * STRIP, sems[bF]):
                d.wait()

        @pl.when(sF == n_strips - 1)
        def _():
            for j in range(STRIP // LANES):
                lab = labs[kF][pl.ds(j * LANES, LANES)]
                il = (j * LANES) + lane - shift
                plsc.store_scatter(bufs[bF], [lab, jnp.maximum(il, 0)], pos,
                                   mask=il >= 0)
            i0p = sF * STRIP
            for tr in range(n_tiles):
                rows = min(8, C - tr * 8)
                pltpu.sync_copy(
                    bufs[bF].at[pl.ds(tr * 8, rows), pl.ds(0, last_w)],
                    out_hbm.at[pl.ds(tr * 8, rows), pl.ds(i0p, last_w)],
                )

        for k in range(max(0, kF - 1), kF):
            for d in out_descs[k]:
                d.wait()

    return onehot_kernel


def kernel(im_inds, obj_fmaps, obj_labels, rel_inds):
    n = obj_labels.shape[0]
    call = _onehot_call(n)
    return call(obj_labels).T

# --- scband reference (transcript-rebuilt; emitter-appended) ---
"""Pipeline reference for scband-gnnreason-68015102099914 (READ-ONLY COPY).

The authoritative reference and input builder live on the scoring server;
editing this copy changes nothing except your own understanding.
"""

import jax, jax.numpy as jnp
import numpy as np

NUM_OBJ_CLS = 151
FILL = 1000.0


def setup_inputs(seed: int = 0):
    key = jax.random.key(seed)
    k1, k2, k3, k4 = jax.random.split(key, 4)
    N = 10000
    E = 50000
    im_inds = jnp.sort(jax.random.randint(k1, (N,), 0, 64, dtype=jnp.int32))
    obj_fmaps = jax.random.normal(k2, (N, 4096), dtype=jnp.float32)
    obj_labels = jax.random.randint(k3, (N,), 0, NUM_OBJ_CLS, dtype=jnp.int32)
    rel_inds = jax.random.randint(k4, (E, 3), 0, N, dtype=jnp.int32)
    return {"im_inds": im_inds, "obj_fmaps": obj_fmaps, "obj_labels": obj_labels, "rel_inds": rel_inds}


def reference(im_inds, obj_fmaps, obj_labels, rel_inds):
    # GNNReason.forward in mode='predcls': obj_dists = to_onehot(obj_labels, num_obj_cls)
    # to_onehot (neural-motifs): matrix filled with -fill, fill at the label column.
    N = obj_labels.shape[0]
    onehot = jnp.full((N, NUM_OBJ_CLS), -FILL, dtype=jnp.float32)
    onehot = onehot.at[jnp.arange(N), obj_labels].set(FILL)
    return onehot

if __name__ == "__main__":
    import jax
    _d = setup_inputs()
    print(jax.jit(kernel)(*tuple(_d.values())))

</pallas_src>

<mosaic_0001>
#map = affine_map<(d0, d1) -> (0)>
#map1 = affine_map<(d0, d1) -> (0, 0)>
module attributes {stable_mosaic.version = 14 : i64} {
  func.func @onehot_kernel(%arg0: i32, %arg1: i32, %arg2: memref<10000xi32, #tpu.memory_space<hbm>>, %arg3: memref<151x10000xf32, #tpu.memory_space<hbm>>, %arg4: memref<128xi32, #tpu.memory_space<vmem>>, %arg5: memref<128xi32, #tpu.memory_space<vmem>>, %arg6: memref<128xi32, #tpu.memory_space<vmem>>, %arg7: memref<152x128xf32, #tpu.memory_space<vmem>>, %arg8: memref<152x128xf32, #tpu.memory_space<vmem>>, %arg9: memref<!tpu.dma_semaphore, #tpu.memory_space<semaphore_mem>>, %arg10: memref<!tpu.dma_semaphore, #tpu.memory_space<semaphore_mem>>, %arg11: memref<!tpu.dma_semaphore, #tpu.memory_space<semaphore_mem>>, %arg12: memref<!tpu.dma_semaphore, #tpu.memory_space<semaphore_mem>>, %arg13: memref<!tpu.dma_semaphore, #tpu.memory_space<semaphore_mem>>) attributes {dimension_semantics = [#tpu.dimension_semantics<core_parallel>, #tpu.dimension_semantics<subcore_parallel>], iteration_bounds = array<i64: 2, 16>, scalar_prefetch = 0 : i64, scratch_operands = 10 : i64, tpu.core_type = #tpu.core_type<sc_vector_subcore>, window_params = [{transform_indices = #map}, {transform_indices = #map1}]} {
    %mul3A = arith.constant 2 : i32
    %mul3A_0 = arith.muli %arg1, %mul3A : i32
    %add3A = arith.addi %mul3A_0, %arg0 : i32
    %broadcast_in_dim3A = arith.constant -1.000000e+03 : f32
    %broadcast_in_dim3A_1 = vector.broadcast %broadcast_in_dim3A : f32 to vector<16xf32>
    %broadcast_in_dim3A_2 = arith.constant 1.000000e+03 : f32
    %broadcast_in_dim3A_3 = vector.broadcast %broadcast_in_dim3A_2 : f32 to vector<16xf32>
    %iota3A = tpu.iota {dimensions = array<i32: 0>} : vector<16xi32>
    %add3A_4 = arith.constant 0 : i32
    %add3A_5 = arith.addi %add3A, %add3A_4 : i32
    %mul3A_6 = arith.constant 128 : i32
    %mul3A_7 = arith.muli %add3A_5, %mul3A_6 : i32
    %min3A = arith.constant 9872 : i32
    %min3A_8 = arith.minsi %mul3A_7, %min3A : i32
    %dma_start3A = tpu.memref_slice %arg2[%min3A_8] : memref<10000xi32, #tpu.memory_space<hbm>> -> memref<128xi32, #tpu.memory_space<hbm>>
    %dma_start3A_9 = tpu.memref_slice %arg2[%min3A_8] : memref<10000xi32, #tpu.memory_space<hbm>> -> memref<128xi32, #tpu.memory_space<hbm>>
    tpu.enqueue_dma source(%dma_start3A_9 : memref<128xi32, #tpu.memory_space<hbm>>) target(%arg4 : memref<128xi32, #tpu.memory_space<vmem>>) target_semaphore(%arg9 : memref<!tpu.dma_semaphore, #tpu.memory_space<semaphore_mem>>)
    %add3A_10 = arith.constant 32 : i32
    %add3A_11 = arith.addi %add3A, %add3A_10 : i32
    %mul3A_12 = arith.constant 128 : i32
    %mul3A_13 = arith.muli %add3A_11, %mul3A_12 : i32
    %min3A_14 = arith.constant 9872 : i32
    %min3A_15 = arith.minsi %mul3A_13, %min3A_14 : i32
    %dma_start3A_16 = tpu.memref_slice %arg2[%min3A_15] : memref<10000xi32, #tpu.memory_space<hbm>> -> memref<128xi32, #tpu.memory_space<hbm>>
    %dma_start3A_17 = tpu.memref_slice %arg2[%min3A_15] : memref<10000xi32, #tpu.memory_space<hbm>> -> memref<128xi32, #tpu.memory_space<hbm>>
    tpu.enqueue_dma source(%dma_start3A_17 : memref<128xi32, #tpu.memory_space<hbm>>) target(%arg5 : memref<128xi32, #tpu.memory_space<vmem>>) target_semaphore(%arg10 : memref<!tpu.dma_semaphore, #tpu.memory_space<semaphore_mem>>)
    %add3A_18 = arith.constant 64 : i32
    %add3A_19 = arith.addi %add3A, %add3A_18 : i32
    %mul3A_20 = arith.constant 128 : i32
    %mul3A_21 = arith.muli %add3A_19, %mul3A_20 : i32
    %min3A_22 = arith.constant 9872 : i32
    %min3A_23 = arith.minsi %mul3A_21, %min3A_22 : i32
    %dma_start3A_24 = tpu.memref_slice %arg2[%min3A_23] : memref<10000xi32, #tpu.memory_space<hbm>> -> memref<128xi32, #tpu.memory_space<hbm>>
    %dma_start3A_25 = tpu.memref_slice %arg2[%min3A_23] : memref<10000xi32, #tpu.memory_space<hbm>> -> memref<128xi32, #tpu.memory_space<hbm>>
    tpu.enqueue_dma source(%dma_start3A_25 : memref<128xi32, #tpu.memory_space<hbm>>) target(%arg6 : memref<128xi32, #tpu.memory_space<vmem>>) target_semaphore(%arg11 : memref<!tpu.dma_semaphore, #tpu.memory_space<semaphore_mem>>)
    %scan3A = arith.constant 0 : i32
    %scan3A_26 = arith.constant 152 : i32
    %scan3A_27 = arith.addi %scan3A, %scan3A_26 : i32
    %scan3A_28 = arith.constant 1 : i32
    scf.for %scan3A_895 = %scan3A to %scan3A_27 step %scan3A_28  : i32 {
      %swap3A = arith.index_cast %scan3A_895 : i32 to index
      %swap3A_896 = arith.constant 0 : index
      %swap3A_897 = tpu.vector_load %arg7[%swap3A, %swap3A_896] {strides = array<i32>} : memref<152x128xf32, #tpu.memory_space<vmem>>, vector<16xf32>,
      tpu.vector_store %arg7[%swap3A, %swap3A_896], %broadcast_in_dim3A_1 {strides = array<i32>} : memref<152x128xf32, #tpu.memory_space<vmem>>, vector<16xf32>,
      %swap3A_898 = arith.index_cast %scan3A_895 : i32 to index
      %swap3A_899 = arith.constant 16 : index
      %swap3A_900 = tpu.vector_load %arg7[%swap3A_898, %swap3A_899] {strides = array<i32>} : memref<152x128xf32, #tpu.memory_space<vmem>>, vector<16xf32>,
      tpu.vector_store %arg7[%swap3A_898, %swap3A_899], %broadcast_in_dim3A_1 {strides = array<i32>} : memref<152x128xf32, #tpu.memory_space<vmem>>, vector<16xf32>,
      %swap3A_901 = arith.index_cast %scan3A_895 : i32 to index
      %swap3A_902 = arith.constant 32 : index
      %swap3A_903 = tpu.vector_load %arg7[%swap3A_901, %swap3A_902] {strides = array<i32>} : memref<152x128xf32, #tpu.memory_space<vmem>>, vector<16xf32>,
      tpu.vector_store %arg7[%swap3A_901, %swap3A_902], %broadcast_in_dim3A_1 {strides = array<i32>} : memref<152x128xf32, #tpu.memory_space<vmem>>, vector<16xf32>,
      %swap3A_904 = arith.index_cast %scan3A_895 : i32 to index
      %swap3A_905 = arith.constant 48 : index
      %swap3A_906 = tpu.vector_load %arg7[%swap3A_904, %swap3A_905] {strides = array<i32>} : memref<152x128xf32, #tpu.memory_space<vmem>>, vector<16xf32>,
      tpu.vector_store %arg7[%swap3A_904, %swap3A_905], %broadcast_in_dim3A_1 {strides = array<i32>} : memref<152x128xf32, #tpu.memory_space<vmem>>, vector<16xf32>,
      %swap3A_907 = arith.index_cast %scan3A_895 : i32 to index
      %swap3A_908 = arith.constant 64 : index
      %swap3A_909 = tpu.vector_load %arg7[%swap3A_907, %swap3A_908] {strides = array<i32>} : memref<152x128xf32, #tpu.memory_space<vmem>>, vector<16xf32>,
      tpu.vector_store %arg7[%swap3A_907, %swap3A_908], %broadcast_in_dim3A_1 {strides = array<i32>} : memref<152x128xf32, #tpu.memory_space<vmem>>, vector<16xf32>,
      %swap3A_910 = arith.index_cast %scan3A_895 : i32 to index
      %swap3A_911 = arith.constant 80 : index
      %swap3A_912 = tpu.vector_load %arg7[%swap3A_910, %swap3A_911] {strides = array<i32>} : memref<152x128xf32, #tpu.memory_space<vmem>>, vector<16xf32>,
      tpu.vector_store %arg7[%swap3A_910, %swap3A_911], %broadcast_in_dim3A_1 {strides = array<i32>} : memref<152x128xf32, #tpu.memory_space<vmem>>, vector<16xf32>,
      %swap3A_913 = arith.index_cast %scan3A_895 : i32 to index
      %swap3A_914 = arith.constant 96 : index
      %swap3A_915 = tpu.vector_load %arg7[%swap3A_913, %swap3A_914] {strides = array<i32>} : memref<152x128xf32, #tpu.memory_space<vmem>>, vector<16xf32>,
      tpu.vector_store %arg7[%swap3A_913, %swap3A_914], %broadcast_in_dim3A_1 {strides = array<i32>} : memref<152x128xf32, #tpu.memory_space<vmem>>, vector<16xf32>,
      %swap3A_916 = arith.index_cast %scan3A_895 : i32 to index
      %swap3A_917 = arith.constant 112 : index
      %swap3A_918 = tpu.vector_load %arg7[%swap3A_916, %swap3A_917] {strides = array<i32>} : memref<152x128xf32, #tpu.memory_space<vmem>>, vector<16xf32>,
      tpu.vector_store %arg7[%swap3A_916, %swap3A_917], %broadcast_in_dim3A_1 {strides = array<i32>} : memref<152x128xf32, #tpu.memory_space<vmem>>, vector<16xf32>,
      %swap3A_919 = arith.index_cast %scan3A_895 : i32 to index
      %swap3A_920 = arith.constant 0 : index
      %swap3A_921 = tpu.vector_load %arg8[%swap3A_919, %swap3A_920] {strides = array<i32>} : memref<152x128xf32, #tpu.memory_space<vmem>>, vector<16xf32>,
      tpu.vector_store %arg8[%swap3A_919, %swap3A_920], %broadcast_in_dim3A_1 {strides = array<i32>} : memref<152x128xf32, #tpu.memory_space<vmem>>, vector<16xf32>,
      %swap3A_922 = arith.index_cast %scan3A_895 : i32 to index
      %swap3A_923 = arith.constant 16 : index
      %swap3A_924 = tpu.vector_load %arg8[%swap3A_922, %swap3A_923] {strides = array<i32>} : memref<152x128xf32, #tpu.memory_space<vmem>>, vector<16xf32>,
      tpu.vector_store %arg8[%swap3A_922, %swap3A_923], %broadcast_in_dim3A_1 {strides = array<i32>} : memref<152x128xf32, #tpu.memory_space<vmem>>, vector<16xf32>,
      %swap3A_925 = arith.index_cast %scan3A_895 : i32 to index
      %swap3A_926 = arith.constant 32 : index
      %swap3A_927 = tpu.vector_load %arg8[%swap3A_925, %swap3A_926] {strides = array<i32>} : memref<152x128xf32, #tpu.memory_space<vmem>>, vector<16xf32>,
      tpu.vector_store %arg8[%swap3A_925, %swap3A_926], %broadcast_in_dim3A_1 {strides = array<i32>} : memref<152x128xf32, #tpu.memory_space<vmem>>, vector<16xf32>,
      %swap3A_928 = arith.index_cast %scan3A_895 : i32 to index
      %swap3A_929 = arith.constant 48 : index
      %swap3A_930 = tpu.vector_load %arg8[%swap3A_928, %swap3A_929] {strides = array<i32>} : memref<152x128xf32, #tpu.memory_space<vmem>>, vector<16xf32>,
      tpu.vector_store %arg8[%swap3A_928, %swap3A_929], %broadcast_in_dim3A_1 {strides = array<i32>} : memref<152x128xf32, #tpu.memory_space<vmem>>, vector<16xf32>,
      %swap3A_931 = arith.index_cast %scan3A_895 : i32 to index
      %swap3A_932 = arith.constant 64 : index
      %swap3A_933 = tpu.vector_load %arg8[%swap3A_931, %swap3A_932] {strides = array<i32>} : memref<152x128xf32, #tpu.memory_space<vmem>>, vector<16xf32>,
      tpu.vector_store %arg8[%swap3A_931, %swap3A_932], %broadcast_in_dim3A_1 {strides = array<i32>} : memref<152x128xf32, #tpu.memory_space<vmem>>, vector<16xf32>,
      %swap3A_934 = arith.index_cast %scan3A_895 : i32 to index
      %swap3A_935 = arith.constant 80 : index
      %swap3A_936 = tpu.vector_load %arg8[%swap3A_934, %swap3A_935] {strides = array<i32>} : memref<152x128xf32, #tpu.memory_space<vmem>>, vector<16xf32>,
      tpu.vector_store %arg8[%swap3A_934, %swap3A_935], %broadcast_in_dim3A_1 {strides = array<i32>} : memref<152x128xf32, #tpu.memory_space<vmem>>, vector<16xf32>,
      %swap3A_937 = arith.index_cast %scan3A_895 : i32 to index
      %swap3A_938 = arith.constant 96 : index
      %swap3A_939 = tpu.vector_load %arg8[%swap3A_937, %swap3A_938] {strides = array<i32>} : memref<152x128xf32, #tpu.memory_space<vmem>>, vector<16xf32>,
      tpu.vector_store %arg8[%swap3A_937, %swap3A_938], %broadcast_in_dim3A_1 {strides = array<i32>} : memref<152x128xf32, #tpu.memory_space<vmem>>, vector<16xf32>,
      %swap3A_940 = arith.index_cast %scan3A_895 : i32 to index
      %swap3A_941 = arith.constant 112 : index
      %swap3A_942 = tpu.vector_load %arg8[%swap3A_940, %swap3A_941] {strides = array<i32>} : memref<152x128xf32, #tpu.memory_space<vmem>>, vector<16xf32>,
      tpu.vector_store %arg8[%swap3A_940, %swap3A_941], %broadcast_in_dim3A_1 {strides = array<i32>} : memref<152x128xf32, #tpu.memory_space<vmem>>, vector<16xf32>,
    }
    %scan3A_29 = arith.constant 152 : i32
    %dma_wait3A = tpu.memref_slice %arg2[%min3A_8] : memref<10000xi32, #tpu.memory_space<hbm>> -> memref<128xi32, #tpu.memory_space<hbm>>
    %dma_wait3A_30 = tpu.memref_slice %arg2[%min3A_8] : memref<10000xi32, #tpu.memory_space<hbm>> -> memref<128xi32, #tpu.memory_space<hbm>>
    tpu.wait_dma2 semaphore(%arg9 : memref<!tpu.dma_semaphore, #tpu.memory_space<semaphore_mem>>) src(%dma_wait3A_30 : memref<128xi32, #tpu.memory_space<hbm>>) dst(%arg4 : memref<128xi32, #tpu.memory_space<vmem>>)
    %dma_wait3A_31 = tpu.memref_slice %arg2[%min3A_15] : memref<10000xi32, #tpu.memory_space<hbm>> -> memref<128xi32, #tpu.memory_space<hbm>>
    %dma_wait3A_32 = tpu.memref_slice %arg2[%min3A_15] : memref<10000xi32, #tpu.memory_space<hbm>> -> memref<128xi32, #tpu.memory_space<hbm>>
    tpu.wait_dma2 semaphore(%arg10 : memref<!tpu.dma_semaphore, #tpu.memory_space<semaphore_mem>>) src(%dma_wait3A_32 : memref<128xi32, #tpu.memory_space<hbm>>) dst(%arg5 : memref<128xi32, #tpu.memory_space<vmem>>)
    %dma_wait3A_33 = tpu.memref_slice %arg2[%min3A_23] : memref<10000xi32, #tpu.memory_space<hbm>> -> memref<128xi32, #tpu.memory_space<hbm>>
    %dma_wait3A_34 = tpu.memref_slice %arg2[%min3A_23] : memref<10000xi32, #tpu.memory_space<hbm>> -> memref<128xi32, #tpu.memory_space<hbm>>
    tpu.wait_dma2 semaphore(%arg11 : memref<!tpu.dma_semaphore, #tpu.memory_space<semaphore_mem>>) src(%dma_wait3A_34 : memref<128xi32, #tpu.memory_space<hbm>>) dst(%arg6 : memref<128xi32, #tpu.memory_space<vmem>>)
    %get3A = arith.constant 0 : index
    %get3A_35 = tpu.vector_load %arg4[%get3A] {strides = array<i32>} : memref<128xi32, #tpu.memory_space<vmem>>, vector<16xi32>,
    %add3A_36 = arith.constant 0 : i32
    %add3A_37 = vector.broadcast %add3A_36 : i32 to vector<16xi32>
    %add3A_38 = arith.addi %add3A_37, %iota3A : vector<16xi32>
    tpu.vector_store_idx %arg7[%get3A_35, %add3A_38], %broadcast_in_dim3A_3 : memref<152x128xf32, #tpu.memory_space<vmem>>[vector<16xi32>, vector<16xi32>], vector<16xf32>,
    %get3A_39 = arith.constant 16 : index
    %get3A_40 = tpu.vector_load %arg4[%get3A_39] {strides = array<i32>} : memref<128xi32, #tpu.memory_space<vmem>>, vector<16xi32>,
    %add3A_41 = arith.constant 16 : i32
    %add3A_42 = vector.broadcast %add3A_41 : i32 to vector<16xi32>
    %add3A_43 = arith.addi %add3A_42, %iota3A : vector<16xi32>
    tpu.vector_store_idx %arg7[%get3A_40, %add3A_43], %broadcast_in_dim3A_3 : memref<152x128xf32, #tpu.memory_space<vmem>>[vector<16xi32>, vector<16xi32>], vector<16xf32>,
    %get3A_44 = arith.constant 32 : index
    %get3A_45 = tpu.vector_load %arg4[%get3A_44] {strides = array<i32>} : memref<128xi32, #tpu.memory_space<vmem>>, vector<16xi32>,
    %add3A_46 = arith.constant 32 : i32
    %add3A_47 = vector.broadcast %add3A_46 : i32 to vector<16xi32>
    %add3A_48 = arith.addi %add3A_47, %iota3A : vector<16xi32>
    tpu.vector_store_idx %arg7[%get3A_45, %add3A_48], %broadcast_in_dim3A_3 : memref<152x128xf32, #tpu.memory_space<vmem>>[vector<16xi32>, vector<16xi32>], vector<16xf32>,
    %get3A_49 = arith.constant 48 : index
    %get3A_50 = tpu.vector_load %arg4[%get3A_49] {strides = array<i32>} : memref<128xi32, #tpu.memory_space<vmem>>, vector<16xi32>,
    %add3A_51 = arith.constant 48 : i32
    %add3A_52 = vector.broadcast %add3A_51 : i32 to vector<16xi32>
    %add3A_53 = arith.addi %add3A_52, %iota3A : vector<16xi32>
    tpu.vector_store_idx %arg7[%get3A_50, %add3A_53], %broadcast_in_dim3A_3 : memref<152x128xf32, #tpu.memory_space<vmem>>[vector<16xi32>, vector<16xi32>], vector<16xf32>,
    %get3A_54 = arith.constant 64 : index
    %get3A_55 = tpu.vector_load %arg4[%get3A_54] {strides = array<i32>} : memref<128xi32, #tpu.memory_space<vmem>>, vector<16xi32>,
    %add3A_56 = arith.constant 64 : i32
    %add3A_57 = vector.broadcast %add3A_56 : i32 to vector<16xi32>
    %add3A_58 = arith.addi %add3A_57, %iota3A : vector<16xi32>
    tpu.vector_store_idx %arg7[%get3A_55, %add3A_58], %broadcast_in_dim3A_3 : memref<152x128xf32, #tpu.memory_space<vmem>>[vector<16xi32>, vector<16xi32>], vector<16xf32>,
    %get3A_59 = arith.constant 80 : index
    %get3A_60 = tpu.vector_load %arg4[%get3A_59] {strides = array<i32>} : memref<128xi32, #tpu.memory_space<vmem>>, vector<16xi32>,
    %add3A_61 = arith.constant 80 : i32
    %add3A_62 = vector.broadcast %add3A_61 : i32 to vector<16xi32>
    %add3A_63 = arith.addi %add3A_62, %iota3A : vector<16xi32>
    tpu.vector_store_idx %arg7[%get3A_60, %add3A_63], %broadcast_in_dim3A_3 : memref<152x128xf32, #tpu.memory_space<vmem>>[vector<16xi32>, vector<16xi32>], vector<16xf32>,
    %get3A_64 = arith.constant 96 : index
    %get3A_65 = tpu.vector_load %arg4[%get3A_64] {strides = array<i32>} : memref<128xi32, #tpu.memory_space<vmem>>, vector<16xi32>,
    %add3A_66 = arith.constant 96 : i32
    %add3A_67 = vector.broadcast %add3A_66 : i32 to vector<16xi32>
    %add3A_68 = arith.addi %add3A_67, %iota3A : vector<16xi32>
    tpu.vector_store_idx %arg7[%get3A_65, %add3A_68], %broadcast_in_dim3A_3 : memref<152x128xf32, #tpu.memory_space<vmem>>[vector<16xi32>, vector<16xi32>], vector<16xf32>,
    %get3A_69 = arith.constant 112 : index
    %get3A_70 = tpu.vector_load %arg4[%get3A_69] {strides = array<i32>} : memref<128xi32, #tpu.memory_space<vmem>>, vector<16xi32>,
    %add3A_71 = arith.constant 112 : i32
    %add3A_72 = vector.broadcast %add3A_71 : i32 to vector<16xi32>
    %add3A_73 = arith.addi %add3A_72, %iota3A : vector<16xi32>
    tpu.vector_store_idx %arg7[%get3A_70, %add3A_73], %broadcast_in_dim3A_3 : memref<152x128xf32, #tpu.memory_space<vmem>>[vector<16xi32>, vector<16xi32>], vector<16xf32>,
    %add3A_74 = arith.constant 0 : i32
    %add3A_75 = arith.addi %add3A, %add3A_74 : i32
    %mul3A_76 = arith.constant 128 : i32
    %mul3A_77 = arith.muli %add3A_75, %mul3A_76 : i32
    %dma_start3A_78 = arith.constant 0 : i32
    %dma_start3A_79 = arith.constant 0 : i32
    %dma_start3A_80 = tpu.memref_slice %arg7[%dma_start3A_78, %dma_start3A_79] : memref<152x128xf32, #tpu.memory_space<vmem>> -> memref<8x128xf32, #tpu.memory_space<vmem>>
    %dma_start3A_81 = arith.constant 0 : i32
    %dma_start3A_82 = tpu.memref_slice %arg3[%dma_start3A_81, %mul3A_77] : memref<151x10000xf32, #tpu.memory_space<hbm>> -> memref<8x128xf32, #tpu.memory_space<hbm>>
    %dma_start3A_83 = arith.constant 0 : i32
    %dma_start3A_84 = tpu.memref_slice %arg3[%dma_start3A_83, %mul3A_77] : memref<151x10000xf32, #tpu.memory_space<hbm>> -> memref<8x128xf32, #tpu.memory_space<hbm>>
    %dma_start3A_85 = arith.constant 0 : i32
    %dma_start3A_86 = arith.constant 0 : i32
    %dma_start3A_87 = tpu.memref_slice %arg7[%dma_start3A_85, %dma_start3A_86] : memref<152x128xf32, #tpu.memory_space<vmem>> -> memref<8x128xf32, #tpu.memory_space<vmem>>
    tpu.enqueue_dma source(%dma_start3A_87 : memref<8x128xf32, #tpu.memory_space<vmem>>) target(%dma_start3A_84 : memref<8x128xf32, #tpu.memory_space<hbm>>) target_semaphore(%arg12 : memref<!tpu.dma_semaphore, #tpu.memory_space<semaphore_mem>>)
    %dma_start3A_88 = arith.constant 8 : i32
    %dma_start3A_89 = arith.constant 0 : i32
    %dma_start3A_90 = tpu.memref_slice %arg7[%dma_start3A_88, %dma_start3A_89] : memref<152x128xf32, #tpu.memory_space<vmem>> -> memref<8x128xf32, #tpu.memory_space<vmem>>
    %dma_start3A_91 = arith.constant 8 : i32
    %dma_start3A_92 = tpu.memref_slice %arg3[%dma_start3A_91, %mul3A_77] : memref<151x10000xf32, #tpu.memory_space<hbm>> -> memref<8x128xf32, #tpu.memory_space<hbm>>
    %dma_start3A_93 = arith.constant 8 : i32
    %dma_start3A_94 = tpu.memref_slice %arg3[%dma_start3A_93, %mul3A_77] : memref<151x10000xf32, #tpu.memory_space<hbm>> -> memref<8x128xf32, #tpu.memory_space<hbm>>
    %dma_start3A_95 = arith.constant 8 : i32
    %dma_start3A_96 = arith.constant 0 : i32
    %dma_start3A_97 = tpu.memref_slice %arg7[%dma_start3A_95, %dma_start3A_96] : memref<152x128xf32, #tpu.memory_space<vmem>> -> memref<8x128xf32, #tpu.memory_space<vmem>>
    tpu.enqueue_dma source(%dma_start3A_97 : memref<8x128xf32, #tpu.memory_space<vmem>>) target(%dma_start3A_94 : memref<8x128xf32, #tpu.memory_space<hbm>>) target_semaphore(%arg12 : memref<!tpu.dma_semaphore, #tpu.memory_space<semaphore_mem>>)
    %dma_start3A_98 = arith.constant 16 : i32
    %dma_start3A_99 = arith.constant 0 : i32
    %dma_start3A_100 = tpu.memref_slice %arg7[%dma_start3A_98, %dma_start3A_99] : memref<152x128xf32, #tpu.memory_space<vmem>> -> memref<8x128xf32, #tpu.memory_space<vmem>>
    %dma_start3A_101 = arith.constant 16 : i32
    %dma_start3A_102 = tpu.memref_slice %arg3[%dma_start3A_101, %mul3A_77] : memref<151x10000xf32, #tpu.memory_space<hbm>> -> memref<8x128xf32, #tpu.memory_space<hbm>>
    %dma_start3A_103 = arith.constant 16 : i32
    %dma_start3A_104 = tpu.memref_slice %arg3[%dma_start3A_103, %mul3A_77] : memref<151x10000xf32, #tpu.memory_space<hbm>> -> memref<8x128xf32, #tpu.memory_space<hbm>>
    %dma_start3A_105 = arith.constant 16 : i32
    %dma_start3A_106 = arith.constant 0 : i32
    %dma_start3A_107 = tpu.memref_slice %arg7[%dma_start3A_105, %dma_start3A_106] : memref<152x128xf32, #tpu.memory_space<vmem>> -> memref<8x128xf32, #tpu.memory_space<vmem>>
    tpu.enqueue_dma source(%dma_start3A_107 : memref<8x128xf32, #tpu.memory_space<vmem>>) target(%dma_start3A_104 : memref<8x128xf32, #tpu.memory_space<hbm>>) target_semaphore(%arg12 : memref<!tpu.dma_semaphore, #tpu.memory_space<semaphore_mem>>)
    %dma_start3A_108 = arith.constant 24 : i32
    %dma_start3A_109 = arith.constant 0 : i32
    %dma_start3A_110 = tpu.memref_slice %arg7[%dma_start3A_108, %dma_start3A_109] : memref<152x128xf32, #tpu.memory_space<vmem>> -> memref<8x128xf32, #tpu.memory_space<vmem>>
    %dma_start3A_111 = arith.constant 24 : i32
    %dma_start3A_112 = tpu.memref_slice %arg3[%dma_start3A_111, %mul3A_77] : memref<151x10000xf32, #tpu.memory_space<hbm>> -> memref<8x128xf32, #tpu.memory_space<hbm>>
    %dma_start3A_113 = arith.constant 24 : i32
    %dma_start3A_114 = tpu.memref_slice %arg3[%dma_start3A_113, %mul3A_77] : memref<151x10000xf32, #tpu.memory_space<hbm>> -> memref<8x128xf32, #tpu.memory_space<hbm>>
    %dma_start3A_115 = arith.constant 24 : i32
    %dma_start3A_116 = arith.constant 0 : i32
    %dma_start3A_117 = tpu.memref_slice %arg7[%dma_start3A_115, %dma_start3A_116] : memref<152x128xf32, #tpu.memory_space<vmem>> -> memref<8x128xf32, #tpu.memory_space<vmem>>
    tpu.enqueue_dma source(%dma_start3A_117 : memref<8x128xf32, #tpu.memory_space<vmem>>) target(%dma_start3A_114 : memref<8x128xf32, #tpu.memory_space<hbm>>) target_semaphore(%arg12 : memref<!tpu.dma_semaphore, #tpu.memory_space<semaphore_mem>>)
    %dma_start3A_118 = arith.constant 32 : i32
    %dma_start3A_119 = arith.constant 0 : i32
    %dma_start3A_120 = tpu.memref_slice %arg7[%dma_start3A_118, %dma_start3A_119] : memref<152x128xf32, #tpu.memory_space<vmem>> -> memref<8x128xf32, #tpu.memory_space<vmem>>
    %dma_start3A_121 = arith.constant 32 : i32
    %dma_start3A_122 = tpu.memref_slice %arg3[%dma_start3A_121, %mul3A_77] : memref<151x10000xf32, #tpu.memory_space<hbm>> -> memref<8x128xf32, #tpu.memory_space<hbm>>
    %dma_start3A_123 = arith.constant 32 : i32
    %dma_start3A_124 = tpu.memref_slice %arg3[%dma_start3A_123, %mul3A_77] : memref<151x10000xf32, #tpu.memory_space<hbm>> -> memref<8x128xf32, #tpu.memory_space<hbm>>
    %dma_start3A_125 = arith.constant 32 : i32
    %dma_start3A_126 = arith.constant 0 : i32
    %dma_start3A_127 = tpu.memref_slice %arg7[%dma_start3A_125, %dma_start3A_126] : memref<152x128xf32, #tpu.memory_space<vmem>> -> memref<8x128xf32, #tpu.memory_space<vmem>>
    tpu.enqueue_dma source(%dma_start3A_127 : memref<8x128xf32, #tpu.memory_space<vmem>>) target(%dma_start3A_124 : memref<8x128xf32, #tpu.memory_space<hbm>>) target_semaphore(%arg12 : memref<!tpu.dma_semaphore, #tpu.memory_space<semaphore_mem>>)
    %dma_start3A_128 = arith.constant 40 : i32
    %dma_start3A_129 = arith.constant 0 : i32
    %dma_start3A_130 = tpu.memref_slice %arg7[%dma_start3A_128, %dma_start3A_129] : memref<152x128xf32, #tpu.memory_space<vmem>> -> memref<8x128xf32, #tpu.memory_space<vmem>>
    %dma_start3A_131 = arith.constant 40 : i32
    %dma_start3A_132 = tpu.memref_slice %arg3[%dma_start3A_131, %mul3A_77] : memref<151x10000xf32, #tpu.memory_space<hbm>> -> memref<8x128xf32, #tpu.memory_space<hbm>>
    %dma_start3A_133 = arith.constant 40 : i32
    %dma_start3A_134 = tpu.memref_slice %arg3[%dma_start3A_133, %mul3A_77] : memref<151x10000xf32, #tpu.memory_space<hbm>> -> memref<8x128xf32, #tpu.memory_space<hbm>>
    %dma_start3A_135 = arith.constant 40 : i32
    %dma_start3A_136 = arith.constant 0 : i32
    %dma_start3A_137 = tpu.memref_slice %arg7[%dma_start3A_135, %dma_start3A_136] : memref<152x128xf32, #tpu.memory_space<vmem>> -> memref<8x128xf32, #tpu.memory_space<vmem>>
    tpu.enqueue_dma source(%dma_start3A_137 : memref<8x128xf32, #tpu.memory_space<vmem>>) target(%dma_start3A_134 : memref<8x128xf32, #tpu.memory_space<hbm>>) target_semaphore(%arg12 : memref<!tpu.dma_semaphore, #tpu.memory_space<semaphore_mem>>)
    %dma_start3A_138 = arith.constant 48 : i32
    %dma_start3A_139 = arith.constant 0 : i32
    %dma_start3A_140 = tpu.memref_slice %arg7[%dma_start3A_138, %dma_start3A_139] : memref<152x128xf32, #tpu.memory_space<vmem>> -> memref<8x128xf32, #tpu.memory_space<vmem>>
    %dma_start3A_141 = arith.constant 48 : i32
    %dma_start3A_142 = tpu.memref_slice %arg3[%dma_start3A_141, %mul3A_77] : memref<151x10000xf32, #tpu.memory_space<hbm>> -> memref<8x128xf32, #tpu.memory_space<hbm>>
    %dma_start3A_143 = arith.constant 48 : i32
    %dma_start3A_144 = tpu.memref_slice %arg3[%dma_start3A_143, %mul3A_77] : memref<151x10000xf32, #tpu.memory_space<hbm>> -> memref<8x128xf32, #tpu.memory_space<hbm>>
    %dma_start3A_145 = arith.constant 48 : i32
    %dma_start3A_146 = arith.constant 0 : i32
    %dma_start3A_147 = tpu.memref_slice %arg7[%dma_start3A_145, %dma_start3A_146] : memref<152x128xf32, #tpu.memory_space<vmem>> -> memref<8x128xf32, #tpu.memory_space<vmem>>
    tpu.enqueue_dma source(%dma_start3A_147 : memref<8x128xf32, #tpu.memory_space<vmem>>) target(%dma_start3A_144 : memref<8x128xf32, #tpu.memory_space<hbm>>) target_semaphore(%arg12 : memref<!tpu.dma_semaphore, #tpu.memory_space<semaphore_mem>>)
    %dma_start3A_148 = arith.constant 56 : i32
    %dma_start3A_149 = arith.constant 0 : i32
    %dma_start3A_150 = tpu.memref_slice %arg7[%dma_start3A_148, %dma_start3A_149] : memref<152x128xf32, #tpu.memory_space<vmem>> -> memref<8x128xf32, #tpu.memory_space<vmem>>
    %dma_start3A_151 = arith.constant 56 : i32
    %dma_start3A_152 = tpu.memref_slice %arg3[%dma_start3A_151, %mul3A_77] : memref<151x10000xf32, #tpu.memory_space<hbm>> -> memref<8x128xf32, #tpu.memory_space<hbm>>
    %dma_start3A_153 = arith.constant 56 : i32
    %dma_start3A_154 = tpu.memref_slice %arg3[%dma_start3A_153, %mul3A_77] : memref<151x10000xf32, #tpu.memory_space<hbm>> -> memref<8x128xf32, #tpu.memory_space<hbm>>
    %dma_start3A_155 = arith.constant 56 : i32
    %dma_start3A_156 = arith.constant 0 : i32
    %dma_start3A_157 = tpu.memref_slice %arg7[%dma_start3A_155, %dma_start3A_156] : memref<152x128xf32, #tpu.memory_space<vmem>> -> memref<8x128xf32, #tpu.memory_space<vmem>>
    tpu.enqueue_dma source(%dma_start3A_157 : memref<8x128xf32, #tpu.memory_space<vmem>>) target(%dma_start3A_154 : memref<8x128xf32, #tpu.memory_space<hbm>>) target_semaphore(%arg12 : memref<!tpu.dma_semaphore, #tpu.memory_space<semaphore_mem>>)
    %dma_start3A_158 = arith.constant 64 : i32
    %dma_start3A_159 = arith.constant 0 : i32
    %dma_start3A_160 = tpu.memref_slice %arg7[%dma_start3A_158, %dma_start3A_159] : memref<152x128xf32, #tpu.memory_space<vmem>> -> memref<8x128xf32, #tpu.memory_space<vmem>>
    %dma_start3A_161 = arith.constant 64 : i32
    %dma_start3A_162 = tpu.memref_slice %arg3[%dma_start3A_161, %mul3A_77] : memref<151x10000xf32, #tpu.memory_space<hbm>> -> memref<8x128xf32, #tpu.memory_space<hbm>>
    %dma_start3A_163 = arith.constant 64 : i32
    %dma_start3A_164 = tpu.memref_slice %arg3[%dma_start3A_163, %mul3A_77] : memref<151x10000xf32, #tpu.memory_space<hbm>> -> memref<8x128xf32, #tpu.memory_space<hbm>>
    %dma_start3A_165 = arith.constant 64 : i32
    %dma_start3A_166 = arith.constant 0 : i32
    %dma_start3A_167 = tpu.memref_slice %arg7[%dma_start3A_165, %dma_start3A_166] : memref<152x128xf32, #tpu.memory_space<vmem>> -> memref<8x128xf32, #tpu.memory_space<vmem>>
    tpu.enqueue_dma source(%dma_start3A_167 : memref<8x128xf32, #tpu.memory_space<vmem>>) target(%dma_start3A_164 : memref<8x128xf32, #tpu.memory_space<hbm>>) target_semaphore(%arg12 : memref<!tpu.dma_semaphore, #tpu.memory_space<semaphore_mem>>)
    %dma_start3A_168 = arith.constant 72 : i32
    %dma_start3A_169 = arith.constant 0 : i32
    %dma_start3A_170 = tpu.memref_slice %arg7[%dma_start3A_168, %dma_start3A_169] : memref<152x128xf32, #tpu.memory_space<vmem>> -> memref<8x128xf32, #tpu.memory_space<vmem>>
    %dma_start3A_171 = arith.constant 72 : i32
    %dma_start3A_172 = tpu.memref_slice %arg3[%dma_start3A_171, %mul3A_77] : memref<151x10000xf32, #tpu.memory_space<hbm>> -> memref<8x128xf32, #tpu.memory_space<hbm>>
    %dma_start3A_173 = arith.constant 72 : i32
    %dma_start3A_174 = tpu.memref_slice %arg3[%dma_start3A_173, %mul3A_77] : memref<151x10000xf32, #tpu.memory_space<hbm>> -> memref<8x128xf32, #tpu.memory_space<hbm>>
    %dma_start3A_175 = arith.constant 72 : i32
    %dma_start3A_176 = arith.constant 0 : i32
    %dma_start3A_177 = tpu.memref_slice %arg7[%dma_start3A_175, %dma_start3A_176] : memref<152x128xf32, #tpu.memory_space<vmem>> -> memref<8x128xf32, #tpu.memory_space<vmem>>
    tpu.enqueue_dma source(%dma_start3A_177 : memref<8x128xf32, #tpu.memory_space<vmem>>) target(%dma_start3A_174 : memref<8x128xf32, #tpu.memory_space<hbm>>) target_semaphore(%arg12 : memref<!tpu.dma_semaphore, #tpu.memory_space<semaphore_mem>>)
    %dma_start3A_178 = arith.constant 80 : i32
    %dma_start3A_179 = arith.constant 0 : i32
    %dma_start3A_180 = tpu.memref_slice %arg7[%dma_start3A_178, %dma_start3A_179] : memref<152x128xf32, #tpu.memory_space<vmem>> -> memref<8x128xf32, #tpu.memory_space<vmem>>
    %dma_start3A_181 = arith.constant 80 : i32
    %dma_start3A_182 = tpu.memref_slice %arg3[%dma_start3A_181, %mul3A_77] : memref<151x10000xf32, #tpu.memory_space<hbm>> -> memref<8x128xf32, #tpu.memory_space<hbm>>
    %dma_start3A_183 = arith.constant 80 : i32
    %dma_start3A_184 = tpu.memref_slice %arg3[%dma_start3A_183, %mul3A_77] : memref<151x10000xf32, #tpu.memory_space<hbm>> -> memref<8x128xf32, #tpu.memory_space<hbm>>
    %dma_start3A_185 = arith.constant 80 : i32
    %dma_start3A_186 = arith.constant 0 : i32
    %dma_start3A_187 = tpu.memref_slice %arg7[%dma_start3A_185, %dma_start3A_186] : memref<152x128xf32, #tpu.memory_space<vmem>> -> memref<8x128xf32, #tpu.memory_space<vmem>>
    tpu.enqueue_dma source(%dma_start3A_187 : memref<8x128xf32, #tpu.memory_space<vmem>>) target(%dma_start3A_184 : memref<8x128xf32, #tpu.memory_space<hbm>>) target_semaphore(%arg12 : memref<!tpu.dma_semaphore, #tpu.memory_space<semaphore_mem>>)
    %dma_start3A_188 = arith.constant 88 : i32
    %dma_start3A_189 = arith.constant 0 : i32
    %dma_start3A_190 = tpu.memref_slice %arg7[%dma_start3A_188, %dma_start3A_189] : memref<152x128xf32, #tpu.memory_space<vmem>> -> memref<8x128xf32, #tpu.memory_space<vmem>>
    %dma_start3A_191 = arith.constant 88 : i32
    %dma_start3A_192 = tpu.memref_slice %arg3[%dma_start3A_191, %mul3A_77] : memref<151x10000xf32, #tpu.memory_space<hbm>> -> memref<8x128xf32, #tpu.memory_space<hbm>>
    %dma_start3A_193 = arith.constant 88 : i32
    %dma_start3A_194 = tpu.memref_slice %arg3[%dma_start3A_193, %mul3A_77] : memref<151x10000xf32, #tpu.memory_space<hbm>> -> memref<8x128xf32, #tpu.memory_space<hbm>>
    %dma_start3A_195 = arith.constant 88 : i32
    %dma_start3A_196 = arith.constant 0 : i32
    %dma_start3A_197 = tpu.memref_slice %arg7[%dma_start3A_195, %dma_start3A_196] : memref<152x128xf32, #tpu.memory_space<vmem>> -> memref<8x128xf32, #tpu.memory_space<vmem>>
    tpu.enqueue_dma source(%dma_start3A_197 : memref<8x128xf32, #tpu.memory_space<vmem>>) target(%dma_start3A_194 : memref<8x128xf32, #tpu.memory_space<hbm>>) target_semaphore(%arg12 : memref<!tpu.dma_semaphore, #tpu.memory_space<semaphore_mem>>)
    %dma_start3A_198 = arith.constant 96 : i32
    %dma_start3A_199 = arith.constant 0 : i32
    %dma_start3A_200 = tpu.memref_slice %arg7[%dma_start3A_198, %dma_start3A_199] : memref<152x128xf32, #tpu.memory_space<vmem>> -> memref<8x128xf32, #tpu.memory_space<vmem>>
    %dma_start3A_201 = arith.constant 96 : i32
    %dma_start3A_202 = tpu.memref_slice %arg3[%dma_start3A_201, %mul3A_77] : memref<151x10000xf32, #tpu.memory_space<hbm>> -> memref<8x128xf32, #tpu.memory_space<hbm>>
    %dma_start3A_203 = arith.constant 96 : i32
    %dma_start3A_204 = tpu.memref_slice %arg3[%dma_start3A_203, %mul3A_77] : memref<151x10000xf32, #tpu.memory_space<hbm>> -> memref<8x128xf32, #tpu.memory_space<hbm>>
    %dma_start3A_205 = arith.constant 96 : i32
    %dma_start3A_206 = arith.constant 0 : i32
    %dma_start3A_207 = tpu.memref_slice %arg7[%dma_start3A_205, %dma_start3A_206] : memref<152x128xf32, #tpu.memory_space<vmem>> -> memref<8x128xf32, #tpu.memory_space<vmem>>
    tpu.enqueue_dma source(%dma_start3A_207 : memref<8x128xf32, #tpu.memory_space<vmem>>) target(%dma_start3A_204 : memref<8x128xf32, #tpu.memory_space<hbm>>) target_semaphore(%arg12 : memref<!tpu.dma_semaphore, #tpu.memory_space<semaphore_mem>>)
    %dma_start3A_208 = arith.constant 104 : i32
    %dma_start3A_209 = arith.constant 0 : i32
    %dma_start3A_210 = tpu.memref_slice %arg7[%dma_start3A_208, %dma_start3A_209] : memref<152x128xf32, #tpu.memory_space<vmem>> -> memref<8x128xf32, #tpu.memory_space<vmem>>
    %dma_start3A_211 = arith.constant 104 : i32
    %dma_start3A_212 = tpu.memref_slice %arg3[%dma_start3A_211, %mul3A_77] : memref<151x10000xf32, #tpu.memory_space<hbm>> -> memref<8x128xf32, #tpu.memory_space<hbm>>
    %dma_start3A_213 = arith.constant 104 : i32
    %dma_start3A_214 = tpu.memref_slice %arg3[%dma_start3A_213, %mul3A_77] : memref<151x10000xf32, #tpu.memory_space<hbm>> -> memref<8x128xf32, #tpu.memory_space<hbm>>
    %dma_start3A_215 = arith.constant 104 : i32
    %dma_start3A_216 = arith.constant 0 : i32
    %dma_start3A_217 = tpu.memref_slice %arg7[%dma_start3A_215, %dma_start3A_216] : memref<152x128xf32, #tpu.memory_space<vmem>> -> memref<8x128xf32, #tpu.memory_space<vmem>>
    tpu.enqueue_dma source(%dma_start3A_217 : memref<8x128xf32, #tpu.memory_space<vmem>>) target(%dma_start3A_214 : memref<8x128xf32, #tpu.memory_space<hbm>>) target_semaphore(%arg12 : memref<!tpu.dma_semaphore, #tpu.memory_space<semaphore_mem>>)
    %dma_start3A_218 = arith.constant 112 : i32
    %dma_start3A_219 = arith.constant 0 : i32
    %dma_start3A_220 = tpu.memref_slice %arg7[%dma_start3A_218, %dma_start3A_219] : memref<152x128xf32, #tpu.memory_space<vmem>> -> memref<8x128xf32, #tpu.memory_space<vmem>>
    %dma_start3A_221 = arith.constant 112 : i32
    %dma_start3A_222 = tpu.memref_slice %arg3[%dma_start3A_221, %mul3A_77] : memref<151x10000xf32, #tpu.memory_space<hbm>> -> memref<8x128xf32, #tpu.memory_space<hbm>>
    %dma_start3A_223 = arith.constant 112 : i32
    %dma_start3A_224 = tpu.memref_slice %arg3[%dma_start3A_223, %mul3A_77] : memref<151x10000xf32, #tpu.memory_space<hbm>> -> memref<8x128xf32, #tpu.memory_space<hbm>>
    %dma_start3A_225 = arith.constant 112 : i32
    %dma_start3A_226 = arith.constant 0 : i32
    %dma_start3A_227 = tpu.memref_slice %arg7[%dma_start3A_225, %dma_start3A_226] : memref<152x128xf32, #tpu.memory_space<vmem>> -> memref<8x128xf32, #tpu.memory_space<vmem>>
    tpu.enqueue_dma source(%dma_start3A_227 : memref<8x128xf32, #tpu.memory_space<vmem>>) target(%dma_start3A_224 : memref<8x128xf32, #tpu.memory_space<hbm>>) target_semaphore(%arg12 : memref<!tpu.dma_semaphore, #tpu.memory_space<semaphore_mem>>)
    %dma_start3A_228 = arith.constant 120 : i32
    %dma_start3A_229 = arith.constant 0 : i32
    %dma_start3A_230 = tpu.memref_slice %arg7[%dma_start3A_228, %dma_start3A_229] : memref<152x128xf32, #tpu.memory_space<vmem>> -> memref<8x128xf32, #tpu.memory_space<vmem>>
    %dma_start3A_231 = arith.constant 120 : i32
    %dma_start3A_232 = tpu.memref_slice %arg3[%dma_start3A_231, %mul3A_77] : memref<151x10000xf32, #tpu.memory_space<hbm>> -> memref<8x128xf32, #tpu.memory_space<hbm>>
    %dma_start3A_233 = arith.constant 120 : i32
    %dma_start3A_234 = tpu.memref_slice %arg3[%dma_start3A_233, %mul3A_77] : memref<151x10000xf32, #tpu.memory_space<hbm>> -> memref<8x128xf32, #tpu.memory_space<hbm>>
    %dma_start3A_235 = arith.constant 120 : i32
    %dma_start3A_236 = arith.constant 0 : i32
    %dma_start3A_237 = tpu.memref_slice %arg7[%dma_start3A_235, %dma_start3A_236] : memref<152x128xf32, #tpu.memory_space<vmem>> -> memref<8x128xf32, #tpu.memory_space<vmem>>
    tpu.enqueue_dma source(%dma_start3A_237 : memref<8x128xf32, #tpu.memory_space<vmem>>) target(%dma_start3A_234 : memref<8x128xf32, #tpu.memory_space<hbm>>) target_semaphore(%arg12 : memref<!tpu.dma_semaphore, #tpu.memory_space<semaphore_mem>>)
    %dma_start3A_238 = arith.constant 128 : i32
    %dma_start3A_239 = arith.constant 0 : i32
    %dma_start3A_240 = tpu.memref_slice %arg7[%dma_start3A_238, %dma_start3A_239] : memref<152x128xf32, #tpu.memory_space<vmem>> -> memref<8x128xf32, #tpu.memory_space<vmem>>
    %dma_start3A_241 = arith.constant 128 : i32
    %dma_start3A_242 = tpu.memref_slice %arg3[%dma_start3A_241, %mul3A_77] : memref<151x10000xf32, #tpu.memory_space<hbm>> -> memref<8x128xf32, #tpu.memory_space<hbm>>
    %dma_start3A_243 = arith.constant 128 : i32
    %dma_start3A_244 = tpu.memref_slice %arg3[%dma_start3A_243, %mul3A_77] : memref<151x10000xf32, #tpu.memory_space<hbm>> -> memref<8x128xf32, #tpu.memory_space<hbm>>
    %dma_start3A_245 = arith.constant 128 : i32
    %dma_start3A_246 = arith.constant 0 : i32
    %dma_start3A_247 = tpu.memref_slice %arg7[%dma_start3A_245, %dma_start3A_246] : memref<152x128xf32, #tpu.memory_space<vmem>> -> memref<8x128xf32, #tpu.memory_space<vmem>>
    tpu.enqueue_dma source(%dma_start3A_247 : memref<8x128xf32, #tpu.memory_space<vmem>>) target(%dma_start3A_244 : memref<8x128xf32, #tpu.memory_space<hbm>>) target_semaphore(%arg12 : memref<!tpu.dma_semaphore, #tpu.memory_space<semaphore_mem>>)
    %dma_start3A_248 = arith.constant 136 : i32
    %dma_start3A_249 = arith.constant 0 : i32
    %dma_start3A_250 = tpu.memref_slice %arg7[%dma_start3A_248, %dma_start3A_249] : memref<152x128xf32, #tpu.memory_space<vmem>> -> memref<8x128xf32, #tpu.memory_space<vmem>>
    %dma_start3A_251 = arith.constant 136 : i32
    %dma_start3A_252 = tpu.memref_slice %arg3[%dma_start3A_251, %mul3A_77] : memref<151x10000xf32, #tpu.memory_space<hbm>> -> memref<8x128xf32, #tpu.memory_space<hbm>>
    %dma_start3A_253 = arith.constant 136 : i32
    %dma_start3A_254 = tpu.memref_slice %arg3[%dma_start3A_253, %mul3A_77] : memref<151x10000xf32, #tpu.memory_space<hbm>> -> memref<8x128xf32, #tpu.memory_space<hbm>>
    %dma_start3A_255 = arith.constant 136 : i32
    %dma_start3A_256 = arith.constant 0 : i32
    %dma_start3A_257 = tpu.memref_slice %arg7[%dma_start3A_255, %dma_start3A_256] : memref<152x128xf32, #tpu.memory_space<vmem>> -> memref<8x128xf32, #tpu.memory_space<vmem>>
    tpu.enqueue_dma source(%dma_start3A_257 : memref<8x128xf32, #tpu.memory_space<vmem>>) target(%dma_start3A_254 : memref<8x128xf32, #tpu.memory_space<hbm>>) target_semaphore(%arg12 : memref<!tpu.dma_semaphore, #tpu.memory_space<semaphore_mem>>)
    %dma_start3A_258 = arith.constant 144 : i32
    %dma_start3A_259 = arith.constant 0 : i32
    %dma_start3A_260 = tpu.memref_slice %arg7[%dma_start3A_258, %dma_start3A_259] : memref<152x128xf32, #tpu.memory_space<vmem>> -> memref<7x128xf32, #tpu.memory_space<vmem>>
    %dma_start3A_261 = arith.constant 144 : i32
    %dma_start3A_262 = tpu.memref_slice %arg3[%dma_start3A_261, %mul3A_77] : memref<151x10000xf32, #tpu.memory_space<hbm>> -> memref<7x128xf32, #tpu.memory_space<hbm>>
    %dma_start3A_263 = arith.constant 144 : i32
    %dma_start3A_264 = tpu.memref_slice %arg3[%dma_start3A_263, %mul3A_77] : memref<151x10000xf32, #tpu.memory_space<hbm>> -> memref<7x128xf32, #tpu.memory_space<hbm>>
    %dma_start3A_265 = arith.constant 144 : i32
    %dma_start3A_266 = arith.constant 0 : i32
    %dma_start3A_267 = tpu.memref_slice %arg7[%dma_start3A_265, %dma_start3A_266] : memref<152x128xf32, #tpu.memory_space<vmem>> -> memref<7x128xf32, #tpu.memory_space<vmem>>
    tpu.enqueue_dma source(%dma_start3A_267 : memref<7x128xf32, #tpu.memory_space<vmem>>) target(%dma_start3A_264 : memref<7x128xf32, #tpu.memory_space<hbm>>) target_semaphore(%arg12 : memref<!tpu.dma_semaphore, #tpu.memory_space<semaphore_mem>>)
    %get3A_268 = arith.constant 0 : index
    %get3A_269 = tpu.vector_load %arg5[%get3A_268] {strides = array<i32>} : memref<128xi32, #tpu.memory_space<vmem>>, vector<16xi32>,
    %add3A_270 = arith.constant 0 : i32
    %add3A_271 = vector.broadcast %add3A_270 : i32 to vector<16xi32>
    %add3A_272 = arith.addi %add3A_271, %iota3A : vector<16xi32>
    tpu.vector_store_idx %arg8[%get3A_269, %add3A_272], %broadcast_in_dim3A_3 : memref<152x128xf32, #tpu.memory_space<vmem>>[vector<16xi32>, vector<16xi32>], vector<16xf32>,
    %get3A_273 = arith.constant 16 : index
    %get3A_274 = tpu.vector_load %arg5[%get3A_273] {strides = array<i32>} : memref<128xi32, #tpu.memory_space<vmem>>, vector<16xi32>,
    %add3A_275 = arith.constant 16 : i32
    %add3A_276 = vector.broadcast %add3A_275 : i32 to vector<16xi32>
    %add3A_277 = arith.addi %add3A_276, %iota3A : vector<16xi32>
    tpu.vector_store_idx %arg8[%get3A_274, %add3A_277], %broadcast_in_dim3A_3 : memref<152x128xf32, #tpu.memory_space<vmem>>[vector<16xi32>, vector<16xi32>], vector<16xf32>,
    %get3A_278 = arith.constant 32 : index
    %get3A_279 = tpu.vector_load %arg5[%get3A_278] {strides = array<i32>} : memref<128xi32, #tpu.memory_space<vmem>>, vector<16xi32>,
    %add3A_280 = arith.constant 32 : i32
    %add3A_281 = vector.broadcast %add3A_280 : i32 to vector<16xi32>
    %add3A_282 = arith.addi %add3A_281, %iota3A : vector<16xi32>
    tpu.vector_store_idx %arg8[%get3A_279, %add3A_282], %broadcast_in_dim3A_3 : memref<152x128xf32, #tpu.memory_space<vmem>>[vector<16xi32>, vector<16xi32>], vector<16xf32>,
    %get3A_283 = arith.constant 48 : index
    %get3A_284 = tpu.vector_load %arg5[%get3A_283] {strides = array<i32>} : memref<128xi32, #tpu.memory_space<vmem>>, vector<16xi32>,
    %add3A_285 = arith.constant 48 : i32
    %add3A_286 = vector.broadcast %add3A_285 : i32 to vector<16xi32>
    %add3A_287 = arith.addi %add3A_286, %iota3A : vector<16xi32>
    tpu.vector_store_idx %arg8[%get3A_284, %add3A_287], %broadcast_in_dim3A_3 : memref<152x128xf32, #tpu.memory_space<vmem>>[vector<16xi32>, vector<16xi32>], vector<16xf32>,
    %get3A_288 = arith.constant 64 : index
    %get3A_289 = tpu.vector_load %arg5[%get3A_288] {strides = array<i32>} : memref<128xi32, #tpu.memory_space<vmem>>, vector<16xi32>,
    %add3A_290 = arith.constant 64 : i32
    %add3A_291 = vector.broadcast %add3A_290 : i32 to vector<16xi32>
    %add3A_292 = arith.addi %add3A_291, %iota3A : vector<16xi32>
    tpu.vector_store_idx %arg8[%get3A_289, %add3A_292], %broadcast_in_dim3A_3 : memref<152x128xf32, #tpu.memory_space<vmem>>[vector<16xi32>, vector<16xi32>], vector<16xf32>,
    %get3A_293 = arith.constant 80 : index
    %get3A_294 = tpu.vector_load %arg5[%get3A_293] {strides = array<i32>} : memref<128xi32, #tpu.memory_space<vmem>>, vector<16xi32>,
    %add3A_295 = arith.constant 80 : i32
    %add3A_296 = vector.broadcast %add3A_295 : i32 to vector<16xi32>
    %add3A_297 = arith.addi %add3A_296, %iota3A : vector<16xi32>
    tpu.vector_store_idx %arg8[%get3A_294, %add3A_297], %broadcast_in_dim3A_3 : memref<152x128xf32, #tpu.memory_space<vmem>>[vector<16xi32>, vector<16xi32>], vector<16xf32>,
    %get3A_298 = arith.constant 96 : index
    %get3A_299 = tpu.vector_load %arg5[%get3A_298] {strides = array<i32>} : memref<128xi32, #tpu.memory_space<vmem>>, vector<16xi32>,
    %add3A_300 = arith.constant 96 : i32
    %add3A_301 = vector.broadcast %add3A_300 : i32 to vector<16xi32>
    %add3A_302 = arith.addi %add3A_301, %iota3A : vector<16xi32>
    tpu.vector_store_idx %arg8[%get3A_299, %add3A_302], %broadcast_in_dim3A_3 : memref<152x128xf32, #tpu.memory_space<vmem>>[vector<16xi32>, vector<16xi32>], vector<16xf32>,
    %get3A_303 = arith.constant 112 : index
    %get3A_304 = tpu.vector_load %arg5[%get3A_303] {strides = array<i32>} : memref<128xi32, #tpu.memory_space<vmem>>, vector<16xi32>,
    %add3A_305 = arith.constant 112 : i32
    %add3A_306 = vector.broadcast %add3A_305 : i32 to vector<16xi32>
    %add3A_307 = arith.addi %add3A_306, %iota3A : vector<16xi32>
    tpu.vector_store_idx %arg8[%get3A_304, %add3A_307], %broadcast_in_dim3A_3 : memref<152x128xf32, #tpu.memory_space<vmem>>[vector<16xi32>, vector<16xi32>], vector<16xf32>,
    %add3A_308 = arith.constant 32 : i32
    %add3A_309 = arith.addi %add3A, %add3A_308 : i32
    %mul3A_310 = arith.constant 128 : i32
    %mul3A_311 = arith.muli %add3A_309, %mul3A_310 : i32
    %dma_start3A_312 = arith.constant 0 : i32
    %dma_start3A_313 = arith.constant 0 : i32
    %dma_start3A_314 = tpu.memref_slice %arg8[%dma_start3A_312, %dma_start3A_313] : memref<152x128xf32, #tpu.memory_space<vmem>> -> memref<8x128xf32, #tpu.memory_space<vmem>>
    %dma_start3A_315 = arith.constant 0 : i32
    %dma_start3A_316 = tpu.memref_slice %arg3[%dma_start3A_315, %mul3A_311] : memref<151x10000xf32, #tpu.memory_space<hbm>> -> memref<8x128xf32, #tpu.memory_space<hbm>>
    %dma_start3A_317 = arith.constant 0 : i32
    %dma_start3A_318 = tpu.memref_slice %arg3[%dma_start3A_317, %mul3A_311] : memref<151x10000xf32, #tpu.memory_space<hbm>> -> memref<8x128xf32, #tpu.memory_space<hbm>>
    %dma_start3A_319 = arith.constant 0 : i32
    %dma_start3A_320 = arith.constant 0 : i32
    %dma_start3A_321 = tpu.memref_slice %arg8[%dma_start3A_319, %dma_start3A_320] : memref<152x128xf32, #tpu.memory_space<vmem>> -> memref<8x128xf32, #tpu.memory_space<vmem>>
    tpu.enqueue_dma source(%dma_start3A_321 : memref<8x128xf32, #tpu.memory_space<vmem>>) target(%dma_start3A_318 : memref<8x128xf32, #tpu.memory_space<hbm>>) target_semaphore(%arg13 : memref<!tpu.dma_semaphore, #tpu.memory_space<semaphore_mem>>)
    %dma_start3A_322 = arith.constant 8 : i32
    %dma_start3A_323 = arith.constant 0 : i32
    %dma_start3A_324 = tpu.memref_slice %arg8[%dma_start3A_322, %dma_start3A_323] : memref<152x128xf32, #tpu.memory_space<vmem>> -> memref<8x128xf32, #tpu.memory_space<vmem>>
    %dma_start3A_325 = arith.constant 8 : i32
    %dma_start3A_326 = tpu.memref_slice %arg3[%dma_start3A_325, %mul3A_311] : memref<151x10000xf32, #tpu.memory_space<hbm>> -> memref<8x128xf32, #tpu.memory_space<hbm>>
    %dma_start3A_327 = arith.constant 8 : i32
    %dma_start3A_328 = tpu.memref_slice %arg3[%dma_start3A_327, %mul3A_311] : memref<151x10000xf32, #tpu.memory_space<hbm>> -> memref<8x128xf32, #tpu.memory_space<hbm>>
    %dma_start3A_329 = arith.constant 8 : i32
    %dma_start3A_330 = arith.constant 0 : i32
    %dma_start3A_331 = tpu.memref_slice %arg8[%dma_start3A_329, %dma_start3A_330] : memref<152x128xf32, #tpu.memory_space<vmem>> -> memref<8x128xf32, #tpu.memory_space<vmem>>
    tpu.enqueue_dma source(%dma_start3A_331 : memref<8x128xf32, #tpu.memory_space<vmem>>) target(%dma_start3A_328 : memref<8x128xf32, #tpu.memory_space<hbm>>) target_semaphore(%arg13 : memref<!tpu.dma_semaphore, #tpu.memory_space<semaphore_mem>>)
    %dma_start3A_332 = arith.constant 16 : i32
    %dma_start3A_333 = arith.constant 0 : i32
    %dma_start3A_334 = tpu.memref_slice %arg8[%dma_start3A_332, %dma_start3A_333] : memref<152x128xf32, #tpu.memory_space<vmem>> -> memref<8x128xf32, #tpu.memory_space<vmem>>
    %dma_start3A_335 = arith.constant 16 : i32
    %dma_start3A_336 = tpu.memref_slice %arg3[%dma_start3A_335, %mul3A_311] : memref<151x10000xf32, #tpu.memory_space<hbm>> -> memref<8x128xf32, #tpu.memory_space<hbm>>
    %dma_start3A_337 = arith.constant 16 : i32
    %dma_start3A_338 = tpu.memref_slice %arg3[%dma_start3A_337, %mul3A_311] : memref<151x10000xf32, #tpu.memory_space<hbm>> -> memref<8x128xf32, #tpu.memory_space<hbm>>
    %dma_start3A_339 = arith.constant 16 : i32
    %dma_start3A_340 = arith.constant 0 : i32
    %dma_start3A_341 = tpu.memref_slice %arg8[%dma_start3A_339, %dma_start3A_340] : memref<152x128xf32, #tpu.memory_space<vmem>> -> memref<8x128xf32, #tpu.memory_space<vmem>>
    tpu.enqueue_dma source(%dma_start3A_341 : memref<8x128xf32, #tpu.memory_space<vmem>>) target(%dma_start3A_338 : memref<8x128xf32, #tpu.memory_space<hbm>>) target_semaphore(%arg13 : memref<!tpu.dma_semaphore, #tpu.memory_space<semaphore_mem>>)
    %dma_start3A_342 = arith.constant 24 : i32
    %dma_start3A_343 = arith.constant 0 : i32
    %dma_start3A_344 = tpu.memref_slice %arg8[%dma_start3A_342, %dma_start3A_343] : memref<152x128xf32, #tpu.memory_space<vmem>> -> memref<8x128xf32, #tpu.memory_space<vmem>>
    %dma_start3A_345 = arith.constant 24 : i32
    %dma_start3A_346 = tpu.memref_slice %arg3[%dma_start3A_345, %mul3A_311] : memref<151x10000xf32, #tpu.memory_space<hbm>> -> memref<8x128xf32, #tpu.memory_space<hbm>>
    %dma_start3A_347 = arith.constant 24 : i32
    %dma_start3A_348 = tpu.memref_slice %arg3[%dma_start3A_347, %mul3A_311] : memref<151x10000xf32, #tpu.memory_space<hbm>> -> memref<8x128xf32, #tpu.memory_space<hbm>>
    %dma_start3A_349 = arith.constant 24 : i32
    %dma_start3A_350 = arith.constant 0 : i32
    %dma_start3A_351 = tpu.memref_slice %arg8[%dma_start3A_349, %dma_start3A_350] : memref<152x128xf32, #tpu.memory_space<vmem>> -> memref<8x128xf32, #tpu.memory_space<vmem>>
    tpu.enqueue_dma source(%dma_start3A_351 : memref<8x128xf32, #tpu.memory_space<vmem>>) target(%dma_start3A_348 : memref<8x128xf32, #tpu.memory_space<hbm>>) target_semaphore(%arg13 : memref<!tpu.dma_semaphore, #tpu.memory_space<semaphore_mem>>)
    %dma_start3A_352 = arith.constant 32 : i32
    %dma_start3A_353 = arith.constant 0 : i32
    %dma_start3A_354 = tpu.memref_slice %arg8[%dma_start3A_352, %dma_start3A_353] : memref<152x128xf32, #tpu.memory_space<vmem>> -> memref<8x128xf32, #tpu.memory_space<vmem>>
    %dma_start3A_355 = arith.constant 32 : i32
    %dma_start3A_356 = tpu.memref_slice %arg3[%dma_start3A_355, %mul3A_311] : memref<151x10000xf32, #tpu.memory_space<hbm>> -> memref<8x128xf32, #tpu.memory_space<hbm>>
    %dma_start3A_357 = arith.constant 32 : i32
    %dma_start3A_358 = tpu.memref_slice %arg3[%dma_start3A_357, %mul3A_311] : memref<151x10000xf32, #tpu.memory_space<hbm>> -> memref<8x128xf32, #tpu.memory_space<hbm>>
    %dma_start3A_359 = arith.constant 32 : i32
    %dma_start3A_360 = arith.constant 0 : i32
    %dma_start3A_361 = tpu.memref_slice %arg8[%dma_start3A_359, %dma_start3A_360] : memref<152x128xf32, #tpu.memory_space<vmem>> -> memref<8x128xf32, #tpu.memory_space<vmem>>
    tpu.enqueue_dma source(%dma_start3A_361 : memref<8x128xf32, #tpu.memory_space<vmem>>) target(%dma_start3A_358 : memref<8x128xf32, #tpu.memory_space<hbm>>) target_semaphore(%arg13 : memref<!tpu.dma_semaphore, #tpu.memory_space<semaphore_mem>>)
    %dma_start3A_362 = arith.constant 40 : i32
    %dma_start3A_363 = arith.constant 0 : i32
    %dma_start3A_364 = tpu.memref_slice %arg8[%dma_start3A_362, %dma_start3A_363] : memref<152x128xf32, #tpu.memory_space<vmem>> -> memref<8x128xf32, #tpu.memory_space<vmem>>
    %dma_start3A_365 = arith.constant 40 : i32
    %dma_start3A_366 = tpu.memref_slice %arg3[%dma_start3A_365, %mul3A_311] : memref<151x10000xf32, #tpu.memory_space<hbm>> -> memref<8x128xf32, #tpu.memory_space<hbm>>
    %dma_start3A_367 = arith.constant 40 : i32
    %dma_start3A_368 = tpu.memref_slice %arg3[%dma_start3A_367, %mul3A_311] : memref<151x10000xf32, #tpu.memory_space<hbm>> -> memref<8x128xf32, #tpu.memory_space<hbm>>
    %dma_start3A_369 = arith.constant 40 : i32
    %dma_start3A_370 = arith.constant 0 : i32
    %dma_start3A_371 = tpu.memref_slice %arg8[%dma_start3A_369, %dma_start3A_370] : memref<152x128xf32, #tpu.memory_space<vmem>> -> memref<8x128xf32, #tpu.memory_space<vmem>>
    tpu.enqueue_dma source(%dma_start3A_371 : memref<8x128xf32, #tpu.memory_space<vmem>>) target(%dma_start3A_368 : memref<8x128xf32, #tpu.memory_space<hbm>>) target_semaphore(%arg13 : memref<!tpu.dma_semaphore, #tpu.memory_space<semaphore_mem>>)
    %dma_start3A_372 = arith.constant 48 : i32
    %dma_start3A_373 = arith.constant 0 : i32
    %dma_start3A_374 = tpu.memref_slice %arg8[%dma_start3A_372, %dma_start3A_373] : memref<152x128xf32, #tpu.memory_space<vmem>> -> memref<8x128xf32, #tpu.memory_space<vmem>>
    %dma_start3A_375 = arith.constant 48 : i32
    %dma_start3A_376 = tpu.memref_slice %arg3[%dma_start3A_375, %mul3A_311] : memref<151x10000xf32, #tpu.memory_space<hbm>> -> memref<8x128xf32, #tpu.memory_space<hbm>>
    %dma_start3A_377 = arith.constant 48 : i32
    %dma_start3A_378 = tpu.memref_slice %arg3[%dma_start3A_377, %mul3A_311] : memref<151x10000xf32, #tpu.memory_space<hbm>> -> memref<8x128xf32, #tpu.memory_space<hbm>>
    %dma_start3A_379 = arith.constant 48 : i32
    %dma_start3A_380 = arith.constant 0 : i32
    %dma_start3A_381 = tpu.memref_slice %arg8[%dma_start3A_379, %dma_start3A_380] : memref<152x128xf32, #tpu.memory_space<vmem>> -> memref<8x128xf32, #tpu.memory_space<vmem>>
    tpu.enqueue_dma source(%dma_start3A_381 : memref<8x128xf32, #tpu.memory_space<vmem>>) target(%dma_start3A_378 : memref<8x128xf32, #tpu.memory_space<hbm>>) target_semaphore(%arg13 : memref<!tpu.dma_semaphore, #tpu.memory_space<semaphore_mem>>)
    %dma_start3A_382 = arith.constant 56 : i32
    %dma_start3A_383 = arith.constant 0 : i32
    %dma_start3A_384 = tpu.memref_slice %arg8[%dma_start3A_382, %dma_start3A_383] : memref<152x128xf32, #tpu.memory_space<vmem>> -> memref<8x128xf32, #tpu.memory_space<vmem>>
    %dma_start3A_385 = arith.constant 56 : i32
    %dma_start3A_386 = tpu.memref_slice %arg3[%dma_start3A_385, %mul3A_311] : memref<151x10000xf32, #tpu.memory_space<hbm>> -> memref<8x128xf32, #tpu.memory_space<hbm>>
    %dma_start3A_387 = arith.constant 56 : i32
    %dma_start3A_388 = tpu.memref_slice %arg3[%dma_start3A_387, %mul3A_311] : memref<151x10000xf32, #tpu.memory_space<hbm>> -> memref<8x128xf32, #tpu.memory_space<hbm>>
    %dma_start3A_389 = arith.constant 56 : i32
    %dma_start3A_390 = arith.constant 0 : i32
    %dma_start3A_391 = tpu.memref_slice %arg8[%dma_start3A_389, %dma_start3A_390] : memref<152x128xf32, #tpu.memory_space<vmem>> -> memref<8x128xf32, #tpu.memory_space<vmem>>
    tpu.enqueue_dma source(%dma_start3A_391 : memref<8x128xf32, #tpu.memory_space<vmem>>) target(%dma_start3A_388 : memref<8x128xf32, #tpu.memory_space<hbm>>) target_semaphore(%arg13 : memref<!tpu.dma_semaphore, #tpu.memory_space<semaphore_mem>>)
    %dma_start3A_392 = arith.constant 64 : i32
    %dma_start3A_393 = arith.constant 0 : i32
    %dma_start3A_394 = tpu.memref_slice %arg8[%dma_start3A_392, %dma_start3A_393] : memref<152x128xf32, #tpu.memory_space<vmem>> -> memref<8x128xf32, #tpu.memory_space<vmem>>
    %dma_start3A_395 = arith.constant 64 : i32
    %dma_start3A_396 = tpu.memref_slice %arg3[%dma_start3A_395, %mul3A_311] : memref<151x10000xf32, #tpu.memory_space<hbm>> -> memref<8x128xf32, #tpu.memory_space<hbm>>
    %dma_start3A_397 = arith.constant 64 : i32
    %dma_start3A_398 = tpu.memref_slice %arg3[%dma_start3A_397, %mul3A_311] : memref<151x10000xf32, #tpu.memory_space<hbm>> -> memref<8x128xf32, #tpu.memory_space<hbm>>
    %dma_start3A_399 = arith.constant 64 : i32
    %dma_start3A_400 = arith.constant 0 : i32
    %dma_start3A_401 = tpu.memref_slice %arg8[%dma_start3A_399, %dma_start3A_400] : memref<152x128xf32, #tpu.memory_space<vmem>> -> memref<8x128xf32, #tpu.memory_space<vmem>>
    tpu.enqueue_dma source(%dma_start3A_401 : memref<8x128xf32, #tpu.memory_space<vmem>>) target(%dma_start3A_398 : memref<8x128xf32, #tpu.memory_space<hbm>>) target_semaphore(%arg13 : memref<!tpu.dma_semaphore, #tpu.memory_space<semaphore_mem>>)
    %dma_start3A_402 = arith.constant 72 : i32
    %dma_start3A_403 = arith.constant 0 : i32
    %dma_start3A_404 = tpu.memref_slice %arg8[%dma_start3A_402, %dma_start3A_403] : memref<152x128xf32, #tpu.memory_space<vmem>> -> memref<8x128xf32, #tpu.memory_space<vmem>>
    %dma_start3A_405 = arith.constant 72 : i32
    %dma_start3A_406 = tpu.memref_slice %arg3[%dma_start3A_405, %mul3A_311] : memref<151x10000xf32, #tpu.memory_space<hbm>> -> memref<8x128xf32, #tpu.memory_space<hbm>>
    %dma_start3A_407 = arith.constant 72 : i32
    %dma_start3A_408 = tpu.memref_slice %arg3[%dma_start3A_407, %mul3A_311] : memref<151x10000xf32, #tpu.memory_space<hbm>> -> memref<8x128xf32, #tpu.memory_space<hbm>>
    %dma_start3A_409 = arith.constant 72 : i32
    %dma_start3A_410 = arith.constant 0 : i32
    %dma_start3A_411 = tpu.memref_slice %arg8[%dma_start3A_409, %dma_start3A_410] : memref<152x128xf32, #tpu.memory_space<vmem>> -> memref<8x128xf32, #tpu.memory_space<vmem>>
    tpu.enqueue_dma source(%dma_start3A_411 : memref<8x128xf32, #tpu.memory_space<vmem>>) target(%dma_start3A_408 : memref<8x128xf32, #tpu.memory_space<hbm>>) target_semaphore(%arg13 : memref<!tpu.dma_semaphore, #tpu.memory_space<semaphore_mem>>)
    %dma_start3A_412 = arith.constant 80 : i32
    %dma_start3A_413 = arith.constant 0 : i32
    %dma_start3A_414 = tpu.memref_slice %arg8[%dma_start3A_412, %dma_start3A_413] : memref<152x128xf32, #tpu.memory_space<vmem>> -> memref<8x128xf32, #tpu.memory_space<vmem>>
    %dma_start3A_415 = arith.constant 80 : i32
    %dma_start3A_416 = tpu.memref_slice %arg3[%dma_start3A_415, %mul3A_311] : memref<151x10000xf32, #tpu.memory_space<hbm>> -> memref<8x128xf32, #tpu.memory_space<hbm>>
    %dma_start3A_417 = arith.constant 80 : i32
    %dma_start3A_418 = tpu.memref_slice %arg3[%dma_start3A_417, %mul3A_311] : memref<151x10000xf32, #tpu.memory_space<hbm>> -> memref<8x128xf32, #tpu.memory_space<hbm>>
    %dma_start3A_419 = arith.constant 80 : i32
    %dma_start3A_420 = arith.constant 0 : i32
    %dma_start3A_421 = tpu.memref_slice %arg8[%dma_start3A_419, %dma_start3A_420] : memref<152x128xf32, #tpu.memory_space<vmem>> -> memref<8x128xf32, #tpu.memory_space<vmem>>
    tpu.enqueue_dma source(%dma_start3A_421 : memref<8x128xf32, #tpu.memory_space<vmem>>) target(%dma_start3A_418 : memref<8x128xf32, #tpu.memory_space<hbm>>) target_semaphore(%arg13 : memref<!tpu.dma_semaphore, #tpu.memory_space<semaphore_mem>>)
    %dma_start3A_422 = arith.constant 88 : i32
    %dma_start3A_423 = arith.constant 0 : i32
    %dma_start3A_424 = tpu.memref_slice %arg8[%dma_start3A_422, %dma_start3A_423] : memref<152x128xf32, #tpu.memory_space<vmem>> -> memref<8x128xf32, #tpu.memory_space<vmem>>
    %dma_start3A_425 = arith.constant 88 : i32
    %dma_start3A_426 = tpu.memref_slice %arg3[%dma_start3A_425, %mul3A_311] : memref<151x10000xf32, #tpu.memory_space<hbm>> -> memref<8x128xf32, #tpu.memory_space<hbm>>
    %dma_start3A_427 = arith.constant 88 : i32
    %dma_start3A_428 = tpu.memref_slice %arg3[%dma_start3A_427, %mul3A_311] : memref<151x10000xf32, #tpu.memory_space<hbm>> -> memref<8x128xf32, #tpu.memory_space<hbm>>
    %dma_start3A_429 = arith.constant 88 : i32
    %dma_start3A_430 = arith.constant 0 : i32
    %dma_start3A_431 = tpu.memref_slice %arg8[%dma_start3A_429, %dma_start3A_430] : memref<152x128xf32, #tpu.memory_space<vmem>> -> memref<8x128xf32, #tpu.memory_space<vmem>>
    tpu.enqueue_dma source(%dma_start3A_431 : memref<8x128xf32, #tpu.memory_space<vmem>>) target(%dma_start3A_428 : memref<8x128xf32, #tpu.memory_space<hbm>>) target_semaphore(%arg13 : memref<!tpu.dma_semaphore, #tpu.memory_space<semaphore_mem>>)
    %dma_start3A_432 = arith.constant 96 : i32
    %dma_start3A_433 = arith.constant 0 : i32
    %dma_start3A_434 = tpu.memref_slice %arg8[%dma_start3A_432, %dma_start3A_433] : memref<152x128xf32, #tpu.memory_space<vmem>> -> memref<8x128xf32, #tpu.memory_space<vmem>>
    %dma_start3A_435 = arith.constant 96 : i32
    %dma_start3A_436 = tpu.memref_slice %arg3[%dma_start3A_435, %mul3A_311] : memref<151x10000xf32, #tpu.memory_space<hbm>> -> memref<8x128xf32, #tpu.memory_space<hbm>>
    %dma_start3A_437 = arith.constant 96 : i32
    %dma_start3A_438 = tpu.memref_slice %arg3[%dma_start3A_437, %mul3A_311] : memref<151x10000xf32, #tpu.memory_space<hbm>> -> memref<8x128xf32, #tpu.memory_space<hbm>>
    %dma_start3A_439 = arith.constant 96 : i32
    %dma_start3A_440 = arith.constant 0 : i32
    %dma_start3A_441 = tpu.memref_slice %arg8[%dma_start3A_439, %dma_start3A_440] : memref<152x128xf32, #tpu.memory_space<vmem>> -> memref<8x128xf32, #tpu.memory_space<vmem>>
    tpu.enqueue_dma source(%dma_start3A_441 : memref<8x128xf32, #tpu.memory_space<vmem>>) target(%dma_start3A_438 : memref<8x128xf32, #tpu.memory_space<hbm>>) target_semaphore(%arg13 : memref<!tpu.dma_semaphore, #tpu.memory_space<semaphore_mem>>)
    %dma_start3A_442 = arith.constant 104 : i32
    %dma_start3A_443 = arith.constant 0 : i32
    %dma_start3A_444 = tpu.memref_slice %arg8[%dma_start3A_442, %dma_start3A_443] : memref<152x128xf32, #tpu.memory_space<vmem>> -> memref<8x128xf32, #tpu.memory_space<vmem>>
    %dma_start3A_445 = arith.constant 104 : i32
    %dma_start3A_446 = tpu.memref_slice %arg3[%dma_start3A_445, %mul3A_311] : memref<151x10000xf32, #tpu.memory_space<hbm>> -> memref<8x128xf32, #tpu.memory_space<hbm>>
    %dma_start3A_447 = arith.constant 104 : i32
    %dma_start3A_448 = tpu.memref_slice %arg3[%dma_start3A_447, %mul3A_311] : memref<151x10000xf32, #tpu.memory_space<hbm>> -> memref<8x128xf32, #tpu.memory_space<hbm>>
    %dma_start3A_449 = arith.constant 104 : i32
    %dma_start3A_450 = arith.constant 0 : i32
    %dma_start3A_451 = tpu.memref_slice %arg8[%dma_start3A_449, %dma_start3A_450] : memref<152x128xf32, #tpu.memory_space<vmem>> -> memref<8x128xf32, #tpu.memory_space<vmem>>
    tpu.enqueue_dma source(%dma_start3A_451 : memref<8x128xf32, #tpu.memory_space<vmem>>) target(%dma_start3A_448 : memref<8x128xf32, #tpu.memory_space<hbm>>) target_semaphore(%arg13 : memref<!tpu.dma_semaphore, #tpu.memory_space<semaphore_mem>>)
    %dma_start3A_452 = arith.constant 112 : i32
    %dma_start3A_453 = arith.constant 0 : i32
    %dma_start3A_454 = tpu.memref_slice %arg8[%dma_start3A_452, %dma_start3A_453] : memref<152x128xf32, #tpu.memory_space<vmem>> -> memref<8x128xf32, #tpu.memory_space<vmem>>
    %dma_start3A_455 = arith.constant 112 : i32
    %dma_start3A_456 = tpu.memref_slice %arg3[%dma_start3A_455, %mul3A_311] : memref<151x10000xf32, #tpu.memory_space<hbm>> -> memref<8x128xf32, #tpu.memory_space<hbm>>
    %dma_start3A_457 = arith.constant 112 : i32
    %dma_start3A_458 = tpu.memref_slice %arg3[%dma_start3A_457, %mul3A_311] : memref<151x10000xf32, #tpu.memory_space<hbm>> -> memref<8x128xf32, #tpu.memory_space<hbm>>
    %dma_start3A_459 = arith.constant 112 : i32
    %dma_start3A_460 = arith.constant 0 : i32
    %dma_start3A_461 = tpu.memref_slice %arg8[%dma_start3A_459, %dma_start3A_460] : memref<152x128xf32, #tpu.memory_space<vmem>> -> memref<8x128xf32, #tpu.memory_space<vmem>>
    tpu.enqueue_dma source(%dma_start3A_461 : memref<8x128xf32, #tpu.memory_space<vmem>>) target(%dma_start3A_458 : memref<8x128xf32, #tpu.memory_space<hbm>>) target_semaphore(%arg13 : memref<!tpu.dma_semaphore, #tpu.memory_space<semaphore_mem>>)
    %dma_start3A_462 = arith.constant 120 : i32
    %dma_start3A_463 = arith.constant 0 : i32
    %dma_start3A_464 = tpu.memref_slice %arg8[%dma_start3A_462, %dma_start3A_463] : memref<152x128xf32, #tpu.memory_space<vmem>> -> memref<8x128xf32, #tpu.memory_space<vmem>>
    %dma_start3A_465 = arith.constant 120 : i32
    %dma_start3A_466 = tpu.memref_slice %arg3[%dma_start3A_465, %mul3A_311] : memref<151x10000xf32, #tpu.memory_space<hbm>> -> memref<8x128xf32, #tpu.memory_space<hbm>>
    %dma_start3A_467 = arith.constant 120 : i32
    %dma_start3A_468 = tpu.memref_slice %arg3[%dma_start3A_467, %mul3A_311] : memref<151x10000xf32, #tpu.memory_space<hbm>> -> memref<8x128xf32, #tpu.memory_space<hbm>>
    %dma_start3A_469 = arith.constant 120 : i32
    %dma_start3A_470 = arith.constant 0 : i32
    %dma_start3A_471 = tpu.memref_slice %arg8[%dma_start3A_469, %dma_start3A_470] : memref<152x128xf32, #tpu.memory_space<vmem>> -> memref<8x128xf32, #tpu.memory_space<vmem>>
    tpu.enqueue_dma source(%dma_start3A_471 : memref<8x128xf32, #tpu.memory_space<vmem>>) target(%dma_start3A_468 : memref<8x128xf32, #tpu.memory_space<hbm>>) target_semaphore(%arg13 : memref<!tpu.dma_semaphore, #tpu.memory_space<semaphore_mem>>)
    %dma_start3A_472 = arith.constant 128 : i32
    %dma_start3A_473 = arith.constant 0 : i32
    %dma_start3A_474 = tpu.memref_slice %arg8[%dma_start3A_472, %dma_start3A_473] : memref<152x128xf32, #tpu.memory_space<vmem>> -> memref<8x128xf32, #tpu.memory_space<vmem>>
    %dma_start3A_475 = arith.constant 128 : i32
    %dma_start3A_476 = tpu.memref_slice %arg3[%dma_start3A_475, %mul3A_311] : memref<151x10000xf32, #tpu.memory_space<hbm>> -> memref<8x128xf32, #tpu.memory_space<hbm>>
    %dma_start3A_477 = arith.constant 128 : i32
    %dma_start3A_478 = tpu.memref_slice %arg3[%dma_start3A_477, %mul3A_311] : memref<151x10000xf32, #tpu.memory_space<hbm>> -> memref<8x128xf32, #tpu.memory_space<hbm>>
    %dma_start3A_479 = arith.constant 128 : i32
    %dma_start3A_480 = arith.constant 0 : i32
    %dma_start3A_481 = tpu.memref_slice %arg8[%dma_start3A_479, %dma_start3A_480] : memref<152x128xf32, #tpu.memory_space<vmem>> -> memref<8x128xf32, #tpu.memory_space<vmem>>
    tpu.enqueue_dma source(%dma_start3A_481 : memref<8x128xf32, #tpu.memory_space<vmem>>) target(%dma_start3A_478 : memref<8x128xf32, #tpu.memory_space<hbm>>) target_semaphore(%arg13 : memref<!tpu.dma_semaphore, #tpu.memory_space<semaphore_mem>>)
    %dma_start3A_482 = arith.constant 136 : i32
    %dma_start3A_483 = arith.constant 0 : i32
    %dma_start3A_484 = tpu.memref_slice %arg8[%dma_start3A_482, %dma_start3A_483] : memref<152x128xf32, #tpu.memory_space<vmem>> -> memref<8x128xf32, #tpu.memory_space<vmem>>
    %dma_start3A_485 = arith.constant 136 : i32
    %dma_start3A_486 = tpu.memref_slice %arg3[%dma_start3A_485, %mul3A_311] : memref<151x10000xf32, #tpu.memory_space<hbm>> -> memref<8x128xf32, #tpu.memory_space<hbm>>
    %dma_start3A_487 = arith.constant 136 : i32
    %dma_start3A_488 = tpu.memref_slice %arg3[%dma_start3A_487, %mul3A_311] : memref<151x10000xf32, #tpu.memory_space<hbm>> -> memref<8x128xf32, #tpu.memory_space<hbm>>
    %dma_start3A_489 = arith.constant 136 : i32
    %dma_start3A_490 = arith.constant 0 : i32
    %dma_start3A_491 = tpu.memref_slice %arg8[%dma_start3A_489, %dma_start3A_490] : memref<152x128xf32, #tpu.memory_space<vmem>> -> memref<8x128xf32, #tpu.memory_space<vmem>>
    tpu.enqueue_dma source(%dma_start3A_491 : memref<8x128xf32, #tpu.memory_space<vmem>>) target(%dma_start3A_488 : memref<8x128xf32, #tpu.memory_space<hbm>>) target_semaphore(%arg13 : memref<!tpu.dma_semaphore, #tpu.memory_space<semaphore_mem>>)
    %dma_start3A_492 = arith.constant 144 : i32
    %dma_start3A_493 = arith.constant 0 : i32
    %dma_start3A_494 = tpu.memref_slice %arg8[%dma_start3A_492, %dma_start3A_493] : memref<152x128xf32, #tpu.memory_space<vmem>> -> memref<7x128xf32, #tpu.memory_space<vmem>>
    %dma_start3A_495 = arith.constant 144 : i32
    %dma_start3A_496 = tpu.memref_slice %arg3[%dma_start3A_495, %mul3A_311] : memref<151x10000xf32, #tpu.memory_space<hbm>> -> memref<7x128xf32, #tpu.memory_space<hbm>>
    %dma_start3A_497 = arith.constant 144 : i32
    %dma_start3A_498 = tpu.memref_slice %arg3[%dma_start3A_497, %mul3A_311] : memref<151x10000xf32, #tpu.memory_space<hbm>> -> memref<7x128xf32, #tpu.memory_space<hbm>>
    %dma_start3A_499 = arith.constant 144 : i32
    %dma_start3A_500 = arith.constant 0 : i32
    %dma_start3A_501 = tpu.memref_slice %arg8[%dma_start3A_499, %dma_start3A_500] : memref<152x128xf32, #tpu.memory_space<vmem>> -> memref<7x128xf32, #tpu.memory_space<vmem>>
    tpu.enqueue_dma source(%dma_start3A_501 : memref<7x128xf32, #tpu.memory_space<vmem>>) target(%dma_start3A_498 : memref<7x128xf32, #tpu.memory_space<hbm>>) target_semaphore(%arg13 : memref<!tpu.dma_semaphore, #tpu.memory_space<semaphore_mem>>)
    %add3A_502 = arith.constant 64 : i32
    %add3A_503 = arith.addi %add3A, %add3A_502 : i32
    %dma_wait3A_504 = arith.constant 0 : i32
    %dma_wait3A_505 = arith.constant 0 : i32
    %dma_wait3A_506 = tpu.memref_slice %arg7[%dma_wait3A_504, %dma_wait3A_505] : memref<152x128xf32, #tpu.memory_space<vmem>> -> memref<8x128xf32, #tpu.memory_space<vmem>>
    %dma_wait3A_507 = arith.constant 0 : i32
    %dma_wait3A_508 = tpu.memref_slice %arg3[%dma_wait3A_507, %mul3A_77] : memref<151x10000xf32, #tpu.memory_space<hbm>> -> memref<8x128xf32, #tpu.memory_space<hbm>>
    %dma_wait3A_509 = arith.constant 0 : i32
    %dma_wait3A_510 = tpu.memref_slice %arg3[%dma_wait3A_509, %mul3A_77] : memref<151x10000xf32, #tpu.memory_space<hbm>> -> memref<8x128xf32, #tpu.memory_space<hbm>>
    %dma_wait3A_511 = arith.constant 0 : i32
    %dma_wait3A_512 = arith.constant 0 : i32
    %dma_wait3A_513 = tpu.memref_slice %arg7[%dma_wait3A_511, %dma_wait3A_512] : memref<152x128xf32, #tpu.memory_space<vmem>> -> memref<8x128xf32, #tpu.memory_space<vmem>>
    tpu.wait_dma2 semaphore(%arg12 : memref<!tpu.dma_semaphore, #tpu.memory_space<semaphore_mem>>) src(%dma_wait3A_513 : memref<8x128xf32, #tpu.memory_space<vmem>>) dst(%dma_wait3A_510 : memref<8x128xf32, #tpu.memory_space<hbm>>)
    %dma_wait3A_514 = arith.constant 8 : i32
    %dma_wait3A_515 = arith.constant 0 : i32
    %dma_wait3A_516 = tpu.memref_slice %arg7[%dma_wait3A_514, %dma_wait3A_515] : memref<152x128xf32, #tpu.memory_space<vmem>> -> memref<8x128xf32, #tpu.memory_space<vmem>>
    %dma_wait3A_517 = arith.constant 8 : i32
    %dma_wait3A_518 = tpu.memref_slice %arg3[%dma_wait3A_517, %mul3A_77] : memref<151x10000xf32, #tpu.memory_space<hbm>> -> memref<8x128xf32, #tpu.memory_space<hbm>>
    %dma_wait3A_519 = arith.constant 8 : i32
    %dma_wait3A_520 = tpu.memref_slice %arg3[%dma_wait3A_519, %mul3A_77] : memref<151x10000xf32, #tpu.memory_space<hbm>> -> memref<8x128xf32, #tpu.memory_space<hbm>>
    %dma_wait3A_521 = arith.constant 8 : i32
    %dma_wait3A_522 = arith.constant 0 : i32
    %dma_wait3A_523 = tpu.memref_slice %arg7[%dma_wait3A_521, %dma_wait3A_522] : memref<152x128xf32, #tpu.memory_space<vmem>> -> memref<8x128xf32, #tpu.memory_space<vmem>>
    tpu.wait_dma2 semaphore(%arg12 : memref<!tpu.dma_semaphore, #tpu.memory_space<semaphore_mem>>) src(%dma_wait3A_523 : memref<8x128xf32, #tpu.memory_space<vmem>>) dst(%dma_wait3A_520 : memref<8x128xf32, #tpu.memory_space<hbm>>)
    %dma_wait3A_524 = arith.constant 16 : i32
    %dma_wait3A_525 = arith.constant 0 : i32
    %dma_wait3A_526 = tpu.memref_slice %arg7[%dma_wait3A_524, %dma_wait3A_525] : memref<152x128xf32, #tpu.memory_space<vmem>> -> memref<8x128xf32, #tpu.memory_space<vmem>>
    %dma_wait3A_527 = arith.constant 16 : i32
    %dma_wait3A_528 = tpu.memref_slice %arg3[%dma_wait3A_527, %mul3A_77] : memref<151x10000xf32, #tpu.memory_space<hbm>> -> memref<8x128xf32, #tpu.memory_space<hbm>>
    %dma_wait3A_529 = arith.constant 16 : i32
    %dma_wait3A_530 = tpu.memref_slice %arg3[%dma_wait3A_529, %mul3A_77] : memref<151x10000xf32, #tpu.memory_space<hbm>> -> memref<8x128xf32, #tpu.memory_space<hbm>>
    %dma_wait3A_531 = arith.constant 16 : i32
    %dma_wait3A_532 = arith.constant 0 : i32
    %dma_wait3A_533 = tpu.memref_slice %arg7[%dma_wait3A_531, %dma_wait3A_532] : memref<152x128xf32, #tpu.memory_space<vmem>> -> memref<8x128xf32, #tpu.memory_space<vmem>>
    tpu.wait_dma2 semaphore(%arg12 : memref<!tpu.dma_semaphore, #tpu.memory_space<semaphore_mem>>) src(%dma_wait3A_533 : memref<8x128xf32, #tpu.memory_space<vmem>>) dst(%dma_wait3A_530 : memref<8x128xf32, #tpu.memory_space<hbm>>)
    %dma_wait3A_534 = arith.constant 24 : i32
    %dma_wait3A_535 = arith.constant 0 : i32
    %dma_wait3A_536 = tpu.memref_slice %arg7[%dma_wait3A_534, %dma_wait3A_535] : memref<152x128xf32, #tpu.memory_space<vmem>> -> memref<8x128xf32, #tpu.memory_space<vmem>>
    %dma_wait3A_537 = arith.constant 24 : i32
    %dma_wait3A_538 = tpu.memref_slice %arg3[%dma_wait3A_537, %mul3A_77] : memref<151x10000xf32, #tpu.memory_space<hbm>> -> memref<8x128xf32, #tpu.memory_space<hbm>>
    %dma_wait3A_539 = arith.constant 24 : i32
    %dma_wait3A_540 = tpu.memref_slice %arg3[%dma_wait3A_539, %mul3A_77] : memref<151x10000xf32, #tpu.memory_space<hbm>> -> memref<8x128xf32, #tpu.memory_space<hbm>>
    %dma_wait3A_541 = arith.constant 24 : i32
    %dma_wait3A_542 = arith.constant 0 : i32
    %dma_wait3A_543 = tpu.memref_slice %arg7[%dma_wait3A_541, %dma_wait3A_542] : memref<152x128xf32, #tpu.memory_space<vmem>> -> memref<8x128xf32, #tpu.memory_space<vmem>>
    tpu.wait_dma2 semaphore(%arg12 : memref<!tpu.dma_semaphore, #tpu.memory_space<semaphore_mem>>) src(%dma_wait3A_543 : memref<8x128xf32, #tpu.memory_space<vmem>>) dst(%dma_wait3A_540 : memref<8x128xf32, #tpu.memory_space<hbm>>)
    %dma_wait3A_544 = arith.constant 32 : i32
    %dma_wait3A_545 = arith.constant 0 : i32
    %dma_wait3A_546 = tpu.memref_slice %arg7[%dma_wait3A_544, %dma_wait3A_545] : memref<152x128xf32, #tpu.memory_space<vmem>> -> memref<8x128xf32, #tpu.memory_space<vmem>>
    %dma_wait3A_547 = arith.constant 32 : i32
    %dma_wait3A_548 = tpu.memref_slice %arg3[%dma_wait3A_547, %mul3A_77] : memref<151x10000xf32, #tpu.memory_space<hbm>> -> memref<8x128xf32, #tpu.memory_space<hbm>>
    %dma_wait3A_549 = arith.constant 32 : i32
    %dma_wait3A_550 = tpu.memref_slice %arg3[%dma_wait3A_549, %mul3A_77] : memref<151x10000xf32, #tpu.memory_space<hbm>> -> memref<8x128xf32, #tpu.memory_space<hbm>>
    %dma_wait3A_551 = arith.constant 32 : i32
    %dma_wait3A_552 = arith.constant 0 : i32
    %dma_wait3A_553 = tpu.memref_slice %arg7[%dma_wait3A_551, %dma_wait3A_552] : memref<152x128xf32, #tpu.memory_space<vmem>> -> memref<8x128xf32, #tpu.memory_space<vmem>>
    tpu.wait_dma2 semaphore(%arg12 : memref<!tpu.dma_semaphore, #tpu.memory_space<semaphore_mem>>) src(%dma_wait3A_553 : memref<8x128xf32, #tpu.memory_space<vmem>>) dst(%dma_wait3A_550 : memref<8x128xf32, #tpu.memory_space<hbm>>)
    %dma_wait3A_554 = arith.constant 40 : i32
    %dma_wait3A_555 = arith.constant 0 : i32
    %dma_wait3A_556 = tpu.memref_slice %arg7[%dma_wait3A_554, %dma_wait3A_555] : memref<152x128xf32, #tpu.memory_space<vmem>> -> memref<8x128xf32, #tpu.memory_space<vmem>>
    %dma_wait3A_557 = arith.constant 40 : i32
    %dma_wait3A_558 = tpu.memref_slice %arg3[%dma_wait3A_557, %mul3A_77] : memref<151x10000xf32, #tpu.memory_space<hbm>> -> memref<8x128xf32, #tpu.memory_space<hbm>>
    %dma_wait3A_559 = arith.constant 40 : i32
    %dma_wait3A_560 = tpu.memref_slice %arg3[%dma_wait3A_559, %mul3A_77] : memref<151x10000xf32, #tpu.memory_space<hbm>> -> memref<8x128xf32, #tpu.memory_space<hbm>>
    %dma_wait3A_561 = arith.constant 40 : i32
    %dma_wait3A_562 = arith.constant 0 : i32
    %dma_wait3A_563 = tpu.memref_slice %arg7[%dma_wait3A_561, %dma_wait3A_562] : memref<152x128xf32, #tpu.memory_space<vmem>> -> memref<8x128xf32, #tpu.memory_space<vmem>>
    tpu.wait_dma2 semaphore(%arg12 : memref<!tpu.dma_semaphore, #tpu.memory_space<semaphore_mem>>) src(%dma_wait3A_563 : memref<8x128xf32, #tpu.memory_space<vmem>>) dst(%dma_wait3A_560 : memref<8x128xf32, #tpu.memory_space<hbm>>)
    %dma_wait3A_564 = arith.constant 48 : i32
    %dma_wait3A_565 = arith.constant 0 : i32
    %dma_wait3A_566 = tpu.memref_slice %arg7[%dma_wait3A_564, %dma_wait3A_565] : memref<152x128xf32, #tpu.memory_space<vmem>> -> memref<8x128xf32, #tpu.memory_space<vmem>>
    %dma_wait3A_567 = arith.constant 48 : i32
    %dma_wait3A_568 = tpu.memref_slice %arg3[%dma_wait3A_567, %mul3A_77] : memref<151x10000xf32, #tpu.memory_space<hbm>> -> memref<8x128xf32, #tpu.memory_space<hbm>>
    %dma_wait3A_569 = arith.constant 48 : i32
    %dma_wait3A_570 = tpu.memref_slice %arg3[%dma_wait3A_569, %mul3A_77] : memref<151x10000xf32, #tpu.memory_space<hbm>> -> memref<8x128xf32, #tpu.memory_space<hbm>>
    %dma_wait3A_571 = arith.constant 48 : i32
    %dma_wait3A_572 = arith.constant 0 : i32
    %dma_wait3A_573 = tpu.memref_slice %arg7[%dma_wait3A_571, %dma_wait3A_572] : memref<152x128xf32, #tpu.memory_space<vmem>> -> memref<8x128xf32, #tpu.memory_space<vmem>>
    tpu.wait_dma2 semaphore(%arg12 : memref<!tpu.dma_semaphore, #tpu.memory_space<semaphore_mem>>) src(%dma_wait3A_573 : memref<8x128xf32, #tpu.memory_space<vmem>>) dst(%dma_wait3A_570 : memref<8x128xf32, #tpu.memory_space<hbm>>)
    %dma_wait3A_574 = arith.constant 56 : i32
    %dma_wait3A_575 = arith.constant 0 : i32
    %dma_wait3A_576 = tpu.memref_slice %arg7[%dma_wait3A_574, %dma_wait3A_575] : memref<152x128xf32, #tpu.memory_space<vmem>> -> memref<8x128xf32, #tpu.memory_space<vmem>>
    %dma_wait3A_577 = arith.constant 56 : i32
    %dma_wait3A_578 = tpu.memref_slice %arg3[%dma_wait3A_577, %mul3A_77] : memref<151x10000xf32, #tpu.memory_space<hbm>> -> memref<8x128xf32, #tpu.memory_space<hbm>>
    %dma_wait3A_579 = arith.constant 56 : i32
    %dma_wait3A_580 = tpu.memref_slice %arg3[%dma_wait3A_579, %mul3A_77] : memref<151x10000xf32, #tpu.memory_space<hbm>> -> memref<8x128xf32, #tpu.memory_space<hbm>>
    %dma_wait3A_581 = arith.constant 56 : i32
    %dma_wait3A_582 = arith.constant 0 : i32
    %dma_wait3A_583 = tpu.memref_slice %arg7[%dma_wait3A_581, %dma_wait3A_582] : memref<152x128xf32, #tpu.memory_space<vmem>> -> memref<8x128xf32, #tpu.memory_space<vmem>>
    tpu.wait_dma2 semaphore(%arg12 : memref<!tpu.dma_semaphore, #tpu.memory_space<semaphore_mem>>) src(%dma_wait3A_583 : memref<8x128xf32, #tpu.memory_space<vmem>>) dst(%dma_wait3A_580 : memref<8x128xf32, #tpu.memory_space<hbm>>)
    %dma_wait3A_584 = arith.constant 64 : i32
    %dma_wait3A_585 = arith.constant 0 : i32
    %dma_wait3A_586 = tpu.memref_slice %arg7[%dma_wait3A_584, %dma_wait3A_585] : memref<152x128xf32, #tpu.memory_space<vmem>> -> memref<8x128xf32, #tpu.memory_space<vmem>>
    %dma_wait3A_587 = arith.constant 64 : i32
    %dma_wait3A_588 = tpu.memref_slice %arg3[%dma_wait3A_587, %mul3A_77] : memref<151x10000xf32, #tpu.memory_space<hbm>> -> memref<8x128xf32, #tpu.memory_space<hbm>>
    %dma_wait3A_589 = arith.constant 64 : i32
    %dma_wait3A_590 = tpu.memref_slice %arg3[%dma_wait3A_589, %mul3A_77] : memref<151x10000xf32, #tpu.memory_space<hbm>> -> memref<8x128xf32, #tpu.memory_space<hbm>>
    %dma_wait3A_591 = arith.constant 64 : i32
    %dma_wait3A_592 = arith.constant 0 : i32
    %dma_wait3A_593 = tpu.memref_slice %arg7[%dma_wait3A_591, %dma_wait3A_592] : memref<152x128xf32, #tpu.memory_space<vmem>> -> memref<8x128xf32, #tpu.memory_space<vmem>>
    tpu.wait_dma2 semaphore(%arg12 : memref<!tpu.dma_semaphore, #tpu.memory_space<semaphore_mem>>) src(%dma_wait3A_593 : memref<8x128xf32, #tpu.memory_space<vmem>>) dst(%dma_wait3A_590 : memref<8x128xf32, #tpu.memory_space<hbm>>)
    %dma_wait3A_594 = arith.constant 72 : i32
    %dma_wait3A_595 = arith.constant 0 : i32
    %dma_wait3A_596 = tpu.memref_slice %arg7[%dma_wait3A_594, %dma_wait3A_595] : memref<152x128xf32, #tpu.memory_space<vmem>> -> memref<8x128xf32, #tpu.memory_space<vmem>>
    %dma_wait3A_597 = arith.constant 72 : i32
    %dma_wait3A_598 = tpu.memref_slice %arg3[%dma_wait3A_597, %mul3A_77] : memref<151x10000xf32, #tpu.memory_space<hbm>> -> memref<8x128xf32, #tpu.memory_space<hbm>>
    %dma_wait3A_599 = arith.constant 72 : i32
    %dma_wait3A_600 = tpu.memref_slice %arg3[%dma_wait3A_599, %mul3A_77] : memref<151x10000xf32, #tpu.memory_space<hbm>> -> memref<8x128xf32, #tpu.memory_space<hbm>>
    %dma_wait3A_601 = arith.constant 72 : i32
    %dma_wait3A_602 = arith.constant 0 : i32
    %dma_wait3A_603 = tpu.memref_slice %arg7[%dma_wait3A_601, %dma_wait3A_602] : memref<152x128xf32, #tpu.memory_space<vmem>> -> memref<8x128xf32, #tpu.memory_space<vmem>>
    tpu.wait_dma2 semaphore(%arg12 : memref<!tpu.dma_semaphore, #tpu.memory_space<semaphore_mem>>) src(%dma_wait3A_603 : memref<8x128xf32, #tpu.memory_space<vmem>>) dst(%dma_wait3A_600 : memref<8x128xf32, #tpu.memory_space<hbm>>)
    %dma_wait3A_604 = arith.constant 80 : i32
    %dma_wait3A_605 = arith.constant 0 : i32
    %dma_wait3A_606 = tpu.memref_slice %arg7[%dma_wait3A_604, %dma_wait3A_605] : memref<152x128xf32, #tpu.memory_space<vmem>> -> memref<8x128xf32, #tpu.memory_space<vmem>>
    %dma_wait3A_607 = arith.constant 80 : i32
    %dma_wait3A_608 = tpu.memref_slice %arg3[%dma_wait3A_607, %mul3A_77] : memref<151x10000xf32, #tpu.memory_space<hbm>> -> memref<8x128xf32, #tpu.memory_space<hbm>>
    %dma_wait3A_609 = arith.constant 80 : i32
    %dma_wait3A_610 = tpu.memref_slice %arg3[%dma_wait3A_609, %mul3A_77] : memref<151x10000xf32, #tpu.memory_space<hbm>> -> memref<8x128xf32, #tpu.memory_space<hbm>>
    %dma_wait3A_611 = arith.constant 80 : i32
    %dma_wait3A_612 = arith.constant 0 : i32
    %dma_wait3A_613 = tpu.memref_slice %arg7[%dma_wait3A_611, %dma_wait3A_612] : memref<152x128xf32, #tpu.memory_space<vmem>> -> memref<8x128xf32, #tpu.memory_space<vmem>>
    tpu.wait_dma2 semaphore(%arg12 : memref<!tpu.dma_semaphore, #tpu.memory_space<semaphore_mem>>) src(%dma_wait3A_613 : memref<8x128xf32, #tpu.memory_space<vmem>>) dst(%dma_wait3A_610 : memref<8x128xf32, #tpu.memory_space<hbm>>)
    %dma_wait3A_614 = arith.constant 88 : i32
    %dma_wait3A_615 = arith.constant 0 : i32
    %dma_wait3A_616 = tpu.memref_slice %arg7[%dma_wait3A_614, %dma_wait3A_615] : memref<152x128xf32, #tpu.memory_space<vmem>> -> memref<8x128xf32, #tpu.memory_space<vmem>>
    %dma_wait3A_617 = arith.constant 88 : i32
    %dma_wait3A_618 = tpu.memref_slice %arg3[%dma_wait3A_617, %mul3A_77] : memref<151x10000xf32, #tpu.memory_space<hbm>> -> memref<8x128xf32, #tpu.memory_space<hbm>>
    %dma_wait3A_619 = arith.constant 88 : i32
    %dma_wait3A_620 = tpu.memref_slice %arg3[%dma_wait3A_619, %mul3A_77] : memref<151x10000xf32, #tpu.memory_space<hbm>> -> memref<8x128xf32, #tpu.memory_space<hbm>>
    %dma_wait3A_621 = arith.constant 88 : i32
    %dma_wait3A_622 = arith.constant 0 : i32
    %dma_wait3A_623 = tpu.memref_slice %arg7[%dma_wait3A_621, %dma_wait3A_622] : memref<152x128xf32, #tpu.memory_space<vmem>> -> memref<8x128xf32, #tpu.memory_space<vmem>>
    tpu.wait_dma2 semaphore(%arg12 : memref<!tpu.dma_semaphore, #tpu.memory_space<semaphore_mem>>) src(%dma_wait3A_623 : memref<8x128xf32, #tpu.memory_space<vmem>>) dst(%dma_wait3A_620 : memref<8x128xf32, #tpu.memory_space<hbm>>)
    %dma_wait3A_624 = arith.constant 96 : i32
    %dma_wait3A_625 = arith.constant 0 : i32
    %dma_wait3A_626 = tpu.memref_slice %arg7[%dma_wait3A_624, %dma_wait3A_625] : memref<152x128xf32, #tpu.memory_space<vmem>> -> memref<8x128xf32, #tpu.memory_space<vmem>>
    %dma_wait3A_627 = arith.constant 96 : i32
    %dma_wait3A_628 = tpu.memref_slice %arg3[%dma_wait3A_627, %mul3A_77] : memref<151x10000xf32, #tpu.memory_space<hbm>> -> memref<8x128xf32, #tpu.memory_space<hbm>>
    %dma_wait3A_629 = arith.constant 96 : i32
    %dma_wait3A_630 = tpu.memref_slice %arg3[%dma_wait3A_629, %mul3A_77] : memref<151x10000xf32, #tpu.memory_space<hbm>> -> memref<8x128xf32, #tpu.memory_space<hbm>>
    %dma_wait3A_631 = arith.constant 96 : i32
    %dma_wait3A_632 = arith.constant 0 : i32
    %dma_wait3A_633 = tpu.memref_slice %arg7[%dma_wait3A_631, %dma_wait3A_632] : memref<152x128xf32, #tpu.memory_space<vmem>> -> memref<8x128xf32, #tpu.memory_space<vmem>>
    tpu.wait_dma2 semaphore(%arg12 : memref<!tpu.dma_semaphore, #tpu.memory_space<semaphore_mem>>) src(%dma_wait3A_633 : memref<8x128xf32, #tpu.memory_space<vmem>>) dst(%dma_wait3A_630 : memref<8x128xf32, #tpu.memory_space<hbm>>)
    %dma_wait3A_634 = arith.constant 104 : i32
    %dma_wait3A_635 = arith.constant 0 : i32
    %dma_wait3A_636 = tpu.memref_slice %arg7[%dma_wait3A_634, %dma_wait3A_635] : memref<152x128xf32, #tpu.memory_space<vmem>> -> memref<8x128xf32, #tpu.memory_space<vmem>>
    %dma_wait3A_637 = arith.constant 104 : i32
    %dma_wait3A_638 = tpu.memref_slice %arg3[%dma_wait3A_637, %mul3A_77] : memref<151x10000xf32, #tpu.memory_space<hbm>> -> memref<8x128xf32, #tpu.memory_space<hbm>>
    %dma_wait3A_639 = arith.constant 104 : i32
    %dma_wait3A_640 = tpu.memref_slice %arg3[%dma_wait3A_639, %mul3A_77] : memref<151x10000xf32, #tpu.memory_space<hbm>> -> memref<8x128xf32, #tpu.memory_space<hbm>>
    %dma_wait3A_641 = arith.constant 104 : i32
    %dma_wait3A_642 = arith.constant 0 : i32
    %dma_wait3A_643 = tpu.memref_slice %arg7[%dma_wait3A_641, %dma_wait3A_642] : memref<152x128xf32, #tpu.memory_space<vmem>> -> memref<8x128xf32, #tpu.memory_space<vmem>>
    tpu.wait_dma2 semaphore(%arg12 : memref<!tpu.dma_semaphore, #tpu.memory_space<semaphore_mem>>) src(%dma_wait3A_643 : memref<8x128xf32, #tpu.memory_space<vmem>>) dst(%dma_wait3A_640 : memref<8x128xf32, #tpu.memory_space<hbm>>)
    %dma_wait3A_644 = arith.constant 112 : i32
    %dma_wait3A_645 = arith.constant 0 : i32
    %dma_wait3A_646 = tpu.memref_slice %arg7[%dma_wait3A_644, %dma_wait3A_645] : memref<152x128xf32, #tpu.memory_space<vmem>> -> memref<8x128xf32, #tpu.memory_space<vmem>>
    %dma_wait3A_647 = arith.constant 112 : i32
    %dma_wait3A_648 = tpu.memref_slice %arg3[%dma_wait3A_647, %mul3A_77] : memref<151x10000xf32, #tpu.memory_space<hbm>> -> memref<8x128xf32, #tpu.memory_space<hbm>>
    %dma_wait3A_649 = arith.constant 112 : i32
    %dma_wait3A_650 = tpu.memref_slice %arg3[%dma_wait3A_649, %mul3A_77] : memref<151x10000xf32, #tpu.memory_space<hbm>> -> memref<8x128xf32, #tpu.memory_space<hbm>>
    %dma_wait3A_651 = arith.constant 112 : i32
    %dma_wait3A_652 = arith.constant 0 : i32
    %dma_wait3A_653 = tpu.memref_slice %arg7[%dma_wait3A_651, %dma_wait3A_652] : memref<152x128xf32, #tpu.memory_space<vmem>> -> memref<8x128xf32, #tpu.memory_space<vmem>>
    tpu.wait_dma2 semaphore(%arg12 : memref<!tpu.dma_semaphore, #tpu.memory_space<semaphore_mem>>) src(%dma_wait3A_653 : memref<8x128xf32, #tpu.memory_space<vmem>>) dst(%dma_wait3A_650 : memref<8x128xf32, #tpu.memory_space<hbm>>)
    %dma_wait3A_654 = arith.constant 120 : i32
    %dma_wait3A_655 = arith.constant 0 : i32
    %dma_wait3A_656 = tpu.memref_slice %arg7[%dma_wait3A_654, %dma_wait3A_655] : memref<152x128xf32, #tpu.memory_space<vmem>> -> memref<8x128xf32, #tpu.memory_space<vmem>>
    %dma_wait3A_657 = arith.constant 120 : i32
    %dma_wait3A_658 = tpu.memref_slice %arg3[%dma_wait3A_657, %mul3A_77] : memref<151x10000xf32, #tpu.memory_space<hbm>> -> memref<8x128xf32, #tpu.memory_space<hbm>>
    %dma_wait3A_659 = arith.constant 120 : i32
    %dma_wait3A_660 = tpu.memref_slice %arg3[%dma_wait3A_659, %mul3A_77] : memref<151x10000xf32, #tpu.memory_space<hbm>> -> memref<8x128xf32, #tpu.memory_space<hbm>>
    %dma_wait3A_661 = arith.constant 120 : i32
    %dma_wait3A_662 = arith.constant 0 : i32
    %dma_wait3A_663 = tpu.memref_slice %arg7[%dma_wait3A_661, %dma_wait3A_662] : memref<152x128xf32, #tpu.memory_space<vmem>> -> memref<8x128xf32, #tpu.memory_space<vmem>>
    tpu.wait_dma2 semaphore(%arg12 : memref<!tpu.dma_semaphore, #tpu.memory_space<semaphore_mem>>) src(%dma_wait3A_663 : memref<8x128xf32, #tpu.memory_space<vmem>>) dst(%dma_wait3A_660 : memref<8x128xf32, #tpu.memory_space<hbm>>)
    %dma_wait3A_664 = arith.constant 128 : i32
    %dma_wait3A_665 = arith.constant 0 : i32
    %dma_wait3A_666 = tpu.memref_slice %arg7[%dma_wait3A_664, %dma_wait3A_665] : memref<152x128xf32, #tpu.memory_space<vmem>> -> memref<8x128xf32, #tpu.memory_space<vmem>>
    %dma_wait3A_667 = arith.constant 128 : i32
    %dma_wait3A_668 = tpu.memref_slice %arg3[%dma_wait3A_667, %mul3A_77] : memref<151x10000xf32, #tpu.memory_space<hbm>> -> memref<8x128xf32, #tpu.memory_space<hbm>>
    %dma_wait3A_669 = arith.constant 128 : i32
    %dma_wait3A_670 = tpu.memref_slice %arg3[%dma_wait3A_669, %mul3A_77] : memref<151x10000xf32, #tpu.memory_space<hbm>> -> memref<8x128xf32, #tpu.memory_space<hbm>>
    %dma_wait3A_671 = arith.constant 128 : i32
    %dma_wait3A_672 = arith.constant 0 : i32
    %dma_wait3A_673 = tpu.memref_slice %arg7[%dma_wait3A_671, %dma_wait3A_672] : memref<152x128xf32, #tpu.memory_space<vmem>> -> memref<8x128xf32, #tpu.memory_space<vmem>>
    tpu.wait_dma2 semaphore(%arg12 : memref<!tpu.dma_semaphore, #tpu.memory_space<semaphore_mem>>) src(%dma_wait3A_673 : memref<8x128xf32, #tpu.memory_space<vmem>>) dst(%dma_wait3A_670 : memref<8x128xf32, #tpu.memory_space<hbm>>)
    %dma_wait3A_674 = arith.constant 136 : i32
    %dma_wait3A_675 = arith.constant 0 : i32
    %dma_wait3A_676 = tpu.memref_slice %arg7[%dma_wait3A_674, %dma_wait3A_675] : memref<152x128xf32, #tpu.memory_space<vmem>> -> memref<8x128xf32, #tpu.memory_space<vmem>>
    %dma_wait3A_677 = arith.constant 136 : i32
    %dma_wait3A_678 = tpu.memref_slice %arg3[%dma_wait3A_677, %mul3A_77] : memref<151x10000xf32, #tpu.memory_space<hbm>> -> memref<8x128xf32, #tpu.memory_space<hbm>>
    %dma_wait3A_679 = arith.constant 136 : i32
    %dma_wait3A_680 = tpu.memref_slice %arg3[%dma_wait3A_679, %mul3A_77] : memref<151x10000xf32, #tpu.memory_space<hbm>> -> memref<8x128xf32, #tpu.memory_space<hbm>>
    %dma_wait3A_681 = arith.constant 136 : i32
    %dma_wait3A_682 = arith.constant 0 : i32
    %dma_wait3A_683 = tpu.memref_slice %arg7[%dma_wait3A_681, %dma_wait3A_682] : memref<152x128xf32, #tpu.memory_space<vmem>> -> memref<8x128xf32, #tpu.memory_space<vmem>>
    tpu.wait_dma2 semaphore(%arg12 : memref<!tpu.dma_semaphore, #tpu.memory_space<semaphore_mem>>) src(%dma_wait3A_683 : memref<8x128xf32, #tpu.memory_space<vmem>>) dst(%dma_wait3A_680 : memref<8x128xf32, #tpu.memory_space<hbm>>)
    %dma_wait3A_684 = arith.constant 144 : i32
    %dma_wait3A_685 = arith.constant 0 : i32
    %dma_wait3A_686 = tpu.memref_slice %arg7[%dma_wait3A_684, %dma_wait3A_685] : memref<152x128xf32, #tpu.memory_space<vmem>> -> memref<7x128xf32, #tpu.memory_space<vmem>>
    %dma_wait3A_687 = arith.constant 144 : i32
    %dma_wait3A_688 = tpu.memref_slice %arg3[%dma_wait3A_687, %mul3A_77] : memref<151x10000xf32, #tpu.memory_space<hbm>> -> memref<7x128xf32, #tpu.memory_space<hbm>>
    %dma_wait3A_689 = arith.constant 144 : i32
    %dma_wait3A_690 = tpu.memref_slice %arg3[%dma_wait3A_689, %mul3A_77] : memref<151x10000xf32, #tpu.memory_space<hbm>> -> memref<7x128xf32, #tpu.memory_space<hbm>>
    %dma_wait3A_691 = arith.constant 144 : i32
    %dma_wait3A_692 = arith.constant 0 : i32
    %dma_wait3A_693 = tpu.memref_slice %arg7[%dma_wait3A_691, %dma_wait3A_692] : memref<152x128xf32, #tpu.memory_space<vmem>> -> memref<7x128xf32, #tpu.memory_space<vmem>>
    tpu.wait_dma2 semaphore(%arg12 : memref<!tpu.dma_semaphore, #tpu.memory_space<semaphore_mem>>) src(%dma_wait3A_693 : memref<7x128xf32, #tpu.memory_space<vmem>>) dst(%dma_wait3A_690 : memref<7x128xf32, #tpu.memory_space<hbm>>)
    %lt3A = arith.constant 79 : i32
    %lt3A_694 = arith.cmpi slt, %add3A_503, %lt3A : i32
    %convert_element_type3A = arith.extui %lt3A_694 : i1 to i32
    %cond3A = arith.constant 0 : i32
    %cond3A_695 = arith.cmpi ne, %convert_element_type3A, %cond3A : i32
    scf.if %cond3A_695 {
      %get3A_895 = arith.constant 0 : index
      %get3A_896 = tpu.vector_load %arg4[%get3A_895] {strides = array<i32>} : memref<128xi32, #tpu.memory_space<vmem>>, vector<16xi32>,
      %add3A_897 = arith.constant 0 : i32
      %add3A_898 = vector.broadcast %add3A_897 : i32 to vector<16xi32>
      %add3A_899 = arith.addi %add3A_898, %iota3A : vector<16xi32>
      tpu.vector_store_idx %arg7[%get3A_896, %add3A_899], %broadcast_in_dim3A_1 : memref<152x128xf32, #tpu.memory_space<vmem>>[vector<16xi32>, vector<16xi32>], vector<16xf32>,
      %get3A_900 = arith.constant 16 : index
      %get3A_901 = tpu.vector_load %arg4[%get3A_900] {strides = array<i32>} : memref<128xi32, #tpu.memory_space<vmem>>, vector<16xi32>,
      %add3A_902 = arith.constant 16 : i32
      %add3A_903 = vector.broadcast %add3A_902 : i32 to vector<16xi32>
      %add3A_904 = arith.addi %add3A_903, %iota3A : vector<16xi32>
      tpu.vector_store_idx %arg7[%get3A_901, %add3A_904], %broadcast_in_dim3A_1 : memref<152x128xf32, #tpu.memory_space<vmem>>[vector<16xi32>, vector<16xi32>], vector<16xf32>,
      %get3A_905 = arith.constant 32 : index
      %get3A_906 = tpu.vector_load %arg4[%get3A_905] {strides = array<i32>} : memref<128xi32, #tpu.memory_space<vmem>>, vector<16xi32>,
      %add3A_907 = arith.constant 32 : i32
      %add3A_908 = vector.broadcast %add3A_907 : i32 to vector<16xi32>
      %add3A_909 = arith.addi %add3A_908, %iota3A : vector<16xi32>
      tpu.vector_store_idx %arg7[%get3A_906, %add3A_909], %broadcast_in_dim3A_1 : memref<152x128xf32, #tpu.memory_space<vmem>>[vector<16xi32>, vector<16xi32>], vector<16xf32>,
      %get3A_910 = arith.constant 48 : index
      %get3A_911 = tpu.vector_load %arg4[%get3A_910] {strides = array<i32>} : memref<128xi32, #tpu.memory_space<vmem>>, vector<16xi32>,
      %add3A_912 = arith.constant 48 : i32
      %add3A_913 = vector.broadcast %add3A_912 : i32 to vector<16xi32>
      %add3A_914 = arith.addi %add3A_913, %iota3A : vector<16xi32>
      tpu.vector_store_idx %arg7[%get3A_911, %add3A_914], %broadcast_in_dim3A_1 : memref<152x128xf32, #tpu.memory_space<vmem>>[vector<16xi32>, vector<16xi32>], vector<16xf32>,
      %get3A_915 = arith.constant 64 : index
      %get3A_916 = tpu.vector_load %arg4[%get3A_915] {strides = array<i32>} : memref<128xi32, #tpu.memory_space<vmem>>, vector<16xi32>,
      %add3A_917 = arith.constant 64 : i32
      %add3A_918 = vector.broadcast %add3A_917 : i32 to vector<16xi32>
      %add3A_919 = arith.addi %add3A_918, %iota3A : vector<16xi32>
      tpu.vector_store_idx %arg7[%get3A_916, %add3A_919], %broadcast_in_dim3A_1 : memref<152x128xf32, #tpu.memory_space<vmem>>[vector<16xi32>, vector<16xi32>], vector<16xf32>,
      %get3A_920 = arith.constant 80 : index
      %get3A_921 = tpu.vector_load %arg4[%get3A_920] {strides = array<i32>} : memref<128xi32, #tpu.memory_space<vmem>>, vector<16xi32>,
      %add3A_922 = arith.constant 80 : i32
      %add3A_923 = vector.broadcast %add3A_922 : i32 to vector<16xi32>
      %add3A_924 = arith.addi %add3A_923, %iota3A : vector<16xi32>
      tpu.vector_store_idx %arg7[%get3A_921, %add3A_924], %broadcast_in_dim3A_1 : memref<152x128xf32, #tpu.memory_space<vmem>>[vector<16xi32>, vector<16xi32>], vector<16xf32>,
      %get3A_925 = arith.constant 96 : index
      %get3A_926 = tpu.vector_load %arg4[%get3A_925] {strides = array<i32>} : memref<128xi32, #tpu.memory_space<vmem>>, vector<16xi32>,
      %add3A_927 = arith.constant 96 : i32
      %add3A_928 = vector.broadcast %add3A_927 : i32 to vector<16xi32>
      %add3A_929 = arith.addi %add3A_928, %iota3A : vector<16xi32>
      tpu.vector_store_idx %arg7[%get3A_926, %add3A_929], %broadcast_in_dim3A_1 : memref<152x128xf32, #tpu.memory_space<vmem>>[vector<16xi32>, vector<16xi32>], vector<16xf32>,
      %get3A_930 = arith.constant 112 : index
      %get3A_931 = tpu.vector_load %arg4[%get3A_930] {strides = array<i32>} : memref<128xi32, #tpu.memory_space<vmem>>, vector<16xi32>,
      %add3A_932 = arith.constant 112 : i32
      %add3A_933 = vector.broadcast %add3A_932 : i32 to vector<16xi32>
      %add3A_934 = arith.addi %add3A_933, %iota3A : vector<16xi32>
      tpu.vector_store_idx %arg7[%get3A_931, %add3A_934], %broadcast_in_dim3A_1 : memref<152x128xf32, #tpu.memory_space<vmem>>[vector<16xi32>, vector<16xi32>], vector<16xf32>,
    } else {
    }
    %lt3A_696 = arith.constant 78 : i32
    %lt3A_697 = arith.cmpi slt, %add3A_503, %lt3A_696 : i32
    %convert_element_type3A_698 = arith.extui %lt3A_697 : i1 to i32
    %cond3A_699 = arith.constant 0 : i32
    %cond3A_700 = arith.cmpi ne, %convert_element_type3A_698, %cond3A_699 : i32
    scf.if %cond3A_700 {
      %get3A_895 = arith.constant 0 : index
      %get3A_896 = tpu.vector_load %arg6[%get3A_895] {strides = array<i32>} : memref<128xi32, #tpu.memory_space<vmem>>, vector<16xi32>,
      %add3A_897 = arith.constant 0 : i32
      %add3A_898 = vector.broadcast %add3A_897 : i32 to vector<16xi32>
      %add3A_899 = arith.addi %add3A_898, %iota3A : vector<16xi32>
      tpu.vector_store_idx %arg7[%get3A_896, %add3A_899], %broadcast_in_dim3A_3 : memref<152x128xf32, #tpu.memory_space<vmem>>[vector<16xi32>, vector<16xi32>], vector<16xf32>,
      %get3A_900 = arith.constant 16 : index
      %get3A_901 = tpu.vector_load %arg6[%get3A_900] {strides = array<i32>} : memref<128xi32, #tpu.memory_space<vmem>>, vector<16xi32>,
      %add3A_902 = arith.constant 16 : i32
      %add3A_903 = vector.broadcast %add3A_902 : i32 to vector<16xi32>
      %add3A_904 = arith.addi %add3A_903, %iota3A : vector<16xi32>
      tpu.vector_store_idx %arg7[%get3A_901, %add3A_904], %broadcast_in_dim3A_3 : memref<152x128xf32, #tpu.memory_space<vmem>>[vector<16xi32>, vector<16xi32>], vector<16xf32>,
      %get3A_905 = arith.constant 32 : index
      %get3A_906 = tpu.vector_load %arg6[%get3A_905] {strides = array<i32>} : memref<128xi32, #tpu.memory_space<vmem>>, vector<16xi32>,
      %add3A_907 = arith.constant 32 : i32
      %add3A_908 = vector.broadcast %add3A_907 : i32 to vector<16xi32>
      %add3A_909 = arith.addi %add3A_908, %iota3A : vector<16xi32>
      tpu.vector_store_idx %arg7[%get3A_906, %add3A_909], %broadcast_in_dim3A_3 : memref<152x128xf32, #tpu.memory_space<vmem>>[vector<16xi32>, vector<16xi32>], vector<16xf32>,
      %get3A_910 = arith.constant 48 : index
      %get3A_911 = tpu.vector_load %arg6[%get3A_910] {strides = array<i32>} : memref<128xi32, #tpu.memory_space<vmem>>, vector<16xi32>,
      %add3A_912 = arith.constant 48 : i32
      %add3A_913 = vector.broadcast %add3A_912 : i32 to vector<16xi32>
      %add3A_914 = arith.addi %add3A_913, %iota3A : vector<16xi32>
      tpu.vector_store_idx %arg7[%get3A_911, %add3A_914], %broadcast_in_dim3A_3 : memref<152x128xf32, #tpu.memory_space<vmem>>[vector<16xi32>, vector<16xi32>], vector<16xf32>,
      %get3A_915 = arith.constant 64 : index
      %get3A_916 = tpu.vector_load %arg6[%get3A_915] {strides = array<i32>} : memref<128xi32, #tpu.memory_space<vmem>>, vector<16xi32>,
      %add3A_917 = arith.constant 64 : i32
      %add3A_918 = vector.broadcast %add3A_917 : i32 to vector<16xi32>
      %add3A_919 = arith.addi %add3A_918, %iota3A : vector<16xi32>
      tpu.vector_store_idx %arg7[%get3A_916, %add3A_919], %broadcast_in_dim3A_3 : memref<152x128xf32, #tpu.memory_space<vmem>>[vector<16xi32>, vector<16xi32>], vector<16xf32>,
      %get3A_920 = arith.constant 80 : index
      %get3A_921 = tpu.vector_load %arg6[%get3A_920] {strides = array<i32>} : memref<128xi32, #tpu.memory_space<vmem>>, vector<16xi32>,
      %add3A_922 = arith.constant 80 : i32
      %add3A_923 = vector.broadcast %add3A_922 : i32 to vector<16xi32>
      %add3A_924 = arith.addi %add3A_923, %iota3A : vector<16xi32>
      tpu.vector_store_idx %arg7[%get3A_921, %add3A_924], %broadcast_in_dim3A_3 : memref<152x128xf32, #tpu.memory_space<vmem>>[vector<16xi32>, vector<16xi32>], vector<16xf32>,
      %get3A_925 = arith.constant 96 : index
      %get3A_926 = tpu.vector_load %arg6[%get3A_925] {strides = array<i32>} : memref<128xi32, #tpu.memory_space<vmem>>, vector<16xi32>,
      %add3A_927 = arith.constant 96 : i32
      %add3A_928 = vector.broadcast %add3A_927 : i32 to vector<16xi32>
      %add3A_929 = arith.addi %add3A_928, %iota3A : vector<16xi32>
      tpu.vector_store_idx %arg7[%get3A_926, %add3A_929], %broadcast_in_dim3A_3 : memref<152x128xf32, #tpu.memory_space<vmem>>[vector<16xi32>, vector<16xi32>], vector<16xf32>,
      %get3A_930 = arith.constant 112 : index
      %get3A_931 = tpu.vector_load %arg6[%get3A_930] {strides = array<i32>} : memref<128xi32, #tpu.memory_space<vmem>>, vector<16xi32>,
      %add3A_932 = arith.constant 112 : i32
      %add3A_933 = vector.broadcast %add3A_932 : i32 to vector<16xi32>
      %add3A_934 = arith.addi %add3A_933, %iota3A : vector<16xi32>
      tpu.vector_store_idx %arg7[%get3A_931, %add3A_934], %broadcast_in_dim3A_3 : memref<152x128xf32, #tpu.memory_space<vmem>>[vector<16xi32>, vector<16xi32>], vector<16xf32>,
      %mul3A_935 = arith.constant 128 : i32
      %mul3A_936 = arith.muli %add3A_503, %mul3A_935 : i32
      %dma_start3A_937 = arith.constant 0 : i32
      %dma_start3A_938 = arith.constant 0 : i32
      %dma_start3A_939 = tpu.memref_slice %arg7[%dma_start3A_937, %dma_start3A_938] : memref<152x128xf32, #tpu.memory_space<vmem>> -> memref<8x128xf32, #tpu.memory_space<vmem>>
      %dma_start3A_940 = arith.constant 0 : i32
      %dma_start3A_941 = tpu.memref_slice %arg3[%dma_start3A_940, %mul3A_936] : memref<151x10000xf32, #tpu.memory_space<hbm>> -> memref<8x128xf32, #tpu.memory_space<hbm>>
      %dma_start3A_942 = arith.constant 0 : i32
      %dma_start3A_943 = tpu.memref_slice %arg3[%dma_start3A_942, %mul3A_936] : memref<151x10000xf32, #tpu.memory_space<hbm>> -> memref<8x128xf32, #tpu.memory_space<hbm>>
      %dma_start3A_944 = arith.constant 0 : i32
      %dma_start3A_945 = arith.constant 0 : i32
      %dma_start3A_946 = tpu.memref_slice %arg7[%dma_start3A_944, %dma_start3A_945] : memref<152x128xf32, #tpu.memory_space<vmem>> -> memref<8x128xf32, #tpu.memory_space<vmem>>
      tpu.enqueue_dma source(%dma_start3A_946 : memref<8x128xf32, #tpu.memory_space<vmem>>) target(%dma_start3A_943 : memref<8x128xf32, #tpu.memory_space<hbm>>) target_semaphore(%arg12 : memref<!tpu.dma_semaphore, #tpu.memory_space<semaphore_mem>>)
      %dma_start3A_947 = arith.constant 8 : i32
      %dma_start3A_948 = arith.constant 0 : i32
      %dma_start3A_949 = tpu.memref_slice %arg7[%dma_start3A_947, %dma_start3A_948] : memref<152x128xf32, #tpu.memory_space<vmem>> -> memref<8x128xf32, #tpu.memory_space<vmem>>
      %dma_start3A_950 = arith.constant 8 : i32
      %dma_start3A_951 = tpu.memref_slice %arg3[%dma_start3A_950, %mul3A_936] : memref<151x10000xf32, #tpu.memory_space<hbm>> -> memref<8x128xf32, #tpu.memory_space<hbm>>
      %dma_start3A_952 = arith.constant 8 : i32
      %dma_start3A_953 = tpu.memref_slice %arg3[%dma_start3A_952, %mul3A_936] : memref<151x10000xf32, #tpu.memory_space<hbm>> -> memref<8x128xf32, #tpu.memory_space<hbm>>
      %dma_start3A_954 = arith.constant 8 : i32
      %dma_start3A_955 = arith.constant 0 : i32
      %dma_start3A_956 = tpu.memref_slice %arg7[%dma_start3A_954, %dma_start3A_955] : memref<152x128xf32, #tpu.memory_space<vmem>> -> memref<8x128xf32, #tpu.memory_space<vmem>>
      tpu.enqueue_dma source(%dma_start3A_956 : memref<8x128xf32, #tpu.memory_space<vmem>>) target(%dma_start3A_953 : memref<8x128xf32, #tpu.memory_space<hbm>>) target_semaphore(%arg12 : memref<!tpu.dma_semaphore, #tpu.memory_space<semaphore_mem>>)
      %dma_start3A_957 = arith.constant 16 : i32
      %dma_start3A_958 = arith.constant 0 : i32
      %dma_start3A_959 = tpu.memref_slice %arg7[%dma_start3A_957, %dma_start3A_958] : memref<152x128xf32, #tpu.memory_space<vmem>> -> memref<8x128xf32, #tpu.memory_space<vmem>>
      %dma_start3A_960 = arith.constant 16 : i32
      %dma_start3A_961 = tpu.memref_slice %arg3[%dma_start3A_960, %mul3A_936] : memref<151x10000xf32, #tpu.memory_space<hbm>> -> memref<8x128xf32, #tpu.memory_space<hbm>>
      %dma_start3A_962 = arith.constant 16 : i32
      %dma_start3A_963 = tpu.memref_slice %arg3[%dma_start3A_962, %mul3A_936] : memref<151x10000xf32, #tpu.memory_space<hbm>> -> memref<8x128xf32, #tpu.memory_space<hbm>>
      %dma_start3A_964 = arith.constant 16 : i32
      %dma_start3A_965 = arith.constant 0 : i32
      %dma_start3A_966 = tpu.memref_slice %arg7[%dma_start3A_964, %dma_start3A_965] : memref<152x128xf32, #tpu.memory_space<vmem>> -> memref<8x128xf32, #tpu.memory_space<vmem>>
      tpu.enqueue_dma source(%dma_start3A_966 : memref<8x128xf32, #tpu.memory_space<vmem>>) target(%dma_start3A_963 : memref<8x128xf32, #tpu.memory_space<hbm>>) target_semaphore(%arg12 : memref<!tpu.dma_semaphore, #tpu.memory_space<semaphore_mem>>)
      %dma_start3A_967 = arith.constant 24 : i32
      %dma_start3A_968 = arith.constant 0 : i32
      %dma_start3A_969 = tpu.memref_slice %arg7[%dma_start3A_967, %dma_start3A_968] : memref<152x128xf32, #tpu.memory_space<vmem>> -> memref<8x128xf32, #tpu.memory_space<vmem>>
      %dma_start3A_970 = arith.constant 24 : i32
      %dma_start3A_971 = tpu.memref_slice %arg3[%dma_start3A_970, %mul3A_936] : memref<151x10000xf32, #tpu.memory_space<hbm>> -> memref<8x128xf32, #tpu.memory_space<hbm>>
      %dma_start3A_972 = arith.constant 24 : i32
      %dma_start3A_973 = tpu.memref_slice %arg3[%dma_start3A_972, %mul3A_936] : memref<151x10000xf32, #tpu.memory_space<hbm>> -> memref<8x128xf32, #tpu.memory_space<hbm>>
      %dma_start3A_974 = arith.constant 24 : i32
      %dma_start3A_975 = arith.constant 0 : i32
      %dma_start3A_976 = tpu.memref_slice %arg7[%dma_start3A_974, %dma_start3A_975] : memref<152x128xf32, #tpu.memory_space<vmem>> -> memref<8x128xf32, #tpu.memory_space<vmem>>
      tpu.enqueue_dma source(%dma_start3A_976 : memref<8x128xf32, #tpu.memory_space<vmem>>) target(%dma_start3A_973 : memref<8x128xf32, #tpu.memory_space<hbm>>) target_semaphore(%arg12 : memref<!tpu.dma_semaphore, #tpu.memory_space<semaphore_mem>>)
      %dma_start3A_977 = arith.constant 32 : i32
      %dma_start3A_978 = arith.constant 0 : i32
      %dma_start3A_979 = tpu.memref_slice %arg7[%dma_start3A_977, %dma_start3A_978] : memref<152x128xf32, #tpu.memory_space<vmem>> -> memref<8x128xf32, #tpu.memory_space<vmem>>
      %dma_start3A_980 = arith.constant 32 : i32
      %dma_start3A_981 = tpu.memref_slice %arg3[%dma_start3A_980, %mul3A_936] : memref<151x10000xf32, #tpu.memory_space<hbm>> -> memref<8x128xf32, #tpu.memory_space<hbm>>
      %dma_start3A_982 = arith.constant 32 : i32
      %dma_start3A_983 = tpu.memref_slice %arg3[%dma_start3A_982, %mul3A_936] : memref<151x10000xf32, #tpu.memory_space<hbm>> -> memref<8x128xf32, #tpu.memory_space<hbm>>
      %dma_start3A_984 = arith.constant 32 : i32
      %dma_start3A_985 = arith.constant 0 : i32
      %dma_start3A_986 = tpu.memref_slice %arg7[%dma_start3A_984, %dma_start3A_985] : memref<152x128xf32, #tpu.memory_space<vmem>> -> memref<8x128xf32, #tpu.memory_space<vmem>>
      tpu.enqueue_dma source(%dma_start3A_986 : memref<8x128xf32, #tpu.memory_space<vmem>>) target(%dma_start3A_983 : memref<8x128xf32, #tpu.memory_space<hbm>>) target_semaphore(%arg12 : memref<!tpu.dma_semaphore, #tpu.memory_space<semaphore_mem>>)
      %dma_start3A_987 = arith.constant 40 : i32
      %dma_start3A_988 = arith.constant 0 : i32
      %dma_start3A_989 = tpu.memref_slice %arg7[%dma_start3A_987, %dma_start3A_988] : memref<152x128xf32, #tpu.memory_space<vmem>> -> memref<8x128xf32, #tpu.memory_space<vmem>>
      %dma_start3A_990 = arith.constant 40 : i32
      %dma_start3A_991 = tpu.memref_slice %arg3[%dma_start3A_990, %mul3A_936] : memref<151x10000xf32, #tpu.memory_space<hbm>> -> memref<8x128xf32, #tpu.memory_space<hbm>>
      %dma_start3A_992 = arith.constant 40 : i32
      %dma_start3A_993 = tpu.memref_slice %arg3[%dma_start3A_992, %mul3A_936] : memref<151x10000xf32, #tpu.memory_space<hbm>> -> memref<8x128xf32, #tpu.memory_space<hbm>>
      %dma_start3A_994 = arith.constant 40 : i32
      %dma_start3A_995 = arith.constant 0 : i32
      %dma_start3A_996 = tpu.memref_slice %arg7[%dma_start3A_994, %dma_start3A_995] : memref<152x128xf32, #tpu.memory_space<vmem>> -> memref<8x128xf32, #tpu.memory_space<vmem>>
      tpu.enqueue_dma source(%dma_start3A_996 : memref<8x128xf32, #tpu.memory_space<vmem>>) target(%dma_start3A_993 : memref<8x128xf32, #tpu.memory_space<hbm>>) target_semaphore(%arg12 : memref<!tpu.dma_semaphore, #tpu.memory_space<semaphore_mem>>)
      %dma_start3A_997 = arith.constant 48 : i32
      %dma_start3A_998 = arith.constant 0 : i32
      %dma_start3A_999 = tpu.memref_slice %arg7[%dma_start3A_997, %dma_start3A_998] : memref<152x128xf32, #tpu.memory_space<vmem>> -> memref<8x128xf32, #tpu.memory_space<vmem>>
      %dma_start3A_1000 = arith.constant 48 : i32
      %dma_start3A_1001 = tpu.memref_slice %arg3[%dma_start3A_1000, %mul3A_936] : memref<151x10000xf32, #tpu.memory_space<hbm>> -> memref<8x128xf32, #tpu.memory_space<hbm>>
      %dma_start3A_1002 = arith.constant 48 : i32
      %dma_start3A_1003 = tpu.memref_slice %arg3[%dma_start3A_1002, %mul3A_936] : memref<151x10000xf32, #tpu.memory_space<hbm>> -> memref<8x128xf32, #tpu.memory_space<hbm>>
      %dma_start3A_1004 = arith.constant 48 : i32
      %dma_start3A_1005 = arith.constant 0 : i32
      %dma_start3A_1006 = tpu.memref_slice %arg7[%dma_start3A_1004, %dma_start3A_1005] : memref<152x128xf32, #tpu.memory_space<vmem>> -> memref<8x128xf32, #tpu.memory_space<vmem>>
      tpu.enqueue_dma source(%dma_start3A_1006 : memref<8x128xf32, #tpu.memory_space<vmem>>) target(%dma_start3A_1003 : memref<8x128xf32, #tpu.memory_space<hbm>>) target_semaphore(%arg12 : memref<!tpu.dma_semaphore, #tpu.memory_space<semaphore_mem>>)
      %dma_start3A_1007 = arith.constant 56 : i32
      %dma_start3A_1008 = arith.constant 0 : i32
      %dma_start3A_1009 = tpu.memref_slice %arg7[%dma_start3A_1007, %dma_start3A_1008] : memref<152x128xf32, #tpu.memory_space<vmem>> -> memref<8x128xf32, #tpu.memory_space<vmem>>
      %dma_start3A_1010 = arith.constant 56 : i32
      %dma_start3A_1011 = tpu.memref_slice %arg3[%dma_start3A_1010, %mul3A_936] : memref<151x10000xf32, #tpu.memory_space<hbm>> -> memref<8x128xf32, #tpu.memory_space<hbm>>
      %dma_start3A_1012 = arith.constant 56 : i32
      %dma_start3A_1013 = tpu.memref_slice %arg3[%dma_start3A_1012, %mul3A_936] : memref<151x10000xf32, #tpu.memory_space<hbm>> -> memref<8x128xf32, #tpu.memory_space<hbm>>
      %dma_start3A_1014 = arith.constant 56 : i32
      %dma_start3A_1015 = arith.constant 0 : i32
      %dma_start3A_1016 = tpu.memref_slice %arg7[%dma_start3A_1014, %dma_start3A_1015] : memref<152x128xf32, #tpu.memory_space<vmem>> -> memref<8x128xf32, #tpu.memory_space<vmem>>
      tpu.enqueue_dma source(%dma_start3A_1016 : memref<8x128xf32, #tpu.memory_space<vmem>>) target(%dma_start3A_1013 : memref<8x128xf32, #tpu.memory_space<hbm>>) target_semaphore(%arg12 : memref<!tpu.dma_semaphore, #tpu.memory_space<semaphore_mem>>)
      %dma_start3A_1017 = arith.constant 64 : i32
      %dma_start3A_1018 = arith.constant 0 : i32
      %dma_start3A_1019 = tpu.memref_slice %arg7[%dma_start3A_1017, %dma_start3A_1018] : memref<152x128xf32, #tpu.memory_space<vmem>> -> memref<8x128xf32, #tpu.memory_space<vmem>>
      %dma_start3A_1020 = arith.constant 64 : i32
      %dma_start3A_1021 = tpu.memref_slice %arg3[%dma_start3A_1020, %mul3A_936] : memref<151x10000xf32, #tpu.memory_space<hbm>> -> memref<8x128xf32, #tpu.memory_space<hbm>>
      %dma_start3A_1022 = arith.constant 64 : i32
      %dma_start3A_1023 = tpu.memref_slice %arg3[%dma_start3A_1022, %mul3A_936] : memref<151x10000xf32, #tpu.memory_space<hbm>> -> memref<8x128xf32, #tpu.memory_space<hbm>>
      %dma_start3A_1024 = arith.constant 64 : i32
      %dma_start3A_1025 = arith.constant 0 : i32
      %dma_start3A_1026 = tpu.memref_slice %arg7[%dma_start3A_1024, %dma_start3A_1025] : memref<152x128xf32, #tpu.memory_space<vmem>> -> memref<8x128xf32, #tpu.memory_space<vmem>>
      tpu.enqueue_dma source(%dma_start3A_1026 : memref<8x128xf32, #tpu.memory_space<vmem>>) target(%dma_start3A_1023 : memref<8x128xf32, #tpu.memory_space<hbm>>) target_semaphore(%arg12 : memref<!tpu.dma_semaphore, #tpu.memory_space<semaphore_mem>>)
      %dma_start3A_1027 = arith.constant 72 : i32
      %dma_start3A_1028 = arith.constant 0 : i32
      %dma_start3A_1029 = tpu.memref_slice %arg7[%dma_start3A_1027, %dma_start3A_1028] : memref<152x128xf32, #tpu.memory_space<vmem>> -> memref<8x128xf32, #tpu.memory_space<vmem>>
      %dma_start3A_1030 = arith.constant 72 : i32
      %dma_start3A_1031 = tpu.memref_slice %arg3[%dma_start3A_1030, %mul3A_936] : memref<151x10000xf32, #tpu.memory_space<hbm>> -> memref<8x128xf32, #tpu.memory_space<hbm>>
      %dma_start3A_1032 = arith.constant 72 : i32
      %dma_start3A_1033 = tpu.memref_slice %arg3[%dma_start3A_1032, %mul3A_936] : memref<151x10000xf32, #tpu.memory_space<hbm>> -> memref<8x128xf32, #tpu.memory_space<hbm>>
      %dma_start3A_1034 = arith.constant 72 : i32
      %dma_start3A_1035 = arith.constant 0 : i32
      %dma_start3A_1036 = tpu.memref_slice %arg7[%dma_start3A_1034, %dma_start3A_1035] : memref<152x128xf32, #tpu.memory_space<vmem>> -> memref<8x128xf32, #tpu.memory_space<vmem>>
      tpu.enqueue_dma source(%dma_start3A_1036 : memref<8x128xf32, #tpu.memory_space<vmem>>) target(%dma_start3A_1033 : memref<8x128xf32, #tpu.memory_space<hbm>>) target_semaphore(%arg12 : memref<!tpu.dma_semaphore, #tpu.memory_space<semaphore_mem>>)
      %dma_start3A_1037 = arith.constant 80 : i32
      %dma_start3A_1038 = arith.constant 0 : i32
      %dma_start3A_1039 = tpu.memref_slice %arg7[%dma_start3A_1037, %dma_start3A_1038] : memref<152x128xf32, #tpu.memory_space<vmem>> -> memref<8x128xf32, #tpu.memory_space<vmem>>
      %dma_start3A_1040 = arith.constant 80 : i32
      %dma_start3A_1041 = tpu.memref_slice %arg3[%dma_start3A_1040, %mul3A_936] : memref<151x10000xf32, #tpu.memory_space<hbm>> -> memref<8x128xf32, #tpu.memory_space<hbm>>
      %dma_start3A_1042 = arith.constant 80 : i32
      %dma_start3A_1043 = tpu.memref_slice %arg3[%dma_start3A_1042, %mul3A_936] : memref<151x10000xf32, #tpu.memory_space<hbm>> -> memref<8x128xf32, #tpu.memory_space<hbm>>
      %dma_start3A_1044 = arith.constant 80 : i32
      %dma_start3A_1045 = arith.constant 0 : i32
      %dma_start3A_1046 = tpu.memref_slice %arg7[%dma_start3A_1044, %dma_start3A_1045] : memref<152x128xf32, #tpu.memory_space<vmem>> -> memref<8x128xf32, #tpu.memory_space<vmem>>
      tpu.enqueue_dma source(%dma_start3A_1046 : memref<8x128xf32, #tpu.memory_space<vmem>>) target(%dma_start3A_1043 : memref<8x128xf32, #tpu.memory_space<hbm>>) target_semaphore(%arg12 : memref<!tpu.dma_semaphore, #tpu.memory_space<semaphore_mem>>)
      %dma_start3A_1047 = arith.constant 88 : i32
      %dma_start3A_1048 = arith.constant 0 : i32
      %dma_start3A_1049 = tpu.memref_slice %arg7[%dma_start3A_1047, %dma_start3A_1048] : memref<152x128xf32, #tpu.memory_space<vmem>> -> memref<8x128xf32, #tpu.memory_space<vmem>>
      %dma_start3A_1050 = arith.constant 88 : i32
      %dma_start3A_1051 = tpu.memref_slice %arg3[%dma_start3A_1050, %mul3A_936] : memref<151x10000xf32, #tpu.memory_space<hbm>> -> memref<8x128xf32, #tpu.memory_space<hbm>>
      %dma_start3A_1052 = arith.constant 88 : i32
      %dma_start3A_1053 = tpu.memref_slice %arg3[%dma_start3A_1052, %mul3A_936] : memref<151x10000xf32, #tpu.memory_space<hbm>> -> memref<8x128xf32, #tpu.memory_space<hbm>>
      %dma_start3A_1054 = arith.constant 88 : i32
      %dma_start3A_1055 = arith.constant 0 : i32
      %dma_start3A_1056 = tpu.memref_slice %arg7[%dma_start3A_1054, %dma_start3A_1055] : memref<152x128xf32, #tpu.memory_space<vmem>> -> memref<8x128xf32, #tpu.memory_space<vmem>>
      tpu.enqueue_dma source(%dma_start3A_1056 : memref<8x128xf32, #tpu.memory_space<vmem>>) target(%dma_start3A_1053 : memref<8x128xf32, #tpu.memory_space<hbm>>) target_semaphore(%arg12 : memref<!tpu.dma_semaphore, #tpu.memory_space<semaphore_mem>>)
      %dma_start3A_1057 = arith.constant 96 : i32
      %dma_start3A_1058 = arith.constant 0 : i32
      %dma_start3A_1059 = tpu.memref_slice %arg7[%dma_start3A_1057, %dma_start3A_1058] : memref<152x128xf32, #tpu.memory_space<vmem>> -> memref<8x128xf32, #tpu.memory_space<vmem>>
      %dma_start3A_1060 = arith.constant 96 : i32
      %dma_start3A_1061 = tpu.memref_slice %arg3[%dma_start3A_1060, %mul3A_936] : memref<151x10000xf32, #tpu.memory_space<hbm>> -> memref<8x128xf32, #tpu.memory_space<hbm>>
      %dma_start3A_1062 = arith.constant 96 : i32
      %dma_start3A_1063 = tpu.memref_slice %arg3[%dma_start3A_1062, %mul3A_936] : memref<151x10000xf32, #tpu.memory_space<hbm>> -> memref<8x128xf32, #tpu.memory_space<hbm>>
      %dma_start3A_1064 = arith.constant 96 : i32
      %dma_start3A_1065 = arith.constant 0 : i32
      %dma_start3A_1066 = tpu.memref_slice %arg7[%dma_start3A_1064, %dma_start3A_1065] : memref<152x128xf32, #tpu.memory_space<vmem>> -> memref<8x128xf32, #tpu.memory_space<vmem>>
      tpu.enqueue_dma source(%dma_start3A_1066 : memref<8x128xf32, #tpu.memory_space<vmem>>) target(%dma_start3A_1063 : memref<8x128xf32, #tpu.memory_space<hbm>>) target_semaphore(%arg12 : memref<!tpu.dma_semaphore, #tpu.memory_space<semaphore_mem>>)
      %dma_start3A_1067 = arith.constant 104 : i32
      %dma_start3A_1068 = arith.constant 0 : i32
      %dma_start3A_1069 = tpu.memref_slice %arg7[%dma_start3A_1067, %dma_start3A_1068] : memref<152x128xf32, #tpu.memory_space<vmem>> -> memref<8x128xf32, #tpu.memory_space<vmem>>
      %dma_start3A_1070 = arith.constant 104 : i32
      %dma_start3A_1071 = tpu.memref_slice %arg3[%dma_start3A_1070, %mul3A_936] : memref<151x10000xf32, #tpu.memory_space<hbm>> -> memref<8x128xf32, #tpu.memory_space<hbm>>
      %dma_start3A_1072 = arith.constant 104 : i32
      %dma_start3A_1073 = tpu.memref_slice %arg3[%dma_start3A_1072, %mul3A_936] : memref<151x10000xf32, #tpu.memory_space<hbm>> -> memref<8x128xf32, #tpu.memory_space<hbm>>
      %dma_start3A_1074 = arith.constant 104 : i32
      %dma_start3A_1075 = arith.constant 0 : i32
      %dma_start3A_1076 = tpu.memref_slice %arg7[%dma_start3A_1074, %dma_start3A_1075] : memref<152x128xf32, #tpu.memory_space<vmem>> -> memref<8x128xf32, #tpu.memory_space<vmem>>
      tpu.enqueue_dma source(%dma_start3A_1076 : memref<8x128xf32, #tpu.memory_space<vmem>>) target(%dma_start3A_1073 : memref<8x128xf32, #tpu.memory_space<hbm>>) target_semaphore(%arg12 : memref<!tpu.dma_semaphore, #tpu.memory_space<semaphore_mem>>)
      %dma_start3A_1077 = arith.constant 112 : i32
      %dma_start3A_1078 = arith.constant 0 : i32
      %dma_start3A_1079 = tpu.memref_slice %arg7[%dma_start3A_1077, %dma_start3A_1078] : memref<152x128xf32, #tpu.memory_space<vmem>> -> memref<8x128xf32, #tpu.memory_space<vmem>>
      %dma_start3A_1080 = arith.constant 112 : i32
      %dma_start3A_1081 = tpu.memref_slice %arg3[%dma_start3A_1080, %mul3A_936] : memref<151x10000xf32, #tpu.memory_space<hbm>> -> memref<8x128xf32, #tpu.memory_space<hbm>>
      %dma_start3A_1082 = arith.constant 112 : i32
      %dma_start3A_1083 = tpu.memref_slice %arg3[%dma_start3A_1082, %mul3A_936] : memref<151x10000xf32, #tpu.memory_space<hbm>> -> memref<8x128xf32, #tpu.memory_space<hbm>>
      %dma_start3A_1084 = arith.constant 112 : i32
      %dma_start3A_1085 = arith.constant 0 : i32
      %dma_start3A_1086 = tpu.memref_slice %arg7[%dma_start3A_1084, %dma_start3A_1085] : memref<152x128xf32, #tpu.memory_space<vmem>> -> memref<8x128xf32, #tpu.memory_space<vmem>>
      tpu.enqueue_dma source(%dma_start3A_1086 : memref<8x128xf32, #tpu.memory_space<vmem>>) target(%dma_start3A_1083 : memref<8x128xf32, #tpu.memory_space<hbm>>) target_semaphore(%arg12 : memref<!tpu.dma_semaphore, #tpu.memory_space<semaphore_mem>>)
      %dma_start3A_1087 = arith.constant 120 : i32
      %dma_start3A_1088 = arith.constant 0 : i32
      %dma_start3A_1089 = tpu.memref_slice %arg7[%dma_start3A_1087, %dma_start3A_1088] : memref<152x128xf32, #tpu.memory_space<vmem>> -> memref<8x128xf32, #tpu.memory_space<vmem>>
      %dma_start3A_1090 = arith.constant 120 : i32
      %dma_start3A_1091 = tpu.memref_slice %arg3[%dma_start3A_1090, %mul3A_936] : memref<151x10000xf32, #tpu.memory_space<hbm>> -> memref<8x128xf32, #tpu.memory_space<hbm>>
      %dma_start3A_1092 = arith.constant 120 : i32
      %dma_start3A_1093 = tpu.memref_slice %arg3[%dma_start3A_1092, %mul3A_936] : memref<151x10000xf32, #tpu.memory_space<hbm>> -> memref<8x128xf32, #tpu.memory_space<hbm>>
      %dma_start3A_1094 = arith.constant 120 : i32
      %dma_start3A_1095 = arith.constant 0 : i32
      %dma_start3A_1096 = tpu.memref_slice %arg7[%dma_start3A_1094, %dma_start3A_1095] : memref<152x128xf32, #tpu.memory_space<vmem>> -> memref<8x128xf32, #tpu.memory_space<vmem>>
      tpu.enqueue_dma source(%dma_start3A_1096 : memref<8x128xf32, #tpu.memory_space<vmem>>) target(%dma_start3A_1093 : memref<8x128xf32, #tpu.memory_space<hbm>>) target_semaphore(%arg12 : memref<!tpu.dma_semaphore, #tpu.memory_space<semaphore_mem>>)
      %dma_start3A_1097 = arith.constant 128 : i32
      %dma_start3A_1098 = arith.constant 0 : i32
      %dma_start3A_1099 = tpu.memref_slice %arg7[%dma_start3A_1097, %dma_start3A_1098] : memref<152x128xf32, #tpu.memory_space<vmem>> -> memref<8x128xf32, #tpu.memory_space<vmem>>
      %dma_start3A_1100 = arith.constant 128 : i32
      %dma_start3A_1101 = tpu.memref_slice %arg3[%dma_start3A_1100, %mul3A_936] : memref<151x10000xf32, #tpu.memory_space<hbm>> -> memref<8x128xf32, #tpu.memory_space<hbm>>
      %dma_start3A_1102 = arith.constant 128 : i32
      %dma_start3A_1103 = tpu.memref_slice %arg3[%dma_start3A_1102, %mul3A_936] : memref<151x10000xf32, #tpu.memory_space<hbm>> -> memref<8x128xf32, #tpu.memory_space<hbm>>
      %dma_start3A_1104 = arith.constant 128 : i32
      %dma_start3A_1105 = arith.constant 0 : i32
      %dma_start3A_1106 = tpu.memref_slice %arg7[%dma_start3A_1104, %dma_start3A_1105] : memref<152x128xf32, #tpu.memory_space<vmem>> -> memref<8x128xf32, #tpu.memory_space<vmem>>
      tpu.enqueue_dma source(%dma_start3A_1106 : memref<8x128xf32, #tpu.memory_space<vmem>>) target(%dma_start3A_1103 : memref<8x128xf32, #tpu.memory_space<hbm>>) target_semaphore(%arg12 : memref<!tpu.dma_semaphore, #tpu.memory_space<semaphore_mem>>)
      %dma_start3A_1107 = arith.constant 136 : i32
      %dma_start3A_1108 = arith.constant 0 : i32
      %dma_start3A_1109 = tpu.memref_slice %arg7[%dma_start3A_1107, %dma_start3A_1108] : memref<152x128xf32, #tpu.memory_space<vmem>> -> memref<8x128xf32, #tpu.memory_space<vmem>>
      %dma_start3A_1110 = arith.constant 136 : i32
      %dma_start3A_1111 = tpu.memref_slice %arg3[%dma_start3A_1110, %mul3A_936] : memref<151x10000xf32, #tpu.memory_space<hbm>> -> memref<8x128xf32, #tpu.memory_space<hbm>>
      %dma_start3A_1112 = arith.constant 136 : i32
      %dma_start3A_1113 = tpu.memref_slice %arg3[%dma_start3A_1112, %mul3A_936] : memref<151x10000xf32, #tpu.memory_space<hbm>> -> memref<8x128xf32, #tpu.memory_space<hbm>>
      %dma_start3A_1114 = arith.constant 136 : i32
      %dma_start3A_1115 = arith.constant 0 : i32
      %dma_start3A_1116 = tpu.memref_slice %arg7[%dma_start3A_1114, %dma_start3A_1115] : memref<152x128xf32, #tpu.memory_space<vmem>> -> memref<8x128xf32, #tpu.memory_space<vmem>>
      tpu.enqueue_dma source(%dma_start3A_1116 : memref<8x128xf32, #tpu.memory_space<vmem>>) target(%dma_start3A_1113 : memref<8x128xf32, #tpu.memory_space<hbm>>) target_semaphore(%arg12 : memref<!tpu.dma_semaphore, #tpu.memory_space<semaphore_mem>>)
      %dma_start3A_1117 = arith.constant 144 : i32
      %dma_start3A_1118 = arith.constant 0 : i32
      %dma_start3A_1119 = tpu.memref_slice %arg7[%dma_start3A_1117, %dma_start3A_1118] : memref<152x128xf32, #tpu.memory_space<vmem>> -> memref<7x128xf32, #tpu.memory_space<vmem>>
      %dma_start3A_1120 = arith.constant 144 : i32
      %dma_start3A_1121 = tpu.memref_slice %arg3[%dma_start3A_1120, %mul3A_936] : memref<151x10000xf32, #tpu.memory_space<hbm>> -> memref<7x128xf32, #tpu.memory_space<hbm>>
      %dma_start3A_1122 = arith.constant 144 : i32
      %dma_start3A_1123 = tpu.memref_slice %arg3[%dma_start3A_1122, %mul3A_936] : memref<151x10000xf32, #tpu.memory_space<hbm>> -> memref<7x128xf32, #tpu.memory_space<hbm>>
      %dma_start3A_1124 = arith.constant 144 : i32
      %dma_start3A_1125 = arith.constant 0 : i32
      %dma_start3A_1126 = tpu.memref_slice %arg7[%dma_start3A_1124, %dma_start3A_1125] : memref<152x128xf32, #tpu.memory_space<vmem>> -> memref<7x128xf32, #tpu.memory_space<vmem>>
      tpu.enqueue_dma source(%dma_start3A_1126 : memref<7x128xf32, #tpu.memory_space<vmem>>) target(%dma_start3A_1123 : memref<7x128xf32, #tpu.memory_space<hbm>>) target_semaphore(%arg12 : memref<!tpu.dma_semaphore, #tpu.memory_space<semaphore_mem>>)
      %dma_wait3A_1127 = arith.constant 0 : i32
      %dma_wait3A_1128 = arith.constant 0 : i32
      %dma_wait3A_1129 = tpu.memref_slice %arg7[%dma_wait3A_1127, %dma_wait3A_1128] : memref<152x128xf32, #tpu.memory_space<vmem>> -> memref<8x128xf32, #tpu.memory_space<vmem>>
      %dma_wait3A_1130 = arith.constant 0 : i32
      %dma_wait3A_1131 = tpu.memref_slice %arg3[%dma_wait3A_1130, %mul3A_936] : memref<151x10000xf32, #tpu.memory_space<hbm>> -> memref<8x128xf32, #tpu.memory_space<hbm>>
      %dma_wait3A_1132 = arith.constant 0 : i32
      %dma_wait3A_1133 = tpu.memref_slice %arg3[%dma_wait3A_1132, %mul3A_936] : memref<151x10000xf32, #tpu.memory_space<hbm>> -> memref<8x128xf32, #tpu.memory_space<hbm>>
      %dma_wait3A_1134 = arith.constant 0 : i32
      %dma_wait3A_1135 = arith.constant 0 : i32
      %dma_wait3A_1136 = tpu.memref_slice %arg7[%dma_wait3A_1134, %dma_wait3A_1135] : memref<152x128xf32, #tpu.memory_space<vmem>> -> memref<8x128xf32, #tpu.memory_space<vmem>>
      tpu.wait_dma2 semaphore(%arg12 : memref<!tpu.dma_semaphore, #tpu.memory_space<semaphore_mem>>) src(%dma_wait3A_1136 : memref<8x128xf32, #tpu.memory_space<vmem>>) dst(%dma_wait3A_1133 : memref<8x128xf32, #tpu.memory_space<hbm>>)
      %dma_wait3A_1137 = arith.constant 8 : i32
      %dma_wait3A_1138 = arith.constant 0 : i32
      %dma_wait3A_1139 = tpu.memref_slice %arg7[%dma_wait3A_1137, %dma_wait3A_1138] : memref<152x128xf32, #tpu.memory_space<vmem>> -> memref<8x128xf32, #tpu.memory_space<vmem>>
      %dma_wait3A_1140 = arith.constant 8 : i32
      %dma_wait3A_1141 = tpu.memref_slice %arg3[%dma_wait3A_1140, %mul3A_936] : memref<151x10000xf32, #tpu.memory_space<hbm>> -> memref<8x128xf32, #tpu.memory_space<hbm>>
      %dma_wait3A_1142 = arith.constant 8 : i32
      %dma_wait3A_1143 = tpu.memref_slice %arg3[%dma_wait3A_1142, %mul3A_936] : memref<151x10000xf32, #tpu.memory_space<hbm>> -> memref<8x128xf32, #tpu.memory_space<hbm>>
      %dma_wait3A_1144 = arith.constant 8 : i32
      %dma_wait3A_1145 = arith.constant 0 : i32
      %dma_wait3A_1146 = tpu.memref_slice %arg7[%dma_wait3A_1144, %dma_wait3A_1145] : memref<152x128xf32, #tpu.memory_space<vmem>> -> memref<8x128xf32, #tpu.memory_space<vmem>>
      tpu.wait_dma2 semaphore(%arg12 : memref<!tpu.dma_semaphore, #tpu.memory_space<semaphore_mem>>) src(%dma_wait3A_1146 : memref<8x128xf32, #tpu.memory_space<vmem>>) dst(%dma_wait3A_1143 : memref<8x128xf32, #tpu.memory_space<hbm>>)
      %dma_wait3A_1147 = arith.constant 16 : i32
      %dma_wait3A_1148 = arith.constant 0 : i32
      %dma_wait3A_1149 = tpu.memref_slice %arg7[%dma_wait3A_1147, %dma_wait3A_1148] : memref<152x128xf32, #tpu.memory_space<vmem>> -> memref<8x128xf32, #tpu.memory_space<vmem>>
      %dma_wait3A_1150 = arith.constant 16 : i32
      %dma_wait3A_1151 = tpu.memref_slice %arg3[%dma_wait3A_1150, %mul3A_936] : memref<151x10000xf32, #tpu.memory_space<hbm>> -> memref<8x128xf32, #tpu.memory_space<hbm>>
      %dma_wait3A_1152 = arith.constant 16 : i32
      %dma_wait3A_1153 = tpu.memref_slice %arg3[%dma_wait3A_1152, %mul3A_936] : memref<151x10000xf32, #tpu.memory_space<hbm>> -> memref<8x128xf32, #tpu.memory_space<hbm>>
      %dma_wait3A_1154 = arith.constant 16 : i32
      %dma_wait3A_1155 = arith.constant 0 : i32
      %dma_wait3A_1156 = tpu.memref_slice %arg7[%dma_wait3A_1154, %dma_wait3A_1155] : memref<152x128xf32, #tpu.memory_space<vmem>> -> memref<8x128xf32, #tpu.memory_space<vmem>>
      tpu.wait_dma2 semaphore(%arg12 : memref<!tpu.dma_semaphore, #tpu.memory_space<semaphore_mem>>) src(%dma_wait3A_1156 : memref<8x128xf32, #tpu.memory_space<vmem>>) dst(%dma_wait3A_1153 : memref<8x128xf32, #tpu.memory_space<hbm>>)
      %dma_wait3A_1157 = arith.constant 24 : i32
      %dma_wait3A_1158 = arith.constant 0 : i32
      %dma_wait3A_1159 = tpu.memref_slice %arg7[%dma_wait3A_1157, %dma_wait3A_1158] : memref<152x128xf32, #tpu.memory_space<vmem>> -> memref<8x128xf32, #tpu.memory_space<vmem>>
      %dma_wait3A_1160 = arith.constant 24 : i32
      %dma_wait3A_1161 = tpu.memref_slice %arg3[%dma_wait3A_1160, %mul3A_936] : memref<151x10000xf32, #tpu.memory_space<hbm>> -> memref<8x128xf32, #tpu.memory_space<hbm>>
      %dma_wait3A_1162 = arith.constant 24 : i32
      %dma_wait3A_1163 = tpu.memref_slice %arg3[%dma_wait3A_1162, %mul3A_936] : memref<151x10000xf32, #tpu.memory_space<hbm>> -> memref<8x128xf32, #tpu.memory_space<hbm>>
      %dma_wait3A_1164 = arith.constant 24 : i32
      %dma_wait3A_1165 = arith.constant 0 : i32
      %dma_wait3A_1166 = tpu.memref_slice %arg7[%dma_wait3A_1164, %dma_wait3A_1165] : memref<152x128xf32, #tpu.memory_space<vmem>> -> memref<8x128xf32, #tpu.memory_space<vmem>>
      tpu.wait_dma2 semaphore(%arg12 : memref<!tpu.dma_semaphore, #tpu.memory_space<semaphore_mem>>) src(%dma_wait3A_1166 : memref<8x128xf32, #tpu.memory_space<vmem>>) dst(%dma_wait3A_1163 : memref<8x128xf32, #tpu.memory_space<hbm>>)
      %dma_wait3A_1167 = arith.constant 32 : i32
      %dma_wait3A_1168 = arith.constant 0 : i32
      %dma_wait3A_1169 = tpu.memref_slice %arg7[%dma_wait3A_1167, %dma_wait3A_1168] : memref<152x128xf32, #tpu.memory_space<vmem>> -> memref<8x128xf32, #tpu.memory_space<vmem>>
      %dma_wait3A_1170 = arith.constant 32 : i32
      %dma_wait3A_1171 = tpu.memref_slice %arg3[%dma_wait3A_1170, %mul3A_936] : memref<151x10000xf32, #tpu.memory_space<hbm>> -> memref<8x128xf32, #tpu.memory_space<hbm>>
      %dma_wait3A_1172 = arith.constant 32 : i32
      %dma_wait3A_1173 = tpu.memref_slice %arg3[%dma_wait3A_1172, %mul3A_936] : memref<151x10000xf32, #tpu.memory_space<hbm>> -> memref<8x128xf32, #tpu.memory_space<hbm>>
      %dma_wait3A_1174 = arith.constant 32 : i32
      %dma_wait3A_1175 = arith.constant 0 : i32
      %dma_wait3A_1176 = tpu.memref_slice %arg7[%dma_wait3A_1174, %dma_wait3A_1175] : memref<152x128xf32, #tpu.memory_space<vmem>> -> memref<8x128xf32, #tpu.memory_space<vmem>>
      tpu.wait_dma2 semaphore(%arg12 : memref<!tpu.dma_semaphore, #tpu.memory_space<semaphore_mem>>) src(%dma_wait3A_1176 : memref<8x128xf32, #tpu.memory_space<vmem>>) dst(%dma_wait3A_1173 : memref<8x128xf32, #tpu.memory_space<hbm>>)
      %dma_wait3A_1177 = arith.constant 40 : i32
      %dma_wait3A_1178 = arith.constant 0 : i32
      %dma_wait3A_1179 = tpu.memref_slice %arg7[%dma_wait3A_1177, %dma_wait3A_1178] : memref<152x128xf32, #tpu.memory_space<vmem>> -> memref<8x128xf32, #tpu.memory_space<vmem>>
      %dma_wait3A_1180 = arith.constant 40 : i32
      %dma_wait3A_1181 = tpu.memref_slice %arg3[%dma_wait3A_1180, %mul3A_936] : memref<151x10000xf32, #tpu.memory_space<hbm>> -> memref<8x128xf32, #tpu.memory_space<hbm>>
      %dma_wait3A_1182 = arith.constant 40 : i32
      %dma_wait3A_1183 = tpu.memref_slice %arg3[%dma_wait3A_1182, %mul3A_936] : memref<151x10000xf32, #tpu.memory_space<hbm>> -> memref<8x128xf32, #tpu.memory_space<hbm>>
      %dma_wait3A_1184 = arith.constant 40 : i32
      %dma_wait3A_1185 = arith.constant 0 : i32
      %dma_wait3A_1186 = tpu.memref_slice %arg7[%dma_wait3A_1184, %dma_wait3A_1185] : memref<152x128xf32, #tpu.memory_space<vmem>> -> memref<8x128xf32, #tpu.memory_space<vmem>>
      tpu.wait_dma2 semaphore(%arg12 : memref<!tpu.dma_semaphore, #tpu.memory_space<semaphore_mem>>) src(%dma_wait3A_1186 : memref<8x128xf32, #tpu.memory_space<vmem>>) dst(%dma_wait3A_1183 : memref<8x128xf32, #tpu.memory_space<hbm>>)
      %dma_wait3A_1187 = arith.constant 48 : i32
      %dma_wait3A_1188 = arith.constant 0 : i32
      %dma_wait3A_1189 = tpu.memref_slice %arg7[%dma_wait3A_1187, %dma_wait3A_1188] : memref<152x128xf32, #tpu.memory_space<vmem>> -> memref<8x128xf32, #tpu.memory_space<vmem>>
      %dma_wait3A_1190 = arith.constant 48 : i32
      %dma_wait3A_1191 = tpu.memref_slice %arg3[%dma_wait3A_1190, %mul3A_936] : memref<151x10000xf32, #tpu.memory_space<hbm>> -> memref<8x128xf32, #tpu.memory_space<hbm>>
      %dma_wait3A_1192 = arith.constant 48 : i32
      %dma_wait3A_1193 = tpu.memref_slice %arg3[%dma_wait3A_1192, %mul3A_936] : memref<151x10000xf32, #tpu.memory_space<hbm>> -> memref<8x128xf32, #tpu.memory_space<hbm>>
      %dma_wait3A_1194 = arith.constant 48 : i32
      %dma_wait3A_1195 = arith.constant 0 : i32
      %dma_wait3A_1196 = tpu.memref_slice %arg7[%dma_wait3A_1194, %dma_wait3A_1195] : memref<152x128xf32, #tpu.memory_space<vmem>> -> memref<8x128xf32, #tpu.memory_space<vmem>>
      tpu.wait_dma2 semaphore(%arg12 : memref<!tpu.dma_semaphore, #tpu.memory_space<semaphore_mem>>) src(%dma_wait3A_1196 : memref<8x128xf32, #tpu.memory_space<vmem>>) dst(%dma_wait3A_1193 : memref<8x128xf32, #tpu.memory_space<hbm>>)
      %dma_wait3A_1197 = arith.constant 56 : i32
      %dma_wait3A_1198 = arith.constant 0 : i32
      %dma_wait3A_1199 = tpu.memref_slice %arg7[%dma_wait3A_1197, %dma_wait3A_1198] : memref<152x128xf32, #tpu.memory_space<vmem>> -> memref<8x128xf32, #tpu.memory_space<vmem>>
      %dma_wait3A_1200 = arith.constant 56 : i32
      %dma_wait3A_1201 = tpu.memref_slice %arg3[%dma_wait3A_1200, %mul3A_936] : memref<151x10000xf32, #tpu.memory_space<hbm>> -> memref<8x128xf32, #tpu.memory_space<hbm>>
      %dma_wait3A_1202 = arith.constant 56 : i32
      %dma_wait3A_1203 = tpu.memref_slice %arg3[%dma_wait3A_1202, %mul3A_936] : memref<151x10000xf32, #tpu.memory_space<hbm>> -> memref<8x128xf32, #tpu.memory_space<hbm>>
      %dma_wait3A_1204 = arith.constant 56 : i32
      %dma_wait3A_1205 = arith.constant 0 : i32
      %dma_wait3A_1206 = tpu.memref_slice %arg7[%dma_wait3A_1204, %dma_wait3A_1205] : memref<152x128xf32, #tpu.memory_space<vmem>> -> memref<8x128xf32, #tpu.memory_space<vmem>>
      tpu.wait_dma2 semaphore(%arg12 : memref<!tpu.dma_semaphore, #tpu.memory_space<semaphore_mem>>) src(%dma_wait3A_1206 : memref<8x128xf32, #tpu.memory_space<vmem>>) dst(%dma_wait3A_1203 : memref<8x128xf32, #tpu.memory_space<hbm>>)
      %dma_wait3A_1207 = arith.constant 64 : i32
      %dma_wait3A_1208 = arith.constant 0 : i32
      %dma_wait3A_1209 = tpu.memref_slice %arg7[%dma_wait3A_1207, %dma_wait3A_1208] : memref<152x128xf32, #tpu.memory_space<vmem>> -> memref<8x128xf32, #tpu.memory_space<vmem>>
      %dma_wait3A_1210 = arith.constant 64 : i32
      %dma_wait3A_1211 = tpu.memref_slice %arg3[%dma_wait3A_1210, %mul3A_936] : memref<151x10000xf32, #tpu.memory_space<hbm>> -> memref<8x128xf32, #tpu.memory_space<hbm>>
      %dma_wait3A_1212 = arith.constant 64 : i32
      %dma_wait3A_1213 = tpu.memref_slice %arg3[%dma_wait3A_1212, %mul3A_936] : memref<151x10000xf32, #tpu.memory_space<hbm>> -> memref<8x128xf32, #tpu.memory_space<hbm>>
      %dma_wait3A_1214 = arith.constant 64 : i32
      %dma_wait3A_1215 = arith.constant 0 : i32
      %dma_wait3A_1216 = tpu.memref_slice %arg7[%dma_wait3A_1214, %dma_wait3A_1215] : memref<152x128xf32, #tpu.memory_space<vmem>> -> memref<8x128xf32, #tpu.memory_space<vmem>>
      tpu.wait_dma2 semaphore(%arg12 : memref<!tpu.dma_semaphore, #tpu.memory_space<semaphore_mem>>) src(%dma_wait3A_1216 : memref<8x128xf32, #tpu.memory_space<vmem>>) dst(%dma_wait3A_1213 : memref<8x128xf32, #tpu.memory_space<hbm>>)
      %dma_wait3A_1217 = arith.constant 72 : i32
      %dma_wait3A_1218 = arith.constant 0 : i32
      %dma_wait3A_1219 = tpu.memref_slice %arg7[%dma_wait3A_1217, %dma_wait3A_1218] : memref<152x128xf32, #tpu.memory_space<vmem>> -> memref<8x128xf32, #tpu.memory_space<vmem>>
      %dma_wait3A_1220 = arith.constant 72 : i32
      %dma_wait3A_1221 = tpu.memref_slice %arg3[%dma_wait3A_1220, %mul3A_936] : memref<151x10000xf32, #tpu.memory_space<hbm>> -> memref<8x128xf32, #tpu.memory_space<hbm>>
      %dma_wait3A_1222 = arith.constant 72 : i32
      %dma_wait3A_1223 = tpu.memref_slice %arg3[%dma_wait3A_1222, %mul3A_936] : memref<151x10000xf32, #tpu.memory_space<hbm>> -> memref<8x128xf32, #tpu.memory_space<hbm>>
      %dma_wait3A_1224 = arith.constant 72 : i32
      %dma_wait3A_1225 = arith.constant 0 : i32
      %dma_wait3A_1226 = tpu.memref_slice %arg7[%dma_wait3A_1224, %dma_wait3A_1225] : memref<152x128xf32, #tpu.memory_space<vmem>> -> memref<8x128xf32, #tpu.memory_space<vmem>>
      tpu.wait_dma2 semaphore(%arg12 : memref<!tpu.dma_semaphore, #tpu.memory_space<semaphore_mem>>) src(%dma_wait3A_1226 : memref<8x128xf32, #tpu.memory_space<vmem>>) dst(%dma_wait3A_1223 : memref<8x128xf32, #tpu.memory_space<hbm>>)
      %dma_wait3A_1227 = arith.constant 80 : i32
      %dma_wait3A_1228 = arith.constant 0 : i32
      %dma_wait3A_1229 = tpu.memref_slice %arg7[%dma_wait3A_1227, %dma_wait3A_1228] : memref<152x128xf32, #tpu.memory_space<vmem>> -> memref<8x128xf32, #tpu.memory_space<vmem>>
      %dma_wait3A_1230 = arith.constant 80 : i32
      %dma_wait3A_1231 = tpu.memref_slice %arg3[%dma_wait3A_1230, %mul3A_936] : memref<151x10000xf32, #tpu.memory_space<hbm>> -> memref<8x128xf32, #tpu.memory_space<hbm>>
      %dma_wait3A_1232 = arith.constant 80 : i32
      %dma_wait3A_1233 = tpu.memref_slice %arg3[%dma_wait3A_1232, %mul3A_936] : memref<151x10000xf32, #tpu.memory_space<hbm>> -> memref<8x128xf32, #tpu.memory_space<hbm>>
      %dma_wait3A_1234 = arith.constant 80 : i32
      %dma_wait3A_1235 = arith.constant 0 : i32
      %dma_wait3A_1236 = tpu.memref_slice %arg7[%dma_wait3A_1234, %dma_wait3A_1235] : memref<152x128xf32, #tpu.memory_space<vmem>> -> memref<8x128xf32, #tpu.memory_space<vmem>>
      tpu.wait_dma2 semaphore(%arg12 : memref<!tpu.dma_semaphore, #tpu.memory_space<semaphore_mem>>) src(%dma_wait3A_1236 : memref<8x128xf32, #tpu.memory_space<vmem>>) dst(%dma_wait3A_1233 : memref<8x128xf32, #tpu.memory_space<hbm>>)
      %dma_wait3A_1237 = arith.constant 88 : i32
      %dma_wait3A_1238 = arith.constant 0 : i32
      %dma_wait3A_1239 = tpu.memref_slice %arg7[%dma_wait3A_1237, %dma_wait3A_1238] : memref<152x128xf32, #tpu.memory_space<vmem>> -> memref<8x128xf32, #tpu.memory_space<vmem>>
      %dma_wait3A_1240 = arith.constant 88 : i32
      %dma_wait3A_1241 = tpu.memref_slice %arg3[%dma_wait3A_1240, %mul3A_936] : memref<151x10000xf32, #tpu.memory_space<hbm>> -> memref<8x128xf32, #tpu.memory_space<hbm>>
      %dma_wait3A_1242 = arith.constant 88 : i32
      %dma_wait3A_1243 = tpu.memref_slice %arg3[%dma_wait3A_1242, %mul3A_936] : memref<151x10000xf32, #tpu.memory_space<hbm>> -> memref<8x128xf32, #tpu.memory_space<hbm>>
      %dma_wait3A_1244 = arith.constant 88 : i32
      %dma_wait3A_1245 = arith.constant 0 : i32
      %dma_wait3A_1246 = tpu.memref_slice %arg7[%dma_wait3A_1244, %dma_wait3A_1245] : memref<152x128xf32, #tpu.memory_space<vmem>> -> memref<8x128xf32, #tpu.memory_space<vmem>>
      tpu.wait_dma2 semaphore(%arg12 : memref<!tpu.dma_semaphore, #tpu.memory_space<semaphore_mem>>) src(%dma_wait3A_1246 : memref<8x128xf32, #tpu.memory_space<vmem>>) dst(%dma_wait3A_1243 : memref<8x128xf32, #tpu.memory_space<hbm>>)
      %dma_wait3A_1247 = arith.constant 96 : i32
      %dma_wait3A_1248 = arith.constant 0 : i32
      %dma_wait3A_1249 = tpu.memref_slice %arg7[%dma_wait3A_1247, %dma_wait3A_1248] : memref<152x128xf32, #tpu.memory_space<vmem>> -> memref<8x128xf32, #tpu.memory_space<vmem>>
      %dma_wait3A_1250 = arith.constant 96 : i32
      %dma_wait3A_1251 = tpu.memref_slice %arg3[%dma_wait3A_1250, %mul3A_936] : memref<151x10000xf32, #tpu.memory_space<hbm>> -> memref<8x128xf32, #tpu.memory_space<hbm>>
      %dma_wait3A_1252 = arith.constant 96 : i32
      %dma_wait3A_1253 = tpu.memref_slice %arg3[%dma_wait3A_1252, %mul3A_936] : memref<151x10000xf32, #tpu.memory_space<hbm>> -> memref<8x128xf32, #tpu.memory_space<hbm>>
      %dma_wait3A_1254 = arith.constant 96 : i32
      %dma_wait3A_1255 = arith.constant 0 : i32
      %dma_wait3A_1256 = tpu.memref_slice %arg7[%dma_wait3A_1254, %dma_wait3A_1255] : memref<152x128xf32, #tpu.memory_space<vmem>> -> memref<8x128xf32, #tpu.memory_space<vmem>>
      tpu.wait_dma2 semaphore(%arg12 : memref<!tpu.dma_semaphore, #tpu.memory_space<semaphore_mem>>) src(%dma_wait3A_1256 : memref<8x128xf32, #tpu.memory_space<vmem>>) dst(%dma_wait3A_1253 : memref<8x128xf32, #tpu.memory_space<hbm>>)
      %dma_wait3A_1257 = arith.constant 104 : i32
      %dma_wait3A_1258 = arith.constant 0 : i32
      %dma_wait3A_1259 = tpu.memref_slice %arg7[%dma_wait3A_1257, %dma_wait3A_1258] : memref<152x128xf32, #tpu.memory_space<vmem>> -> memref<8x128xf32, #tpu.memory_space<vmem>>
      %dma_wait3A_1260 = arith.constant 104 : i32
      %dma_wait3A_1261 = tpu.memref_slice %arg3[%dma_wait3A_1260, %mul3A_936] : memref<151x10000xf32, #tpu.memory_space<hbm>> -> memref<8x128xf32, #tpu.memory_space<hbm>>
      %dma_wait3A_1262 = arith.constant 104 : i32
      %dma_wait3A_1263 = tpu.memref_slice %arg3[%dma_wait3A_1262, %mul3A_936] : memref<151x10000xf32, #tpu.memory_space<hbm>> -> memref<8x128xf32, #tpu.memory_space<hbm>>
      %dma_wait3A_1264 = arith.constant 104 : i32
      %dma_wait3A_1265 = arith.constant 0 : i32
      %dma_wait3A_1266 = tpu.memref_slice %arg7[%dma_wait3A_1264, %dma_wait3A_1265] : memref<152x128xf32, #tpu.memory_space<vmem>> -> memref<8x128xf32, #tpu.memory_space<vmem>>
      tpu.wait_dma2 semaphore(%arg12 : memref<!tpu.dma_semaphore, #tpu.memory_space<semaphore_mem>>) src(%dma_wait3A_1266 : memref<8x128xf32, #tpu.memory_space<vmem>>) dst(%dma_wait3A_1263 : memref<8x128xf32, #tpu.memory_space<hbm>>)
      %dma_wait3A_1267 = arith.constant 112 : i32
      %dma_wait3A_1268 = arith.constant 0 : i32
      %dma_wait3A_1269 = tpu.memref_slice %arg7[%dma_wait3A_1267, %dma_wait3A_1268] : memref<152x128xf32, #tpu.memory_space<vmem>> -> memref<8x128xf32, #tpu.memory_space<vmem>>
      %dma_wait3A_1270 = arith.constant 112 : i32
      %dma_wait3A_1271 = tpu.memref_slice %arg3[%dma_wait3A_1270, %mul3A_936] : memref<151x10000xf32, #tpu.memory_space<hbm>> -> memref<8x128xf32, #tpu.memory_space<hbm>>
      %dma_wait3A_1272 = arith.constant 112 : i32
      %dma_wait3A_1273 = tpu.memref_slice %arg3[%dma_wait3A_1272, %mul3A_936] : memref<151x10000xf32, #tpu.memory_space<hbm>> -> memref<8x128xf32, #tpu.memory_space<hbm>>
      %dma_wait3A_1274 = arith.constant 112 : i32
      %dma_wait3A_1275 = arith.constant 0 : i32
      %dma_wait3A_1276 = tpu.memref_slice %arg7[%dma_wait3A_1274, %dma_wait3A_1275] : memref<152x128xf32, #tpu.memory_space<vmem>> -> memref<8x128xf32, #tpu.memory_space<vmem>>
      tpu.wait_dma2 semaphore(%arg12 : memref<!tpu.dma_semaphore, #tpu.memory_space<semaphore_mem>>) src(%dma_wait3A_1276 : memref<8x128xf32, #tpu.memory_space<vmem>>) dst(%dma_wait3A_1273 : memref<8x128xf32, #tpu.memory_space<hbm>>)
      %dma_wait3A_1277 = arith.constant 120 : i32
      %dma_wait3A_1278 = arith.constant 0 : i32
      %dma_wait3A_1279 = tpu.memref_slice %arg7[%dma_wait3A_1277, %dma_wait3A_1278] : memref<152x128xf32, #tpu.memory_space<vmem>> -> memref<8x128xf32, #tpu.memory_space<vmem>>
      %dma_wait3A_1280 = arith.constant 120 : i32
      %dma_wait3A_1281 = tpu.memref_slice %arg3[%dma_wait3A_1280, %mul3A_936] : memref<151x10000xf32, #tpu.memory_space<hbm>> -> memref<8x128xf32, #tpu.memory_space<hbm>>
      %dma_wait3A_1282 = arith.constant 120 : i32
      %dma_wait3A_1283 = tpu.memref_slice %arg3[%dma_wait3A_1282, %mul3A_936] : memref<151x10000xf32, #tpu.memory_space<hbm>> -> memref<8x128xf32, #tpu.memory_space<hbm>>
      %dma_wait3A_1284 = arith.constant 120 : i32
      %dma_wait3A_1285 = arith.constant 0 : i32
      %dma_wait3A_1286 = tpu.memref_slice %arg7[%dma_wait3A_1284, %dma_wait3A_1285] : memref<152x128xf32, #tpu.memory_space<vmem>> -> memref<8x128xf32, #tpu.memory_space<vmem>>
      tpu.wait_dma2 semaphore(%arg12 : memref<!tpu.dma_semaphore, #tpu.memory_space<semaphore_mem>>) src(%dma_wait3A_1286 : memref<8x128xf32, #tpu.memory_space<vmem>>) dst(%dma_wait3A_1283 : memref<8x128xf32, #tpu.memory_space<hbm>>)
      %dma_wait3A_1287 = arith.constant 128 : i32
      %dma_wait3A_1288 = arith.constant 0 : i32
      %dma_wait3A_1289 = tpu.memref_slice %arg7[%dma_wait3A_1287, %dma_wait3A_1288] : memref<152x128xf32, #tpu.memory_space<vmem>> -> memref<8x128xf32, #tpu.memory_space<vmem>>
      %dma_wait3A_1290 = arith.constant 128 : i32
      %dma_wait3A_1291 = tpu.memref_slice %arg3[%dma_wait3A_1290, %mul3A_936] : memref<151x10000xf32, #tpu.memory_space<hbm>> -> memref<8x128xf32, #tpu.memory_space<hbm>>
      %dma_wait3A_1292 = arith.constant 128 : i32
      %dma_wait3A_1293 = tpu.memref_slice %arg3[%dma_wait3A_1292, %mul3A_936] : memref<151x10000xf32, #tpu.memory_space<hbm>> -> memref<8x128xf32, #tpu.memory_space<hbm>>
      %dma_wait3A_1294 = arith.constant 128 : i32
      %dma_wait3A_1295 = arith.constant 0 : i32
      %dma_wait3A_1296 = tpu.memref_slice %arg7[%dma_wait3A_1294, %dma_wait3A_1295] : memref<152x128xf32, #tpu.memory_space<vmem>> -> memref<8x128xf32, #tpu.memory_space<vmem>>
      tpu.wait_dma2 semaphore(%arg12 : memref<!tpu.dma_semaphore, #tpu.memory_space<semaphore_mem>>) src(%dma_wait3A_1296 : memref<8x128xf32, #tpu.memory_space<vmem>>) dst(%dma_wait3A_1293 : memref<8x128xf32, #tpu.memory_space<hbm>>)
      %dma_wait3A_1297 = arith.constant 136 : i32
      %dma_wait3A_1298 = arith.constant 0 : i32
      %dma_wait3A_1299 = tpu.memref_slice %arg7[%dma_wait3A_1297, %dma_wait3A_1298] : memref<152x128xf32, #tpu.memory_space<vmem>> -> memref<8x128xf32, #tpu.memory_space<vmem>>
      %dma_wait3A_1300 = arith.constant 136 : i32
      %dma_wait3A_1301 = tpu.memref_slice %arg3[%dma_wait3A_1300, %mul3A_936] : memref<151x10000xf32, #tpu.memory_space<hbm>> -> memref<8x128xf32, #tpu.memory_space<hbm>>
      %dma_wait3A_1302 = arith.constant 136 : i32
      %dma_wait3A_1303 = tpu.memref_slice %arg3[%dma_wait3A_1302, %mul3A_936] : memref<151x10000xf32, #tpu.memory_space<hbm>> -> memref<8x128xf32, #tpu.memory_space<hbm>>
      %dma_wait3A_1304 = arith.constant 136 : i32
      %dma_wait3A_1305 = arith.constant 0 : i32
      %dma_wait3A_1306 = tpu.memref_slice %arg7[%dma_wait3A_1304, %dma_wait3A_1305] : memref<152x128xf32, #tpu.memory_space<vmem>> -> memref<8x128xf32, #tpu.memory_space<vmem>>
      tpu.wait_dma2 semaphore(%arg12 : memref<!tpu.dma_semaphore, #tpu.memory_space<semaphore_mem>>) src(%dma_wait3A_1306 : memref<8x128xf32, #tpu.memory_space<vmem>>) dst(%dma_wait3A_1303 : memref<8x128xf32, #tpu.memory_space<hbm>>)
      %dma_wait3A_1307 = arith.constant 144 : i32
      %dma_wait3A_1308 = arith.constant 0 : i32
      %dma_wait3A_1309 = tpu.memref_slice %arg7[%dma_wait3A_1307, %dma_wait3A_1308] : memref<152x128xf32, #tpu.memory_space<vmem>> -> memref<7x128xf32, #tpu.memory_space<vmem>>
      %dma_wait3A_1310 = arith.constant 144 : i32
      %dma_wait3A_1311 = tpu.memref_slice %arg3[%dma_wait3A_1310, %mul3A_936] : memref<151x10000xf32, #tpu.memory_space<hbm>> -> memref<7x128xf32, #tpu.memory_space<hbm>>
      %dma_wait3A_1312 = arith.constant 144 : i32
      %dma_wait3A_1313 = tpu.memref_slice %arg3[%dma_wait3A_1312, %mul3A_936] : memref<151x10000xf32, #tpu.memory_space<hbm>> -> memref<7x128xf32, #tpu.memory_space<hbm>>
      %dma_wait3A_1314 = arith.constant 144 : i32
      %dma_wait3A_1315 = arith.constant 0 : i32
      %dma_wait3A_1316 = tpu.memref_slice %arg7[%dma_wait3A_1314, %dma_wait3A_1315] : memref<152x128xf32, #tpu.memory_space<vmem>> -> memref<7x128xf32, #tpu.memory_space<vmem>>
      tpu.wait_dma2 semaphore(%arg12 : memref<!tpu.dma_semaphore, #tpu.memory_space<semaphore_mem>>) src(%dma_wait3A_1316 : memref<7x128xf32, #tpu.memory_space<vmem>>) dst(%dma_wait3A_1313 : memref<7x128xf32, #tpu.memory_space<hbm>>)
    } else {
    }
    %eq3A = arith.constant 78 : i32
    %eq3A_701 = arith.cmpi eq, %add3A_503, %eq3A : i32
    %convert_element_type3A_702 = arith.extui %eq3A_701 : i1 to i32
    %cond3A_703 = arith.constant 0 : i32
    %cond3A_704 = arith.cmpi ne, %convert_element_type3A_702, %cond3A_703 : i32
    scf.if %cond3A_704 {
      %get3A_895 = arith.constant 0 : index
      %get3A_896 = tpu.vector_load %arg6[%get3A_895] {strides = array<i32>} : memref<128xi32, #tpu.memory_space<vmem>>, vector<16xi32>,
      %add3A_897 = arith.constant 0 : i32
      %add3A_898 = vector.broadcast %add3A_897 : i32 to vector<16xi32>
      %add3A_899 = arith.addi %add3A_898, %iota3A : vector<16xi32>
      %sub3A = arith.constant 112 : i32
      %sub3A_900 = vector.broadcast %sub3A : i32 to vector<16xi32>
      %sub3A_901 = arith.subi %add3A_899, %sub3A_900 : vector<16xi32>
      %max3A = arith.constant 0 : i32
      %max3A_902 = vector.broadcast %max3A : i32 to vector<16xi32>
      %max3A_903 = arith.maxsi %sub3A_901, %max3A_902 : vector<16xi32>
      %ge3A = arith.constant 0 : i32
      %ge3A_904 = vector.broadcast %ge3A : i32 to vector<16xi32>
      %ge3A_905 = arith.cmpi sge, %sub3A_901, %ge3A_904 : vector<16xi32>
      tpu.vector_store_idx %arg7[%get3A_896, %max3A_903], %broadcast_in_dim3A_3 masked %ge3A_905 : memref<152x128xf32, #tpu.memory_space<vmem>>[vector<16xi32>, vector<16xi32>], vector<16xf32>, vector<16xi1>
      %get3A_906 = arith.constant 16 : index
      %get3A_907 = tpu.vector_load %arg6[%get3A_906] {strides = array<i32>} : memref<128xi32, #tpu.memory_space<vmem>>, vector<16xi32>,
      %add3A_908 = arith.constant 16 : i32
      %add3A_909 = vector.broadcast %add3A_908 : i32 to vector<16xi32>
      %add3A_910 = arith.addi %add3A_909, %iota3A : vector<16xi32>
      %sub3A_911 = arith.constant 112 : i32
      %sub3A_912 = vector.broadcast %sub3A_911 : i32 to vector<16xi32>
      %sub3A_913 = arith.subi %add3A_910, %sub3A_912 : vector<16xi32>
      %max3A_914 = arith.constant 0 : i32
      %max3A_915 = vector.broadcast %max3A_914 : i32 to vector<16xi32>
      %max3A_916 = arith.maxsi %sub3A_913, %max3A_915 : vector<16xi32>
      %ge3A_917 = arith.constant 0 : i32
      %ge3A_918 = vector.broadcast %ge3A_917 : i32 to vector<16xi32>
      %ge3A_919 = arith.cmpi sge, %sub3A_913, %ge3A_918 : vector<16xi32>
      tpu.vector_store_idx %arg7[%get3A_907, %max3A_916], %broadcast_in_dim3A_3 masked %ge3A_919 : memref<152x128xf32, #tpu.memory_space<vmem>>[vector<16xi32>, vector<16xi32>], vector<16xf32>, vector<16xi1>
      %get3A_920 = arith.constant 32 : index
      %get3A_921 = tpu.vector_load %arg6[%get3A_920] {strides = array<i32>} : memref<128xi32, #tpu.memory_space<vmem>>, vector<16xi32>,
      %add3A_922 = arith.constant 32 : i32
      %add3A_923 = vector.broadcast %add3A_922 : i32 to vector<16xi32>
      %add3A_924 = arith.addi %add3A_923, %iota3A : vector<16xi32>
      %sub3A_925 = arith.constant 112 : i32
      %sub3A_926 = vector.broadcast %sub3A_925 : i32 to vector<16xi32>
      %sub3A_927 = arith.subi %add3A_924, %sub3A_926 : vector<16xi32>
      %max3A_928 = arith.constant 0 : i32
      %max3A_929 = vector.broadcast %max3A_928 : i32 to vector<16xi32>
      %max3A_930 = arith.maxsi %sub3A_927, %max3A_929 : vector<16xi32>
      %ge3A_931 = arith.constant 0 : i32
      %ge3A_932 = vector.broadcast %ge3A_931 : i32 to vector<16xi32>
      %ge3A_933 = arith.cmpi sge, %sub3A_927, %ge3A_932 : vector<16xi32>
      tpu.vector_store_idx %arg7[%get3A_921, %max3A_930], %broadcast_in_dim3A_3 masked %ge3A_933 : memref<152x128xf32, #tpu.memory_space<vmem>>[vector<16xi32>, vector<16xi32>], vector<16xf32>, vector<16xi1>
      %get3A_934 = arith.constant 48 : index
      %get3A_935 = tpu.vector_load %arg6[%get3A_934] {strides = array<i32>} : memref<128xi32, #tpu.memory_space<vmem>>, vector<16xi32>,
      %add3A_936 = arith.constant 48 : i32
      %add3A_937 = vector.broadcast %add3A_936 : i32 to vector<16xi32>
      %add3A_938 = arith.addi %add3A_937, %iota3A : vector<16xi32>
      %sub3A_939 = arith.constant 112 : i32
      %sub3A_940 = vector.broadcast %sub3A_939 : i32 to vector<16xi32>
      %sub3A_941 = arith.subi %add3A_938, %sub3A_940 : vector<16xi32>
      %max3A_942 = arith.constant 0 : i32
      %max3A_943 = vector.broadcast %max3A_942 : i32 to vector<16xi32>
      %max3A_944 = arith.maxsi %sub3A_941, %max3A_943 : vector<16xi32>
      %ge3A_945 = arith.constant 0 : i32
      %ge3A_946 = vector.broadcast %ge3A_945 : i32 to vector<16xi32>
      %ge3A_947 = arith.cmpi sge, %sub3A_941, %ge3A_946 : vector<16xi32>
      tpu.vector_store_idx %arg7[%get3A_935, %max3A_944], %broadcast_in_dim3A_3 masked %ge3A_947 : memref<152x128xf32, #tpu.memory_space<vmem>>[vector<16xi32>, vector<16xi32>], vector<16xf32>, vector<16xi1>
      %get3A_948 = arith.constant 64 : index
      %get3A_949 = tpu.vector_load %arg6[%get3A_948] {strides = array<i32>} : memref<128xi32, #tpu.memory_space<vmem>>, vector<16xi32>,
      %add3A_950 = arith.constant 64 : i32
      %add3A_951 = vector.broadcast %add3A_950 : i32 to vector<16xi32>
      %add3A_952 = arith.addi %add3A_951, %iota3A : vector<16xi32>
      %sub3A_953 = arith.constant 112 : i32
      %sub3A_954 = vector.broadcast %sub3A_953 : i32 to vector<16xi32>
      %sub3A_955 = arith.subi %add3A_952, %sub3A_954 : vector<16xi32>
      %max3A_956 = arith.constant 0 : i32
      %max3A_957 = vector.broadcast %max3A_956 : i32 to vector<16xi32>
      %max3A_958 = arith.maxsi %sub3A_955, %max3A_957 : vector<16xi32>
      %ge3A_959 = arith.constant 0 : i32
      %ge3A_960 = vector.broadcast %ge3A_959 : i32 to vector<16xi32>
      %ge3A_961 = arith.cmpi sge, %sub3A_955, %ge3A_960 : vector<16xi32>
      tpu.vector_store_idx %arg7[%get3A_949, %max3A_958], %broadcast_in_dim3A_3 masked %ge3A_961 : memref<152x128xf32, #tpu.memory_space<vmem>>[vector<16xi32>, vector<16xi32>], vector<16xf32>, vector<16xi1>
      %get3A_962 = arith.constant 80 : index
      %get3A_963 = tpu.vector_load %arg6[%get3A_962] {strides = array<i32>} : memref<128xi32, #tpu.memory_space<vmem>>, vector<16xi32>,
      %add3A_964 = arith.constant 80 : i32
      %add3A_965 = vector.broadcast %add3A_964 : i32 to vector<16xi32>
      %add3A_966 = arith.addi %add3A_965, %iota3A : vector<16xi32>
      %sub3A_967 = arith.constant 112 : i32
      %sub3A_968 = vector.broadcast %sub3A_967 : i32 to vector<16xi32>
      %sub3A_969 = arith.subi %add3A_966, %sub3A_968 : vector<16xi32>
      %max3A_970 = arith.constant 0 : i32
      %max3A_971 = vector.broadcast %max3A_970 : i32 to vector<16xi32>
      %max3A_972 = arith.maxsi %sub3A_969, %max3A_971 : vector<16xi32>
      %ge3A_973 = arith.constant 0 : i32
      %ge3A_974 = vector.broadcast %ge3A_973 : i32 to vector<16xi32>
      %ge3A_975 = arith.cmpi sge, %sub3A_969, %ge3A_974 : vector<16xi32>
      tpu.vector_store_idx %arg7[%get3A_963, %max3A_972], %broadcast_in_dim3A_3 masked %ge3A_975 : memref<152x128xf32, #tpu.memory_space<vmem>>[vector<16xi32>, vector<16xi32>], vector<16xf32>, vector<16xi1>
      %get3A_976 = arith.constant 96 : index
      %get3A_977 = tpu.vector_load %arg6[%get3A_976] {strides = array<i32>} : memref<128xi32, #tpu.memory_space<vmem>>, vector<16xi32>,
      %add3A_978 = arith.constant 96 : i32
      %add3A_979 = vector.broadcast %add3A_978 : i32 to vector<16xi32>
      %add3A_980 = arith.addi %add3A_979, %iota3A : vector<16xi32>
      %sub3A_981 = arith.constant 112 : i32
      %sub3A_982 = vector.broadcast %sub3A_981 : i32 to vector<16xi32>
      %sub3A_983 = arith.subi %add3A_980, %sub3A_982 : vector<16xi32>
      %max3A_984 = arith.constant 0 : i32
      %max3A_985 = vector.broadcast %max3A_984 : i32 to vector<16xi32>
      %max3A_986 = arith.maxsi %sub3A_983, %max3A_985 : vector<16xi32>
      %ge3A_987 = arith.constant 0 : i32
      %ge3A_988 = vector.broadcast %ge3A_987 : i32 to vector<16xi32>
      %ge3A_989 = arith.cmpi sge, %sub3A_983, %ge3A_988 : vector<16xi32>
      tpu.vector_store_idx %arg7[%get3A_977, %max3A_986], %broadcast_in_dim3A_3 masked %ge3A_989 : memref<152x128xf32, #tpu.memory_space<vmem>>[vector<16xi32>, vector<16xi32>], vector<16xf32>, vector<16xi1>
      %get3A_990 = arith.constant 112 : index
      %get3A_991 = tpu.vector_load %arg6[%get3A_990] {strides = array<i32>} : memref<128xi32, #tpu.memory_space<vmem>>, vector<16xi32>,
      %add3A_992 = arith.constant 112 : i32
      %add3A_993 = vector.broadcast %add3A_992 : i32 to vector<16xi32>
      %add3A_994 = arith.addi %add3A_993, %iota3A : vector<16xi32>
      %sub3A_995 = arith.constant 112 : i32
      %sub3A_996 = vector.broadcast %sub3A_995 : i32 to vector<16xi32>
      %sub3A_997 = arith.subi %add3A_994, %sub3A_996 : vector<16xi32>
      %max3A_998 = arith.constant 0 : i32
      %max3A_999 = vector.broadcast %max3A_998 : i32 to vector<16xi32>
      %max3A_1000 = arith.maxsi %sub3A_997, %max3A_999 : vector<16xi32>
      %ge3A_1001 = arith.constant 0 : i32
      %ge3A_1002 = vector.broadcast %ge3A_1001 : i32 to vector<16xi32>
      %ge3A_1003 = arith.cmpi sge, %sub3A_997, %ge3A_1002 : vector<16xi32>
      tpu.vector_store_idx %arg7[%get3A_991, %max3A_1000], %broadcast_in_dim3A_3 masked %ge3A_1003 : memref<152x128xf32, #tpu.memory_space<vmem>>[vector<16xi32>, vector<16xi32>], vector<16xf32>, vector<16xi1>
      %mul3A_1004 = arith.constant 128 : i32
      %mul3A_1005 = arith.muli %add3A_503, %mul3A_1004 : i32
      "tpu.region"() ({
        %run_scoped3A = tpu.sem_alloc : memref<!tpu.dma_semaphore, #tpu.memory_space<semaphore_mem>>
        %dma_start3A_1006 = arith.constant 0 : i32
        %dma_start3A_1007 = arith.constant 0 : i32
        %dma_start3A_1008 = tpu.memref_slice %arg7[%dma_start3A_1006, %dma_start3A_1007] : memref<152x128xf32, #tpu.memory_space<vmem>> -> memref<8x16xf32, #tpu.memory_space<vmem>>
        %dma_start3A_1009 = arith.constant 0 : i32
        %dma_start3A_1010 = tpu.memref_slice %arg3[%dma_start3A_1009, %mul3A_1005] : memref<151x10000xf32, #tpu.memory_space<hbm>> -> memref<8x16xf32, #tpu.memory_space<hbm>>
        %dma_start3A_1011 = arith.constant 0 : i32
        %dma_start3A_1012 = tpu.memref_slice %arg3[%dma_start3A_1011, %mul3A_1005] : memref<151x10000xf32, #tpu.memory_space<hbm>> -> memref<8x16xf32, #tpu.memory_space<hbm>>
        %dma_start3A_1013 = arith.constant 0 : i32
        %dma_start3A_1014 = arith.constant 0 : i32
        %dma_start3A_1015 = tpu.memref_slice %arg7[%dma_start3A_1013, %dma_start3A_1014] : memref<152x128xf32, #tpu.memory_space<vmem>> -> memref<8x16xf32, #tpu.memory_space<vmem>>
        tpu.enqueue_dma source(%dma_start3A_1015 : memref<8x16xf32, #tpu.memory_space<vmem>>) target(%dma_start3A_1012 : memref<8x16xf32, #tpu.memory_space<hbm>>) target_semaphore(%run_scoped3A : memref<!tpu.dma_semaphore, #tpu.memory_space<semaphore_mem>>)
        %dma_wait3A_1016 = arith.constant 0 : i32
        %dma_wait3A_1017 = arith.constant 0 : i32
        %dma_wait3A_1018 = tpu.memref_slice %arg7[%dma_wait3A_1016, %dma_wait3A_1017] : memref<152x128xf32, #tpu.memory_space<vmem>> -> memref<8x16xf32, #tpu.memory_space<vmem>>
        %dma_wait3A_1019 = arith.constant 0 : i32
        %dma_wait3A_1020 = tpu.memref_slice %arg3[%dma_wait3A_1019, %mul3A_1005] : memref<151x10000xf32, #tpu.memory_space<hbm>> -> memref<8x16xf32, #tpu.memory_space<hbm>>
        %dma_wait3A_1021 = arith.constant 0 : i32
        %dma_wait3A_1022 = tpu.memref_slice %arg3[%dma_wait3A_1021, %mul3A_1005] : memref<151x10000xf32, #tpu.memory_space<hbm>> -> memref<8x16xf32, #tpu.memory_space<hbm>>
        %dma_wait3A_1023 = arith.constant 0 : i32
        %dma_wait3A_1024 = arith.constant 0 : i32
        %dma_wait3A_1025 = tpu.memref_slice %arg7[%dma_wait3A_1023, %dma_wait3A_1024] : memref<152x128xf32, #tpu.memory_space<vmem>> -> memref<8x16xf32, #tpu.memory_space<vmem>>
        tpu.wait_dma2 semaphore(%run_scoped3A : memref<!tpu.dma_semaphore, #tpu.memory_space<semaphore_mem>>) src(%dma_wait3A_1025 : memref<8x16xf32, #tpu.memory_space<vmem>>) dst(%dma_wait3A_1022 : memref<8x16xf32, #tpu.memory_space<hbm>>)
        tpu.yield
      }) : () -> ()
      "tpu.region"() ({
        %run_scoped3A = tpu.sem_alloc : memref<!tpu.dma_semaphore, #tpu.memory_space<semaphore_mem>>
        %dma_start3A_1006 = arith.constant 8 : i32
        %dma_start3A_1007 = arith.constant 0 : i32
        %dma_start3A_1008 = tpu.memref_slice %arg7[%dma_start3A_1006, %dma_start3A_1007] : memref<152x128xf32, #tpu.memory_space<vmem>> -> memref<8x16xf32, #tpu.memory_space<vmem>>
        %dma_start3A_1009 = arith.constant 8 : i32
        %dma_start3A_1010 = tpu.memref_slice %arg3[%dma_start3A_1009, %mul3A_1005] : memref<151x10000xf32, #tpu.memory_space<hbm>> -> memref<8x16xf32, #tpu.memory_space<hbm>>
        %dma_start3A_1011 = arith.constant 8 : i32
        %dma_start3A_1012 = tpu.memref_slice %arg3[%dma_start3A_1011, %mul3A_1005] : memref<151x10000xf32, #tpu.memory_space<hbm>> -> memref<8x16xf32, #tpu.memory_space<hbm>>
        %dma_start3A_1013 = arith.constant 8 : i32
        %dma_start3A_1014 = arith.constant 0 : i32
        %dma_start3A_1015 = tpu.memref_slice %arg7[%dma_start3A_1013, %dma_start3A_1014] : memref<152x128xf32, #tpu.memory_space<vmem>> -> memref<8x16xf32, #tpu.memory_space<vmem>>
        tpu.enqueue_dma source(%dma_start3A_1015 : memref<8x16xf32, #tpu.memory_space<vmem>>) target(%dma_start3A_1012 : memref<8x16xf32, #tpu.memory_space<hbm>>) target_semaphore(%run_scoped3A : memref<!tpu.dma_semaphore, #tpu.memory_space<semaphore_mem>>)
        %dma_wait3A_1016 = arith.constant 8 : i32
        %dma_wait3A_1017 = arith.constant 0 : i32
        %dma_wait3A_1018 = tpu.memref_slice %arg7[%dma_wait3A_1016, %dma_wait3A_1017] : memref<152x128xf32, #tpu.memory_space<vmem>> -> memref<8x16xf32, #tpu.memory_space<vmem>>
        %dma_wait3A_1019 = arith.constant 8 : i32
        %dma_wait3A_1020 = tpu.memref_slice %arg3[%dma_wait3A_1019, %mul3A_1005] : memref<151x10000xf32, #tpu.memory_space<hbm>> -> memref<8x16xf32, #tpu.memory_space<hbm>>
        %dma_wait3A_1021 = arith.constant 8 : i32
        %dma_wait3A_1022 = tpu.memref_slice %arg3[%dma_wait3A_1021, %mul3A_1005] : memref<151x10000xf32, #tpu.memory_space<hbm>> -> memref<8x16xf32, #tpu.memory_space<hbm>>
        %dma_wait3A_1023 = arith.constant 8 : i32
        %dma_wait3A_1024 = arith.constant 0 : i32
        %dma_wait3A_1025 = tpu.memref_slice %arg7[%dma_wait3A_1023, %dma_wait3A_1024] : memref<152x128xf32, #tpu.memory_space<vmem>> -> memref<8x16xf32, #tpu.memory_space<vmem>>
        tpu.wait_dma2 semaphore(%run_scoped3A : memref<!tpu.dma_semaphore, #tpu.memory_space<semaphore_mem>>) src(%dma_wait3A_1025 : memref<8x16xf32, #tpu.memory_space<vmem>>) dst(%dma_wait3A_1022 : memref<8x16xf32, #tpu.memory_space<hbm>>)
        tpu.yield
      }) : () -> ()
      "tpu.region"() ({
        %run_scoped3A = tpu.sem_alloc : memref<!tpu.dma_semaphore, #tpu.memory_space<semaphore_mem>>
        %dma_start3A_1006 = arith.constant 16 : i32
        %dma_start3A_1007 = arith.constant 0 : i32
        %dma_start3A_1008 = tpu.memref_slice %arg7[%dma_start3A_1006, %dma_start3A_1007] : memref<152x128xf32, #tpu.memory_space<vmem>> -> memref<8x16xf32, #tpu.memory_space<vmem>>
        %dma_start3A_1009 = arith.constant 16 : i32
        %dma_start3A_1010 = tpu.memref_slice %arg3[%dma_start3A_1009, %mul3A_1005] : memref<151x10000xf32, #tpu.memory_space<hbm>> -> memref<8x16xf32, #tpu.memory_space<hbm>>
        %dma_start3A_1011 = arith.constant 16 : i32
        %dma_start3A_1012 = tpu.memref_slice %arg3[%dma_start3A_1011, %mul3A_1005] : memref<151x10000xf32, #tpu.memory_space<hbm>> -> memref<8x16xf32, #tpu.memory_space<hbm>>
        %dma_start3A_1013 = arith.constant 16 : i32
        %dma_start3A_1014 = arith.constant 0 : i32
        %dma_start3A_1015 = tpu.memref_slice %arg7[%dma_start3A_1013, %dma_start3A_1014] : memref<152x128xf32, #tpu.memory_space<vmem>> -> memref<8x16xf32, #tpu.memory_space<vmem>>
        tpu.enqueue_dma source(%dma_start3A_1015 : memref<8x16xf32, #tpu.memory_space<vmem>>) target(%dma_start3A_1012 : memref<8x16xf32, #tpu.memory_space<hbm>>) target_semaphore(%run_scoped3A : memref<!tpu.dma_semaphore, #tpu.memory_space<semaphore_mem>>)
        %dma_wait3A_1016 = arith.constant 16 : i32
        %dma_wait3A_1017 = arith.constant 0 : i32
        %dma_wait3A_1018 = tpu.memref_slice %arg7[%dma_wait3A_1016, %dma_wait3A_1017] : memref<152x128xf32, #tpu.memory_space<vmem>> -> memref<8x16xf32, #tpu.memory_space<vmem>>
        %dma_wait3A_1019 = arith.constant 16 : i32
        %dma_wait3A_1020 = tpu.memref_slice %arg3[%dma_wait3A_1019, %mul3A_1005] : memref<151x10000xf32, #tpu.memory_space<hbm>> -> memref<8x16xf32, #tpu.memory_space<hbm>>
        %dma_wait3A_1021 = arith.constant 16 : i32
        %dma_wait3A_1022 = tpu.memref_slice %arg3[%dma_wait3A_1021, %mul3A_1005] : memref<151x10000xf32, #tpu.memory_space<hbm>> -> memref<8x16xf32, #tpu.memory_space<hbm>>
        %dma_wait3A_1023 = arith.constant 16 : i32
        %dma_wait3A_1024 = arith.constant 0 : i32
        %dma_wait3A_1025 = tpu.memref_slice %arg7[%dma_wait3A_1023, %dma_wait3A_1024] : memref<152x128xf32, #tpu.memory_space<vmem>> -> memref<8x16xf32, #tpu.memory_space<vmem>>
        tpu.wait_dma2 semaphore(%run_scoped3A : memref<!tpu.dma_semaphore, #tpu.memory_space<semaphore_mem>>) src(%dma_wait3A_1025 : memref<8x16xf32, #tpu.memory_space<vmem>>) dst(%dma_wait3A_1022 : memref<8x16xf32, #tpu.memory_space<hbm>>)
        tpu.yield
      }) : () -> ()
      "tpu.region"() ({
        %run_scoped3A = tpu.sem_alloc : memref<!tpu.dma_semaphore, #tpu.memory_space<semaphore_mem>>
        %dma_start3A_1006 = arith.constant 24 : i32
        %dma_start3A_1007 = arith.constant 0 : i32
        %dma_start3A_1008 = tpu.memref_slice %arg7[%dma_start3A_1006, %dma_start3A_1007] : memref<152x128xf32, #tpu.memory_space<vmem>> -> memref<8x16xf32, #tpu.memory_space<vmem>>
        %dma_start3A_1009 = arith.constant 24 : i32
        %dma_start3A_1010 = tpu.memref_slice %arg3[%dma_start3A_1009, %mul3A_1005] : memref<151x10000xf32, #tpu.memory_space<hbm>> -> memref<8x16xf32, #tpu.memory_space<hbm>>
        %dma_start3A_1011 = arith.constant 24 : i32
        %dma_start3A_1012 = tpu.memref_slice %arg3[%dma_start3A_1011, %mul3A_1005] : memref<151x10000xf32, #tpu.memory_space<hbm>> -> memref<8x16xf32, #tpu.memory_space<hbm>>
        %dma_start3A_1013 = arith.constant 24 : i32
        %dma_start3A_1014 = arith.constant 0 : i32
        %dma_start3A_1015 = tpu.memref_slice %arg7[%dma_start3A_1013, %dma_start3A_1014] : memref<152x128xf32, #tpu.memory_space<vmem>> -> memref<8x16xf32, #tpu.memory_space<vmem>>
        tpu.enqueue_dma source(%dma_start3A_1015 : memref<8x16xf32, #tpu.memory_space<vmem>>) target(%dma_start3A_1012 : memref<8x16xf32, #tpu.memory_space<hbm>>) target_semaphore(%run_scoped3A : memref<!tpu.dma_semaphore, #tpu.memory_space<semaphore_mem>>)
        %dma_wait3A_1016 = arith.constant 24 : i32
        %dma_wait3A_1017 = arith.constant 0 : i32
        %dma_wait3A_1018 = tpu.memref_slice %arg7[%dma_wait3A_1016, %dma_wait3A_1017] : memref<152x128xf32, #tpu.memory_space<vmem>> -> memref<8x16xf32, #tpu.memory_space<vmem>>
        %dma_wait3A_1019 = arith.constant 24 : i32
        %dma_wait3A_1020 = tpu.memref_slice %arg3[%dma_wait3A_1019, %mul3A_1005] : memref<151x10000xf32, #tpu.memory_space<hbm>> -> memref<8x16xf32, #tpu.memory_space<hbm>>
        %dma_wait3A_1021 = arith.constant 24 : i32
        %dma_wait3A_1022 = tpu.memref_slice %arg3[%dma_wait3A_1021, %mul3A_1005] : memref<151x10000xf32, #tpu.memory_space<hbm>> -> memref<8x16xf32, #tpu.memory_space<hbm>>
        %dma_wait3A_1023 = arith.constant 24 : i32
        %dma_wait3A_1024 = arith.constant 0 : i32
        %dma_wait3A_1025 = tpu.memref_slice %arg7[%dma_wait3A_1023, %dma_wait3A_1024] : memref<152x128xf32, #tpu.memory_space<vmem>> -> memref<8x16xf32, #tpu.memory_space<vmem>>
        tpu.wait_dma2 semaphore(%run_scoped3A : memref<!tpu.dma_semaphore, #tpu.memory_space<semaphore_mem>>) src(%dma_wait3A_1025 : memref<8x16xf32, #tpu.memory_space<vmem>>) dst(%dma_wait3A_1022 : memref<8x16xf32, #tpu.memory_space<hbm>>)
        tpu.yield
      }) : () -> ()
      "tpu.region"() ({
        %run_scoped3A = tpu.sem_alloc : memref<!tpu.dma_semaphore, #tpu.memory_space<semaphore_mem>>
        %dma_start3A_1006 = arith.constant 32 : i32
        %dma_start3A_1007 = arith.constant 0 : i32
        %dma_start3A_1008 = tpu.memref_slice %arg7[%dma_start3A_1006, %dma_start3A_1007] : memref<152x128xf32, #tpu.memory_space<vmem>> -> memref<8x16xf32, #tpu.memory_space<vmem>>
        %dma_start3A_1009 = arith.constant 32 : i32
        %dma_start3A_1010 = tpu.memref_slice %arg3[%dma_start3A_1009, %mul3A_1005] : memref<151x10000xf32, #tpu.memory_space<hbm>> -> memref<8x16xf32, #tpu.memory_space<hbm>>
        %dma_start3A_1011 = arith.constant 32 : i32
        %dma_start3A_1012 = tpu.memref_slice %arg3[%dma_start3A_1011, %mul3A_1005] : memref<151x10000xf32, #tpu.memory_space<hbm>> -> memref<8x16xf32, #tpu.memory_space<hbm>>
        %dma_start3A_1013 = arith.constant 32 : i32
        %dma_start3A_1014 = arith.constant 0 : i32
        %dma_start3A_1015 = tpu.memref_slice %arg7[%dma_start3A_1013, %dma_start3A_1014] : memref<152x128xf32, #tpu.memory_space<vmem>> -> memref<8x16xf32, #tpu.memory_space<vmem>>
        tpu.enqueue_dma source(%dma_start3A_1015 : memref<8x16xf32, #tpu.memory_space<vmem>>) target(%dma_start3A_1012 : memref<8x16xf32, #tpu.memory_space<hbm>>) target_semaphore(%run_scoped3A : memref<!tpu.dma_semaphore, #tpu.memory_space<semaphore_mem>>)
        %dma_wait3A_1016 = arith.constant 32 : i32
        %dma_wait3A_1017 = arith.constant 0 : i32
        %dma_wait3A_1018 = tpu.memref_slice %arg7[%dma_wait3A_1016, %dma_wait3A_1017] : memref<152x128xf32, #tpu.memory_space<vmem>> -> memref<8x16xf32, #tpu.memory_space<vmem>>
        %dma_wait3A_1019 = arith.constant 32 : i32
        %dma_wait3A_1020 = tpu.memref_slice %arg3[%dma_wait3A_1019, %mul3A_1005] : memref<151x10000xf32, #tpu.memory_space<hbm>> -> memref<8x16xf32, #tpu.memory_space<hbm>>
        %dma_wait3A_1021 = arith.constant 32 : i32
        %dma_wait3A_1022 = tpu.memref_slice %arg3[%dma_wait3A_1021, %mul3A_1005] : memref<151x10000xf32, #tpu.memory_space<hbm>> -> memref<8x16xf32, #tpu.memory_space<hbm>>
        %dma_wait3A_1023 = arith.constant 32 : i32
        %dma_wait3A_1024 = arith.constant 0 : i32
        %dma_wait3A_1025 = tpu.memref_slice %arg7[%dma_wait3A_1023, %dma_wait3A_1024] : memref<152x128xf32, #tpu.memory_space<vmem>> -> memref<8x16xf32, #tpu.memory_space<vmem>>
        tpu.wait_dma2 semaphore(%run_scoped3A : memref<!tpu.dma_semaphore, #tpu.memory_space<semaphore_mem>>) src(%dma_wait3A_1025 : memref<8x16xf32, #tpu.memory_space<vmem>>) dst(%dma_wait3A_1022 : memref<8x16xf32, #tpu.memory_space<hbm>>)
        tpu.yield
      }) : () -> ()
      "tpu.region"() ({
        %run_scoped3A = tpu.sem_alloc : memref<!tpu.dma_semaphore, #tpu.memory_space<semaphore_mem>>
        %dma_start3A_1006 = arith.constant 40 : i32
        %dma_start3A_1007 = arith.constant 0 : i32
        %dma_start3A_1008 = tpu.memref_slice %arg7[%dma_start3A_1006, %dma_start3A_1007] : memref<152x128xf32, #tpu.memory_space<vmem>> -> memref<8x16xf32, #tpu.memory_space<vmem>>
        %dma_start3A_1009 = arith.constant 40 : i32
        %dma_start3A_1010 = tpu.memref_slice %arg3[%dma_start3A_1009, %mul3A_1005] : memref<151x10000xf32, #tpu.memory_space<hbm>> -> memref<8x16xf32, #tpu.memory_space<hbm>>
        %dma_start3A_1011 = arith.constant 40 : i32
        %dma_start3A_1012 = tpu.memref_slice %arg3[%dma_start3A_1011, %mul3A_1005] : memref<151x10000xf32, #tpu.memory_space<hbm>> -> memref<8x16xf32, #tpu.memory_space<hbm>>
        %dma_start3A_1013 = arith.constant 40 : i32
        %dma_start3A_1014 = arith.constant 0 : i32
        %dma_start3A_1015 = tpu.memref_slice %arg7[%dma_start3A_1013, %dma_start3A_1014] : memref<152x128xf32, #tpu.memory_space<vmem>> -> memref<8x16xf32, #tpu.memory_space<vmem>>
        tpu.enqueue_dma source(%dma_start3A_1015 : memref<8x16xf32, #tpu.memory_space<vmem>>) target(%dma_start3A_1012 : memref<8x16xf32, #tpu.memory_space<hbm>>) target_semaphore(%run_scoped3A : memref<!tpu.dma_semaphore, #tpu.memory_space<semaphore_mem>>)
        %dma_wait3A_1016 = arith.constant 40 : i32
        %dma_wait3A_1017 = arith.constant 0 : i32
        %dma_wait3A_1018 = tpu.memref_slice %arg7[%dma_wait3A_1016, %dma_wait3A_1017] : memref<152x128xf32, #tpu.memory_space<vmem>> -> memref<8x16xf32, #tpu.memory_space<vmem>>
        %dma_wait3A_1019 = arith.constant 40 : i32
        %dma_wait3A_1020 = tpu.memref_slice %arg3[%dma_wait3A_1019, %mul3A_1005] : memref<151x10000xf32, #tpu.memory_space<hbm>> -> memref<8x16xf32, #tpu.memory_space<hbm>>
        %dma_wait3A_1021 = arith.constant 40 : i32
        %dma_wait3A_1022 = tpu.memref_slice %arg3[%dma_wait3A_1021, %mul3A_1005] : memref<151x10000xf32, #tpu.memory_space<hbm>> -> memref<8x16xf32, #tpu.memory_space<hbm>>
        %dma_wait3A_1023 = arith.constant 40 : i32
        %dma_wait3A_1024 = arith.constant 0 : i32
        %dma_wait3A_1025 = tpu.memref_slice %arg7[%dma_wait3A_1023, %dma_wait3A_1024] : memref<152x128xf32, #tpu.memory_space<vmem>> -> memref<8x16xf32, #tpu.memory_space<vmem>>
        tpu.wait_dma2 semaphore(%run_scoped3A : memref<!tpu.dma_semaphore, #tpu.memory_space<semaphore_mem>>) src(%dma_wait3A_1025 : memref<8x16xf32, #tpu.memory_space<vmem>>) dst(%dma_wait3A_1022 : memref<8x16xf32, #tpu.memory_space<hbm>>)
        tpu.yield
      }) : () -> ()
      "tpu.region"() ({
        %run_scoped3A = tpu.sem_alloc : memref<!tpu.dma_semaphore, #tpu.memory_space<semaphore_mem>>
        %dma_start3A_1006 = arith.constant 48 : i32
        %dma_start3A_1007 = arith.constant 0 : i32
        %dma_start3A_1008 = tpu.memref_slice %arg7[%dma_start3A_1006, %dma_start3A_1007] : memref<152x128xf32, #tpu.memory_space<vmem>> -> memref<8x16xf32, #tpu.memory_space<vmem>>
        %dma_start3A_1009 = arith.constant 48 : i32
        %dma_start3A_1010 = tpu.memref_slice %arg3[%dma_start3A_1009, %mul3A_1005] : memref<151x10000xf32, #tpu.memory_space<hbm>> -> memref<8x16xf32, #tpu.memory_space<hbm>>
        %dma_start3A_1011 = arith.constant 48 : i32
        %dma_start3A_1012 = tpu.memref_slice %arg3[%dma_start3A_1011, %mul3A_1005] : memref<151x10000xf32, #tpu.memory_space<hbm>> -> memref<8x16xf32, #tpu.memory_space<hbm>>
        %dma_start3A_1013 = arith.constant 48 : i32
        %dma_start3A_1014 = arith.constant 0 : i32
        %dma_start3A_1015 = tpu.memref_slice %arg7[%dma_start3A_1013, %dma_start3A_1014] : memref<152x128xf32, #tpu.memory_space<vmem>> -> memref<8x16xf32, #tpu.memory_space<vmem>>
        tpu.enqueue_dma source(%dma_start3A_1015 : memref<8x16xf32, #tpu.memory_space<vmem>>) target(%dma_start3A_1012 : memref<8x16xf32, #tpu.memory_space<hbm>>) target_semaphore(%run_scoped3A : memref<!tpu.dma_semaphore, #tpu.memory_space<semaphore_mem>>)
        %dma_wait3A_1016 = arith.constant 48 : i32
        %dma_wait3A_1017 = arith.constant 0 : i32
        %dma_wait3A_1018 = tpu.memref_slice %arg7[%dma_wait3A_1016, %dma_wait3A_1017] : memref<152x128xf32, #tpu.memory_space<vmem>> -> memref<8x16xf32, #tpu.memory_space<vmem>>
        %dma_wait3A_1019 = arith.constant 48 : i32
        %dma_wait3A_1020 = tpu.memref_slice %arg3[%dma_wait3A_1019, %mul3A_1005] : memref<151x10000xf32, #tpu.memory_space<hbm>> -> memref<8x16xf32, #tpu.memory_space<hbm>>
        %dma_wait3A_1021 = arith.constant 48 : i32
        %dma_wait3A_1022 = tpu.memref_slice %arg3[%dma_wait3A_1021, %mul3A_1005] : memref<151x10000xf32, #tpu.memory_space<hbm>> -> memref<8x16xf32, #tpu.memory_space<hbm>>
        %dma_wait3A_1023 = arith.constant 48 : i32
        %dma_wait3A_1024 = arith.constant 0 : i32
        %dma_wait3A_1025 = tpu.memref_slice %arg7[%dma_wait3A_1023, %dma_wait3A_1024] : memref<152x128xf32, #tpu.memory_space<vmem>> -> memref<8x16xf32, #tpu.memory_space<vmem>>
        tpu.wait_dma2 semaphore(%run_scoped3A : memref<!tpu.dma_semaphore, #tpu.memory_space<semaphore_mem>>) src(%dma_wait3A_1025 : memref<8x16xf32, #tpu.memory_space<vmem>>) dst(%dma_wait3A_1022 : memref<8x16xf32, #tpu.memory_space<hbm>>)
        tpu.yield
      }) : () -> ()
      "tpu.region"() ({
        %run_scoped3A = tpu.sem_alloc : memref<!tpu.dma_semaphore, #tpu.memory_space<semaphore_mem>>
        %dma_start3A_1006 = arith.constant 56 : i32
        %dma_start3A_1007 = arith.constant 0 : i32
        %dma_start3A_1008 = tpu.memref_slice %arg7[%dma_start3A_1006, %dma_start3A_1007] : memref<152x128xf32, #tpu.memory_space<vmem>> -> memref<8x16xf32, #tpu.memory_space<vmem>>
        %dma_start3A_1009 = arith.constant 56 : i32
        %dma_start3A_1010 = tpu.memref_slice %arg3[%dma_start3A_1009, %mul3A_1005] : memref<151x10000xf32, #tpu.memory_space<hbm>> -> memref<8x16xf32, #tpu.memory_space<hbm>>
        %dma_start3A_1011 = arith.constant 56 : i32
        %dma_start3A_1012 = tpu.memref_slice %arg3[%dma_start3A_1011, %mul3A_1005] : memref<151x10000xf32, #tpu.memory_space<hbm>> -> memref<8x16xf32, #tpu.memory_space<hbm>>
        %dma_start3A_1013 = arith.constant 56 : i32
        %dma_start3A_1014 = arith.constant 0 : i32
        %dma_start3A_1015 = tpu.memref_slice %arg7[%dma_start3A_1013, %dma_start3A_1014] : memref<152x128xf32, #tpu.memory_space<vmem>> -> memref<8x16xf32, #tpu.memory_space<vmem>>
        tpu.enqueue_dma source(%dma_start3A_1015 : memref<8x16xf32, #tpu.memory_space<vmem>>) target(%dma_start3A_1012 : memref<8x16xf32, #tpu.memory_space<hbm>>) target_semaphore(%run_scoped3A : memref<!tpu.dma_semaphore, #tpu.memory_space<semaphore_mem>>)
        %dma_wait3A_1016 = arith.constant 56 : i32
        %dma_wait3A_1017 = arith.constant 0 : i32
        %dma_wait3A_1018 = tpu.memref_slice %arg7[%dma_wait3A_1016, %dma_wait3A_1017] : memref<152x128xf32, #tpu.memory_space<vmem>> -> memref<8x16xf32, #tpu.memory_space<vmem>>
        %dma_wait3A_1019 = arith.constant 56 : i32
        %dma_wait3A_1020 = tpu.memref_slice %arg3[%dma_wait3A_1019, %mul3A_1005] : memref<151x10000xf32, #tpu.memory_space<hbm>> -> memref<8x16xf32, #tpu.memory_space<hbm>>
        %dma_wait3A_1021 = arith.constant 56 : i32
        %dma_wait3A_1022 = tpu.memref_slice %arg3[%dma_wait3A_1021, %mul3A_1005] : memref<151x10000xf32, #tpu.memory_space<hbm>> -> memref<8x16xf32, #tpu.memory_space<hbm>>
        %dma_wait3A_1023 = arith.constant 56 : i32
        %dma_wait3A_1024 = arith.constant 0 : i32
        %dma_wait3A_1025 = tpu.memref_slice %arg7[%dma_wait3A_1023, %dma_wait3A_1024] : memref<152x128xf32, #tpu.memory_space<vmem>> -> memref<8x16xf32, #tpu.memory_space<vmem>>
        tpu.wait_dma2 semaphore(%run_scoped3A : memref<!tpu.dma_semaphore, #tpu.memory_space<semaphore_mem>>) src(%dma_wait3A_1025 : memref<8x16xf32, #tpu.memory_space<vmem>>) dst(%dma_wait3A_1022 : memref<8x16xf32, #tpu.memory_space<hbm>>)
        tpu.yield
      }) : () -> ()
      "tpu.region"() ({
        %run_scoped3A = tpu.sem_alloc : memref<!tpu.dma_semaphore, #tpu.memory_space<semaphore_mem>>
        %dma_start3A_1006 = arith.constant 64 : i32
        %dma_start3A_1007 = arith.constant 0 : i32
        %dma_start3A_1008 = tpu.memref_slice %arg7[%dma_start3A_1006, %dma_start3A_1007] : memref<152x128xf32, #tpu.memory_space<vmem>> -> memref<8x16xf32, #tpu.memory_space<vmem>>
        %dma_start3A_1009 = arith.constant 64 : i32
        %dma_start3A_1010 = tpu.memref_slice %arg3[%dma_start3A_1009, %mul3A_1005] : memref<151x10000xf32, #tpu.memory_space<hbm>> -> memref<8x16xf32, #tpu.memory_space<hbm>>
        %dma_start3A_1011 = arith.constant 64 : i32
        %dma_start3A_1012 = tpu.memref_slice %arg3[%dma_start3A_1011, %mul3A_1005] : memref<151x10000xf32, #tpu.memory_space<hbm>> -> memref<8x16xf32, #tpu.memory_space<hbm>>
        %dma_start3A_1013 = arith.constant 64 : i32
        %dma_start3A_1014 = arith.constant 0 : i32
        %dma_start3A_1015 = tpu.memref_slice %arg7[%dma_start3A_1013, %dma_start3A_1014] : memref<152x128xf32, #tpu.memory_space<vmem>> -> memref<8x16xf32, #tpu.memory_space<vmem>>
        tpu.enqueue_dma source(%dma_start3A_1015 : memref<8x16xf32, #tpu.memory_space<vmem>>) target(%dma_start3A_1012 : memref<8x16xf32, #tpu.memory_space<hbm>>) target_semaphore(%run_scoped3A : memref<!tpu.dma_semaphore, #tpu.memory_space<semaphore_mem>>)
        %dma_wait3A_1016 = arith.constant 64 : i32
        %dma_wait3A_1017 = arith.constant 0 : i32
        %dma_wait3A_1018 = tpu.memref_slice %arg7[%dma_wait3A_1016, %dma_wait3A_1017] : memref<152x128xf32, #tpu.memory_space<vmem>> -> memref<8x16xf32, #tpu.memory_space<vmem>>
        %dma_wait3A_1019 = arith.constant 64 : i32
        %dma_wait3A_1020 = tpu.memref_slice %arg3[%dma_wait3A_1019, %mul3A_1005] : memref<151x10000xf32, #tpu.memory_space<hbm>> -> memref<8x16xf32, #tpu.memory_space<hbm>>
        %dma_wait3A_1021 = arith.constant 64 : i32
        %dma_wait3A_1022 = tpu.memref_slice %arg3[%dma_wait3A_1021, %mul3A_1005] : memref<151x10000xf32, #tpu.memory_space<hbm>> -> memref<8x16xf32, #tpu.memory_space<hbm>>
        %dma_wait3A_1023 = arith.constant 64 : i32
        %dma_wait3A_1024 = arith.constant 0 : i32
        %dma_wait3A_1025 = tpu.memref_slice %arg7[%dma_wait3A_1023, %dma_wait3A_1024] : memref<152x128xf32, #tpu.memory_space<vmem>> -> memref<8x16xf32, #tpu.memory_space<vmem>>
        tpu.wait_dma2 semaphore(%run_scoped3A : memref<!tpu.dma_semaphore, #tpu.memory_space<semaphore_mem>>) src(%dma_wait3A_1025 : memref<8x16xf32, #tpu.memory_space<vmem>>) dst(%dma_wait3A_1022 : memref<8x16xf32, #tpu.memory_space<hbm>>)
        tpu.yield
      }) : () -> ()
      "tpu.region"() ({
        %run_scoped3A = tpu.sem_alloc : memref<!tpu.dma_semaphore, #tpu.memory_space<semaphore_mem>>
        %dma_start3A_1006 = arith.constant 72 : i32
        %dma_start3A_1007 = arith.constant 0 : i32
        %dma_start3A_1008 = tpu.memref_slice %arg7[%dma_start3A_1006, %dma_start3A_1007] : memref<152x128xf32, #tpu.memory_space<vmem>> -> memref<8x16xf32, #tpu.memory_space<vmem>>
        %dma_start3A_1009 = arith.constant 72 : i32
        %dma_start3A_1010 = tpu.memref_slice %arg3[%dma_start3A_1009, %mul3A_1005] : memref<151x10000xf32, #tpu.memory_space<hbm>> -> memref<8x16xf32, #tpu.memory_space<hbm>>
        %dma_start3A_1011 = arith.constant 72 : i32
        %dma_start3A_1012 = tpu.memref_slice %arg3[%dma_start3A_1011, %mul3A_1005] : memref<151x10000xf32, #tpu.memory_space<hbm>> -> memref<8x16xf32, #tpu.memory_space<hbm>>
        %dma_start3A_1013 = arith.constant 72 : i32
        %dma_start3A_1014 = arith.constant 0 : i32
        %dma_start3A_1015 = tpu.memref_slice %arg7[%dma_start3A_1013, %dma_start3A_1014] : memref<152x128xf32, #tpu.memory_space<vmem>> -> memref<8x16xf32, #tpu.memory_space<vmem>>
        tpu.enqueue_dma source(%dma_start3A_1015 : memref<8x16xf32, #tpu.memory_space<vmem>>) target(%dma_start3A_1012 : memref<8x16xf32, #tpu.memory_space<hbm>>) target_semaphore(%run_scoped3A : memref<!tpu.dma_semaphore, #tpu.memory_space<semaphore_mem>>)
        %dma_wait3A_1016 = arith.constant 72 : i32
        %dma_wait3A_1017 = arith.constant 0 : i32
        %dma_wait3A_1018 = tpu.memref_slice %arg7[%dma_wait3A_1016, %dma_wait3A_1017] : memref<152x128xf32, #tpu.memory_space<vmem>> -> memref<8x16xf32, #tpu.memory_space<vmem>>
        %dma_wait3A_1019 = arith.constant 72 : i32
        %dma_wait3A_1020 = tpu.memref_slice %arg3[%dma_wait3A_1019, %mul3A_1005] : memref<151x10000xf32, #tpu.memory_space<hbm>> -> memref<8x16xf32, #tpu.memory_space<hbm>>
        %dma_wait3A_1021 = arith.constant 72 : i32
        %dma_wait3A_1022 = tpu.memref_slice %arg3[%dma_wait3A_1021, %mul3A_1005] : memref<151x10000xf32, #tpu.memory_space<hbm>> -> memref<8x16xf32, #tpu.memory_space<hbm>>
        %dma_wait3A_1023 = arith.constant 72 : i32
        %dma_wait3A_1024 = arith.constant 0 : i32
        %dma_wait3A_1025 = tpu.memref_slice %arg7[%dma_wait3A_1023, %dma_wait3A_1024] : memref<152x128xf32, #tpu.memory_space<vmem>> -> memref<8x16xf32, #tpu.memory_space<vmem>>
        tpu.wait_dma2 semaphore(%run_scoped3A : memref<!tpu.dma_semaphore, #tpu.memory_space<semaphore_mem>>) src(%dma_wait3A_1025 : memref<8x16xf32, #tpu.memory_space<vmem>>) dst(%dma_wait3A_1022 : memref<8x16xf32, #tpu.memory_space<hbm>>)
        tpu.yield
      }) : () -> ()
      "tpu.region"() ({
        %run_scoped3A = tpu.sem_alloc : memref<!tpu.dma_semaphore, #tpu.memory_space<semaphore_mem>>
        %dma_start3A_1006 = arith.constant 80 : i32
        %dma_start3A_1007 = arith.constant 0 : i32
        %dma_start3A_1008 = tpu.memref_slice %arg7[%dma_start3A_1006, %dma_start3A_1007] : memref<152x128xf32, #tpu.memory_space<vmem>> -> memref<8x16xf32, #tpu.memory_space<vmem>>
        %dma_start3A_1009 = arith.constant 80 : i32
        %dma_start3A_1010 = tpu.memref_slice %arg3[%dma_start3A_1009, %mul3A_1005] : memref<151x10000xf32, #tpu.memory_space<hbm>> -> memref<8x16xf32, #tpu.memory_space<hbm>>
        %dma_start3A_1011 = arith.constant 80 : i32
        %dma_start3A_1012 = tpu.memref_slice %arg3[%dma_start3A_1011, %mul3A_1005] : memref<151x10000xf32, #tpu.memory_space<hbm>> -> memref<8x16xf32, #tpu.memory_space<hbm>>
        %dma_start3A_1013 = arith.constant 80 : i32
        %dma_start3A_1014 = arith.constant 0 : i32
        %dma_start3A_1015 = tpu.memref_slice %arg7[%dma_start3A_1013, %dma_start3A_1014] : memref<152x128xf32, #tpu.memory_space<vmem>> -> memref<8x16xf32, #tpu.memory_space<vmem>>
        tpu.enqueue_dma source(%dma_start3A_1015 : memref<8x16xf32, #tpu.memory_space<vmem>>) target(%dma_start3A_1012 : memref<8x16xf32, #tpu.memory_space<hbm>>) target_semaphore(%run_scoped3A : memref<!tpu.dma_semaphore, #tpu.memory_space<semaphore_mem>>)
        %dma_wait3A_1016 = arith.constant 80 : i32
        %dma_wait3A_1017 = arith.constant 0 : i32
        %dma_wait3A_1018 = tpu.memref_slice %arg7[%dma_wait3A_1016, %dma_wait3A_1017] : memref<152x128xf32, #tpu.memory_space<vmem>> -> memref<8x16xf32, #tpu.memory_space<vmem>>
        %dma_wait3A_1019 = arith.constant 80 : i32
        %dma_wait3A_1020 = tpu.memref_slice %arg3[%dma_wait3A_1019, %mul3A_1005] : memref<151x10000xf32, #tpu.memory_space<hbm>> -> memref<8x16xf32, #tpu.memory_space<hbm>>
        %dma_wait3A_1021 = arith.constant 80 : i32
        %dma_wait3A_1022 = tpu.memref_slice %arg3[%dma_wait3A_1021, %mul3A_1005] : memref<151x10000xf32, #tpu.memory_space<hbm>> -> memref<8x16xf32, #tpu.memory_space<hbm>>
        %dma_wait3A_1023 = arith.constant 80 : i32
        %dma_wait3A_1024 = arith.constant 0 : i32
        %dma_wait3A_1025 = tpu.memref_slice %arg7[%dma_wait3A_1023, %dma_wait3A_1024] : memref<152x128xf32, #tpu.memory_space<vmem>> -> memref<8x16xf32, #tpu.memory_space<vmem>>
        tpu.wait_dma2 semaphore(%run_scoped3A : memref<!tpu.dma_semaphore, #tpu.memory_space<semaphore_mem>>) src(%dma_wait3A_1025 : memref<8x16xf32, #tpu.memory_space<vmem>>) dst(%dma_wait3A_1022 : memref<8x16xf32, #tpu.memory_space<hbm>>)
        tpu.yield
      }) : () -> ()
      "tpu.region"() ({
        %run_scoped3A = tpu.sem_alloc : memref<!tpu.dma_semaphore, #tpu.memory_space<semaphore_mem>>
        %dma_start3A_1006 = arith.constant 88 : i32
        %dma_start3A_1007 = arith.constant 0 : i32
        %dma_start3A_1008 = tpu.memref_slice %arg7[%dma_start3A_1006, %dma_start3A_1007] : memref<152x128xf32, #tpu.memory_space<vmem>> -> memref<8x16xf32, #tpu.memory_space<vmem>>
        %dma_start3A_1009 = arith.constant 88 : i32
        %dma_start3A_1010 = tpu.memref_slice %arg3[%dma_start3A_1009, %mul3A_1005] : memref<151x10000xf32, #tpu.memory_space<hbm>> -> memref<8x16xf32, #tpu.memory_space<hbm>>
        %dma_start3A_1011 = arith.constant 88 : i32
        %dma_start3A_1012 = tpu.memref_slice %arg3[%dma_start3A_1011, %mul3A_1005] : memref<151x10000xf32, #tpu.memory_space<hbm>> -> memref<8x16xf32, #tpu.memory_space<hbm>>
        %dma_start3A_1013 = arith.constant 88 : i32
        %dma_start3A_1014 = arith.constant 0 : i32
        %dma_start3A_1015 = tpu.memref_slice %arg7[%dma_start3A_1013, %dma_start3A_1014] : memref<152x128xf32, #tpu.memory_space<vmem>> -> memref<8x16xf32, #tpu.memory_space<vmem>>
        tpu.enqueue_dma source(%dma_start3A_1015 : memref<8x16xf32, #tpu.memory_space<vmem>>) target(%dma_start3A_1012 : memref<8x16xf32, #tpu.memory_space<hbm>>) target_semaphore(%run_scoped3A : memref<!tpu.dma_semaphore, #tpu.memory_space<semaphore_mem>>)
        %dma_wait3A_1016 = arith.constant 88 : i32
        %dma_wait3A_1017 = arith.constant 0 : i32
        %dma_wait3A_1018 = tpu.memref_slice %arg7[%dma_wait3A_1016, %dma_wait3A_1017] : memref<152x128xf32, #tpu.memory_space<vmem>> -> memref<8x16xf32, #tpu.memory_space<vmem>>
        %dma_wait3A_1019 = arith.constant 88 : i32
        %dma_wait3A_1020 = tpu.memref_slice %arg3[%dma_wait3A_1019, %mul3A_1005] : memref<151x10000xf32, #tpu.memory_space<hbm>> -> memref<8x16xf32, #tpu.memory_space<hbm>>
        %dma_wait3A_1021 = arith.constant 88 : i32
        %dma_wait3A_1022 = tpu.memref_slice %arg3[%dma_wait3A_1021, %mul3A_1005] : memref<151x10000xf32, #tpu.memory_space<hbm>> -> memref<8x16xf32, #tpu.memory_space<hbm>>
        %dma_wait3A_1023 = arith.constant 88 : i32
        %dma_wait3A_1024 = arith.constant 0 : i32
        %dma_wait3A_1025 = tpu.memref_slice %arg7[%dma_wait3A_1023, %dma_wait3A_1024] : memref<152x128xf32, #tpu.memory_space<vmem>> -> memref<8x16xf32, #tpu.memory_space<vmem>>
        tpu.wait_dma2 semaphore(%run_scoped3A : memref<!tpu.dma_semaphore, #tpu.memory_space<semaphore_mem>>) src(%dma_wait3A_1025 : memref<8x16xf32, #tpu.memory_space<vmem>>) dst(%dma_wait3A_1022 : memref<8x16xf32, #tpu.memory_space<hbm>>)
        tpu.yield
      }) : () -> ()
      "tpu.region"() ({
        %run_scoped3A = tpu.sem_alloc : memref<!tpu.dma_semaphore, #tpu.memory_space<semaphore_mem>>
        %dma_start3A_1006 = arith.constant 96 : i32
        %dma_start3A_1007 = arith.constant 0 : i32
        %dma_start3A_1008 = tpu.memref_slice %arg7[%dma_start3A_1006, %dma_start3A_1007] : memref<152x128xf32, #tpu.memory_space<vmem>> -> memref<8x16xf32, #tpu.memory_space<vmem>>
        %dma_start3A_1009 = arith.constant 96 : i32
        %dma_start3A_1010 = tpu.memref_slice %arg3[%dma_start3A_1009, %mul3A_1005] : memref<151x10000xf32, #tpu.memory_space<hbm>> -> memref<8x16xf32, #tpu.memory_space<hbm>>
        %dma_start3A_1011 = arith.constant 96 : i32
        %dma_start3A_1012 = tpu.memref_slice %arg3[%dma_start3A_1011, %mul3A_1005] : memref<151x10000xf32, #tpu.memory_space<hbm>> -> memref<8x16xf32, #tpu.memory_space<hbm>>
        %dma_start3A_1013 = arith.constant 96 : i32
        %dma_start3A_1014 = arith.constant 0 : i32
        %dma_start3A_1015 = tpu.memref_slice %arg7[%dma_start3A_1013, %dma_start3A_1014] : memref<152x128xf32, #tpu.memory_space<vmem>> -> memref<8x16xf32, #tpu.memory_space<vmem>>
        tpu.enqueue_dma source(%dma_start3A_1015 : memref<8x16xf32, #tpu.memory_space<vmem>>) target(%dma_start3A_1012 : memref<8x16xf32, #tpu.memory_space<hbm>>) target_semaphore(%run_scoped3A : memref<!tpu.dma_semaphore, #tpu.memory_space<semaphore_mem>>)
        %dma_wait3A_1016 = arith.constant 96 : i32
        %dma_wait3A_1017 = arith.constant 0 : i32
        %dma_wait3A_1018 = tpu.memref_slice %arg7[%dma_wait3A_1016, %dma_wait3A_1017] : memref<152x128xf32, #tpu.memory_space<vmem>> -> memref<8x16xf32, #tpu.memory_space<vmem>>
        %dma_wait3A_1019 = arith.constant 96 : i32
        %dma_wait3A_1020 = tpu.memref_slice %arg3[%dma_wait3A_1019, %mul3A_1005] : memref<151x10000xf32, #tpu.memory_space<hbm>> -> memref<8x16xf32, #tpu.memory_space<hbm>>
        %dma_wait3A_1021 = arith.constant 96 : i32
        %dma_wait3A_1022 = tpu.memref_slice %arg3[%dma_wait3A_1021, %mul3A_1005] : memref<151x10000xf32, #tpu.memory_space<hbm>> -> memref<8x16xf32, #tpu.memory_space<hbm>>
        %dma_wait3A_1023 = arith.constant 96 : i32
        %dma_wait3A_1024 = arith.constant 0 : i32
        %dma_wait3A_1025 = tpu.memref_slice %arg7[%dma_wait3A_1023, %dma_wait3A_1024] : memref<152x128xf32, #tpu.memory_space<vmem>> -> memref<8x16xf32, #tpu.memory_space<vmem>>
        tpu.wait_dma2 semaphore(%run_scoped3A : memref<!tpu.dma_semaphore, #tpu.memory_space<semaphore_mem>>) src(%dma_wait3A_1025 : memref<8x16xf32, #tpu.memory_space<vmem>>) dst(%dma_wait3A_1022 : memref<8x16xf32, #tpu.memory_space<hbm>>)
        tpu.yield
      }) : () -> ()
      "tpu.region"() ({
        %run_scoped3A = tpu.sem_alloc : memref<!tpu.dma_semaphore, #tpu.memory_space<semaphore_mem>>
        %dma_start3A_1006 = arith.constant 104 : i32
        %dma_start3A_1007 = arith.constant 0 : i32
        %dma_start3A_1008 = tpu.memref_slice %arg7[%dma_start3A_1006, %dma_start3A_1007] : memref<152x128xf32, #tpu.memory_space<vmem>> -> memref<8x16xf32, #tpu.memory_space<vmem>>
        %dma_start3A_1009 = arith.constant 104 : i32
        %dma_start3A_1010 = tpu.memref_slice %arg3[%dma_start3A_1009, %mul3A_1005] : memref<151x10000xf32, #tpu.memory_space<hbm>> -> memref<8x16xf32, #tpu.memory_space<hbm>>
        %dma_start3A_1011 = arith.constant 104 : i32
        %dma_start3A_1012 = tpu.memref_slice %arg3[%dma_start3A_1011, %mul3A_1005] : memref<151x10000xf32, #tpu.memory_space<hbm>> -> memref<8x16xf32, #tpu.memory_space<hbm>>
        %dma_start3A_1013 = arith.constant 104 : i32
        %dma_start3A_1014 = arith.constant 0 : i32
        %dma_start3A_1015 = tpu.memref_slice %arg7[%dma_start3A_1013, %dma_start3A_1014] : memref<152x128xf32, #tpu.memory_space<vmem>> -> memref<8x16xf32, #tpu.memory_space<vmem>>
        tpu.enqueue_dma source(%dma_start3A_1015 : memref<8x16xf32, #tpu.memory_space<vmem>>) target(%dma_start3A_1012 : memref<8x16xf32, #tpu.memory_space<hbm>>) target_semaphore(%run_scoped3A : memref<!tpu.dma_semaphore, #tpu.memory_space<semaphore_mem>>)
        %dma_wait3A_1016 = arith.constant 104 : i32
        %dma_wait3A_1017 = arith.constant 0 : i32
        %dma_wait3A_1018 = tpu.memref_slice %arg7[%dma_wait3A_1016, %dma_wait3A_1017] : memref<152x128xf32, #tpu.memory_space<vmem>> -> memref<8x16xf32, #tpu.memory_space<vmem>>
        %dma_wait3A_1019 = arith.constant 104 : i32
        %dma_wait3A_1020 = tpu.memref_slice %arg3[%dma_wait3A_1019, %mul3A_1005] : memref<151x10000xf32, #tpu.memory_space<hbm>> -> memref<8x16xf32, #tpu.memory_space<hbm>>
        %dma_wait3A_1021 = arith.constant 104 : i32
        %dma_wait3A_1022 = tpu.memref_slice %arg3[%dma_wait3A_1021, %mul3A_1005] : memref<151x10000xf32, #tpu.memory_space<hbm>> -> memref<8x16xf32, #tpu.memory_space<hbm>>
        %dma_wait3A_1023 = arith.constant 104 : i32
        %dma_wait3A_1024 = arith.constant 0 : i32
        %dma_wait3A_1025 = tpu.memref_slice %arg7[%dma_wait3A_1023, %dma_wait3A_1024] : memref<152x128xf32, #tpu.memory_space<vmem>> -> memref<8x16xf32, #tpu.memory_space<vmem>>
        tpu.wait_dma2 semaphore(%run_scoped3A : memref<!tpu.dma_semaphore, #tpu.memory_space<semaphore_mem>>) src(%dma_wait3A_1025 : memref<8x16xf32, #tpu.memory_space<vmem>>) dst(%dma_wait3A_1022 : memref<8x16xf32, #tpu.memory_space<hbm>>)
        tpu.yield
      }) : () -> ()
      "tpu.region"() ({
        %run_scoped3A = tpu.sem_alloc : memref<!tpu.dma_semaphore, #tpu.memory_space<semaphore_mem>>
        %dma_start3A_1006 = arith.constant 112 : i32
        %dma_start3A_1007 = arith.constant 0 : i32
        %dma_start3A_1008 = tpu.memref_slice %arg7[%dma_start3A_1006, %dma_start3A_1007] : memref<152x128xf32, #tpu.memory_space<vmem>> -> memref<8x16xf32, #tpu.memory_space<vmem>>
        %dma_start3A_1009 = arith.constant 112 : i32
        %dma_start3A_1010 = tpu.memref_slice %arg3[%dma_start3A_1009, %mul3A_1005] : memref<151x10000xf32, #tpu.memory_space<hbm>> -> memref<8x16xf32, #tpu.memory_space<hbm>>
        %dma_start3A_1011 = arith.constant 112 : i32
        %dma_start3A_1012 = tpu.memref_slice %arg3[%dma_start3A_1011, %mul3A_1005] : memref<151x10000xf32, #tpu.memory_space<hbm>> -> memref<8x16xf32, #tpu.memory_space<hbm>>
        %dma_start3A_1013 = arith.constant 112 : i32
        %dma_start3A_1014 = arith.constant 0 : i32
        %dma_start3A_1015 = tpu.memref_slice %arg7[%dma_start3A_1013, %dma_start3A_1014] : memref<152x128xf32, #tpu.memory_space<vmem>> -> memref<8x16xf32, #tpu.memory_space<vmem>>
        tpu.enqueue_dma source(%dma_start3A_1015 : memref<8x16xf32, #tpu.memory_space<vmem>>) target(%dma_start3A_1012 : memref<8x16xf32, #tpu.memory_space<hbm>>) target_semaphore(%run_scoped3A : memref<!tpu.dma_semaphore, #tpu.memory_space<semaphore_mem>>)
        %dma_wait3A_1016 = arith.constant 112 : i32
        %dma_wait3A_1017 = arith.constant 0 : i32
        %dma_wait3A_1018 = tpu.memref_slice %arg7[%dma_wait3A_1016, %dma_wait3A_1017] : memref<152x128xf32, #tpu.memory_space<vmem>> -> memref<8x16xf32, #tpu.memory_space<vmem>>
        %dma_wait3A_1019 = arith.constant 112 : i32
        %dma_wait3A_1020 = tpu.memref_slice %arg3[%dma_wait3A_1019, %mul3A_1005] : memref<151x10000xf32, #tpu.memory_space<hbm>> -> memref<8x16xf32, #tpu.memory_space<hbm>>
        %dma_wait3A_1021 = arith.constant 112 : i32
        %dma_wait3A_1022 = tpu.memref_slice %arg3[%dma_wait3A_1021, %mul3A_1005] : memref<151x10000xf32, #tpu.memory_space<hbm>> -> memref<8x16xf32, #tpu.memory_space<hbm>>
        %dma_wait3A_1023 = arith.constant 112 : i32
        %dma_wait3A_1024 = arith.constant 0 : i32
        %dma_wait3A_1025 = tpu.memref_slice %arg7[%dma_wait3A_1023, %dma_wait3A_1024] : memref<152x128xf32, #tpu.memory_space<vmem>> -> memref<8x16xf32, #tpu.memory_space<vmem>>
        tpu.wait_dma2 semaphore(%run_scoped3A : memref<!tpu.dma_semaphore, #tpu.memory_space<semaphore_mem>>) src(%dma_wait3A_1025 : memref<8x16xf32, #tpu.memory_space<vmem>>) dst(%dma_wait3A_1022 : memref<8x16xf32, #tpu.memory_space<hbm>>)
        tpu.yield
      }) : () -> ()
      "tpu.region"() ({
        %run_scoped3A = tpu.sem_alloc : memref<!tpu.dma_semaphore, #tpu.memory_space<semaphore_mem>>
        %dma_start3A_1006 = arith.constant 120 : i32
        %dma_start3A_1007 = arith.constant 0 : i32
        %dma_start3A_1008 = tpu.memref_slice %arg7[%dma_start3A_1006, %dma_start3A_1007] : memref<152x128xf32, #tpu.memory_space<vmem>> -> memref<8x16xf32, #tpu.memory_space<vmem>>
        %dma_start3A_1009 = arith.constant 120 : i32
        %dma_start3A_1010 = tpu.memref_slice %arg3[%dma_start3A_1009, %mul3A_1005] : memref<151x10000xf32, #tpu.memory_space<hbm>> -> memref<8x16xf32, #tpu.memory_space<hbm>>
        %dma_start3A_1011 = arith.constant 120 : i32
        %dma_start3A_1012 = tpu.memref_slice %arg3[%dma_start3A_1011, %mul3A_1005] : memref<151x10000xf32, #tpu.memory_space<hbm>> -> memref<8x16xf32, #tpu.memory_space<hbm>>
        %dma_start3A_1013 = arith.constant 120 : i32
        %dma_start3A_1014 = arith.constant 0 : i32
        %dma_start3A_1015 = tpu.memref_slice %arg7[%dma_start3A_1013, %dma_start3A_1014] : memref<152x128xf32, #tpu.memory_space<vmem>> -> memref<8x16xf32, #tpu.memory_space<vmem>>
        tpu.enqueue_dma source(%dma_start3A_1015 : memref<8x16xf32, #tpu.memory_space<vmem>>) target(%dma_start3A_1012 : memref<8x16xf32, #tpu.memory_space<hbm>>) target_semaphore(%run_scoped3A : memref<!tpu.dma_semaphore, #tpu.memory_space<semaphore_mem>>)
        %dma_wait3A_1016 = arith.constant 120 : i32
        %dma_wait3A_1017 = arith.constant 0 : i32
        %dma_wait3A_1018 = tpu.memref_slice %arg7[%dma_wait3A_1016, %dma_wait3A_1017] : memref<152x128xf32, #tpu.memory_space<vmem>> -> memref<8x16xf32, #tpu.memory_space<vmem>>
        %dma_wait3A_1019 = arith.constant 120 : i32
        %dma_wait3A_1020 = tpu.memref_slice %arg3[%dma_wait3A_1019, %mul3A_1005] : memref<151x10000xf32, #tpu.memory_space<hbm>> -> memref<8x16xf32, #tpu.memory_space<hbm>>
        %dma_wait3A_1021 = arith.constant 120 : i32
        %dma_wait3A_1022 = tpu.memref_slice %arg3[%dma_wait3A_1021, %mul3A_1005] : memref<151x10000xf32, #tpu.memory_space<hbm>> -> memref<8x16xf32, #tpu.memory_space<hbm>>
        %dma_wait3A_1023 = arith.constant 120 : i32
        %dma_wait3A_1024 = arith.constant 0 : i32
        %dma_wait3A_1025 = tpu.memref_slice %arg7[%dma_wait3A_1023, %dma_wait3A_1024] : memref<152x128xf32, #tpu.memory_space<vmem>> -> memref<8x16xf32, #tpu.memory_space<vmem>>
        tpu.wait_dma2 semaphore(%run_scoped3A : memref<!tpu.dma_semaphore, #tpu.memory_space<semaphore_mem>>) src(%dma_wait3A_1025 : memref<8x16xf32, #tpu.memory_space<vmem>>) dst(%dma_wait3A_1022 : memref<8x16xf32, #tpu.memory_space<hbm>>)
        tpu.yield
      }) : () -> ()
      "tpu.region"() ({
        %run_scoped3A = tpu.sem_alloc : memref<!tpu.dma_semaphore, #tpu.memory_space<semaphore_mem>>
        %dma_start3A_1006 = arith.constant 128 : i32
        %dma_start3A_1007 = arith.constant 0 : i32
        %dma_start3A_1008 = tpu.memref_slice %arg7[%dma_start3A_1006, %dma_start3A_1007] : memref<152x128xf32, #tpu.memory_space<vmem>> -> memref<8x16xf32, #tpu.memory_space<vmem>>
        %dma_start3A_1009 = arith.constant 128 : i32
        %dma_start3A_1010 = tpu.memref_slice %arg3[%dma_start3A_1009, %mul3A_1005] : memref<151x10000xf32, #tpu.memory_space<hbm>> -> memref<8x16xf32, #tpu.memory_space<hbm>>
        %dma_start3A_1011 = arith.constant 128 : i32
        %dma_start3A_1012 = tpu.memref_slice %arg3[%dma_start3A_1011, %mul3A_1005] : memref<151x10000xf32, #tpu.memory_space<hbm>> -> memref<8x16xf32, #tpu.memory_space<hbm>>
        %dma_start3A_1013 = arith.constant 128 : i32
        %dma_start3A_1014 = arith.constant 0 : i32
        %dma_start3A_1015 = tpu.memref_slice %arg7[%dma_start3A_1013, %dma_start3A_1014] : memref<152x128xf32, #tpu.memory_space<vmem>> -> memref<8x16xf32, #tpu.memory_space<vmem>>
        tpu.enqueue_dma source(%dma_start3A_1015 : memref<8x16xf32, #tpu.memory_space<vmem>>) target(%dma_start3A_1012 : memref<8x16xf32, #tpu.memory_space<hbm>>) target_semaphore(%run_scoped3A : memref<!tpu.dma_semaphore, #tpu.memory_space<semaphore_mem>>)
        %dma_wait3A_1016 = arith.constant 128 : i32
        %dma_wait3A_1017 = arith.constant 0 : i32
        %dma_wait3A_1018 = tpu.memref_slice %arg7[%dma_wait3A_1016, %dma_wait3A_1017] : memref<152x128xf32, #tpu.memory_space<vmem>> -> memref<8x16xf32, #tpu.memory_space<vmem>>
        %dma_wait3A_1019 = arith.constant 128 : i32
        %dma_wait3A_1020 = tpu.memref_slice %arg3[%dma_wait3A_1019, %mul3A_1005] : memref<151x10000xf32, #tpu.memory_space<hbm>> -> memref<8x16xf32, #tpu.memory_space<hbm>>
        %dma_wait3A_1021 = arith.constant 128 : i32
        %dma_wait3A_1022 = tpu.memref_slice %arg3[%dma_wait3A_1021, %mul3A_1005] : memref<151x10000xf32, #tpu.memory_space<hbm>> -> memref<8x16xf32, #tpu.memory_space<hbm>>
        %dma_wait3A_1023 = arith.constant 128 : i32
        %dma_wait3A_1024 = arith.constant 0 : i32
        %dma_wait3A_1025 = tpu.memref_slice %arg7[%dma_wait3A_1023, %dma_wait3A_1024] : memref<152x128xf32, #tpu.memory_space<vmem>> -> memref<8x16xf32, #tpu.memory_space<vmem>>
        tpu.wait_dma2 semaphore(%run_scoped3A : memref<!tpu.dma_semaphore, #tpu.memory_space<semaphore_mem>>) src(%dma_wait3A_1025 : memref<8x16xf32, #tpu.memory_space<vmem>>) dst(%dma_wait3A_1022 : memref<8x16xf32, #tpu.memory_space<hbm>>)
        tpu.yield
      }) : () -> ()
      "tpu.region"() ({
        %run_scoped3A = tpu.sem_alloc : memref<!tpu.dma_semaphore, #tpu.memory_space<semaphore_mem>>
        %dma_start3A_1006 = arith.constant 136 : i32
        %dma_start3A_1007 = arith.constant 0 : i32
        %dma_start3A_1008 = tpu.memref_slice %arg7[%dma_start3A_1006, %dma_start3A_1007] : memref<152x128xf32, #tpu.memory_space<vmem>> -> memref<8x16xf32, #tpu.memory_space<vmem>>
        %dma_start3A_1009 = arith.constant 136 : i32
        %dma_start3A_1010 = tpu.memref_slice %arg3[%dma_start3A_1009, %mul3A_1005] : memref<151x10000xf32, #tpu.memory_space<hbm>> -> memref<8x16xf32, #tpu.memory_space<hbm>>
        %dma_start3A_1011 = arith.constant 136 : i32
        %dma_start3A_1012 = tpu.memref_slice %arg3[%dma_start3A_1011, %mul3A_1005] : memref<151x10000xf32, #tpu.memory_space<hbm>> -> memref<8x16xf32, #tpu.memory_space<hbm>>
        %dma_start3A_1013 = arith.constant 136 : i32
        %dma_start3A_1014 = arith.constant 0 : i32
        %dma_start3A_1015 = tpu.memref_slice %arg7[%dma_start3A_1013, %dma_start3A_1014] : memref<152x128xf32, #tpu.memory_space<vmem>> -> memref<8x16xf32, #tpu.memory_space<vmem>>
        tpu.enqueue_dma source(%dma_start3A_1015 : memref<8x16xf32, #tpu.memory_space<vmem>>) target(%dma_start3A_1012 : memref<8x16xf32, #tpu.memory_space<hbm>>) target_semaphore(%run_scoped3A : memref<!tpu.dma_semaphore, #tpu.memory_space<semaphore_mem>>)
        %dma_wait3A_1016 = arith.constant 136 : i32
        %dma_wait3A_1017 = arith.constant 0 : i32
        %dma_wait3A_1018 = tpu.memref_slice %arg7[%dma_wait3A_1016, %dma_wait3A_1017] : memref<152x128xf32, #tpu.memory_space<vmem>> -> memref<8x16xf32, #tpu.memory_space<vmem>>
        %dma_wait3A_1019 = arith.constant 136 : i32
        %dma_wait3A_1020 = tpu.memref_slice %arg3[%dma_wait3A_1019, %mul3A_1005] : memref<151x10000xf32, #tpu.memory_space<hbm>> -> memref<8x16xf32, #tpu.memory_space<hbm>>
        %dma_wait3A_1021 = arith.constant 136 : i32
        %dma_wait3A_1022 = tpu.memref_slice %arg3[%dma_wait3A_1021, %mul3A_1005] : memref<151x10000xf32, #tpu.memory_space<hbm>> -> memref<8x16xf32, #tpu.memory_space<hbm>>
        %dma_wait3A_1023 = arith.constant 136 : i32
        %dma_wait3A_1024 = arith.constant 0 : i32
        %dma_wait3A_1025 = tpu.memref_slice %arg7[%dma_wait3A_1023, %dma_wait3A_1024] : memref<152x128xf32, #tpu.memory_space<vmem>> -> memref<8x16xf32, #tpu.memory_space<vmem>>
        tpu.wait_dma2 semaphore(%run_scoped3A : memref<!tpu.dma_semaphore, #tpu.memory_space<semaphore_mem>>) src(%dma_wait3A_1025 : memref<8x16xf32, #tpu.memory_space<vmem>>) dst(%dma_wait3A_1022 : memref<8x16xf32, #tpu.memory_space<hbm>>)
        tpu.yield
      }) : () -> ()
      "tpu.region"() ({
        %run_scoped3A = tpu.sem_alloc : memref<!tpu.dma_semaphore, #tpu.memory_space<semaphore_mem>>
        %dma_start3A_1006 = arith.constant 144 : i32
        %dma_start3A_1007 = arith.constant 0 : i32
        %dma_start3A_1008 = tpu.memref_slice %arg7[%dma_start3A_1006, %dma_start3A_1007] : memref<152x128xf32, #tpu.memory_space<vmem>> -> memref<7x16xf32, #tpu.memory_space<vmem>>
        %dma_start3A_1009 = arith.constant 144 : i32
        %dma_start3A_1010 = tpu.memref_slice %arg3[%dma_start3A_1009, %mul3A_1005] : memref<151x10000xf32, #tpu.memory_space<hbm>> -> memref<7x16xf32, #tpu.memory_space<hbm>>
        %dma_start3A_1011 = arith.constant 144 : i32
        %dma_start3A_1012 = tpu.memref_slice %arg3[%dma_start3A_1011, %mul3A_1005] : memref<151x10000xf32, #tpu.memory_space<hbm>> -> memref<7x16xf32, #tpu.memory_space<hbm>>
        %dma_start3A_1013 = arith.constant 144 : i32
        %dma_start3A_1014 = arith.constant 0 : i32
        %dma_start3A_1015 = tpu.memref_slice %arg7[%dma_start3A_1013, %dma_start3A_1014] : memref<152x128xf32, #tpu.memory_space<vmem>> -> memref<7x16xf32, #tpu.memory_space<vmem>>
        tpu.enqueue_dma source(%dma_start3A_1015 : memref<7x16xf32, #tpu.memory_space<vmem>>) target(%dma_start3A_1012 : memref<7x16xf32, #tpu.memory_space<hbm>>) target_semaphore(%run_scoped3A : memref<!tpu.dma_semaphore, #tpu.memory_space<semaphore_mem>>)
        %dma_wait3A_1016 = arith.constant 144 : i32
        %dma_wait3A_1017 = arith.constant 0 : i32
        %dma_wait3A_1018 = tpu.memref_slice %arg7[%dma_wait3A_1016, %dma_wait3A_1017] : memref<152x128xf32, #tpu.memory_space<vmem>> -> memref<7x16xf32, #tpu.memory_space<vmem>>
        %dma_wait3A_1019 = arith.constant 144 : i32
        %dma_wait3A_1020 = tpu.memref_slice %arg3[%dma_wait3A_1019, %mul3A_1005] : memref<151x10000xf32, #tpu.memory_space<hbm>> -> memref<7x16xf32, #tpu.memory_space<hbm>>
        %dma_wait3A_1021 = arith.constant 144 : i32
        %dma_wait3A_1022 = tpu.memref_slice %arg3[%dma_wait3A_1021, %mul3A_1005] : memref<151x10000xf32, #tpu.memory_space<hbm>> -> memref<7x16xf32, #tpu.memory_space<hbm>>
        %dma_wait3A_1023 = arith.constant 144 : i32
        %dma_wait3A_1024 = arith.constant 0 : i32
        %dma_wait3A_1025 = tpu.memref_slice %arg7[%dma_wait3A_1023, %dma_wait3A_1024] : memref<152x128xf32, #tpu.memory_space<vmem>> -> memref<7x16xf32, #tpu.memory_space<vmem>>
        tpu.wait_dma2 semaphore(%run_scoped3A : memref<!tpu.dma_semaphore, #tpu.memory_space<semaphore_mem>>) src(%dma_wait3A_1025 : memref<7x16xf32, #tpu.memory_space<vmem>>) dst(%dma_wait3A_1022 : memref<7x16xf32, #tpu.memory_space<hbm>>)
        tpu.yield
      }) : () -> ()
    } else {
    }
    %dma_wait3A_705 = arith.constant 0 : i32
    %dma_wait3A_706 = arith.constant 0 : i32
    %dma_wait3A_707 = tpu.memref_slice %arg8[%dma_wait3A_705, %dma_wait3A_706] : memref<152x128xf32, #tpu.memory_space<vmem>> -> memref<8x128xf32, #tpu.memory_space<vmem>>
    %dma_wait3A_708 = arith.constant 0 : i32
    %dma_wait3A_709 = tpu.memref_slice %arg3[%dma_wait3A_708, %mul3A_311] : memref<151x10000xf32, #tpu.memory_space<hbm>> -> memref<8x128xf32, #tpu.memory_space<hbm>>
    %dma_wait3A_710 = arith.constant 0 : i32
    %dma_wait3A_711 = tpu.memref_slice %arg3[%dma_wait3A_710, %mul3A_311] : memref<151x10000xf32, #tpu.memory_space<hbm>> -> memref<8x128xf32, #tpu.memory_space<hbm>>
    %dma_wait3A_712 = arith.constant 0 : i32
    %dma_wait3A_713 = arith.constant 0 : i32
    %dma_wait3A_714 = tpu.memref_slice %arg8[%dma_wait3A_712, %dma_wait3A_713] : memref<152x128xf32, #tpu.memory_space<vmem>> -> memref<8x128xf32, #tpu.memory_space<vmem>>
    tpu.wait_dma2 semaphore(%arg13 : memref<!tpu.dma_semaphore, #tpu.memory_space<semaphore_mem>>) src(%dma_wait3A_714 : memref<8x128xf32, #tpu.memory_space<vmem>>) dst(%dma_wait3A_711 : memref<8x128xf32, #tpu.memory_space<hbm>>)
    %dma_wait3A_715 = arith.constant 8 : i32
    %dma_wait3A_716 = arith.constant 0 : i32
    %dma_wait3A_717 = tpu.memref_slice %arg8[%dma_wait3A_715, %dma_wait3A_716] : memref<152x128xf32, #tpu.memory_space<vmem>> -> memref<8x128xf32, #tpu.memory_space<vmem>>
    %dma_wait3A_718 = arith.constant 8 : i32
    %dma_wait3A_719 = tpu.memref_slice %arg3[%dma_wait3A_718, %mul3A_311] : memref<151x10000xf32, #tpu.memory_space<hbm>> -> memref<8x128xf32, #tpu.memory_space<hbm>>
    %dma_wait3A_720 = arith.constant 8 : i32
    %dma_wait3A_721 = tpu.memref_slice %arg3[%dma_wait3A_720, %mul3A_311] : memref<151x10000xf32, #tpu.memory_space<hbm>> -> memref<8x128xf32, #tpu.memory_space<hbm>>
    %dma_wait3A_722 = arith.constant 8 : i32
    %dma_wait3A_723 = arith.constant 0 : i32
    %dma_wait3A_724 = tpu.memref_slice %arg8[%dma_wait3A_722, %dma_wait3A_723] : memref<152x128xf32, #tpu.memory_space<vmem>> -> memref<8x128xf32, #tpu.memory_space<vmem>>
    tpu.wait_dma2 semaphore(%arg13 : memref<!tpu.dma_semaphore, #tpu.memory_space<semaphore_mem>>) src(%dma_wait3A_724 : memref<8x128xf32, #tpu.memory_space<vmem>>) dst(%dma_wait3A_721 : memref<8x128xf32, #tpu.memory_space<hbm>>)
    %dma_wait3A_725 = arith.constant 16 : i32
    %dma_wait3A_726 = arith.constant 0 : i32
    %dma_wait3A_727 = tpu.memref_slice %arg8[%dma_wait3A_725, %dma_wait3A_726] : memref<152x128xf32, #tpu.memory_space<vmem>> -> memref<8x128xf32, #tpu.memory_space<vmem>>
    %dma_wait3A_728 = arith.constant 16 : i32
    %dma_wait3A_729 = tpu.memref_slice %arg3[%dma_wait3A_728, %mul3A_311] : memref<151x10000xf32, #tpu.memory_space<hbm>> -> memref<8x128xf32, #tpu.memory_space<hbm>>
    %dma_wait3A_730 = arith.constant 16 : i32
    %dma_wait3A_731 = tpu.memref_slice %arg3[%dma_wait3A_730, %mul3A_311] : memref<151x10000xf32, #tpu.memory_space<hbm>> -> memref<8x128xf32, #tpu.memory_space<hbm>>
    %dma_wait3A_732 = arith.constant 16 : i32
    %dma_wait3A_733 = arith.constant 0 : i32
    %dma_wait3A_734 = tpu.memref_slice %arg8[%dma_wait3A_732, %dma_wait3A_733] : memref<152x128xf32, #tpu.memory_space<vmem>> -> memref<8x128xf32, #tpu.memory_space<vmem>>
    tpu.wait_dma2 semaphore(%arg13 : memref<!tpu.dma_semaphore, #tpu.memory_space<semaphore_mem>>) src(%dma_wait3A_734 : memref<8x128xf32, #tpu.memory_space<vmem>>) dst(%dma_wait3A_731 : memref<8x128xf32, #tpu.memory_space<hbm>>)
    %dma_wait3A_735 = arith.constant 24 : i32
    %dma_wait3A_736 = arith.constant 0 : i32
    %dma_wait3A_737 = tpu.memref_slice %arg8[%dma_wait3A_735, %dma_wait3A_736] : memref<152x128xf32, #tpu.memory_space<vmem>> -> memref<8x128xf32, #tpu.memory_space<vmem>>
    %dma_wait3A_738 = arith.constant 24 : i32
    %dma_wait3A_739 = tpu.memref_slice %arg3[%dma_wait3A_738, %mul3A_311] : memref<151x10000xf32, #tpu.memory_space<hbm>> -> memref<8x128xf32, #tpu.memory_space<hbm>>
    %dma_wait3A_740 = arith.constant 24 : i32
    %dma_wait3A_741 = tpu.memref_slice %arg3[%dma_wait3A_740, %mul3A_311] : memref<151x10000xf32, #tpu.memory_space<hbm>> -> memref<8x128xf32, #tpu.memory_space<hbm>>
    %dma_wait3A_742 = arith.constant 24 : i32
    %dma_wait3A_743 = arith.constant 0 : i32
    %dma_wait3A_744 = tpu.memref_slice %arg8[%dma_wait3A_742, %dma_wait3A_743] : memref<152x128xf32, #tpu.memory_space<vmem>> -> memref<8x128xf32, #tpu.memory_space<vmem>>
    tpu.wait_dma2 semaphore(%arg13 : memref<!tpu.dma_semaphore, #tpu.memory_space<semaphore_mem>>) src(%dma_wait3A_744 : memref<8x128xf32, #tpu.memory_space<vmem>>) dst(%dma_wait3A_741 : memref<8x128xf32, #tpu.memory_space<hbm>>)
    %dma_wait3A_745 = arith.constant 32 : i32
    %dma_wait3A_746 = arith.constant 0 : i32
    %dma_wait3A_747 = tpu.memref_slice %arg8[%dma_wait3A_745, %dma_wait3A_746] : memref<152x128xf32, #tpu.memory_space<vmem>> -> memref<8x128xf32, #tpu.memory_space<vmem>>
    %dma_wait3A_748 = arith.constant 32 : i32
    %dma_wait3A_749 = tpu.memref_slice %arg3[%dma_wait3A_748, %mul3A_311] : memref<151x10000xf32, #tpu.memory_space<hbm>> -> memref<8x128xf32, #tpu.memory_space<hbm>>
    %dma_wait3A_750 = arith.constant 32 : i32
    %dma_wait3A_751 = tpu.memref_slice %arg3[%dma_wait3A_750, %mul3A_311] : memref<151x10000xf32, #tpu.memory_space<hbm>> -> memref<8x128xf32, #tpu.memory_space<hbm>>
    %dma_wait3A_752 = arith.constant 32 : i32
    %dma_wait3A_753 = arith.constant 0 : i32
    %dma_wait3A_754 = tpu.memref_slice %arg8[%dma_wait3A_752, %dma_wait3A_753] : memref<152x128xf32, #tpu.memory_space<vmem>> -> memref<8x128xf32, #tpu.memory_space<vmem>>
    tpu.wait_dma2 semaphore(%arg13 : memref<!tpu.dma_semaphore, #tpu.memory_space<semaphore_mem>>) src(%dma_wait3A_754 : memref<8x128xf32, #tpu.memory_space<vmem>>) dst(%dma_wait3A_751 : memref<8x128xf32, #tpu.memory_space<hbm>>)
    %dma_wait3A_755 = arith.constant 40 : i32
    %dma_wait3A_756 = arith.constant 0 : i32
    %dma_wait3A_757 = tpu.memref_slice %arg8[%dma_wait3A_755, %dma_wait3A_756] : memref<152x128xf32, #tpu.memory_space<vmem>> -> memref<8x128xf32, #tpu.memory_space<vmem>>
    %dma_wait3A_758 = arith.constant 40 : i32
    %dma_wait3A_759 = tpu.memref_slice %arg3[%dma_wait3A_758, %mul3A_311] : memref<151x10000xf32, #tpu.memory_space<hbm>> -> memref<8x128xf32, #tpu.memory_space<hbm>>
    %dma_wait3A_760 = arith.constant 40 : i32
    %dma_wait3A_761 = tpu.memref_slice %arg3[%dma_wait3A_760, %mul3A_311] : memref<151x10000xf32, #tpu.memory_space<hbm>> -> memref<8x128xf32, #tpu.memory_space<hbm>>
    %dma_wait3A_762 = arith.constant 40 : i32
    %dma_wait3A_763 = arith.constant 0 : i32
    %dma_wait3A_764 = tpu.memref_slice %arg8[%dma_wait3A_762, %dma_wait3A_763] : memref<152x128xf32, #tpu.memory_space<vmem>> -> memref<8x128xf32, #tpu.memory_space<vmem>>
    tpu.wait_dma2 semaphore(%arg13 : memref<!tpu.dma_semaphore, #tpu.memory_space<semaphore_mem>>) src(%dma_wait3A_764 : memref<8x128xf32, #tpu.memory_space<vmem>>) dst(%dma_wait3A_761 : memref<8x128xf32, #tpu.memory_space<hbm>>)
    %dma_wait3A_765 = arith.constant 48 : i32
    %dma_wait3A_766 = arith.constant 0 : i32
    %dma_wait3A_767 = tpu.memref_slice %arg8[%dma_wait3A_765, %dma_wait3A_766] : memref<152x128xf32, #tpu.memory_space<vmem>> -> memref<8x128xf32, #tpu.memory_space<vmem>>
    %dma_wait3A_768 = arith.constant 48 : i32
    %dma_wait3A_769 = tpu.memref_slice %arg3[%dma_wait3A_768, %mul3A_311] : memref<151x10000xf32, #tpu.memory_space<hbm>> -> memref<8x128xf32, #tpu.memory_space<hbm>>
    %dma_wait3A_770 = arith.constant 48 : i32
    %dma_wait3A_771 = tpu.memref_slice %arg3[%dma_wait3A_770, %mul3A_311] : memref<151x10000xf32, #tpu.memory_space<hbm>> -> memref<8x128xf32, #tpu.memory_space<hbm>>
    %dma_wait3A_772 = arith.constant 48 : i32
    %dma_wait3A_773 = arith.constant 0 : i32
    %dma_wait3A_774 = tpu.memref_slice %arg8[%dma_wait3A_772, %dma_wait3A_773] : memref<152x128xf32, #tpu.memory_space<vmem>> -> memref<8x128xf32, #tpu.memory_space<vmem>>
    tpu.wait_dma2 semaphore(%arg13 : memref<!tpu.dma_semaphore, #tpu.memory_space<semaphore_mem>>) src(%dma_wait3A_774 : memref<8x128xf32, #tpu.memory_space<vmem>>) dst(%dma_wait3A_771 : memref<8x128xf32, #tpu.memory_space<hbm>>)
    %dma_wait3A_775 = arith.constant 56 : i32
    %dma_wait3A_776 = arith.constant 0 : i32
    %dma_wait3A_777 = tpu.memref_slice %arg8[%dma_wait3A_775, %dma_wait3A_776] : memref<152x128xf32, #tpu.memory_space<vmem>> -> memref<8x128xf32, #tpu.memory_space<vmem>>
    %dma_wait3A_778 = arith.constant 56 : i32
    %dma_wait3A_779 = tpu.memref_slice %arg3[%dma_wait3A_778, %mul3A_311] : memref<151x10000xf32, #tpu.memory_space<hbm>> -> memref<8x128xf32, #tpu.memory_space<hbm>>
    %dma_wait3A_780 = arith.constant 56 : i32
    %dma_wait3A_781 = tpu.memref_slice %arg3[%dma_wait3A_780, %mul3A_311] : memref<151x10000xf32, #tpu.memory_space<hbm>> -> memref<8x128xf32, #tpu.memory_space<hbm>>
    %dma_wait3A_782 = arith.constant 56 : i32
    %dma_wait3A_783 = arith.constant 0 : i32
    %dma_wait3A_784 = tpu.memref_slice %arg8[%dma_wait3A_782, %dma_wait3A_783] : memref<152x128xf32, #tpu.memory_space<vmem>> -> memref<8x128xf32, #tpu.memory_space<vmem>>
    tpu.wait_dma2 semaphore(%arg13 : memref<!tpu.dma_semaphore, #tpu.memory_space<semaphore_mem>>) src(%dma_wait3A_784 : memref<8x128xf32, #tpu.memory_space<vmem>>) dst(%dma_wait3A_781 : memref<8x128xf32, #tpu.memory_space<hbm>>)
    %dma_wait3A_785 = arith.constant 64 : i32
    %dma_wait3A_786 = arith.constant 0 : i32
    %dma_wait3A_787 = tpu.memref_slice %arg8[%dma_wait3A_785, %dma_wait3A_786] : memref<152x128xf32, #tpu.memory_space<vmem>> -> memref<8x128xf32, #tpu.memory_space<vmem>>
    %dma_wait3A_788 = arith.constant 64 : i32
    %dma_wait3A_789 = tpu.memref_slice %arg3[%dma_wait3A_788, %mul3A_311] : memref<151x10000xf32, #tpu.memory_space<hbm>> -> memref<8x128xf32, #tpu.memory_space<hbm>>
    %dma_wait3A_790 = arith.constant 64 : i32
    %dma_wait3A_791 = tpu.memref_slice %arg3[%dma_wait3A_790, %mul3A_311] : memref<151x10000xf32, #tpu.memory_space<hbm>> -> memref<8x128xf32, #tpu.memory_space<hbm>>
    %dma_wait3A_792 = arith.constant 64 : i32
    %dma_wait3A_793 = arith.constant 0 : i32
    %dma_wait3A_794 = tpu.memref_slice %arg8[%dma_wait3A_792, %dma_wait3A_793] : memref<152x128xf32, #tpu.memory_space<vmem>> -> memref<8x128xf32, #tpu.memory_space<vmem>>
    tpu.wait_dma2 semaphore(%arg13 : memref<!tpu.dma_semaphore, #tpu.memory_space<semaphore_mem>>) src(%dma_wait3A_794 : memref<8x128xf32, #tpu.memory_space<vmem>>) dst(%dma_wait3A_791 : memref<8x128xf32, #tpu.memory_space<hbm>>)
    %dma_wait3A_795 = arith.constant 72 : i32
    %dma_wait3A_796 = arith.constant 0 : i32
    %dma_wait3A_797 = tpu.memref_slice %arg8[%dma_wait3A_795, %dma_wait3A_796] : memref<152x128xf32, #tpu.memory_space<vmem>> -> memref<8x128xf32, #tpu.memory_space<vmem>>
    %dma_wait3A_798 = arith.constant 72 : i32
    %dma_wait3A_799 = tpu.memref_slice %arg3[%dma_wait3A_798, %mul3A_311] : memref<151x10000xf32, #tpu.memory_space<hbm>> -> memref<8x128xf32, #tpu.memory_space<hbm>>
    %dma_wait3A_800 = arith.constant 72 : i32
    %dma_wait3A_801 = tpu.memref_slice %arg3[%dma_wait3A_800, %mul3A_311] : memref<151x10000xf32, #tpu.memory_space<hbm>> -> memref<8x128xf32, #tpu.memory_space<hbm>>
    %dma_wait3A_802 = arith.constant 72 : i32
    %dma_wait3A_803 = arith.constant 0 : i32
    %dma_wait3A_804 = tpu.memref_slice %arg8[%dma_wait3A_802, %dma_wait3A_803] : memref<152x128xf32, #tpu.memory_space<vmem>> -> memref<8x128xf32, #tpu.memory_space<vmem>>
    tpu.wait_dma2 semaphore(%arg13 : memref<!tpu.dma_semaphore, #tpu.memory_space<semaphore_mem>>) src(%dma_wait3A_804 : memref<8x128xf32, #tpu.memory_space<vmem>>) dst(%dma_wait3A_801 : memref<8x128xf32, #tpu.memory_space<hbm>>)
    %dma_wait3A_805 = arith.constant 80 : i32
    %dma_wait3A_806 = arith.constant 0 : i32
    %dma_wait3A_807 = tpu.memref_slice %arg8[%dma_wait3A_805, %dma_wait3A_806] : memref<152x128xf32, #tpu.memory_space<vmem>> -> memref<8x128xf32, #tpu.memory_space<vmem>>
    %dma_wait3A_808 = arith.constant 80 : i32
    %dma_wait3A_809 = tpu.memref_slice %arg3[%dma_wait3A_808, %mul3A_311] : memref<151x10000xf32, #tpu.memory_space<hbm>> -> memref<8x128xf32, #tpu.memory_space<hbm>>
    %dma_wait3A_810 = arith.constant 80 : i32
    %dma_wait3A_811 = tpu.memref_slice %arg3[%dma_wait3A_810, %mul3A_311] : memref<151x10000xf32, #tpu.memory_space<hbm>> -> memref<8x128xf32, #tpu.memory_space<hbm>>
    %dma_wait3A_812 = arith.constant 80 : i32
    %dma_wait3A_813 = arith.constant 0 : i32
    %dma_wait3A_814 = tpu.memref_slice %arg8[%dma_wait3A_812, %dma_wait3A_813] : memref<152x128xf32, #tpu.memory_space<vmem>> -> memref<8x128xf32, #tpu.memory_space<vmem>>
    tpu.wait_dma2 semaphore(%arg13 : memref<!tpu.dma_semaphore, #tpu.memory_space<semaphore_mem>>) src(%dma_wait3A_814 : memref<8x128xf32, #tpu.memory_space<vmem>>) dst(%dma_wait3A_811 : memref<8x128xf32, #tpu.memory_space<hbm>>)
    %dma_wait3A_815 = arith.constant 88 : i32
    %dma_wait3A_816 = arith.constant 0 : i32
    %dma_wait3A_817 = tpu.memref_slice %arg8[%dma_wait3A_815, %dma_wait3A_816] : memref<152x128xf32, #tpu.memory_space<vmem>> -> memref<8x128xf32, #tpu.memory_space<vmem>>
    %dma_wait3A_818 = arith.constant 88 : i32
    %dma_wait3A_819 = tpu.memref_slice %arg3[%dma_wait3A_818, %mul3A_311] : memref<151x10000xf32, #tpu.memory_space<hbm>> -> memref<8x128xf32, #tpu.memory_space<hbm>>
    %dma_wait3A_820 = arith.constant 88 : i32
    %dma_wait3A_821 = tpu.memref_slice %arg3[%dma_wait3A_820, %mul3A_311] : memref<151x10000xf32, #tpu.memory_space<hbm>> -> memref<8x128xf32, #tpu.memory_space<hbm>>
    %dma_wait3A_822 = arith.constant 88 : i32
    %dma_wait3A_823 = arith.constant 0 : i32
    %dma_wait3A_824 = tpu.memref_slice %arg8[%dma_wait3A_822, %dma_wait3A_823] : memref<152x128xf32, #tpu.memory_space<vmem>> -> memref<8x128xf32, #tpu.memory_space<vmem>>
    tpu.wait_dma2 semaphore(%arg13 : memref<!tpu.dma_semaphore, #tpu.memory_space<semaphore_mem>>) src(%dma_wait3A_824 : memref<8x128xf32, #tpu.memory_space<vmem>>) dst(%dma_wait3A_821 : memref<8x128xf32, #tpu.memory_space<hbm>>)
    %dma_wait3A_825 = arith.constant 96 : i32
    %dma_wait3A_826 = arith.constant 0 : i32
    %dma_wait3A_827 = tpu.memref_slice %arg8[%dma_wait3A_825, %dma_wait3A_826] : memref<152x128xf32, #tpu.memory_space<vmem>> -> memref<8x128xf32, #tpu.memory_space<vmem>>
    %dma_wait3A_828 = arith.constant 96 : i32
    %dma_wait3A_829 = tpu.memref_slice %arg3[%dma_wait3A_828, %mul3A_311] : memref<151x10000xf32, #tpu.memory_space<hbm>> -> memref<8x128xf32, #tpu.memory_space<hbm>>
    %dma_wait3A_830 = arith.constant 96 : i32
    %dma_wait3A_831 = tpu.memref_slice %arg3[%dma_wait3A_830, %mul3A_311] : memref<151x10000xf32, #tpu.memory_space<hbm>> -> memref<8x128xf32, #tpu.memory_space<hbm>>
    %dma_wait3A_832 = arith.constant 96 : i32
    %dma_wait3A_833 = arith.constant 0 : i32
    %dma_wait3A_834 = tpu.memref_slice %arg8[%dma_wait3A_832, %dma_wait3A_833] : memref<152x128xf32, #tpu.memory_space<vmem>> -> memref<8x128xf32, #tpu.memory_space<vmem>>
    tpu.wait_dma2 semaphore(%arg13 : memref<!tpu.dma_semaphore, #tpu.memory_space<semaphore_mem>>) src(%dma_wait3A_834 : memref<8x128xf32, #tpu.memory_space<vmem>>) dst(%dma_wait3A_831 : memref<8x128xf32, #tpu.memory_space<hbm>>)
    %dma_wait3A_835 = arith.constant 104 : i32
    %dma_wait3A_836 = arith.constant 0 : i32
    %dma_wait3A_837 = tpu.memref_slice %arg8[%dma_wait3A_835, %dma_wait3A_836] : memref<152x128xf32, #tpu.memory_space<vmem>> -> memref<8x128xf32, #tpu.memory_space<vmem>>
    %dma_wait3A_838 = arith.constant 104 : i32
    %dma_wait3A_839 = tpu.memref_slice %arg3[%dma_wait3A_838, %mul3A_311] : memref<151x10000xf32, #tpu.memory_space<hbm>> -> memref<8x128xf32, #tpu.memory_space<hbm>>
    %dma_wait3A_840 = arith.constant 104 : i32
    %dma_wait3A_841 = tpu.memref_slice %arg3[%dma_wait3A_840, %mul3A_311] : memref<151x10000xf32, #tpu.memory_space<hbm>> -> memref<8x128xf32, #tpu.memory_space<hbm>>
    %dma_wait3A_842 = arith.constant 104 : i32
    %dma_wait3A_843 = arith.constant 0 : i32
    %dma_wait3A_844 = tpu.memref_slice %arg8[%dma_wait3A_842, %dma_wait3A_843] : memref<152x128xf32, #tpu.memory_space<vmem>> -> memref<8x128xf32, #tpu.memory_space<vmem>>
    tpu.wait_dma2 semaphore(%arg13 : memref<!tpu.dma_semaphore, #tpu.memory_space<semaphore_mem>>) src(%dma_wait3A_844 : memref<8x128xf32, #tpu.memory_space<vmem>>) dst(%dma_wait3A_841 : memref<8x128xf32, #tpu.memory_space<hbm>>)
    %dma_wait3A_845 = arith.constant 112 : i32
    %dma_wait3A_846 = arith.constant 0 : i32
    %dma_wait3A_847 = tpu.memref_slice %arg8[%dma_wait3A_845, %dma_wait3A_846] : memref<152x128xf32, #tpu.memory_space<vmem>> -> memref<8x128xf32, #tpu.memory_space<vmem>>
    %dma_wait3A_848 = arith.constant 112 : i32
    %dma_wait3A_849 = tpu.memref_slice %arg3[%dma_wait3A_848, %mul3A_311] : memref<151x10000xf32, #tpu.memory_space<hbm>> -> memref<8x128xf32, #tpu.memory_space<hbm>>
    %dma_wait3A_850 = arith.constant 112 : i32
    %dma_wait3A_851 = tpu.memref_slice %arg3[%dma_wait3A_850, %mul3A_311] : memref<151x10000xf32, #tpu.memory_space<hbm>> -> memref<8x128xf32, #tpu.memory_space<hbm>>
    %dma_wait3A_852 = arith.constant 112 : i32
    %dma_wait3A_853 = arith.constant 0 : i32
    %dma_wait3A_854 = tpu.memref_slice %arg8[%dma_wait3A_852, %dma_wait3A_853] : memref<152x128xf32, #tpu.memory_space<vmem>> -> memref<8x128xf32, #tpu.memory_space<vmem>>
    tpu.wait_dma2 semaphore(%arg13 : memref<!tpu.dma_semaphore, #tpu.memory_space<semaphore_mem>>) src(%dma_wait3A_854 : memref<8x128xf32, #tpu.memory_space<vmem>>) dst(%dma_wait3A_851 : memref<8x128xf32, #tpu.memory_space<hbm>>)
    %dma_wait3A_855 = arith.constant 120 : i32
    %dma_wait3A_856 = arith.constant 0 : i32
    %dma_wait3A_857 = tpu.memref_slice %arg8[%dma_wait3A_855, %dma_wait3A_856] : memref<152x128xf32, #tpu.memory_space<vmem>> -> memref<8x128xf32, #tpu.memory_space<vmem>>
    %dma_wait3A_858 = arith.constant 120 : i32
    %dma_wait3A_859 = tpu.memref_slice %arg3[%dma_wait3A_858, %mul3A_311] : memref<151x10000xf32, #tpu.memory_space<hbm>> -> memref<8x128xf32, #tpu.memory_space<hbm>>
    %dma_wait3A_860 = arith.constant 120 : i32
    %dma_wait3A_861 = tpu.memref_slice %arg3[%dma_wait3A_860, %mul3A_311] : memref<151x10000xf32, #tpu.memory_space<hbm>> -> memref<8x128xf32, #tpu.memory_space<hbm>>
    %dma_wait3A_862 = arith.constant 120 : i32
    %dma_wait3A_863 = arith.constant 0 : i32
    %dma_wait3A_864 = tpu.memref_slice %arg8[%dma_wait3A_862, %dma_wait3A_863] : memref<152x128xf32, #tpu.memory_space<vmem>> -> memref<8x128xf32, #tpu.memory_space<vmem>>
    tpu.wait_dma2 semaphore(%arg13 : memref<!tpu.dma_semaphore, #tpu.memory_space<semaphore_mem>>) src(%dma_wait3A_864 : memref<8x128xf32, #tpu.memory_space<vmem>>) dst(%dma_wait3A_861 : memref<8x128xf32, #tpu.memory_space<hbm>>)
    %dma_wait3A_865 = arith.constant 128 : i32
    %dma_wait3A_866 = arith.constant 0 : i32
    %dma_wait3A_867 = tpu.memref_slice %arg8[%dma_wait3A_865, %dma_wait3A_866] : memref<152x128xf32, #tpu.memory_space<vmem>> -> memref<8x128xf32, #tpu.memory_space<vmem>>
    %dma_wait3A_868 = arith.constant 128 : i32
    %dma_wait3A_869 = tpu.memref_slice %arg3[%dma_wait3A_868, %mul3A_311] : memref<151x10000xf32, #tpu.memory_space<hbm>> -> memref<8x128xf32, #tpu.memory_space<hbm>>
    %dma_wait3A_870 = arith.constant 128 : i32
    %dma_wait3A_871 = tpu.memref_slice %arg3[%dma_wait3A_870, %mul3A_311] : memref<151x10000xf32, #tpu.memory_space<hbm>> -> memref<8x128xf32, #tpu.memory_space<hbm>>
    %dma_wait3A_872 = arith.constant 128 : i32
    %dma_wait3A_873 = arith.constant 0 : i32
    %dma_wait3A_874 = tpu.memref_slice %arg8[%dma_wait3A_872, %dma_wait3A_873] : memref<152x128xf32, #tpu.memory_space<vmem>> -> memref<8x128xf32, #tpu.memory_space<vmem>>
    tpu.wait_dma2 semaphore(%arg13 : memref<!tpu.dma_semaphore, #tpu.memory_space<semaphore_mem>>) src(%dma_wait3A_874 : memref<8x128xf32, #tpu.memory_space<vmem>>) dst(%dma_wait3A_871 : memref<8x128xf32, #tpu.memory_space<hbm>>)
    %dma_wait3A_875 = arith.constant 136 : i32
    %dma_wait3A_876 = arith.constant 0 : i32
    %dma_wait3A_877 = tpu.memref_slice %arg8[%dma_wait3A_875, %dma_wait3A_876] : memref<152x128xf32, #tpu.memory_space<vmem>> -> memref<8x128xf32, #tpu.memory_space<vmem>>
    %dma_wait3A_878 = arith.constant 136 : i32
    %dma_wait3A_879 = tpu.memref_slice %arg3[%dma_wait3A_878, %mul3A_311] : memref<151x10000xf32, #tpu.memory_space<hbm>> -> memref<8x128xf32, #tpu.memory_space<hbm>>
    %dma_wait3A_880 = arith.constant 136 : i32
    %dma_wait3A_881 = tpu.memref_slice %arg3[%dma_wait3A_880, %mul3A_311] : memref<151x10000xf32, #tpu.memory_space<hbm>> -> memref<8x128xf32, #tpu.memory_space<hbm>>
    %dma_wait3A_882 = arith.constant 136 : i32
    %dma_wait3A_883 = arith.constant 0 : i32
    %dma_wait3A_884 = tpu.memref_slice %arg8[%dma_wait3A_882, %dma_wait3A_883] : memref<152x128xf32, #tpu.memory_space<vmem>> -> memref<8x128xf32, #tpu.memory_space<vmem>>
    tpu.wait_dma2 semaphore(%arg13 : memref<!tpu.dma_semaphore, #tpu.memory_space<semaphore_mem>>) src(%dma_wait3A_884 : memref<8x128xf32, #tpu.memory_space<vmem>>) dst(%dma_wait3A_881 : memref<8x128xf32, #tpu.memory_space<hbm>>)
    %dma_wait3A_885 = arith.constant 144 : i32
    %dma_wait3A_886 = arith.constant 0 : i32
    %dma_wait3A_887 = tpu.memref_slice %arg8[%dma_wait3A_885, %dma_wait3A_886] : memref<152x128xf32, #tpu.memory_space<vmem>> -> memref<7x128xf32, #tpu.memory_space<vmem>>
    %dma_wait3A_888 = arith.constant 144 : i32
    %dma_wait3A_889 = tpu.memref_slice %arg3[%dma_wait3A_888, %mul3A_311] : memref<151x10000xf32, #tpu.memory_space<hbm>> -> memref<7x128xf32, #tpu.memory_space<hbm>>
    %dma_wait3A_890 = arith.constant 144 : i32
    %dma_wait3A_891 = tpu.memref_slice %arg3[%dma_wait3A_890, %mul3A_311] : memref<151x10000xf32, #tpu.memory_space<hbm>> -> memref<7x128xf32, #tpu.memory_space<hbm>>
    %dma_wait3A_892 = arith.constant 144 : i32
    %dma_wait3A_893 = arith.constant 0 : i32
    %dma_wait3A_894 = tpu.memref_slice %arg8[%dma_wait3A_892, %dma_wait3A_893] : memref<152x128xf32, #tpu.memory_space<vmem>> -> memref<7x128xf32, #tpu.memory_space<vmem>>
    tpu.wait_dma2 semaphore(%arg13 : memref<!tpu.dma_semaphore, #tpu.memory_space<semaphore_mem>>) src(%dma_wait3A_894 : memref<7x128xf32, #tpu.memory_space<vmem>>) dst(%dma_wait3A_891 : memref<7x128xf32, #tpu.memory_space<hbm>>)
    return
  }
}

</mosaic_0001>

<sc_bundles>
// kernel: kernel.3.cloned.1.call-start
scs
__scs_entry_jumppad:
0x0: {  	(pc) =	sbr.rel $0x88, $3  }
0x1: {  	(tag) =	ssettag $0x0;
	lr =	simm.s32 $0x1  }
0x2: {  	[smem:$0x3FA0] =	sst lr;
	_ =	strace $0xD0000000  }
0x3: {  	_ = 	snop  }
0x4: {  	_ = 	snop  }
0x5: {  	_ = 	snop  }
0x6: {  	_ = 	snop  }
0x7: {  	_ = 	snop  }
__scs_overlays_trampoline_lowered:
0x8: {  	[smem:$0x3FAF] =	sst s0  }
0x9: {  	[smem:$0x3FB0] =	sst s1  }
0xa: {  	[smem:$0x3FB1] =	sst s2  }
0xb: {  	[smem:$0x3FB2] =	sst s3  }
0xc: {  	[smem:$0x3FB3] =	sst s4  }
0xd: {  	[smem:$0x3FB4] =	sst s5  }
0xe: {  	[smem:$0x3FB5] =	sst s6  }
0xf: {  	[smem:$0x3FB6] =	sst s7  }
0x10: {  	[smem:$0x3FB7] =	sst s8  }
0x11: {  	[smem:$0x3FB8] =	sst s9;
	s0 =	simm.s32 @!p0 $0x0  }
0x12: {  	s1 =	sld [smem:$0x3F9E];
	s0 =	simm.s32 @p0 $0x1  }
0x13: {  	[smem:$0x3FB9] =	sst s0;
	s0 =	simm.s32 @!p1 $0x0  }
0x14: {  	s2 =	sld [smem:$0x3F9D];
	s0 =	simm.s32 @p1 $0x1  }
0x15: {  	[smem:$0x3FBA] =	sst s0;
	s0 =	simm.s32 @!p2 $0x0  }
0x16: {  	s3 =	sld [smem:$0x3FDB];
	s0 =	simm.s32 @p2 $0x1  }
0x17: {  	s4 =	simm.s32 $0x1BF5;
	[smem:$0x3FBC] =	sst s0  }
0x18: {  	s0 =	sld [smem:$0x3F9F];
	_ =	swait.ge [sflag:s4], $0x0  }
0x19: {  	s7 =	sld [smem:$0x3FA0]  }
0x1a: {  	s8 =	sadd.s32 $0xFFFFE003, lr  }
0x1b: {  	s9 =	sadd.s32 $0xFFFFFEF7, lr;
	s5 =	simm.s32 $0xFFFFFFFF;
	p2 =	slt.u32 s8, $0xFFFFF086  }
0x1c: {  	p1 =	slt.u32 s9, $0xF7A;
	s5 =	simm.s32 @!p2 $0x0  }
0x1d: {  	s5 =	simm.s32 @p1 $0x1;
	p0 =	seq.s32 s7, s2  }
0x1e: {  	s7 =	smul.u32 @!p0 $0xF7A, s2;
	p2 =	seq.s32 @!p0 s5, $0x0  }
0x1f: {  	s9 =	smul.u32 $0xF7A, s1;
	s8 =	simm.s32 @!p0 $0x1BF5;
	p2 =	por !p2, p0  }
0x20: {  	[sflag:s8] =	ssyncset.s32 @!p0 $0xFFFFF086;
	s6 =	sadd.s32 @!p0 s3, s7;
	s7 =	simm.s32 @!p0 $0x108  }
0x21: {  	s3 =	sadd.s32 s3, s9;
	s6 =	sadd.s32 @!p0 $0x88, s6;
	s7 =	simm.s32 @p2 $0x1082  }
0x22: {  	[simem:s7], [sflag:s8] =	dma.local @!p0 [hbm:s6], $0xF7A  }
0x23: {  	s9 =	sor.u32 $0xD0000000, s2;
	s6 =	simm.s32 $0x108;
	_ =	swait.ge @!p0 [sflag:s8], $0x0  }
0x24: {  	s3 =	sadd.s32 $0x88, s3;
	s6 =	simm.s32 @!p1 $0x1082;
	[sflag:s4] =	ssyncset.s32 $0xFFFFF086  }
0x25: {  	[simem:s6], [sflag:s4] =	dma.local [hbm:s3], $0xF7A  }
0x26: {  	[smem:$0x3FA0] =	sst s1;
	(tag) =	ssettag s2;
	_ =	strace s9  }
0x27: {  	s1 =	sld [smem:$0x3FB0]  }
0x28: {  	s2 =	sld [smem:$0x3FB1]  }
0x29: {  	s4 =	sld [smem:$0x3FB3]  }
0x2a: {  	p0 =	seq.s32 s5, $0x0;
	s5 =	sld [smem:$0x3FB4]  }
0x2b: {  	s6 =	sld [smem:$0x3FB5]  }
0x2c: {  	s7 =	sld [smem:$0x3FB6]  }
0x2d: {  	s3 =	simm.s32 $0x108;
	s8 =	sld [smem:$0x3FB7]  }
0x2e: {  	s3 =	simm.s32 @!p0 $0x1082;
	s9 =	sld [smem:$0x3FB8]  }
0x2f: {  	lr =	sadd.s32 s0, s3;
	s0 =	sld [smem:$0x3FAF]  }
0x30: {  	s3 =	sld [smem:$0x3FB2]  }
0x31: {  	[smem:$0x3FBB] =	sst s10  }
0x32: {  	s10 =	sld [smem:$0x3FB9];
	_ =	sdelay $0x3  }
0x33: {  	p0 =	seq.s32 s10, $0x1;
	s10 =	sld [smem:$0x3FBB];
	_ =	sdelay $0x3  }
0x34: {  	[smem:$0x3FBB] =	sst s10  }
0x35: {  	s10 =	sld [smem:$0x3FBA];
	_ =	sdelay $0x3  }
0x36: {  	p1 =	seq.s32 s10, $0x1;
	s10 =	sld [smem:$0x3FBB];
	_ =	sdelay $0x3  }
0x37: {  	[smem:$0x3FBB] =	sst s10  }
0x38: {  	s10 =	sld [smem:$0x3FBC]  }
0x39: {  	_ = 	snop;
	(pc) =	sbr.ind lr, $3  }
0x3a: {  	_ = 	snop  }
0x3b: {  	_ = 	snop  }
0x3c: {  	p2 =	seq.s32 s10, $0x1;
	s10 =	sld [smem:$0x3FBB]  }
0x3d: {  	_ =	shalt  }
0x3e: {  	_ =	shalt  }
0x3f: {  	_ =	shalt  }
0x40: {  	_ =	shalt  }
0x41: {  	_ =	shalt  }
0x42: {  	_ =	shalt  }
0x43: {  	_ =	shalt  }
0x44: {  	_ =	shalt  }
0x45: {  	_ =	shalt  }
0x46: {  	_ =	shalt  }
0x47: {  	_ =	shalt  }
0x48: {  	_ =	shalt  }
0x49: {  	_ =	shalt  }
0x4a: {  	_ =	shalt  }
0x4b: {  	_ =	shalt  }
0x4c: {  	_ =	shalt  }
0x4d: {  	_ =	shalt  }
0x4e: {  	_ =	shalt  }
0x4f: {  	_ =	shalt  }
0x50: {  	_ =	shalt  }
0x51: {  	_ =	shalt  }
0x52: {  	_ =	shalt  }
0x53: {  	_ =	shalt  }
0x54: {  	_ =	shalt  }
0x55: {  	_ =	shalt  }
0x56: {  	_ =	shalt  }
0x57: {  	_ =	shalt  }
0x58: {  	_ =	shalt  }
0x59: {  	_ =	shalt  }
0x5a: {  	_ =	shalt  }
0x5b: {  	_ =	shalt  }
0x5c: {  	_ =	shalt  }
0x5d: {  	_ =	shalt  }
0x5e: {  	_ =	shalt  }
0x5f: {  	_ =	shalt  }
0x60: {  	_ =	shalt  }
0x61: {  	_ =	shalt  }
0x62: {  	_ =	shalt  }
0x63: {  	_ =	shalt  }
0x64: {  	_ =	shalt  }
0x65: {  	_ =	shalt  }
0x66: {  	_ =	shalt  }
0x67: {  	_ =	shalt  }
0x68: {  	_ =	shalt  }
0x69: {  	_ =	shalt  }
0x6a: {  	_ =	shalt  }
0x6b: {  	_ =	shalt  }
0x6c: {  	_ =	shalt  }
0x6d: {  	_ =	shalt  }
0x6e: {  	_ =	shalt  }
0x6f: {  	_ =	shalt  }
0x70: {  	_ =	shalt  }
0x71: {  	_ =	shalt  }
0x72: {  	_ =	shalt  }
0x73: {  	_ =	shalt  }
0x74: {  	_ =	shalt  }
0x75: {  	_ =	shalt  }
0x76: {  	_ =	shalt  }
0x77: {  	_ =	shalt  }
0x78: {  	_ =	shalt  }
0x79: {  	_ =	shalt  }
0x7a: {  	_ =	shalt  }
0x7b: {  	_ =	shalt  }
0x7c: {  	_ =	shalt  }
0x7d: {  	_ =	shalt  }
0x7e: {  	_ =	shalt  }
0x7f: {  	_ =	shalt  }
0x80: {  	_ =	shalt  }
0x81: {  	_ =	shalt  }
0x82: {  	_ =	shalt  }
0x83: {  	_ =	shalt  }
0x84: {  	_ =	shalt  }
0x85: {  	_ =	shalt  }
0x86: {  	_ =	shalt  }
0x87: {  	_ =	shalt  }
.Lfunc_end0:
.L_simem_size_0:
called_computation_lowered:
.L_overlay_start_0:
0x88: {  	s2 =	sld [smem:$0x3FD9]  }
0x89: {  	s3 =	sld [smem:$0x3FFE];
	_ =	sdelay $0x1  }
0x8a: {  	s1 =	srdreg.scid  }
0x8b: {  	s0 =	sand.u32 $0x1, s1  }
0x8c: {  	s18 =	sshll.u32 s0, $0xA;
	s2 =	sadd.s32 s3, s2  }
0x8d: {  	s2 =	sadd.s32 s2, s18  }
0x8e: {  	[smem:$0x3FC7] =	sst s2  }
0x8f: {  	_ = 	snop  }
0x90: {  	s2 =	sld [smem:$0x3FC9]  }
0x91: {  	s19 =	sld [smem:$0x3FD0];
	(tm) =	ssettm $0x1  }
0x92: {  	s4 =	sld [smem:$0x3FFB];
	_ =	sdelay $0x3  }
0x93: {  	_ =	strace s4  }
0x94: {  	s4 =	sld [smem:$0x3FFC];
	_ =	sdelay $0x3  }
0x95: {  	_ =	strace s4  }
0x96: {  	s4 =	sld [smem:$0x3FFD];
	_ =	sdelay $0x3  }
0x97: {  	_ =	strace s4  }
0x98: {  	_ =	strace $0x8FFFFFFF  }
0x99: {  	s20 =	sld [smem:$0x3FDB];
	_ =	sdelay $0x1  }
0x9a: {  	s5 =	simm.s32 $_scs_section_size  }
0x9b: {  	s6 =	simm.s32 $_size__tile_overlayer_lowered;
	s7 =	simm.s32 $_tile_overlayer_lowered  }
0x9c: {  	s23 =	simm.s32 $0x1BFF;
	s22 =	sshll.u32 s7, $0x1;
	s4 =	sadd.s32 s5, s20  }
0x9d: {  	s8 =	simm.s32 $0x0;
	s21 =	sshll.u32 s6, $0x1;
	s6 =	sadd.s32 s22, s4  }
0x9e: {  	[timem:s8], [sflag:s23] =	dma.local [hbm:s6], s21  }
0x9f: {  	_ =	swait.ge [sflag:s23], s21  }
0xa0: {  	s5 =	ssub.s32 $0x0, s21;
	[sflag:s23] =	ssyncset.done $0x0  }
0xa1: {  	[sflag:s23] =	ssyncadd.s32 s5;
	_ =	sdelay $0x1  }
0xa2: {  	s24 =	simm.s32 $0x1B8B  }
0xa3: {  	_ =	swait.ge [sflag:s24], $0x1  }
0xa4: {  	[sflag:s24] =	ssyncset.done $0x0  }
0xa5: {  	s25 =	simm.s32 $0x1B8E;
	[sflag:s24] =	ssyncadd.s32 $0xFFFFFFFF  }
0xa6: {  	s26 =	simm.s32 $execute0_lowered;
	[smem:$0x3FD2] =	sst s25  }
0xa7: {  	s5 =	sshll.u32 s26, $0x1;
	_ =	strace $0x80000046;
	[dreg:$0x1] =	wrdreg $0xFFFFFFFF  }
0xa8: {  	s28 =	simm.s32 $_size_execute0_lowered;
	s4 =	sadd.s32 s4, s5;
	[dreg:$0x0] =	wrdreg $0x0  }
0xa9: {  	s5 =	sshll.u32 s28, $0x1;
	[dreg:$0x2] =	wrdreg s4  }
0xaa: {  	[dreg:$0x3] =	wrdreg s5  }
0xab: {  	[dreg:$0x4] =	wrdreg $0xC0  }
0xac: {  	_ =	task [dreg:s8], $0x5FFFF  }
0xad: {  	[dreg:$0x1] =	wrdreg $0xFFFFFFFF  }
0xae: {  	[dreg:$0x0] =	wrdreg $0x60  }
0xaf: {  	[dreg:$0x2] =	wrdreg s2  }
0xb0: {  	[dreg:$0x3] =	wrdreg s19  }
0xb1: {  	[dreg:$0x4] =	wrdreg $0x9  }
0xb2: {  	_ =	task.clear_ibuf [dreg:s8], $0x5FFFF;
	_ =	strace $0x90000046  }
0xb3: {  	s29 =	simm.s32 $0x9;
	_ =	strace $0x80000048  }
0xb4: {  	_ =	swait.ge [sflag:s29], $0x1  }
0xb5: {  	[sflag:s29] =	ssyncadd.s32 $0xFFFFFFFF  }
0xb6: {  	_ =	strace $0x90000048  }
0xb7: {  	_ =	sfence  }
0xb8: {  	s30 =	sld [smem:$0x0];
	_ =	sdelay $0x2  }
0xb9: {  	s31 =	sshll.u32 s1, $0xD;
	s1 =	sshrl.u32 s1, $0x2  }
0xba: {  	s3 =	sand.u32 $0x4000, s31;
	s1 =	sadd.s32 s1, s30  }
0xbb: {  	s0 =	sor.u32 s3, s0;
	s1 =	sshll.u32 s1, $0x11  }
0xbc: {  	s0 =	sor.u32 s1, s0  }
0xbd: {  	s0 =	sadd.s32 $0x8F2B, s0  }
0xbe: {  	[sflag:s0] =	ssyncadd.remote.s32 $0x1  }
0xbf: {  	_ =	sfence.sel $0xFFFF  }
0xc0: {  	[dreg:$0x0] =	wrdreg $0xFFFFFFFF;
	(pc) =	sbr.abs _section_cstart, $3  }
0xc1: {  	[dreg:$0x1] =	wrdreg $0xFFFFFFFF  }
0xc2: {  	_ =	task.clear_ibuf [dreg:s8], $0x2FFFF;
	_ =	strace $0x9FFFFFFF  }
0xc3: {  	(tm) =	ssettm $0x7FFFFFFF  }
tec
execute0_lowered:
.L_overlay_start_1:
0x0: {  	(tag) =	ssettag $0x1  }
0x1: {  	s0 =	rddreg [dreg:$0x0]  }
0x2: {  	s1 =	rddreg [dreg:$0x1]  }
0x3: {  	s3 =	srdreg.scid;
	s29 =	stileid.u32;
	s2 =	simm.s32 $0x0  }
0x4: {  	s3 =	sand.u32 $0x1, s3;
	s4 =	sshll.u32 s29, $0x1;
	[smem:$0x7FF] =	sst s2  }
0x5: {  	s11 =	sadd.s32 $0x7600, s1;
	s12 =	sadd.s32 $0x9D80, s1;
	s13 =	sadd.s32 $0xC500, s1  }
0x6: {  	s14 =	sadd.s32 $0xEC80, s1;
	s15 =	sadd.s32 $0x11400, s1;
	s16 =	sadd.s32 $0x13B80, s1  }
0x7: {  	s17 =	sadd.s32 $0x16300, s1;
	s5 =	ssub.s32 $0x2, s3;
	s3 =	sor.u32 s3, s4  }
0x8: {  	_ =	strace $0x80000047;
	s6 =	sshll.u32 s3, $0x7;
	s8 =	sshll.u32 s3, $0x4  }
0x9: {  	s24 =	sshrl.u32 s5, $0x1;
	s25 =	sor.u32 $0x1000, s6;
	s8 =	sadd.s32 s0, s8  }
0xa: {  	s7 =	sor.u32 $0x2000, s6;
	s6 =	sadd.s32 s1, s6;
	[dreg:$0x3] =	wrdreg s8  }
0xb: {  	s4 =	ssub.s32 s5, s24;
	s5 =	sadd.s32 s1, s25;
	[smem:$0x7EA] =	sst s6  }
0xc: {  	p2 =	sgt.u32 s29, $0x6;
	s8 =	smax.u32 s4, $0x1;
	[dreg:$0x6] =	wrdreg s5  }
0xd: {  	p0 =	sgt.u32 s3, $0xE;
	s29 =	sadd.s32 $0x4F00, s6;
	[dreg:$0x8] =	wrdreg s8  }
0xe: {  	p1 =	sne.s32 s3, $0xE;
	s3 =	sadd.s32 $0x7680, s6;
	[dreg:$0xa] =	wrdreg s29  }
0xf: {  	s9 =	sshrl.u32 s25, $0x3;
	s4 =	sadd.s32 $0x9E00, s6;
	[dreg:$0xb] =	wrdreg s3  }
0x10: {  	s18 =	sadd.s32 $0x18A80, s1;
	s26 =	sadd.s32 s0, s9;
	[dreg:$0xc] =	wrdreg s4  }
0x11: {  	s19 =	sadd.s32 $0x1B200, s1;
	s5 =	sadd.s32 $0xC580, s6;
	[dreg:$0x4] =	wrdreg s26  }
0x12: {  	s20 =	sadd.s32 $0x1D980, s1;
	s8 =	sadd.s32 $0x11480, s6;
	[dreg:$0xd] =	wrdreg s5  }
0x13: {  	s21 =	sadd.s32 $0x20100, s1;
	s29 =	sadd.s32 $0x16380, s6;
	[dreg:$0xf] =	wrdreg s8  }
0x14: {  	s10 =	smin.u32 s7, $0x2690;
	s3 =	sadd.s32 $0x18B00, s6;
	[dreg:$0x11] =	wrdreg s29  }
0x15: {  	s28 =	sshrl.u32 s10, $0x3;
	s4 =	sadd.s32 $0x1B280, s6;
	[dreg:$0x12] =	wrdreg s3  }
0x16: {  	s22 =	sadd.s32 $0x22880, s1;
	s0 =	sadd.s32 s0, s28;
	[dreg:$0x13] =	wrdreg s4  }
0x17: {  	s23 =	sadd.s32 $0x25000, s1;
	s28 =	sadd.s32 $0x2780, s6;
	[dreg:$0x5] =	wrdreg s0  }
0x18: {  	s24 =	sadd.s32 $0x27780, s1;
	s5 =	sadd.s32 $0x1DA00, s6;
	[dreg:$0x9] =	wrdreg s28  }
0x19: {  	s25 =	sadd.s32 $0x29F00, s1;
	s8 =	sadd.s32 $0x22900, s6;
	[dreg:$0x14] =	wrdreg s5  }
0x1a: {  	s9 =	sadd.s32 $0x2700, s1;
	s29 =	sadd.s32 $0x27800, s6;
	[dreg:$0x16] =	wrdreg s8  }
0x1b: {  	s10 =	sadd.s32 $0x4E80, s1;
	s3 =	sadd.s32 $0x29F80, s6;
	[dreg:$0x18] =	wrdreg s29  }
0x1c: {  	s26 =	sadd.s32 $0x2C680, s1;
	s4 =	sadd.s32 $0x2C700, s6;
	[dreg:$0x19] =	wrdreg s3  }
0x1d: {  	s0 =	sadd.s32 s1, s7;
	s1 =	sadd.s32 $0x2EE00, s1;
	[smem:$0x7DE] =	sst s4  }
0x1e: {  	s7 =	sadd.s32 $0xED00, s6;
	[smem:$0x7DD] =	sst s1  }
0x1f: {  	s28 =	sadd.s32 $0x13C00, s6;
	[dreg:$0xe] =	wrdreg s7  }
0x20: {  	s5 =	sadd.s32 $0x3780, s6;
	[dreg:$0x10] =	wrdreg s28  }
0x21: {  	s8 =	sadd.s32 $0x8680, s6;
	[dreg:$0x1a] =	wrdreg s5  }
0x22: {  	s29 =	sadd.s32 $0xD580, s6;
	[dreg:$0x1c] =	wrdreg s8  }
0x23: {  	s3 =	sadd.s32 $0xFD00, s6;
	[dreg:$0x1e] =	wrdreg s29  }
0x24: {  	s4 =	sadd.s32 $0x12480, s6;
	[dreg:$0x1f] =	wrdreg s3  }
0x25: {  	[smem:$0x7DF] =	sst s4  }
0x26: {  	s7 =	sadd.s32 $0x20180, s6;
	[dreg:$0x7] =	wrdreg s0  }
0x27: {  	s28 =	sadd.s32 $0x25080, s6;
	[dreg:$0x15] =	wrdreg s7  }
0x28: {  	s5 =	sadd.s32 $0x14C00, s6;
	[dreg:$0x17] =	wrdreg s28  }
0x29: {  	s8 =	sadd.s32 $0x19B00, s6;
	[smem:$0x7E0] =	sst s5  }
0x2a: {  	s29 =	sadd.s32 $0x1EA00, s6;
	[smem:$0x7E2] =	sst s8  }
0x2b: {  	s3 =	sadd.s32 $0x21180, s6;
	[smem:$0x7E4] =	sst s29  }
0x2c: {  	s4 =	sadd.s32 $0x23900, s6;
	[smem:$0x7E5] =	sst s3  }
0x2d: {  	s7 =	sadd.s32 $0x5F00, s6;
	[smem:$0x7E6] =	sst s4  }
0x2e: {  	s28 =	sadd.s32 $0xAE00, s6;
	[dreg:$0x1b] =	wrdreg s7  }
0x2f: {  	s5 =	sadd.s32 $0x26080, s6;
	[dreg:$0x1d] =	wrdreg s28  }
0x30: {  	s8 =	sadd.s32 $0x2AF80, s6;
	[smem:$0x7E7] =	sst s5  }
0x31: {  	s29 =	sadd.s32 $0x2780, s0;
	[smem:$0x7E9] =	sst s8  }
0x32: {  	s3 =	sadd.s32 $0x4F00, s0;
	[smem:$0x7EC] =	sst s29  }
0x33: {  	s4 =	sadd.s32 $0x7680, s0;
	[smem:$0x7ED] =	sst s3  }
0x34: {  	s7 =	sadd.s32 $0x17380, s6;
	[smem:$0x7EE] =	sst s4  }
0x35: {  	s28 =	sadd.s32 $0x1C280, s6;
	[smem:$0x7E1] =	sst s7  }
0x36: {  	s5 =	sadd.s32 $0x9E00, s0;
	[smem:$0x7E3] =	sst s28  }
0x37: {  	s8 =	sadd.s32 $0x11480, s0;
	[smem:$0x7EF] =	sst s5  }
0x38: {  	s29 =	sadd.s32 $0x16380, s0;
	[smem:$0x7F2] =	sst s8  }
0x39: {  	s3 =	sadd.s32 $0x18B00, s0;
	[smem:$0x7F4] =	sst s29  }
0x3a: {  	s4 =	sadd.s32 $0x1B280, s0;
	[smem:$0x7F5] =	sst s3  }
0x3b: {  	s7 =	sadd.s32 $0x28800, s6;
	[smem:$0x7F6] =	sst s4  }
0x3c: {  	s28 =	sadd.s32 $0x2D700, s6;
	[smem:$0x7E8] =	sst s7  }
0x3d: {  	s6 =	sadd.s32 $0xC580, s0;
	[smem:$0x7EB] =	sst s28  }
0x3e: {  	s5 =	sadd.s32 $0x1DA00, s0;
	[smem:$0x7F0] =	sst s6  }
0x3f: {  	s8 =	sadd.s32 $0x25080, s0;
	[smem:$0x7F7] =	sst s5  }
0x40: {  	s29 =	sadd.s32 $0x29F80, s0;
	[smem:$0x7FA] =	sst s8  }
0x41: {  	s30 =	simm.s32 $0x4;
	s7 =	sadd.s32 $0xED00, s0;
	[smem:$0x7FC] =	sst s29  }
0x42: {  	s31 =	simm.s32 $0x9580;
	s28 =	sadd.s32 $0x13C00, s0;
	[smem:$0x7F1] =	sst s7  }
.Ltmp0:
0x43: {  	s6 =	sadd.s32 $0x20180, s0;
	[smem:$0x7F3] =	sst s28;
	(pc) =	sbr.rel .LBB2_1-.Ltmp0, $4  }
0x44: {  	v0 =	vimm.f32 $-1.000000000e+03;
	v1 =	vlaneseq.u32;
	s1 =	simm.s32 $0x6;
	[smem:$0x7F8] =	sst s6;
	s7 =	sadd.s32 $0x22900, s0  }
0x45: {  	v2 =	vimm.f32 $1.000000000e+03;
	vm0 =	vmxor vm0, vm0;
	v3 =	vor.u32 $0x10, v1;
	s3 =	simm.s32 $0x5;
	s28 =	sadd.s32 $0x27800, s0;
	[smem:$0x7F9] =	sst s7  }
0x46: {  	v4 =	vor.u32 $0x20, v1;
	v5 =	vor.u32 $0x30, v1;
	v6 =	vor.u32 $0x40, v1;
	s4 =	simm.s32 $0x0;
	s0 =	sadd.s32 $0x2C700, s0;
	[smem:$0x7FB] =	sst s28  }
0x47: {  	v7 =	vor.u32 $0x50, v1;
	v8 =	vor.u32 $0x60, v1;
	v9 =	vor.u32 $0x70, v1;
	s5 =	simm.s32 $0x180;
	[smem:$0x7FD] =	sst s0;
	s0 =	simm.s32 $0x4D80  }
.LBB2_7:
0x48: {  	_ =	swait.ge [sflag:s3], $0x400  }
0x49: {  	[sflag:s3] =	ssyncset.done $0x0  }
0x4a: {  	[sflag:s3] =	ssyncadd.s32 $0xFFFFFC00  }
0x4b: {  	_ =	swait.ge [sflag:s3], $0x400  }
0x4c: {  	[sflag:s3] =	ssyncset.done $0x0  }
0x4d: {  	[sflag:s3] =	ssyncadd.s32 $0xFFFFFC00  }
0x4e: {  	_ =	swait.ge [sflag:s3], $0x400  }
0x4f: {  	[sflag:s3] =	ssyncset.done $0x0  }
0x50: {  	[sflag:s3] =	ssyncadd.s32 $0xFFFFFC00  }
0x51: {  	_ =	swait.ge [sflag:s3], $0x400  }
0x52: {  	[sflag:s3] =	ssyncset.done $0x0  }
0x53: {  	[sflag:s3] =	ssyncadd.s32 $0xFFFFFC00  }
0x54: {  	_ =	swait.ge [sflag:s3], $0x400  }
0x55: {  	[sflag:s3] =	ssyncset.done $0x0  }
0x56: {  	[sflag:s3] =	ssyncadd.s32 $0xFFFFFC00  }
0x57: {  	_ =	swait.ge [sflag:s3], $0x400  }
0x58: {  	[sflag:s3] =	ssyncset.done $0x0  }
0x59: {  	[sflag:s3] =	ssyncadd.s32 $0xFFFFFC00  }
0x5a: {  	_ =	swait.ge [sflag:s3], $0x400  }
0x5b: {  	[sflag:s3] =	ssyncset.done $0x0  }
0x5c: {  	[sflag:s3] =	ssyncadd.s32 $0xFFFFFC00  }
0x5d: {  	_ =	swait.ge [sflag:s3], $0x400  }
0x5e: {  	[sflag:s3] =	ssyncset.done $0x0  }
0x5f: {  	[sflag:s3] =	ssyncadd.s32 $0xFFFFFC00  }
0x60: {  	_ =	swait.ge [sflag:s3], $0x400  }
0x61: {  	[sflag:s3] =	ssyncset.done $0x0  }
0x62: {  	[sflag:s3] =	ssyncadd.s32 $0xFFFFFC00  }
0x63: {  	_ =	swait.ge [sflag:s3], $0x400  }
0x64: {  	[sflag:s3] =	ssyncset.done $0x0  }
0x65: {  	[sflag:s3] =	ssyncadd.s32 $0xFFFFFC00  }
0x66: {  	_ =	swait.ge [sflag:s3], $0x400  }
0x67: {  	[sflag:s3] =	ssyncset.done $0x0  }
0x68: {  	[sflag:s3] =	ssyncadd.s32 $0xFFFFFC00  }
0x69: {  	_ =	swait.ge [sflag:s3], $0x400  }
0x6a: {  	[sflag:s3] =	ssyncset.done $0x0  }
0x6b: {  	[sflag:s3] =	ssyncadd.s32 $0xFFFFFC00  }
0x6c: {  	_ =	swait.ge [sflag:s3], $0x400  }
0x6d: {  	[sflag:s3] =	ssyncset.done $0x0  }
0x6e: {  	[sflag:s3] =	ssyncadd.s32 $0xFFFFFC00  }
0x6f: {  	_ =	swait.ge [sflag:s3], $0x400  }
0x70: {  	[sflag:s3] =	ssyncset.done $0x0  }
0x71: {  	[sflag:s3] =	ssyncadd.s32 $0xFFFFFC00  }
0x72: {  	_ =	swait.ge [sflag:s3], $0x400  }
0x73: {  	[sflag:s3] =	ssyncset.done $0x0  }
0x74: {  	[sflag:s3] =	ssyncadd.s32 $0xFFFFFC00  }
0x75: {  	_ =	swait.ge [sflag:s3], $0x400  }
0x76: {  	[sflag:s3] =	ssyncset.done $0x0  }
0x77: {  	[sflag:s3] =	ssyncadd.s32 $0xFFFFFC00  }
0x78: {  	_ =	swait.ge [sflag:s3], $0x400  }
0x79: {  	[sflag:s3] =	ssyncset.done $0x0  }
0x7a: {  	[sflag:s3] =	ssyncadd.s32 $0xFFFFFC00  }
0x7b: {  	_ =	swait.ge [sflag:s3], $0x400  }
0x7c: {  	[sflag:s3] =	ssyncset.done $0x0  }
0x7d: {  	[sflag:s3] =	ssyncadd.s32 $0xFFFFFC00  }
0x7e: {  	_ =	swait.ge [sflag:s3], $0x380  }
0x7f: {  	s4 =	sadd.s32 $0x1, s4;
	s7 =	rddreg [dreg:$0x8]  }
0x80: {  	p3 =	sne.s32 s4, s7  }
.Ltmp1:
0x81: {  	_ = 	snop;
	(pc) =	sbr.rel @!p3 .LBB2_8-.Ltmp1, $3  }
0x82: {  	_ =	sdelay $0x1  }
0x83: {  	[sflag:s3] =	ssyncset.done $0x0  }
0x84: {  	[sflag:s3] =	ssyncadd.s32 $0xFFFFFC80  }
.LBB2_1:
0x85: {  	s7 =	rddreg [dreg:$0x3]  }
0x86: {  	s6 =	rddreg [dreg:$0x4]  }
0x87: {  	[tilespmem:s2], [sflag:$0x1] =	stream.linear.gather [hbm4b:s7+s2], $0x80, $0x38;
	[tilespmem:$0x9980] =	vst v63  }
0x88: {  	s8 =	simm.s32 $0x80;
	s28 =	rddreg [dreg:$0x5]  }
0x89: {  	[tilespmem:s8], [sflag:$0x2] =	stream.linear.gather [hbm4b:s6+s2], $0x80, $0x38;
	[tilespmem:$0x9980] =	vst v63  }
0x8a: {  	s29 =	simm.s32 $0x100;
	s7 =	simm.s32 $0x0;
	s8 =	simm.s32 $0x200  }
0x8b: {  	[tilespmem:s29], [sflag:$0x3] =	stream.linear.gather [hbm4b:s28+s2], $0x80, $0x38;
	[tilespmem:$0x9980] =	vst v63  }
.LBB2_2:
0x8c: {  	p3 =	sne.s32 s8, $0x12E00;
	[tilespmem:s7+$0x4DF0] =	vst v0  }
0x8d: {  	[tilespmem:s7+$0x180] =	vst v0  }
0x8e: {  	[tilespmem:s7+$0x190] =	vst v0  }
0x8f: {  	[tilespmem:s7+$0x1A0] =	vst v0  }
0x90: {  	[tilespmem:s7+$0x1B0] =	vst v0  }
0x91: {  	[tilespmem:s7+$0x1C0] =	vst v0  }
0x92: {  	[tilespmem:s7+$0x1D0] =	vst v0  }
0x93: {  	[tilespmem:s7+$0x1E0] =	vst v0  }
0x94: {  	[tilespmem:s7+$0x1F0] =	vst v0  }
0x95: {  	[tilespmem:s7+$0x4D80] =	vst v0  }
0x96: {  	[tilespmem:s7+$0x4D90] =	vst v0  }
.Ltmp2:
0x97: {  	[tilespmem:s7+$0x4DA0] =	vst v0;
	(pc) =	sbr.rel @p3 .LBB2_2-.Ltmp2, $4  }
0x98: {  	[tilespmem:s7+$0x4DB0] =	vst v0  }
0x99: {  	[tilespmem:s7+$0x4DC0] =	vst v0  }
0x9a: {  	[tilespmem:s7+$0x4DD0] =	vst v0  }
0x9b: {  	[tilespmem:s7+$0x4DE0] =	vst v0;
	s7 =	sshra.s32 s8, $0x2;
	s8 =	sadd.s32 $0x200, s8  }
0x9c: {  	[tilespmem:s7+$0x4DF0] =	vst v0  }
0x9d: {  	[tilespmem:s7+$0x180] =	vst v0  }
0x9e: {  	[tilespmem:s7+$0x190] =	vst v0  }
0x9f: {  	[tilespmem:s7+$0x1A0] =	vst v0  }
0xa0: {  	[tilespmem:s7+$0x1B0] =	vst v0  }
0xa1: {  	[tilespmem:s7+$0x1C0] =	vst v0  }
0xa2: {  	[tilespmem:s7+$0x1D0] =	vst v0  }
0xa3: {  	[tilespmem:s7+$0x1E0] =	vst v0  }
0xa4: {  	[tilespmem:s7+$0x1F0] =	vst v0  }
0xa5: {  	[tilespmem:s7+$0x4D80] =	vst v0  }
0xa6: {  	[tilespmem:s7+$0x4D90] =	vst v0  }
0xa7: {  	[tilespmem:s7+$0x4DA0] =	vst v0  }
0xa8: {  	[tilespmem:s7+$0x4DB0] =	vst v0  }
0xa9: {  	[tilespmem:s7+$0x4DC0] =	vst v0  }
0xaa: {  	[tilespmem:s7+$0x4DD0] =	vst v0  }
0xab: {  	[tilespmem:s7+$0x4DE0] =	vst v0;
	s8 =	simm.s32 $0x1  }
0xac: {  	_ =	swait.ge [sflag:s8], $0x80  }
0xad: {  	[sflag:s8] =	ssyncset.done $0x0  }
0xae: {  	s28 =	simm.s32 $0x2;
	[sflag:s8] =	ssyncadd.s32 $0xFFFFFF80  }
0xaf: {  	_ =	swait.ge [sflag:s28], $0x80  }
0xb0: {  	[sflag:s28] =	ssyncset.done $0x0  }
0xb1: {  	s29 =	simm.s32 $0x3;
	[sflag:s28] =	ssyncadd.s32 $0xFFFFFF80  }
0xb2: {  	_ =	swait.ge [sflag:s29], $0x80  }
0xb3: {  	[sflag:s29] =	ssyncset.done $0x0  }
0xb4: {  	[sflag:s29] =	ssyncadd.s32 $0xFFFFFF80  }
0xb5: {  	v10 =	vld [tilespmem:$0x0];
	_ =	sdelay $0x4  }
0xb6: {  	v10 =	vshll.u32 v10, $0x7  }
0xb7: {  	v10 =	vor.u32 v1, v10;
	_ =	sdelay $0x4  }
0xb8: {  	[tilespmem:v10+s5+$0x0] =	vst.idx.msk $0xffff, v2  }
0xb9: {  	v10 =	vld [tilespmem:$0x10];
	_ =	sdelay $0x4  }
0xba: {  	v10 =	vshll.u32 v10, $0x7  }
0xbb: {  	v10 =	vor.u32 v3, v10;
	_ =	sdelay $0x4  }
0xbc: {  	[tilespmem:v10+s5+$0x0] =	vst.idx.msk $0xffff, v2  }
0xbd: {  	v10 =	vld [tilespmem:$0x20];
	_ =	sdelay $0x4  }
0xbe: {  	v10 =	vshll.u32 v10, $0x7  }
0xbf: {  	v10 =	vor.u32 v4, v10;
	_ =	sdelay $0x4  }
0xc0: {  	[tilespmem:v10+s5+$0x0] =	vst.idx.msk $0xffff, v2  }
0xc1: {  	v10 =	vld [tilespmem:$0x30];
	_ =	sdelay $0x4  }
0xc2: {  	v10 =	vshll.u32 v10, $0x7  }
0xc3: {  	v10 =	vor.u32 v5, v10;
	_ =	sdelay $0x4  }
0xc4: {  	[tilespmem:v10+s5+$0x0] =	vst.idx.msk $0xffff, v2  }
0xc5: {  	v10 =	vld [tilespmem:$0x40];
	_ =	sdelay $0x4  }
0xc6: {  	v10 =	vshll.u32 v10, $0x7  }
0xc7: {  	v10 =	vor.u32 v6, v10;
	_ =	sdelay $0x4  }
0xc8: {  	[tilespmem:v10+s5+$0x0] =	vst.idx.msk $0xffff, v2  }
0xc9: {  	v10 =	vld [tilespmem:$0x50];
	_ =	sdelay $0x4  }
0xca: {  	v10 =	vshll.u32 v10, $0x7  }
0xcb: {  	v10 =	vor.u32 v7, v10;
	_ =	sdelay $0x4  }
0xcc: {  	[tilespmem:v10+s5+$0x0] =	vst.idx.msk $0xffff, v2  }
0xcd: {  	v10 =	vld [tilespmem:$0x60];
	_ =	sdelay $0x4  }
0xce: {  	v10 =	vshll.u32 v10, $0x7  }
0xcf: {  	v10 =	vor.u32 v8, v10;
	_ =	sdelay $0x4  }
0xd0: {  	[tilespmem:v10+s5+$0x0] =	vst.idx.msk $0xffff, v2  }
0xd1: {  	v10 =	vld [tilespmem:$0x70];
	_ =	sdelay $0x4  }
0xd2: {  	v10 =	vshll.u32 v10, $0x7  }
0xd3: {  	v10 =	vor.u32 v9, v10;
	_ =	sdelay $0x2  }
0xd4: {  	s6 =	sld [smem:$0x7EA];
	_ =	sdelay $0x1  }
0xd5: {  	s28 =	rddreg [dreg:$0xa];
	[tilespmem:v10+s5+$0x0] =	vst.idx.msk $0xffff, v2  }
0xd6: {  	[hbm4b:s6+s2] =	stream.linear.scatter [tilespmem:s5], [sflag:$0x4], $0x400, $0x38;
	[tilespmem:$0x9980] =	vst v63  }
0xd7: {  	s8 =	simm.s32 $0x580;
	s6 =	rddreg [dreg:$0x9]  }
0xd8: {  	[hbm4b:s6+s2] =	stream.linear.scatter [tilespmem:s8], [sflag:$0x4], $0x400, $0x38;
	[tilespmem:$0x9980] =	vst v63  }
0xd9: {  	s7 =	sld [smem:$0x7DE];
	s29 =	simm.s32 $0x980  }
0xda: {  	[hbm4b:s28+s2] =	stream.linear.scatter [tilespmem:s29], [sflag:$0x4], $0x400, $0x38;
	[tilespmem:$0x9980] =	vst v63  }
0xdb: {  	s6 =	rddreg [dreg:$0xb];
	s28 =	simm.s32 $0xD80  }
0xdc: {  	[hbm4b:s6+s2] =	stream.linear.scatter [tilespmem:s28], [sflag:$0x4], $0x400, $0x38;
	[tilespmem:$0x9980] =	vst v63  }
0xdd: {  	s6 =	rddreg [dreg:$0xc];
	s28 =	simm.s32 $0x1180  }
0xde: {  	[hbm4b:s6+s2] =	stream.linear.scatter [tilespmem:s28], [sflag:$0x4], $0x400, $0x38;
	[tilespmem:$0x9980] =	vst v63  }
0xdf: {  	s6 =	rddreg [dreg:$0xd];
	s28 =	simm.s32 $0x1580  }
0xe0: {  	[hbm4b:s6+s2] =	stream.linear.scatter [tilespmem:s28], [sflag:$0x4], $0x400, $0x38;
	[tilespmem:$0x9980] =	vst v63  }
0xe1: {  	s6 =	rddreg [dreg:$0xe];
	s28 =	simm.s32 $0x1980  }
0xe2: {  	[hbm4b:s6+s2] =	stream.linear.scatter [tilespmem:s28], [sflag:$0x4], $0x400, $0x38;
	[tilespmem:$0x9980] =	vst v63  }
0xe3: {  	s6 =	rddreg [dreg:$0xf];
	s28 =	simm.s32 $0x1D80  }
0xe4: {  	[hbm4b:s6+s2] =	stream.linear.scatter [tilespmem:s28], [sflag:$0x4], $0x400, $0x38;
	[tilespmem:$0x9980] =	vst v63  }
0xe5: {  	s6 =	rddreg [dreg:$0x10];
	s28 =	simm.s32 $0x2180  }
0xe6: {  	[hbm4b:s6+s2] =	stream.linear.scatter [tilespmem:s28], [sflag:$0x4], $0x400, $0x38;
	[tilespmem:$0x9980] =	vst v63  }
0xe7: {  	s6 =	rddreg [dreg:$0x11];
	s28 =	simm.s32 $0x2580  }
0xe8: {  	[hbm4b:s6+s2] =	stream.linear.scatter [tilespmem:s28], [sflag:$0x4], $0x400, $0x38;
	[tilespmem:$0x9980] =	vst v63  }
0xe9: {  	s6 =	rddreg [dreg:$0x12];
	s28 =	simm.s32 $0x2980  }
0xea: {  	[hbm4b:s6+s2] =	stream.linear.scatter [tilespmem:s28], [sflag:$0x4], $0x400, $0x38;
	[tilespmem:$0x9980] =	vst v63  }
0xeb: {  	s6 =	rddreg [dreg:$0x13];
	s28 =	simm.s32 $0x2D80  }
0xec: {  	[hbm4b:s6+s2] =	stream.linear.scatter [tilespmem:s28], [sflag:$0x4], $0x400, $0x38;
	[tilespmem:$0x9980] =	vst v63  }
0xed: {  	s6 =	rddreg [dreg:$0x14];
	s28 =	simm.s32 $0x3180  }
0xee: {  	[hbm4b:s6+s2] =	stream.linear.scatter [tilespmem:s28], [sflag:$0x4], $0x400, $0x38;
	[tilespmem:$0x9980] =	vst v63  }
0xef: {  	s6 =	rddreg [dreg:$0x15];
	s28 =	simm.s32 $0x3580  }
0xf0: {  	[hbm4b:s6+s2] =	stream.linear.scatter [tilespmem:s28], [sflag:$0x4], $0x400, $0x38;
	[tilespmem:$0x9980] =	vst v63  }
0xf1: {  	s6 =	rddreg [dreg:$0x16];
	s28 =	simm.s32 $0x3980  }
0xf2: {  	[hbm4b:s6+s2] =	stream.linear.scatter [tilespmem:s28], [sflag:$0x4], $0x400, $0x38;
	[tilespmem:$0x9980] =	vst v63  }
0xf3: {  	s6 =	rddreg [dreg:$0x17];
	s28 =	simm.s32 $0x3D80  }
0xf4: {  	[hbm4b:s6+s2] =	stream.linear.scatter [tilespmem:s28], [sflag:$0x4], $0x400, $0x38;
	[tilespmem:$0x9980] =	vst v63  }
0xf5: {  	s6 =	rddreg [dreg:$0x18];
	s28 =	simm.s32 $0x4180  }
0xf6: {  	[hbm4b:s6+s2] =	stream.linear.scatter [tilespmem:s28], [sflag:$0x4], $0x400, $0x38;
	[tilespmem:$0x9980] =	vst v63  }
0xf7: {  	s6 =	rddreg [dreg:$0x19];
	s28 =	simm.s32 $0x4580  }
0xf8: {  	[hbm4b:s6+s2] =	stream.linear.scatter [tilespmem:s28], [sflag:$0x4], $0x400, $0x38;
	[tilespmem:$0x9980] =	vst v63  }
0xf9: {  	s29 =	simm.s32 $0x400;
	s28 =	simm.s32 $0x13C00;
	s6 =	simm.s32 $0x4980  }
0xfa: {  	[hbm4b:s7+s29] =	stream.strided.scatter [tilespmem:s6], [sflag:$0x4], $0x0, s28, s29, $0x38;
	[tilespmem:$0x9980] =	vst v63  }
0xfb: {  	_ = 	snop  }
0xfc: {  	[hbm4b:s7+s2] =	stream.linear.scatter [tilespmem:s6], [sflag:$0x4], $0x380, $0x38;
	[tilespmem:$0x9980] =	vst v63  }
0xfd: {  	v10 =	vld [tilespmem:$0x80];
	_ =	sdelay $0x4  }
0xfe: {  	v10 =	vshll.u32 v10, $0x7  }
0xff: {  	v10 =	vor.u32 v1, v10;
	_ =	sdelay $0x4  }
0x100: {  	[tilespmem:v10+s0+$0x0] =	vst.idx.msk $0xffff, v2  }
0x101: {  	v10 =	vld [tilespmem:$0x90];
	_ =	sdelay $0x4  }
0x102: {  	v10 =	vshll.u32 v10, $0x7  }
0x103: {  	v10 =	vor.u32 v3, v10;
	_ =	sdelay $0x4  }
0x104: {  	[tilespmem:v10+s0+$0x0] =	vst.idx.msk $0xffff, v2  }
0x105: {  	v10 =	vld [tilespmem:$0xA0];
	_ =	sdelay $0x4  }
0x106: {  	v10 =	vshll.u32 v10, $0x7  }
0x107: {  	v10 =	vor.u32 v4, v10;
	_ =	sdelay $0x4  }
0x108: {  	[tilespmem:v10+s0+$0x0] =	vst.idx.msk $0xffff, v2  }
0x109: {  	v10 =	vld [tilespmem:$0xB0];
	_ =	sdelay $0x4  }
0x10a: {  	v10 =	vshll.u32 v10, $0x7  }
0x10b: {  	v10 =	vor.u32 v5, v10;
	_ =	sdelay $0x4  }
0x10c: {  	[tilespmem:v10+s0+$0x0] =	vst.idx.msk $0xffff, v2  }
0x10d: {  	v10 =	vld [tilespmem:$0xC0];
	_ =	sdelay $0x4  }
0x10e: {  	v10 =	vshll.u32 v10, $0x7  }
0x10f: {  	v10 =	vor.u32 v6, v10;
	_ =	sdelay $0x4  }
0x110: {  	[tilespmem:v10+s0+$0x0] =	vst.idx.msk $0xffff, v2  }
0x111: {  	v10 =	vld [tilespmem:$0xD0];
	_ =	sdelay $0x4  }
0x112: {  	v10 =	vshll.u32 v10, $0x7  }
0x113: {  	v10 =	vor.u32 v7, v10;
	_ =	sdelay $0x4  }
0x114: {  	[tilespmem:v10+s0+$0x0] =	vst.idx.msk $0xffff, v2  }
0x115: {  	v10 =	vld [tilespmem:$0xE0];
	_ =	sdelay $0x4  }
0x116: {  	v10 =	vshll.u32 v10, $0x7  }
0x117: {  	v10 =	vor.u32 v8, v10;
	_ =	sdelay $0x4  }
0x118: {  	[tilespmem:v10+s0+$0x0] =	vst.idx.msk $0xffff, v2  }
0x119: {  	v10 =	vld [tilespmem:$0xF0];
	_ =	sdelay $0x4  }
0x11a: {  	v10 =	vshll.u32 v10, $0x7  }
0x11b: {  	v10 =	vor.u32 v9, v10;
	_ =	sdelay $0x4  }
0x11c: {  	s6 =	rddreg [dreg:$0x6];
	[tilespmem:v10+s0+$0x0] =	vst.idx.msk $0xffff, v2  }
0x11d: {  	[hbm4b:s6+s2] =	stream.linear.scatter [tilespmem:s0], [sflag:$0x5], $0x400, $0x38;
	[tilespmem:$0x9980] =	vst v63  }
0x11e: {  	s7 =	rddreg [dreg:$0x1a];
	s6 =	simm.s32 $0x5180  }
0x11f: {  	[hbm4b:s7+s2] =	stream.linear.scatter [tilespmem:s6], [sflag:$0x5], $0x400, $0x38;
	[tilespmem:$0x9980] =	vst v63  }
0x120: {  	s7 =	rddreg [dreg:$0x1b];
	s6 =	simm.s32 $0x5580  }
0x121: {  	[hbm4b:s7+s2] =	stream.linear.scatter [tilespmem:s6], [sflag:$0x5], $0x400, $0x38;
	[tilespmem:$0x9980] =	vst v63  }
0x122: {  	s7 =	rddreg [dreg:$0x1c];
	s6 =	simm.s32 $0x5980  }
0x123: {  	[hbm4b:s7+s2] =	stream.linear.scatter [tilespmem:s6], [sflag:$0x5], $0x400, $0x38;
	[tilespmem:$0x9980] =	vst v63  }
0x124: {  	s7 =	rddreg [dreg:$0x1d];
	s6 =	simm.s32 $0x5D80  }
0x125: {  	[hbm4b:s7+s2] =	stream.linear.scatter [tilespmem:s6], [sflag:$0x5], $0x400, $0x38;
	[tilespmem:$0x9980] =	vst v63  }
0x126: {  	s7 =	rddreg [dreg:$0x1e];
	s6 =	simm.s32 $0x6180  }
0x127: {  	[hbm4b:s7+s2] =	stream.linear.scatter [tilespmem:s6], [sflag:$0x5], $0x400, $0x38;
	[tilespmem:$0x9980] =	vst v63  }
0x128: {  	s7 =	rddreg [dreg:$0x1f];
	s6 =	simm.s32 $0x6580  }
0x129: {  	[hbm4b:s7+s2] =	stream.linear.scatter [tilespmem:s6], [sflag:$0x5], $0x400, $0x38;
	[tilespmem:$0x9980] =	vst v63  }
0x12a: {  	s7 =	sld [smem:$0x7DF];
	_ =	sdelay $0x1  }
0x12b: {  	s6 =	simm.s32 $0x6980  }
0x12c: {  	[hbm4b:s7+s2] =	stream.linear.scatter [tilespmem:s6], [sflag:$0x5], $0x400, $0x38;
	[tilespmem:$0x9980] =	vst v63  }
0x12d: {  	s7 =	sld [smem:$0x7E0];
	_ =	sdelay $0x1  }
0x12e: {  	s6 =	simm.s32 $0x6D80  }
0x12f: {  	[hbm4b:s7+s2] =	stream.linear.scatter [tilespmem:s6], [sflag:$0x5], $0x400, $0x38;
	[tilespmem:$0x9980] =	vst v63  }
0x130: {  	s7 =	sld [smem:$0x7E1];
	_ =	sdelay $0x1  }
0x131: {  	s6 =	simm.s32 $0x7180  }
0x132: {  	[hbm4b:s7+s2] =	stream.linear.scatter [tilespmem:s6], [sflag:$0x5], $0x400, $0x38;
	[tilespmem:$0x9980] =	vst v63  }
0x133: {  	s7 =	sld [smem:$0x7E2];
	_ =	sdelay $0x1  }
0x134: {  	s6 =	simm.s32 $0x7580  }
0x135: {  	[hbm4b:s7+s2] =	stream.linear.scatter [tilespmem:s6], [sflag:$0x5], $0x400, $0x38;
	[tilespmem:$0x9980] =	vst v63  }
0x136: {  	s7 =	sld [smem:$0x7E3];
	_ =	sdelay $0x1  }
0x137: {  	s6 =	simm.s32 $0x7980  }
0x138: {  	[hbm4b:s7+s2] =	stream.linear.scatter [tilespmem:s6], [sflag:$0x5], $0x400, $0x38;
	[tilespmem:$0x9980] =	vst v63  }
0x139: {  	s7 =	sld [smem:$0x7E4];
	_ =	sdelay $0x1  }
0x13a: {  	s6 =	simm.s32 $0x7D80  }
0x13b: {  	[hbm4b:s7+s2] =	stream.linear.scatter [tilespmem:s6], [sflag:$0x5], $0x400, $0x38;
	[tilespmem:$0x9980] =	vst v63  }
0x13c: {  	s7 =	sld [smem:$0x7E5];
	_ =	sdelay $0x1  }
0x13d: {  	s6 =	simm.s32 $0x8180  }
0x13e: {  	[hbm4b:s7+s2] =	stream.linear.scatter [tilespmem:s6], [sflag:$0x5], $0x400, $0x38;
	[tilespmem:$0x9980] =	vst v63  }
0x13f: {  	s7 =	sld [smem:$0x7E6];
	_ =	sdelay $0x1  }
0x140: {  	s6 =	simm.s32 $0x8580  }
0x141: {  	[hbm4b:s7+s2] =	stream.linear.scatter [tilespmem:s6], [sflag:$0x5], $0x400, $0x38;
	[tilespmem:$0x9980] =	vst v63  }
0x142: {  	s7 =	sld [smem:$0x7E7];
	_ =	sdelay $0x1  }
0x143: {  	s6 =	simm.s32 $0x8980  }
0x144: {  	[hbm4b:s7+s2] =	stream.linear.scatter [tilespmem:s6], [sflag:$0x5], $0x400, $0x38;
	[tilespmem:$0x9980] =	vst v63  }
0x145: {  	s7 =	sld [smem:$0x7E8];
	_ =	sdelay $0x1  }
0x146: {  	s6 =	simm.s32 $0x8D80  }
0x147: {  	[hbm4b:s7+s2] =	stream.linear.scatter [tilespmem:s6], [sflag:$0x5], $0x400, $0x38;
	[tilespmem:$0x9980] =	vst v63  }
0x148: {  	s7 =	sld [smem:$0x7E9];
	_ =	sdelay $0x1  }
0x149: {  	s6 =	simm.s32 $0x9180  }
0x14a: {  	[hbm4b:s7+s2] =	stream.linear.scatter [tilespmem:s6], [sflag:$0x5], $0x400, $0x38;
	[tilespmem:$0x9980] =	vst v63  }
0x14b: {  	s7 =	sld [smem:$0x7EB];
	_ =	sdelay $0x2  }
0x14c: {  	[hbm4b:s7+s29] =	stream.strided.scatter [tilespmem:s31], [sflag:$0x5], $0x0, s28, s29, $0x38;
	[tilespmem:$0x9980] =	vst v63  }
0x14d: {  	_ = 	snop  }
0x14e: {  	[hbm4b:s7+s2] =	stream.linear.scatter [tilespmem:s31], [sflag:$0x5], $0x380, $0x38;
	[tilespmem:$0x9980] =	vst v63  }
0x14f: {  	_ =	swait.ge [sflag:s30], $0x400  }
0x150: {  	[sflag:s30] =	ssyncset.done $0x0  }
0x151: {  	[sflag:s30] =	ssyncadd.s32 $0xFFFFFC00  }
0x152: {  	_ =	swait.ge [sflag:s30], $0x400  }
0x153: {  	[sflag:s30] =	ssyncset.done $0x0  }
0x154: {  	[sflag:s30] =	ssyncadd.s32 $0xFFFFFC00  }
0x155: {  	_ =	swait.ge [sflag:s30], $0x400  }
0x156: {  	[sflag:s30] =	ssyncset.done $0x0  }
0x157: {  	[sflag:s30] =	ssyncadd.s32 $0xFFFFFC00  }
0x158: {  	_ =	swait.ge [sflag:s30], $0x400  }
0x159: {  	[sflag:s30] =	ssyncset.done $0x0  }
0x15a: {  	[sflag:s30] =	ssyncadd.s32 $0xFFFFFC00  }
0x15b: {  	_ =	swait.ge [sflag:s30], $0x400  }
0x15c: {  	[sflag:s30] =	ssyncset.done $0x0  }
0x15d: {  	[sflag:s30] =	ssyncadd.s32 $0xFFFFFC00  }
0x15e: {  	_ =	swait.ge [sflag:s30], $0x400  }
0x15f: {  	[sflag:s30] =	ssyncset.done $0x0  }
0x160: {  	[sflag:s30] =	ssyncadd.s32 $0xFFFFFC00  }
0x161: {  	_ =	swait.ge [sflag:s30], $0x400  }
0x162: {  	[sflag:s30] =	ssyncset.done $0x0  }
0x163: {  	[sflag:s30] =	ssyncadd.s32 $0xFFFFFC00  }
0x164: {  	_ =	swait.ge [sflag:s30], $0x400  }
0x165: {  	[sflag:s30] =	ssyncset.done $0x0  }
0x166: {  	[sflag:s30] =	ssyncadd.s32 $0xFFFFFC00  }
0x167: {  	_ =	swait.ge [sflag:s30], $0x400  }
0x168: {  	[sflag:s30] =	ssyncset.done $0x0  }
0x169: {  	[sflag:s30] =	ssyncadd.s32 $0xFFFFFC00  }
0x16a: {  	_ =	swait.ge [sflag:s30], $0x400  }
0x16b: {  	[sflag:s30] =	ssyncset.done $0x0  }
0x16c: {  	[sflag:s30] =	ssyncadd.s32 $0xFFFFFC00  }
0x16d: {  	_ =	swait.ge [sflag:s30], $0x400  }
0x16e: {  	[sflag:s30] =	ssyncset.done $0x0  }
0x16f: {  	[sflag:s30] =	ssyncadd.s32 $0xFFFFFC00  }
0x170: {  	_ =	swait.ge [sflag:s30], $0x400  }
0x171: {  	[sflag:s30] =	ssyncset.done $0x0  }
0x172: {  	[sflag:s30] =	ssyncadd.s32 $0xFFFFFC00  }
0x173: {  	_ =	swait.ge [sflag:s30], $0x400  }
0x174: {  	[sflag:s30] =	ssyncset.done $0x0  }
0x175: {  	[sflag:s30] =	ssyncadd.s32 $0xFFFFFC00  }
0x176: {  	_ =	swait.ge [sflag:s30], $0x400  }
0x177: {  	[sflag:s30] =	ssyncset.done $0x0  }
0x178: {  	[sflag:s30] =	ssyncadd.s32 $0xFFFFFC00  }
0x179: {  	_ =	swait.ge [sflag:s30], $0x400  }
0x17a: {  	[sflag:s30] =	ssyncset.done $0x0  }
0x17b: {  	[sflag:s30] =	ssyncadd.s32 $0xFFFFFC00  }
0x17c: {  	_ =	swait.ge [sflag:s30], $0x400  }
0x17d: {  	[sflag:s30] =	ssyncset.done $0x0  }
0x17e: {  	[sflag:s30] =	ssyncadd.s32 $0xFFFFFC00  }
0x17f: {  	_ =	swait.ge [sflag:s30], $0x400  }
0x180: {  	[sflag:s30] =	ssyncset.done $0x0  }
0x181: {  	[sflag:s30] =	ssyncadd.s32 $0xFFFFFC00  }
0x182: {  	_ =	swait.ge [sflag:s30], $0x400  }
0x183: {  	[sflag:s30] =	ssyncset.done $0x0  }
0x184: {  	[sflag:s30] =	ssyncadd.s32 $0xFFFFFC00  }
0x185: {  	_ =	swait.ge [sflag:s30], $0x380  }
0x186: {  	[sflag:s30] =	ssyncset.done $0x0  }
0x187: {  	[sflag:s30] =	ssyncadd.s32 $0xFFFFFC80  }
0x188: {  	v10 =	vld @!p0 [tilespmem:$0x0];
	_ =	sdelay $0x4  }
0x189: {  	v11 =	vlaneseq.u32 @!p0;
	v10 =	vshll.u32 @!p0 v10, $0x7  }
0x18a: {  	v10 =	vor.u32 @!p0 v11, v10;
	_ =	sdelay $0x3  }
0x18b: {  	v12 =	vimm.f32 @!p0 $-1.000000000e+03;
	s7 =	simm.s32 @!p0 $0x180  }
0x18c: {  	[tilespmem:v10+s7+$0x0] =	vst.idx.msk @!p0 $0xffff, v12  }
0x18d: {  	v10 =	vld @!p0 [tilespmem:$0x10];
	_ =	sdelay $0x4  }
0x18e: {  	v13 =	vor.u32 @!p0 $0x10, v11;
	v10 =	vshll.u32 @!p0 v10, $0x7  }
0x18f: {  	v10 =	vor.u32 @!p0 v13, v10;
	_ =	sdelay $0x4  }
0x190: {  	[tilespmem:v10+s7+$0x0] =	vst.idx.msk @!p0 $0xffff, v12  }
0x191: {  	v10 =	vld @!p0 [tilespmem:$0x20];
	_ =	sdelay $0x4  }
0x192: {  	v13 =	vor.u32 @!p0 $0x20, v11;
	v10 =	vshll.u32 @!p0 v10, $0x7  }
0x193: {  	v10 =	vor.u32 @!p0 v13, v10;
	_ =	sdelay $0x4  }
0x194: {  	[tilespmem:v10+s7+$0x0] =	vst.idx.msk @!p0 $0xffff, v12  }
0x195: {  	v10 =	vld @!p0 [tilespmem:$0x30];
	_ =	sdelay $0x4  }
0x196: {  	v13 =	vor.u32 @!p0 $0x30, v11;
	v10 =	vshll.u32 @!p0 v10, $0x7  }
0x197: {  	v10 =	vor.u32 @!p0 v13, v10;
	_ =	sdelay $0x4  }
0x198: {  	[tilespmem:v10+s7+$0x0] =	vst.idx.msk @!p0 $0xffff, v12  }
0x199: {  	v10 =	vld @!p0 [tilespmem:$0x40];
	_ =	sdelay $0x4  }
0x19a: {  	v13 =	vor.u32 @!p0 $0x40, v11;
	v10 =	vshll.u32 @!p0 v10, $0x7  }
0x19b: {  	v10 =	vor.u32 @!p0 v13, v10;
	_ =	sdelay $0x4  }
0x19c: {  	[tilespmem:v10+s7+$0x0] =	vst.idx.msk @!p0 $0xffff, v12  }
0x19d: {  	v10 =	vld @!p0 [tilespmem:$0x50];
	_ =	sdelay $0x4  }
0x19e: {  	v13 =	vor.u32 @!p0 $0x50, v11;
	v10 =	vshll.u32 @!p0 v10, $0x7  }
0x19f: {  	v10 =	vor.u32 @!p0 v13, v10;
	_ =	sdelay $0x4  }
0x1a0: {  	[tilespmem:v10+s7+$0x0] =	vst.idx.msk @!p0 $0xffff, v12  }
0x1a1: {  	v10 =	vld @!p0 [tilespmem:$0x60];
	_ =	sdelay $0x4  }
0x1a2: {  	v13 =	vor.u32 @!p0 $0x60, v11;
	v10 =	vshll.u32 @!p0 v10, $0x7  }
0x1a3: {  	v10 =	vor.u32 @!p0 v13, v10;
	_ =	sdelay $0x4  }
0x1a4: {  	[tilespmem:v10+s7+$0x0] =	vst.idx.msk @!p0 $0xffff, v12  }
0x1a5: {  	v10 =	vld @!p0 [tilespmem:$0x70];
	_ =	sdelay $0x4  }
0x1a6: {  	v11 =	vor.u32 @!p0 $0x70, v11;
	v10 =	vshll.u32 @!p0 v10, $0x7  }
0x1a7: {  	v10 =	vor.u32 @!p0 v11, v10  }
.Ltmp3:
0x1a8: {  	_ = 	snop;
	(pc) =	sbr.rel @p2 .LBB2_5-.Ltmp3, $2  }
0x1a9: {  	_ =	sdelay $0x2  }
0x1aa: {  	s6 =	simm.s32 $0x13C00;
	[tilespmem:v10+s7+$0x0] =	vst.idx.msk @!p0 $0xffff, v12  }
0x1ab: {  	v10 =	vld [tilespmem:$0x100];
	_ =	sdelay $0x4  }
0x1ac: {  	v10 =	vshll.u32 v10, $0x7  }
0x1ad: {  	v10 =	vor.u32 v1, v10;
	_ =	sdelay $0x4  }
0x1ae: {  	[tilespmem:v10+s5+$0x0] =	vst.idx.msk $0xffff, v2  }
0x1af: {  	v10 =	vld [tilespmem:$0x110];
	_ =	sdelay $0x4  }
0x1b0: {  	v10 =	vshll.u32 v10, $0x7  }
0x1b1: {  	v10 =	vor.u32 v3, v10;
	_ =	sdelay $0x4  }
0x1b2: {  	[tilespmem:v10+s5+$0x0] =	vst.idx.msk $0xffff, v2  }
0x1b3: {  	v10 =	vld [tilespmem:$0x120];
	_ =	sdelay $0x4  }
0x1b4: {  	v10 =	vshll.u32 v10, $0x7  }
0x1b5: {  	v10 =	vor.u32 v4, v10;
	_ =	sdelay $0x4  }
0x1b6: {  	[tilespmem:v10+s5+$0x0] =	vst.idx.msk $0xffff, v2  }
0x1b7: {  	v10 =	vld [tilespmem:$0x130];
	_ =	sdelay $0x4  }
0x1b8: {  	v10 =	vshll.u32 v10, $0x7  }
0x1b9: {  	v10 =	vor.u32 v5, v10;
	_ =	sdelay $0x4  }
0x1ba: {  	[tilespmem:v10+s5+$0x0] =	vst.idx.msk $0xffff, v2  }
0x1bb: {  	v10 =	vld [tilespmem:$0x140];
	_ =	sdelay $0x4  }
0x1bc: {  	v10 =	vshll.u32 v10, $0x7  }
0x1bd: {  	v10 =	vor.u32 v6, v10;
	_ =	sdelay $0x4  }
0x1be: {  	[tilespmem:v10+s5+$0x0] =	vst.idx.msk $0xffff, v2  }
0x1bf: {  	v10 =	vld [tilespmem:$0x150];
	_ =	sdelay $0x4  }
0x1c0: {  	v10 =	vshll.u32 v10, $0x7  }
0x1c1: {  	v10 =	vor.u32 v7, v10;
	_ =	sdelay $0x4  }
0x1c2: {  	[tilespmem:v10+s5+$0x0] =	vst.idx.msk $0xffff, v2  }
0x1c3: {  	v10 =	vld [tilespmem:$0x160];
	_ =	sdelay $0x4  }
0x1c4: {  	v10 =	vshll.u32 v10, $0x7  }
0x1c5: {  	v10 =	vor.u32 v8, v10;
	_ =	sdelay $0x4  }
0x1c6: {  	[tilespmem:v10+s5+$0x0] =	vst.idx.msk $0xffff, v2  }
0x1c7: {  	v10 =	vld [tilespmem:$0x170];
	_ =	sdelay $0x4  }
0x1c8: {  	v10 =	vshll.u32 v10, $0x7  }
0x1c9: {  	v10 =	vor.u32 v9, v10;
	_ =	sdelay $0x3  }
0x1ca: {  	s7 =	rddreg [dreg:$0x7]  }
0x1cb: {  	s29 =	sld [smem:$0x7EC];
	[tilespmem:v10+s5+$0x0] =	vst.idx.msk $0xffff, v2  }
0x1cc: {  	[hbm4b:s7+s2] =	stream.linear.scatter [tilespmem:s5], [sflag:$0x4], $0x400, $0x38;
	[tilespmem:$0x9980] =	vst v63  }
0x1cd: {  	s28 =	sld [smem:$0x7ED]  }
0x1ce: {  	[hbm4b:s29+s2] =	stream.linear.scatter [tilespmem:s8], [sflag:$0x4], $0x400, $0x38;
	[tilespmem:$0x9980] =	vst v63  }
0x1cf: {  	s7 =	sld [smem:$0x7EE];
	s29 =	simm.s32 $0x980  }
0x1d0: {  	[hbm4b:s28+s2] =	stream.linear.scatter [tilespmem:s29], [sflag:$0x4], $0x400, $0x38;
	[tilespmem:$0x9980] =	vst v63  }
0x1d1: {  	s28 =	simm.s32 $0xD80  }
0x1d2: {  	[hbm4b:s7+s2] =	stream.linear.scatter [tilespmem:s28], [sflag:$0x4], $0x400, $0x38;
	[tilespmem:$0x9980] =	vst v63  }
0x1d3: {  	s7 =	sld [smem:$0x7EF];
	_ =	sdelay $0x1  }
0x1d4: {  	s28 =	simm.s32 $0x1180  }
0x1d5: {  	[hbm4b:s7+s2] =	stream.linear.scatter [tilespmem:s28], [sflag:$0x4], $0x400, $0x38;
	[tilespmem:$0x9980] =	vst v63  }
0x1d6: {  	s7 =	sld [smem:$0x7F0];
	_ =	sdelay $0x1  }
0x1d7: {  	s28 =	simm.s32 $0x1580  }
0x1d8: {  	[hbm4b:s7+s2] =	stream.linear.scatter [tilespmem:s28], [sflag:$0x4], $0x400, $0x38;
	[tilespmem:$0x9980] =	vst v63  }
0x1d9: {  	s7 =	sld [smem:$0x7F1];
	_ =	sdelay $0x1  }
0x1da: {  	s28 =	simm.s32 $0x1980  }
0x1db: {  	[hbm4b:s7+s2] =	stream.linear.scatter [tilespmem:s28], [sflag:$0x4], $0x400, $0x38;
	[tilespmem:$0x9980] =	vst v63  }
0x1dc: {  	s7 =	sld [smem:$0x7F2];
	_ =	sdelay $0x1  }
0x1dd: {  	s28 =	simm.s32 $0x1D80  }
0x1de: {  	[hbm4b:s7+s2] =	stream.linear.scatter [tilespmem:s28], [sflag:$0x4], $0x400, $0x38;
	[tilespmem:$0x9980] =	vst v63  }
0x1df: {  	s7 =	sld [smem:$0x7F3];
	_ =	sdelay $0x1  }
0x1e0: {  	s28 =	simm.s32 $0x2180  }
0x1e1: {  	[hbm4b:s7+s2] =	stream.linear.scatter [tilespmem:s28], [sflag:$0x4], $0x400, $0x38;
	[tilespmem:$0x9980] =	vst v63  }
0x1e2: {  	s7 =	sld [smem:$0x7F4];
	_ =	sdelay $0x1  }
0x1e3: {  	s28 =	simm.s32 $0x2580  }
0x1e4: {  	[hbm4b:s7+s2] =	stream.linear.scatter [tilespmem:s28], [sflag:$0x4], $0x400, $0x38;
	[tilespmem:$0x9980] =	vst v63  }
0x1e5: {  	s7 =	sld [smem:$0x7F5];
	_ =	sdelay $0x1  }
0x1e6: {  	s28 =	simm.s32 $0x2980  }
0x1e7: {  	[hbm4b:s7+s2] =	stream.linear.scatter [tilespmem:s28], [sflag:$0x4], $0x400, $0x38;
	[tilespmem:$0x9980] =	vst v63  }
0x1e8: {  	s7 =	sld [smem:$0x7F6];
	_ =	sdelay $0x1  }
0x1e9: {  	s28 =	simm.s32 $0x2D80  }
0x1ea: {  	[hbm4b:s7+s2] =	stream.linear.scatter [tilespmem:s28], [sflag:$0x4], $0x400, $0x38;
	[tilespmem:$0x9980] =	vst v63  }
0x1eb: {  	s7 =	sld [smem:$0x7F7];
	_ =	sdelay $0x1  }
0x1ec: {  	s28 =	simm.s32 $0x3180  }
0x1ed: {  	[hbm4b:s7+s2] =	stream.linear.scatter [tilespmem:s28], [sflag:$0x4], $0x400, $0x38;
	[tilespmem:$0x9980] =	vst v63  }
0x1ee: {  	s7 =	sld [smem:$0x7F8];
	_ =	sdelay $0x1  }
0x1ef: {  	s28 =	simm.s32 $0x3580  }
0x1f0: {  	[hbm4b:s7+s2] =	stream.linear.scatter [tilespmem:s28], [sflag:$0x4], $0x400, $0x38;
	[tilespmem:$0x9980] =	vst v63  }
0x1f1: {  	s7 =	sld [smem:$0x7F9];
	_ =	sdelay $0x1  }
0x1f2: {  	s28 =	simm.s32 $0x3980  }
0x1f3: {  	[hbm4b:s7+s2] =	stream.linear.scatter [tilespmem:s28], [sflag:$0x4], $0x400, $0x38;
	[tilespmem:$0x9980] =	vst v63  }
0x1f4: {  	s7 =	sld [smem:$0x7FA];
	_ =	sdelay $0x1  }
0x1f5: {  	s28 =	simm.s32 $0x3D80  }
0x1f6: {  	[hbm4b:s7+s2] =	stream.linear.scatter [tilespmem:s28], [sflag:$0x4], $0x400, $0x38;
	[tilespmem:$0x9980] =	vst v63  }
0x1f7: {  	s7 =	sld [smem:$0x7FB];
	_ =	sdelay $0x1  }
0x1f8: {  	s28 =	simm.s32 $0x4180  }
0x1f9: {  	[hbm4b:s7+s2] =	stream.linear.scatter [tilespmem:s28], [sflag:$0x4], $0x400, $0x38;
	[tilespmem:$0x9980] =	vst v63  }
0x1fa: {  	s7 =	sld [smem:$0x7FC];
	_ =	sdelay $0x1  }
0x1fb: {  	s28 =	simm.s32 $0x4580  }
0x1fc: {  	[hbm4b:s7+s2] =	stream.linear.scatter [tilespmem:s28], [sflag:$0x4], $0x400, $0x38;
	[tilespmem:$0x9980] =	vst v63  }
0x1fd: {  	s7 =	sld [smem:$0x7FD];
	_ =	sdelay $0x1  }
0x1fe: {  	s29 =	simm.s32 $0x400;
	s28 =	simm.s32 $0x4980  }
0x1ff: {  	[hbm4b:s7+s29] =	stream.strided.scatter [tilespmem:s28], [sflag:$0x4], $0x0, s6, s29, $0x38;
	[tilespmem:$0x9980] =	vst v63  }
0x200: {  	_ = 	snop  }
0x201: {  	[hbm4b:s7+s2] =	stream.linear.scatter [tilespmem:s28], [sflag:$0x4], $0x380, $0x38;
	[tilespmem:$0x9980] =	vst v63  }
0x202: {  	_ =	swait.ge [sflag:s30], $0x400  }
0x203: {  	[sflag:s30] =	ssyncset.done $0x0  }
0x204: {  	[sflag:s30] =	ssyncadd.s32 $0xFFFFFC00  }
0x205: {  	_ =	swait.ge [sflag:s30], $0x400  }
0x206: {  	[sflag:s30] =	ssyncset.done $0x0  }
0x207: {  	[sflag:s30] =	ssyncadd.s32 $0xFFFFFC00  }
0x208: {  	_ =	swait.ge [sflag:s30], $0x400  }
0x209: {  	[sflag:s30] =	ssyncset.done $0x0  }
0x20a: {  	[sflag:s30] =	ssyncadd.s32 $0xFFFFFC00  }
0x20b: {  	_ =	swait.ge [sflag:s30], $0x400  }
0x20c: {  	[sflag:s30] =	ssyncset.done $0x0  }
0x20d: {  	[sflag:s30] =	ssyncadd.s32 $0xFFFFFC00  }
0x20e: {  	_ =	swait.ge [sflag:s30], $0x400  }
0x20f: {  	[sflag:s30] =	ssyncset.done $0x0  }
0x210: {  	[sflag:s30] =	ssyncadd.s32 $0xFFFFFC00  }
0x211: {  	_ =	swait.ge [sflag:s30], $0x400  }
0x212: {  	[sflag:s30] =	ssyncset.done $0x0  }
0x213: {  	[sflag:s30] =	ssyncadd.s32 $0xFFFFFC00  }
0x214: {  	_ =	swait.ge [sflag:s30], $0x400  }
0x215: {  	[sflag:s30] =	ssyncset.done $0x0  }
0x216: {  	[sflag:s30] =	ssyncadd.s32 $0xFFFFFC00  }
0x217: {  	_ =	swait.ge [sflag:s30], $0x400  }
0x218: {  	[sflag:s30] =	ssyncset.done $0x0  }
0x219: {  	[sflag:s30] =	ssyncadd.s32 $0xFFFFFC00  }
0x21a: {  	_ =	swait.ge [sflag:s30], $0x400  }
0x21b: {  	[sflag:s30] =	ssyncset.done $0x0  }
0x21c: {  	[sflag:s30] =	ssyncadd.s32 $0xFFFFFC00  }
0x21d: {  	_ =	swait.ge [sflag:s30], $0x400  }
0x21e: {  	[sflag:s30] =	ssyncset.done $0x0  }
0x21f: {  	[sflag:s30] =	ssyncadd.s32 $0xFFFFFC00  }
0x220: {  	_ =	swait.ge [sflag:s30], $0x400  }
0x221: {  	[sflag:s30] =	ssyncset.done $0x0  }
0x222: {  	[sflag:s30] =	ssyncadd.s32 $0xFFFFFC00  }
0x223: {  	_ =	swait.ge [sflag:s30], $0x400  }
0x224: {  	[sflag:s30] =	ssyncset.done $0x0  }
0x225: {  	[sflag:s30] =	ssyncadd.s32 $0xFFFFFC00  }
0x226: {  	_ =	swait.ge [sflag:s30], $0x400  }
0x227: {  	[sflag:s30] =	ssyncset.done $0x0  }
0x228: {  	[sflag:s30] =	ssyncadd.s32 $0xFFFFFC00  }
0x229: {  	_ =	swait.ge [sflag:s30], $0x400  }
0x22a: {  	[sflag:s30] =	ssyncset.done $0x0  }
0x22b: {  	[sflag:s30] =	ssyncadd.s32 $0xFFFFFC00  }
0x22c: {  	_ =	swait.ge [sflag:s30], $0x400  }
0x22d: {  	[sflag:s30] =	ssyncset.done $0x0  }
0x22e: {  	[sflag:s30] =	ssyncadd.s32 $0xFFFFFC00  }
0x22f: {  	_ =	swait.ge [sflag:s30], $0x400  }
0x230: {  	[sflag:s30] =	ssyncset.done $0x0  }
0x231: {  	[sflag:s30] =	ssyncadd.s32 $0xFFFFFC00  }
0x232: {  	_ =	swait.ge [sflag:s30], $0x400  }
0x233: {  	[sflag:s30] =	ssyncset.done $0x0  }
0x234: {  	[sflag:s30] =	ssyncadd.s32 $0xFFFFFC00  }
0x235: {  	_ =	swait.ge [sflag:s30], $0x400  }
0x236: {  	[sflag:s30] =	ssyncset.done $0x0  }
0x237: {  	[sflag:s30] =	ssyncadd.s32 $0xFFFFFC00  }
0x238: {  	_ =	swait.ge [sflag:s30], $0x380  }
0x239: {  	[sflag:s30] =	ssyncset.done $0x0  }
0x23a: {  	[sflag:s30] =	ssyncadd.s32 $0xFFFFFC80  }
.LBB2_5:
.Ltmp4:
0x23b: {  	(pc) =	sbr.rel @p1 .LBB2_7-.Ltmp4, $1  }
0x23c: {  	_ =	sdelay $0x3  }
0x23d: {  	v10 =	vld [tilespmem:$0x100];
	_ =	sdelay $0x4  }
0x23e: {  	v10 =	vshll.u32 v10, $0x7;
	_ =	sdelay $0x4  }
0x23f: {  	[tilespmem:v10+s5+$0x0] =	vst.idx.msk vm0, v2  }
0x240: {  	v10 =	vld [tilespmem:$0x110];
	_ =	sdelay $0x4  }
0x241: {  	v10 =	vshll.u32 v10, $0x7;
	_ =	sdelay $0x4  }
0x242: {  	[tilespmem:v10+s5+$0x0] =	vst.idx.msk vm0, v2  }
0x243: {  	v10 =	vld [tilespmem:$0x120];
	_ =	sdelay $0x4  }
0x244: {  	v10 =	vshll.u32 v10, $0x7;
	_ =	sdelay $0x4  }
0x245: {  	[tilespmem:v10+s5+$0x0] =	vst.idx.msk vm0, v2  }
0x246: {  	v10 =	vld [tilespmem:$0x130];
	_ =	sdelay $0x4  }
0x247: {  	v10 =	vshll.u32 v10, $0x7;
	_ =	sdelay $0x4  }
0x248: {  	[tilespmem:v10+s5+$0x0] =	vst.idx.msk vm0, v2  }
0x249: {  	v10 =	vld [tilespmem:$0x140];
	_ =	sdelay $0x4  }
0x24a: {  	v10 =	vshll.u32 v10, $0x7;
	_ =	sdelay $0x4  }
0x24b: {  	[tilespmem:v10+s5+$0x0] =	vst.idx.msk vm0, v2  }
0x24c: {  	v10 =	vld [tilespmem:$0x150];
	_ =	sdelay $0x4  }
0x24d: {  	v10 =	vshll.u32 v10, $0x7;
	_ =	sdelay $0x4  }
0x24e: {  	[tilespmem:v10+s5+$0x0] =	vst.idx.msk vm0, v2  }
0x24f: {  	v10 =	vld [tilespmem:$0x160];
	_ =	sdelay $0x4  }
0x250: {  	v10 =	vshll.u32 v10, $0x7;
	_ =	sdelay $0x4  }
0x251: {  	[tilespmem:v10+s5+$0x0] =	vst.idx.msk vm0, v2  }
0x252: {  	v10 =	vld [tilespmem:$0x170];
	_ =	sdelay $0x4  }
0x253: {  	v10 =	vshll.u32 v10, $0x7  }
0x254: {  	v10 =	vor.u32 v1, v10;
	_ =	sdelay $0x4  }
0x255: {  	[tilespmem:v10+s5+$0x0] =	vst.idx.msk $0xffff, v2  }
0x256: {  	[hbm4b:s9+s2] =	stream.linear.scatter [tilespmem:s5], [sflag:$0x6], $0x10, $0x38;
	[tilespmem:$0x9980] =	vst v63  }
0x257: {  	s7 =	sadd.s32 $0x10, s9;
	s6 =	simm.s32 $0x200  }
0x258: {  	[hbm4b:s7+s2] =	stream.linear.scatter [tilespmem:s6], [sflag:$0x6], $0x10, $0x38;
	[tilespmem:$0x9980] =	vst v63  }
0x259: {  	s28 =	sadd.s32 $0x20, s9;
	s29 =	simm.s32 $0x280  }
0x25a: {  	[hbm4b:s28+s2] =	stream.linear.scatter [tilespmem:s29], [sflag:$0x6], $0x10, $0x38;
	[tilespmem:$0x9980] =	vst v63  }
0x25b: {  	s28 =	sadd.s32 $0x30, s9;
	s29 =	simm.s32 $0x300  }
0x25c: {  	[hbm4b:s28+s2] =	stream.linear.scatter [tilespmem:s29], [sflag:$0x6], $0x10, $0x38;
	[tilespmem:$0x9980] =	vst v63  }
0x25d: {  	s28 =	sadd.s32 $0x40, s9;
	s29 =	simm.s32 $0x380  }
0x25e: {  	[hbm4b:s28+s2] =	stream.linear.scatter [tilespmem:s29], [sflag:$0x6], $0x10, $0x38;
	[tilespmem:$0x9980] =	vst v63  }
0x25f: {  	s28 =	sadd.s32 $0x50, s9;
	s29 =	simm.s32 $0x400  }
0x260: {  	[hbm4b:s28+s2] =	stream.linear.scatter [tilespmem:s29], [sflag:$0x6], $0x10, $0x38;
	[tilespmem:$0x9980] =	vst v63  }
0x261: {  	s28 =	sadd.s32 $0x60, s9;
	s29 =	simm.s32 $0x480  }
0x262: {  	[hbm4b:s28+s2] =	stream.linear.scatter [tilespmem:s29], [sflag:$0x6], $0x10, $0x38;
	[tilespmem:$0x9980] =	vst v63  }
0x263: {  	s28 =	sadd.s32 $0x70, s9;
	s29 =	simm.s32 $0x500  }
0x264: {  	[hbm4b:s28+s2] =	stream.linear.scatter [tilespmem:s29], [sflag:$0x6], $0x10, $0x38;
	[tilespmem:$0x9980] =	vst v63  }
0x265: {  	_ =	swait.ge [sflag:s1], $0x80  }
0x266: {  	[sflag:s1] =	ssyncset.done $0x0  }
0x267: {  	[sflag:s1] =	ssyncadd.s32 $0xFFFFFF80  }
0x268: {  	[hbm4b:s10+s2] =	stream.linear.scatter [tilespmem:s8], [sflag:$0x6], $0x10, $0x38;
	[tilespmem:$0x9980] =	vst v63  }
0x269: {  	s28 =	sadd.s32 $0x10, s10;
	s29 =	simm.s32 $0x600  }
0x26a: {  	[hbm4b:s28+s2] =	stream.linear.scatter [tilespmem:s29], [sflag:$0x6], $0x10, $0x38;
	[tilespmem:$0x9980] =	vst v63  }
0x26b: {  	s6 =	sadd.s32 $0x20, s10;
	s8 =	simm.s32 $0x680  }
0x26c: {  	[hbm4b:s6+s2] =	stream.linear.scatter [tilespmem:s8], [sflag:$0x6], $0x10, $0x38;
	[tilespmem:$0x9980] =	vst v63  }
0x26d: {  	s28 =	sadd.s32 $0x30, s10;
	s29 =	simm.s32 $0x700  }
0x26e: {  	[hbm4b:s28+s2] =	stream.linear.scatter [tilespmem:s29], [sflag:$0x6], $0x10, $0x38;
	[tilespmem:$0x9980] =	vst v63  }
0x26f: {  	s6 =	sadd.s32 $0x40, s10;
	s8 =	simm.s32 $0x780  }
0x270: {  	[hbm4b:s6+s2] =	stream.linear.scatter [tilespmem:s8], [sflag:$0x6], $0x10, $0x38;
	[tilespmem:$0x9980] =	vst v63  }
0x271: {  	s28 =	sadd.s32 $0x50, s10;
	s29 =	simm.s32 $0x800  }
0x272: {  	[hbm4b:s28+s2] =	stream.linear.scatter [tilespmem:s29], [sflag:$0x6], $0x10, $0x38;
	[tilespmem:$0x9980] =	vst v63  }
0x273: {  	s6 =	sadd.s32 $0x60, s10;
	s8 =	simm.s32 $0x880  }
0x274: {  	[hbm4b:s6+s2] =	stream.linear.scatter [tilespmem:s8], [sflag:$0x6], $0x10, $0x38;
	[tilespmem:$0x9980] =	vst v63  }
0x275: {  	s28 =	sadd.s32 $0x70, s10;
	s29 =	simm.s32 $0x900  }
0x276: {  	[hbm4b:s28+s2] =	stream.linear.scatter [tilespmem:s29], [sflag:$0x6], $0x10, $0x38;
	[tilespmem:$0x9980] =	vst v63  }
0x277: {  	_ =	swait.ge [sflag:s1], $0x80  }
0x278: {  	[sflag:s1] =	ssyncset.done $0x0  }
0x279: {  	s8 =	simm.s32 $0x980;
	[sflag:s1] =	ssyncadd.s32 $0xFFFFFF80  }
0x27a: {  	[hbm4b:s11+s2] =	stream.linear.scatter [tilespmem:s8], [sflag:$0x6], $0x10, $0x38;
	[tilespmem:$0x9980] =	vst v63  }
0x27b: {  	s28 =	sadd.s32 $0x10, s11;
	s29 =	simm.s32 $0xA00  }
0x27c: {  	[hbm4b:s28+s2] =	stream.linear.scatter [tilespmem:s29], [sflag:$0x6], $0x10, $0x38;
	[tilespmem:$0x9980] =	vst v63  }
0x27d: {  	s6 =	sadd.s32 $0x20, s11;
	s8 =	simm.s32 $0xA80  }
0x27e: {  	[hbm4b:s6+s2] =	stream.linear.scatter [tilespmem:s8], [sflag:$0x6], $0x10, $0x38;
	[tilespmem:$0x9980] =	vst v63  }
0x27f: {  	s28 =	sadd.s32 $0x30, s11;
	s29 =	simm.s32 $0xB00  }
0x280: {  	[hbm4b:s28+s2] =	stream.linear.scatter [tilespmem:s29], [sflag:$0x6], $0x10, $0x38;
	[tilespmem:$0x9980] =	vst v63  }
0x281: {  	s6 =	sadd.s32 $0x40, s11;
	s8 =	simm.s32 $0xB80  }
0x282: {  	[hbm4b:s6+s2] =	stream.linear.scatter [tilespmem:s8], [sflag:$0x6], $0x10, $0x38;
	[tilespmem:$0x9980] =	vst v63  }
0x283: {  	s28 =	sadd.s32 $0x50, s11;
	s29 =	simm.s32 $0xC00  }
0x284: {  	[hbm4b:s28+s2] =	stream.linear.scatter [tilespmem:s29], [sflag:$0x6], $0x10, $0x38;
	[tilespmem:$0x9980] =	vst v63  }
0x285: {  	s6 =	sadd.s32 $0x60, s11;
	s8 =	simm.s32 $0xC80  }
0x286: {  	[hbm4b:s6+s2] =	stream.linear.scatter [tilespmem:s8], [sflag:$0x6], $0x10, $0x38;
	[tilespmem:$0x9980] =	vst v63  }
0x287: {  	s28 =	sadd.s32 $0x70, s11;
	s29 =	simm.s32 $0xD00  }
0x288: {  	[hbm4b:s28+s2] =	stream.linear.scatter [tilespmem:s29], [sflag:$0x6], $0x10, $0x38;
	[tilespmem:$0x9980] =	vst v63  }
0x289: {  	_ =	swait.ge [sflag:s1], $0x80  }
0x28a: {  	[sflag:s1] =	ssyncset.done $0x0  }
0x28b: {  	s8 =	simm.s32 $0xD80;
	[sflag:s1] =	ssyncadd.s32 $0xFFFFFF80  }
0x28c: {  	[hbm4b:s12+s2] =	stream.linear.scatter [tilespmem:s8], [sflag:$0x6], $0x10, $0x38;
	[tilespmem:$0x9980] =	vst v63  }
0x28d: {  	s28 =	sadd.s32 $0x10, s12;
	s29 =	simm.s32 $0xE00  }
0x28e: {  	[hbm4b:s28+s2] =	stream.linear.scatter [tilespmem:s29], [sflag:$0x6], $0x10, $0x38;
	[tilespmem:$0x9980] =	vst v63  }
0x28f: {  	s6 =	sadd.s32 $0x20, s12;
	s8 =	simm.s32 $0xE80  }
0x290: {  	[hbm4b:s6+s2] =	stream.linear.scatter [tilespmem:s8], [sflag:$0x6], $0x10, $0x38;
	[tilespmem:$0x9980] =	vst v63  }
0x291: {  	s28 =	sadd.s32 $0x30, s12;
	s29 =	simm.s32 $0xF00  }
0x292: {  	[hbm4b:s28+s2] =	stream.linear.scatter [tilespmem:s29], [sflag:$0x6], $0x10, $0x38;
	[tilespmem:$0x9980] =	vst v63  }
0x293: {  	s6 =	sadd.s32 $0x40, s12;
	s8 =	simm.s32 $0xF80  }
0x294: {  	[hbm4b:s6+s2] =	stream.linear.scatter [tilespmem:s8], [sflag:$0x6], $0x10, $0x38;
	[tilespmem:$0x9980] =	vst v63  }
0x295: {  	s28 =	sadd.s32 $0x50, s12;
	s29 =	simm.s32 $0x1000  }
0x296: {  	[hbm4b:s28+s2] =	stream.linear.scatter [tilespmem:s29], [sflag:$0x6], $0x10, $0x38;
	[tilespmem:$0x9980] =	vst v63  }
0x297: {  	s6 =	sadd.s32 $0x60, s12;
	s8 =	simm.s32 $0x1080  }
0x298: {  	[hbm4b:s6+s2] =	stream.linear.scatter [tilespmem:s8], [sflag:$0x6], $0x10, $0x38;
	[tilespmem:$0x9980] =	vst v63  }
0x299: {  	s28 =	sadd.s32 $0x70, s12;
	s29 =	simm.s32 $0x1100  }
0x29a: {  	[hbm4b:s28+s2] =	stream.linear.scatter [tilespmem:s29], [sflag:$0x6], $0x10, $0x38;
	[tilespmem:$0x9980] =	vst v63  }
0x29b: {  	_ =	swait.ge [sflag:s1], $0x80  }
0x29c: {  	[sflag:s1] =	ssyncset.done $0x0  }
0x29d: {  	s8 =	simm.s32 $0x1180;
	[sflag:s1] =	ssyncadd.s32 $0xFFFFFF80  }
0x29e: {  	[hbm4b:s13+s2] =	stream.linear.scatter [tilespmem:s8], [sflag:$0x6], $0x10, $0x38;
	[tilespmem:$0x9980] =	vst v63  }
0x29f: {  	s28 =	sadd.s32 $0x10, s13;
	s29 =	simm.s32 $0x1200  }
0x2a0: {  	[hbm4b:s28+s2] =	stream.linear.scatter [tilespmem:s29], [sflag:$0x6], $0x10, $0x38;
	[tilespmem:$0x9980] =	vst v63  }
0x2a1: {  	s6 =	sadd.s32 $0x20, s13;
	s8 =	simm.s32 $0x1280  }
0x2a2: {  	[hbm4b:s6+s2] =	stream.linear.scatter [tilespmem:s8], [sflag:$0x6], $0x10, $0x38;
	[tilespmem:$0x9980] =	vst v63  }
0x2a3: {  	s28 =	sadd.s32 $0x30, s13;
	s29 =	simm.s32 $0x1300  }
0x2a4: {  	[hbm4b:s28+s2] =	stream.linear.scatter [tilespmem:s29], [sflag:$0x6], $0x10, $0x38;
	[tilespmem:$0x9980] =	vst v63  }
0x2a5: {  	s6 =	sadd.s32 $0x40, s13;
	s8 =	simm.s32 $0x1380  }
0x2a6: {  	[hbm4b:s6+s2] =	stream.linear.scatter [tilespmem:s8], [sflag:$0x6], $0x10, $0x38;
	[tilespmem:$0x9980] =	vst v63  }
0x2a7: {  	s28 =	sadd.s32 $0x50, s13;
	s29 =	simm.s32 $0x1400  }
0x2a8: {  	[hbm4b:s28+s2] =	stream.linear.scatter [tilespmem:s29], [sflag:$0x6], $0x10, $0x38;
	[tilespmem:$0x9980] =	vst v63  }
0x2a9: {  	s6 =	sadd.s32 $0x60, s13;
	s8 =	simm.s32 $0x1480  }
0x2aa: {  	[hbm4b:s6+s2] =	stream.linear.scatter [tilespmem:s8], [sflag:$0x6], $0x10, $0x38;
	[tilespmem:$0x9980] =	vst v63  }
0x2ab: {  	s28 =	sadd.s32 $0x70, s13;
	s29 =	simm.s32 $0x1500  }
0x2ac: {  	[hbm4b:s28+s2] =	stream.linear.scatter [tilespmem:s29], [sflag:$0x6], $0x10, $0x38;
	[tilespmem:$0x9980] =	vst v63  }
0x2ad: {  	_ =	swait.ge [sflag:s1], $0x80  }
0x2ae: {  	[sflag:s1] =	ssyncset.done $0x0  }
0x2af: {  	s8 =	simm.s32 $0x1580;
	[sflag:s1] =	ssyncadd.s32 $0xFFFFFF80  }
0x2b0: {  	[hbm4b:s14+s2] =	stream.linear.scatter [tilespmem:s8], [sflag:$0x6], $0x10, $0x38;
	[tilespmem:$0x9980] =	vst v63  }
0x2b1: {  	s28 =	sadd.s32 $0x10, s14;
	s29 =	simm.s32 $0x1600  }
0x2b2: {  	[hbm4b:s28+s2] =	stream.linear.scatter [tilespmem:s29], [sflag:$0x6], $0x10, $0x38;
	[tilespmem:$0x9980] =	vst v63  }
0x2b3: {  	s6 =	sadd.s32 $0x20, s14;
	s8 =	simm.s32 $0x1680  }
0x2b4: {  	[hbm4b:s6+s2] =	stream.linear.scatter [tilespmem:s8], [sflag:$0x6], $0x10, $0x38;
	[tilespmem:$0x9980] =	vst v63  }
0x2b5: {  	s28 =	sadd.s32 $0x30, s14;
	s29 =	simm.s32 $0x1700  }
0x2b6: {  	[hbm4b:s28+s2] =	stream.linear.scatter [tilespmem:s29], [sflag:$0x6], $0x10, $0x38;
	[tilespmem:$0x9980] =	vst v63  }
0x2b7: {  	s6 =	sadd.s32 $0x40, s14;
	s8 =	simm.s32 $0x1780  }
0x2b8: {  	[hbm4b:s6+s2] =	stream.linear.scatter [tilespmem:s8], [sflag:$0x6], $0x10, $0x38;
	[tilespmem:$0x9980] =	vst v63  }
0x2b9: {  	s28 =	sadd.s32 $0x50, s14;
	s29 =	simm.s32 $0x1800  }
0x2ba: {  	[hbm4b:s28+s2] =	stream.linear.scatter [tilespmem:s29], [sflag:$0x6], $0x10, $0x38;
	[tilespmem:$0x9980] =	vst v63  }
0x2bb: {  	s6 =	sadd.s32 $0x60, s14;
	s8 =	simm.s32 $0x1880  }
0x2bc: {  	[hbm4b:s6+s2] =	stream.linear.scatter [tilespmem:s8], [sflag:$0x6], $0x10, $0x38;
	[tilespmem:$0x9980] =	vst v63  }
0x2bd: {  	s28 =	sadd.s32 $0x70, s14;
	s29 =	simm.s32 $0x1900  }
0x2be: {  	[hbm4b:s28+s2] =	stream.linear.scatter [tilespmem:s29], [sflag:$0x6], $0x10, $0x38;
	[tilespmem:$0x9980] =	vst v63  }
0x2bf: {  	_ =	swait.ge [sflag:s1], $0x80  }
0x2c0: {  	[sflag:s1] =	ssyncset.done $0x0  }
0x2c1: {  	s8 =	simm.s32 $0x1980;
	[sflag:s1] =	ssyncadd.s32 $0xFFFFFF80  }
0x2c2: {  	[hbm4b:s15+s2] =	stream.linear.scatter [tilespmem:s8], [sflag:$0x6], $0x10, $0x38;
	[tilespmem:$0x9980] =	vst v63  }
0x2c3: {  	s28 =	sadd.s32 $0x10, s15;
	s29 =	simm.s32 $0x1A00  }
0x2c4: {  	[hbm4b:s28+s2] =	stream.linear.scatter [tilespmem:s29], [sflag:$0x6], $0x10, $0x38;
	[tilespmem:$0x9980] =	vst v63  }
0x2c5: {  	s6 =	sadd.s32 $0x20, s15;
	s8 =	simm.s32 $0x1A80  }
0x2c6: {  	[hbm4b:s6+s2] =	stream.linear.scatter [tilespmem:s8], [sflag:$0x6], $0x10, $0x38;
	[tilespmem:$0x9980] =	vst v63  }
0x2c7: {  	s28 =	sadd.s32 $0x30, s15;
	s29 =	simm.s32 $0x1B00  }
0x2c8: {  	[hbm4b:s28+s2] =	stream.linear.scatter [tilespmem:s29], [sflag:$0x6], $0x10, $0x38;
	[tilespmem:$0x9980] =	vst v63  }
0x2c9: {  	s6 =	sadd.s32 $0x40, s15;
	s8 =	simm.s32 $0x1B80  }
0x2ca: {  	[hbm4b:s6+s2] =	stream.linear.scatter [tilespmem:s8], [sflag:$0x6], $0x10, $0x38;
	[tilespmem:$0x9980] =	vst v63  }
0x2cb: {  	s28 =	sadd.s32 $0x50, s15;
	s29 =	simm.s32 $0x1C00  }
0x2cc: {  	[hbm4b:s28+s2] =	stream.linear.scatter [tilespmem:s29], [sflag:$0x6], $0x10, $0x38;
	[tilespmem:$0x9980] =	vst v63  }
0x2cd: {  	s6 =	sadd.s32 $0x60, s15;
	s8 =	simm.s32 $0x1C80  }
0x2ce: {  	[hbm4b:s6+s2] =	stream.linear.scatter [tilespmem:s8], [sflag:$0x6], $0x10, $0x38;
	[tilespmem:$0x9980] =	vst v63  }
0x2cf: {  	s28 =	sadd.s32 $0x70, s15;
	s29 =	simm.s32 $0x1D00  }
0x2d0: {  	[hbm4b:s28+s2] =	stream.linear.scatter [tilespmem:s29], [sflag:$0x6], $0x10, $0x38;
	[tilespmem:$0x9980] =	vst v63  }
0x2d1: {  	_ =	swait.ge [sflag:s1], $0x80  }
0x2d2: {  	[sflag:s1] =	ssyncset.done $0x0  }
0x2d3: {  	s8 =	simm.s32 $0x1D80;
	[sflag:s1] =	ssyncadd.s32 $0xFFFFFF80  }
0x2d4: {  	[hbm4b:s16+s2] =	stream.linear.scatter [tilespmem:s8], [sflag:$0x6], $0x10, $0x38;
	[tilespmem:$0x9980] =	vst v63  }
0x2d5: {  	s28 =	sadd.s32 $0x10, s16;
	s29 =	simm.s32 $0x1E00  }
0x2d6: {  	[hbm4b:s28+s2] =	stream.linear.scatter [tilespmem:s29], [sflag:$0x6], $0x10, $0x38;
	[tilespmem:$0x9980] =	vst v63  }
0x2d7: {  	s6 =	sadd.s32 $0x20, s16;
	s8 =	simm.s32 $0x1E80  }
0x2d8: {  	[hbm4b:s6+s2] =	stream.linear.scatter [tilespmem:s8], [sflag:$0x6], $0x10, $0x38;
	[tilespmem:$0x9980] =	vst v63  }
0x2d9: {  	s28 =	sadd.s32 $0x30, s16;
	s29 =	simm.s32 $0x1F00  }
0x2da: {  	[hbm4b:s28+s2] =	stream.linear.scatter [tilespmem:s29], [sflag:$0x6], $0x10, $0x38;
	[tilespmem:$0x9980] =	vst v63  }
0x2db: {  	s6 =	sadd.s32 $0x40, s16;
	s8 =	simm.s32 $0x1F80  }
0x2dc: {  	[hbm4b:s6+s2] =	stream.linear.scatter [tilespmem:s8], [sflag:$0x6], $0x10, $0x38;
	[tilespmem:$0x9980] =	vst v63  }
0x2dd: {  	s28 =	sadd.s32 $0x50, s16;
	s29 =	simm.s32 $0x2000  }
0x2de: {  	[hbm4b:s28+s2] =	stream.linear.scatter [tilespmem:s29], [sflag:$0x6], $0x10, $0x38;
	[tilespmem:$0x9980] =	vst v63  }
0x2df: {  	s6 =	sadd.s32 $0x60, s16;
	s8 =	simm.s32 $0x2080  }
0x2e0: {  	[hbm4b:s6+s2] =	stream.linear.scatter [tilespmem:s8], [sflag:$0x6], $0x10, $0x38;
	[tilespmem:$0x9980] =	vst v63  }
0x2e1: {  	s28 =	sadd.s32 $0x70, s16;
	s29 =	simm.s32 $0x2100  }
0x2e2: {  	[hbm4b:s28+s2] =	stream.linear.scatter [tilespmem:s29], [sflag:$0x6], $0x10, $0x38;
	[tilespmem:$0x9980] =	vst v63  }
0x2e3: {  	_ =	swait.ge [sflag:s1], $0x80  }
0x2e4: {  	[sflag:s1] =	ssyncset.done $0x0  }
0x2e5: {  	s8 =	simm.s32 $0x2180;
	[sflag:s1] =	ssyncadd.s32 $0xFFFFFF80  }
0x2e6: {  	[hbm4b:s17+s2] =	stream.linear.scatter [tilespmem:s8], [sflag:$0x6], $0x10, $0x38;
	[tilespmem:$0x9980] =	vst v63  }
0x2e7: {  	s28 =	sadd.s32 $0x10, s17;
	s29 =	simm.s32 $0x2200  }
0x2e8: {  	[hbm4b:s28+s2] =	stream.linear.scatter [tilespmem:s29], [sflag:$0x6], $0x10, $0x38;
	[tilespmem:$0x9980] =	vst v63  }
0x2e9: {  	s6 =	sadd.s32 $0x20, s17;
	s8 =	simm.s32 $0x2280  }
0x2ea: {  	[hbm4b:s6+s2] =	stream.linear.scatter [tilespmem:s8], [sflag:$0x6], $0x10, $0x38;
	[tilespmem:$0x9980] =	vst v63  }
0x2eb: {  	s28 =	sadd.s32 $0x30, s17;
	s29 =	simm.s32 $0x2300  }
0x2ec: {  	[hbm4b:s28+s2] =	stream.linear.scatter [tilespmem:s29], [sflag:$0x6], $0x10, $0x38;
	[tilespmem:$0x9980] =	vst v63  }
0x2ed: {  	s6 =	sadd.s32 $0x40, s17;
	s8 =	simm.s32 $0x2380  }
0x2ee: {  	[hbm4b:s6+s2] =	stream.linear.scatter [tilespmem:s8], [sflag:$0x6], $0x10, $0x38;
	[tilespmem:$0x9980] =	vst v63  }
0x2ef: {  	s28 =	sadd.s32 $0x50, s17;
	s29 =	simm.s32 $0x2400  }
0x2f0: {  	[hbm4b:s28+s2] =	stream.linear.scatter [tilespmem:s29], [sflag:$0x6], $0x10, $0x38;
	[tilespmem:$0x9980] =	vst v63  }
0x2f1: {  	s6 =	sadd.s32 $0x60, s17;
	s8 =	simm.s32 $0x2480  }
0x2f2: {  	[hbm4b:s6+s2] =	stream.linear.scatter [tilespmem:s8], [sflag:$0x6], $0x10, $0x38;
	[tilespmem:$0x9980] =	vst v63  }
0x2f3: {  	s28 =	sadd.s32 $0x70, s17;
	s29 =	simm.s32 $0x2500  }
0x2f4: {  	[hbm4b:s28+s2] =	stream.linear.scatter [tilespmem:s29], [sflag:$0x6], $0x10, $0x38;
	[tilespmem:$0x9980] =	vst v63  }
0x2f5: {  	_ =	swait.ge [sflag:s1], $0x80  }
0x2f6: {  	[sflag:s1] =	ssyncset.done $0x0  }
0x2f7: {  	s8 =	simm.s32 $0x2580;
	[sflag:s1] =	ssyncadd.s32 $0xFFFFFF80  }
0x2f8: {  	[hbm4b:s18+s2] =	stream.linear.scatter [tilespmem:s8], [sflag:$0x6], $0x10, $0x38;
	[tilespmem:$0x9980] =	vst v63  }
0x2f9: {  	s28 =	sadd.s32 $0x10, s18;
	s29 =	simm.s32 $0x2600  }
0x2fa: {  	[hbm4b:s28+s2] =	stream.linear.scatter [tilespmem:s29], [sflag:$0x6], $0x10, $0x38;
	[tilespmem:$0x9980] =	vst v63  }
0x2fb: {  	s6 =	sadd.s32 $0x20, s18;
	s8 =	simm.s32 $0x2680  }
0x2fc: {  	[hbm4b:s6+s2] =	stream.linear.scatter [tilespmem:s8], [sflag:$0x6], $0x10, $0x38;
	[tilespmem:$0x9980] =	vst v63  }
0x2fd: {  	s28 =	sadd.s32 $0x30, s18;
	s29 =	simm.s32 $0x2700  }
0x2fe: {  	[hbm4b:s28+s2] =	stream.linear.scatter [tilespmem:s29], [sflag:$0x6], $0x10, $0x38;
	[tilespmem:$0x9980] =	vst v63  }
0x2ff: {  	s6 =	sadd.s32 $0x40, s18;
	s8 =	simm.s32 $0x2780  }
0x300: {  	[hbm4b:s6+s2] =	stream.linear.scatter [tilespmem:s8], [sflag:$0x6], $0x10, $0x38;
	[tilespmem:$0x9980] =	vst v63  }
0x301: {  	s28 =	sadd.s32 $0x50, s18;
	s29 =	simm.s32 $0x2800  }
0x302: {  	[hbm4b:s28+s2] =	stream.linear.scatter [tilespmem:s29], [sflag:$0x6], $0x10, $0x38;
	[tilespmem:$0x9980] =	vst v63  }
0x303: {  	s6 =	sadd.s32 $0x60, s18;
	s8 =	simm.s32 $0x2880  }
0x304: {  	[hbm4b:s6+s2] =	stream.linear.scatter [tilespmem:s8], [sflag:$0x6], $0x10, $0x38;
	[tilespmem:$0x9980] =	vst v63  }
0x305: {  	s28 =	sadd.s32 $0x70, s18;
	s29 =	simm.s32 $0x2900  }
0x306: {  	[hbm4b:s28+s2] =	stream.linear.scatter [tilespmem:s29], [sflag:$0x6], $0x10, $0x38;
	[tilespmem:$0x9980] =	vst v63  }
0x307: {  	_ =	swait.ge [sflag:s1], $0x80  }
0x308: {  	[sflag:s1] =	ssyncset.done $0x0  }
0x309: {  	s8 =	simm.s32 $0x2980;
	[sflag:s1] =	ssyncadd.s32 $0xFFFFFF80  }
0x30a: {  	[hbm4b:s19+s2] =	stream.linear.scatter [tilespmem:s8], [sflag:$0x6], $0x10, $0x38;
	[tilespmem:$0x9980] =	vst v63  }
0x30b: {  	s28 =	sadd.s32 $0x10, s19;
	s29 =	simm.s32 $0x2A00  }
0x30c: {  	[hbm4b:s28+s2] =	stream.linear.scatter [tilespmem:s29], [sflag:$0x6], $0x10, $0x38;
	[tilespmem:$0x9980] =	vst v63  }
0x30d: {  	s6 =	sadd.s32 $0x20, s19;
	s8 =	simm.s32 $0x2A80  }
0x30e: {  	[hbm4b:s6+s2] =	stream.linear.scatter [tilespmem:s8], [sflag:$0x6], $0x10, $0x38;
	[tilespmem:$0x9980] =	vst v63  }
0x30f: {  	s28 =	sadd.s32 $0x30, s19;
	s29 =	simm.s32 $0x2B00  }
0x310: {  	[hbm4b:s28+s2] =	stream.linear.scatter [tilespmem:s29], [sflag:$0x6], $0x10, $0x38;
	[tilespmem:$0x9980] =	vst v63  }
0x311: {  	s6 =	sadd.s32 $0x40, s19;
	s8 =	simm.s32 $0x2B80  }
0x312: {  	[hbm4b:s6+s2] =	stream.linear.scatter [tilespmem:s8], [sflag:$0x6], $0x10, $0x38;
	[tilespmem:$0x9980] =	vst v63  }
0x313: {  	s28 =	sadd.s32 $0x50, s19;
	s29 =	simm.s32 $0x2C00  }
0x314: {  	[hbm4b:s28+s2] =	stream.linear.scatter [tilespmem:s29], [sflag:$0x6], $0x10, $0x38;
	[tilespmem:$0x9980] =	vst v63  }
0x315: {  	s6 =	sadd.s32 $0x60, s19;
	s8 =	simm.s32 $0x2C80  }
0x316: {  	[hbm4b:s6+s2] =	stream.linear.scatter [tilespmem:s8], [sflag:$0x6], $0x10, $0x38;
	[tilespmem:$0x9980] =	vst v63  }
0x317: {  	s28 =	sadd.s32 $0x70, s19;
	s29 =	simm.s32 $0x2D00  }
0x318: {  	[hbm4b:s28+s2] =	stream.linear.scatter [tilespmem:s29], [sflag:$0x6], $0x10, $0x38;
	[tilespmem:$0x9980] =	vst v63  }
0x319: {  	_ =	swait.ge [sflag:s1], $0x80  }
0x31a: {  	[sflag:s1] =	ssyncset.done $0x0  }
0x31b: {  	s8 =	simm.s32 $0x2D80;
	[sflag:s1] =	ssyncadd.s32 $0xFFFFFF80  }
0x31c: {  	[hbm4b:s20+s2] =	stream.linear.scatter [tilespmem:s8], [sflag:$0x6], $0x10, $0x38;
	[tilespmem:$0x9980] =	vst v63  }
0x31d: {  	s28 =	sadd.s32 $0x10, s20;
	s29 =	simm.s32 $0x2E00  }
0x31e: {  	[hbm4b:s28+s2] =	stream.linear.scatter [tilespmem:s29], [sflag:$0x6], $0x10, $0x38;
	[tilespmem:$0x9980] =	vst v63  }
0x31f: {  	s6 =	sadd.s32 $0x20, s20;
	s8 =	simm.s32 $0x2E80  }
0x320: {  	[hbm4b:s6+s2] =	stream.linear.scatter [tilespmem:s8], [sflag:$0x6], $0x10, $0x38;
	[tilespmem:$0x9980] =	vst v63  }
0x321: {  	s28 =	sadd.s32 $0x30, s20;
	s29 =	simm.s32 $0x2F00  }
0x322: {  	[hbm4b:s28+s2] =	stream.linear.scatter [tilespmem:s29], [sflag:$0x6], $0x10, $0x38;
	[tilespmem:$0x9980] =	vst v63  }
0x323: {  	s6 =	sadd.s32 $0x40, s20;
	s8 =	simm.s32 $0x2F80  }
0x324: {  	[hbm4b:s6+s2] =	stream.linear.scatter [tilespmem:s8], [sflag:$0x6], $0x10, $0x38;
	[tilespmem:$0x9980] =	vst v63  }
0x325: {  	s28 =	sadd.s32 $0x50, s20;
	s29 =	simm.s32 $0x3000  }
0x326: {  	[hbm4b:s28+s2] =	stream.linear.scatter [tilespmem:s29], [sflag:$0x6], $0x10, $0x38;
	[tilespmem:$0x9980] =	vst v63  }
0x327: {  	s6 =	sadd.s32 $0x60, s20;
	s8 =	simm.s32 $0x3080  }
0x328: {  	[hbm4b:s6+s2] =	stream.linear.scatter [tilespmem:s8], [sflag:$0x6], $0x10, $0x38;
	[tilespmem:$0x9980] =	vst v63  }
0x329: {  	s28 =	sadd.s32 $0x70, s20;
	s29 =	simm.s32 $0x3100  }
0x32a: {  	[hbm4b:s28+s2] =	stream.linear.scatter [tilespmem:s29], [sflag:$0x6], $0x10, $0x38;
	[tilespmem:$0x9980] =	vst v63  }
0x32b: {  	_ =	swait.ge [sflag:s1], $0x80  }
0x32c: {  	[sflag:s1] =	ssyncset.done $0x0  }
0x32d: {  	s8 =	simm.s32 $0x3180;
	[sflag:s1] =	ssyncadd.s32 $0xFFFFFF80  }
0x32e: {  	[hbm4b:s21+s2] =	stream.linear.scatter [tilespmem:s8], [sflag:$0x6], $0x10, $0x38;
	[tilespmem:$0x9980] =	vst v63  }
0x32f: {  	s28 =	sadd.s32 $0x10, s21;
	s29 =	simm.s32 $0x3200  }
0x330: {  	[hbm4b:s28+s2] =	stream.linear.scatter [tilespmem:s29], [sflag:$0x6], $0x10, $0x38;
	[tilespmem:$0x9980] =	vst v63  }
0x331: {  	s6 =	sadd.s32 $0x20, s21;
	s8 =	simm.s32 $0x3280  }
0x332: {  	[hbm4b:s6+s2] =	stream.linear.scatter [tilespmem:s8], [sflag:$0x6], $0x10, $0x38;
	[tilespmem:$0x9980] =	vst v63  }
0x333: {  	s28 =	sadd.s32 $0x30, s21;
	s29 =	simm.s32 $0x3300  }
0x334: {  	[hbm4b:s28+s2] =	stream.linear.scatter [tilespmem:s29], [sflag:$0x6], $0x10, $0x38;
	[tilespmem:$0x9980] =	vst v63  }
0x335: {  	s6 =	sadd.s32 $0x40, s21;
	s8 =	simm.s32 $0x3380  }
0x336: {  	[hbm4b:s6+s2] =	stream.linear.scatter [tilespmem:s8], [sflag:$0x6], $0x10, $0x38;
	[tilespmem:$0x9980] =	vst v63  }
0x337: {  	s28 =	sadd.s32 $0x50, s21;
	s29 =	simm.s32 $0x3400  }
0x338: {  	[hbm4b:s28+s2] =	stream.linear.scatter [tilespmem:s29], [sflag:$0x6], $0x10, $0x38;
	[tilespmem:$0x9980] =	vst v63  }
0x339: {  	s6 =	sadd.s32 $0x60, s21;
	s8 =	simm.s32 $0x3480  }
0x33a: {  	[hbm4b:s6+s2] =	stream.linear.scatter [tilespmem:s8], [sflag:$0x6], $0x10, $0x38;
	[tilespmem:$0x9980] =	vst v63  }
0x33b: {  	s28 =	sadd.s32 $0x70, s21;
	s29 =	simm.s32 $0x3500  }
0x33c: {  	[hbm4b:s28+s2] =	stream.linear.scatter [tilespmem:s29], [sflag:$0x6], $0x10, $0x38;
	[tilespmem:$0x9980] =	vst v63  }
0x33d: {  	_ =	swait.ge [sflag:s1], $0x80  }
0x33e: {  	[sflag:s1] =	ssyncset.done $0x0  }
0x33f: {  	s8 =	simm.s32 $0x3580;
	[sflag:s1] =	ssyncadd.s32 $0xFFFFFF80  }
0x340: {  	[hbm4b:s22+s2] =	stream.linear.scatter [tilespmem:s8], [sflag:$0x6], $0x10, $0x38;
	[tilespmem:$0x9980] =	vst v63  }
0x341: {  	s28 =	sadd.s32 $0x10, s22;
	s29 =	simm.s32 $0x3600  }
0x342: {  	[hbm4b:s28+s2] =	stream.linear.scatter [tilespmem:s29], [sflag:$0x6], $0x10, $0x38;
	[tilespmem:$0x9980] =	vst v63  }
0x343: {  	s6 =	sadd.s32 $0x20, s22;
	s8 =	simm.s32 $0x3680  }
0x344: {  	[hbm4b:s6+s2] =	stream.linear.scatter [tilespmem:s8], [sflag:$0x6], $0x10, $0x38;
	[tilespmem:$0x9980] =	vst v63  }
0x345: {  	s28 =	sadd.s32 $0x30, s22;
	s29 =	simm.s32 $0x3700  }
0x346: {  	[hbm4b:s28+s2] =	stream.linear.scatter [tilespmem:s29], [sflag:$0x6], $0x10, $0x38;
	[tilespmem:$0x9980] =	vst v63  }
0x347: {  	s6 =	sadd.s32 $0x40, s22;
	s8 =	simm.s32 $0x3780  }
0x348: {  	[hbm4b:s6+s2] =	stream.linear.scatter [tilespmem:s8], [sflag:$0x6], $0x10, $0x38;
	[tilespmem:$0x9980] =	vst v63  }
0x349: {  	s28 =	sadd.s32 $0x50, s22;
	s29 =	simm.s32 $0x3800  }
0x34a: {  	[hbm4b:s28+s2] =	stream.linear.scatter [tilespmem:s29], [sflag:$0x6], $0x10, $0x38;
	[tilespmem:$0x9980] =	vst v63  }
0x34b: {  	s6 =	sadd.s32 $0x60, s22;
	s8 =	simm.s32 $0x3880  }
0x34c: {  	[hbm4b:s6+s2] =	stream.linear.scatter [tilespmem:s8], [sflag:$0x6], $0x10, $0x38;
	[tilespmem:$0x9980] =	vst v63  }
0x34d: {  	s28 =	sadd.s32 $0x70, s22;
	s29 =	simm.s32 $0x3900  }
0x34e: {  	[hbm4b:s28+s2] =	stream.linear.scatter [tilespmem:s29], [sflag:$0x6], $0x10, $0x38;
	[tilespmem:$0x9980] =	vst v63  }
0x34f: {  	_ =	swait.ge [sflag:s1], $0x80  }
0x350: {  	[sflag:s1] =	ssyncset.done $0x0  }
0x351: {  	s8 =	simm.s32 $0x3980;
	[sflag:s1] =	ssyncadd.s32 $0xFFFFFF80  }
0x352: {  	[hbm4b:s23+s2] =	stream.linear.scatter [tilespmem:s8], [sflag:$0x6], $0x10, $0x38;
	[tilespmem:$0x9980] =	vst v63  }
0x353: {  	s28 =	sadd.s32 $0x10, s23;
	s29 =	simm.s32 $0x3A00  }
0x354: {  	[hbm4b:s28+s2] =	stream.linear.scatter [tilespmem:s29], [sflag:$0x6], $0x10, $0x38;
	[tilespmem:$0x9980] =	vst v63  }
0x355: {  	s6 =	sadd.s32 $0x20, s23;
	s8 =	simm.s32 $0x3A80  }
0x356: {  	[hbm4b:s6+s2] =	stream.linear.scatter [tilespmem:s8], [sflag:$0x6], $0x10, $0x38;
	[tilespmem:$0x9980] =	vst v63  }
0x357: {  	s28 =	sadd.s32 $0x30, s23;
	s29 =	simm.s32 $0x3B00  }
0x358: {  	[hbm4b:s28+s2] =	stream.linear.scatter [tilespmem:s29], [sflag:$0x6], $0x10, $0x38;
	[tilespmem:$0x9980] =	vst v63  }
0x359: {  	s6 =	sadd.s32 $0x40, s23;
	s8 =	simm.s32 $0x3B80  }
0x35a: {  	[hbm4b:s6+s2] =	stream.linear.scatter [tilespmem:s8], [sflag:$0x6], $0x10, $0x38;
	[tilespmem:$0x9980] =	vst v63  }
0x35b: {  	s28 =	sadd.s32 $0x50, s23;
	s29 =	simm.s32 $0x3C00  }
0x35c: {  	[hbm4b:s28+s2] =	stream.linear.scatter [tilespmem:s29], [sflag:$0x6], $0x10, $0x38;
	[tilespmem:$0x9980] =	vst v63  }
0x35d: {  	s6 =	sadd.s32 $0x60, s23;
	s8 =	simm.s32 $0x3C80  }
0x35e: {  	[hbm4b:s6+s2] =	stream.linear.scatter [tilespmem:s8], [sflag:$0x6], $0x10, $0x38;
	[tilespmem:$0x9980] =	vst v63  }
0x35f: {  	s28 =	sadd.s32 $0x70, s23;
	s29 =	simm.s32 $0x3D00  }
0x360: {  	[hbm4b:s28+s2] =	stream.linear.scatter [tilespmem:s29], [sflag:$0x6], $0x10, $0x38;
	[tilespmem:$0x9980] =	vst v63  }
0x361: {  	_ =	swait.ge [sflag:s1], $0x80  }
0x362: {  	[sflag:s1] =	ssyncset.done $0x0  }
0x363: {  	s8 =	simm.s32 $0x3D80;
	[sflag:s1] =	ssyncadd.s32 $0xFFFFFF80  }
0x364: {  	[hbm4b:s24+s2] =	stream.linear.scatter [tilespmem:s8], [sflag:$0x6], $0x10, $0x38;
	[tilespmem:$0x9980] =	vst v63  }
0x365: {  	s28 =	sadd.s32 $0x10, s24;
	s29 =	simm.s32 $0x3E00  }
0x366: {  	[hbm4b:s28+s2] =	stream.linear.scatter [tilespmem:s29], [sflag:$0x6], $0x10, $0x38;
	[tilespmem:$0x9980] =	vst v63  }
0x367: {  	s6 =	sadd.s32 $0x20, s24;
	s8 =	simm.s32 $0x3E80  }
0x368: {  	[hbm4b:s6+s2] =	stream.linear.scatter [tilespmem:s8], [sflag:$0x6], $0x10, $0x38;
	[tilespmem:$0x9980] =	vst v63  }
0x369: {  	s28 =	sadd.s32 $0x30, s24;
	s29 =	simm.s32 $0x3F00  }
0x36a: {  	[hbm4b:s28+s2] =	stream.linear.scatter [tilespmem:s29], [sflag:$0x6], $0x10, $0x38;
	[tilespmem:$0x9980] =	vst v63  }
0x36b: {  	s6 =	sadd.s32 $0x40, s24;
	s8 =	simm.s32 $0x3F80  }
0x36c: {  	[hbm4b:s6+s2] =	stream.linear.scatter [tilespmem:s8], [sflag:$0x6], $0x10, $0x38;
	[tilespmem:$0x9980] =	vst v63  }
0x36d: {  	s28 =	sadd.s32 $0x50, s24;
	s29 =	simm.s32 $0x4000  }
0x36e: {  	[hbm4b:s28+s2] =	stream.linear.scatter [tilespmem:s29], [sflag:$0x6], $0x10, $0x38;
	[tilespmem:$0x9980] =	vst v63  }
0x36f: {  	s6 =	sadd.s32 $0x60, s24;
	s8 =	simm.s32 $0x4080  }
0x370: {  	[hbm4b:s6+s2] =	stream.linear.scatter [tilespmem:s8], [sflag:$0x6], $0x10, $0x38;
	[tilespmem:$0x9980] =	vst v63  }
0x371: {  	s28 =	sadd.s32 $0x70, s24;
	s29 =	simm.s32 $0x4100  }
0x372: {  	[hbm4b:s28+s2] =	stream.linear.scatter [tilespmem:s29], [sflag:$0x6], $0x10, $0x38;
	[tilespmem:$0x9980] =	vst v63  }
0x373: {  	_ =	swait.ge [sflag:s1], $0x80  }
0x374: {  	[sflag:s1] =	ssyncset.done $0x0  }
0x375: {  	s8 =	simm.s32 $0x4180;
	[sflag:s1] =	ssyncadd.s32 $0xFFFFFF80  }
0x376: {  	[hbm4b:s25+s2] =	stream.linear.scatter [tilespmem:s8], [sflag:$0x6], $0x10, $0x38;
	[tilespmem:$0x9980] =	vst v63  }
0x377: {  	s28 =	sadd.s32 $0x10, s25;
	s29 =	simm.s32 $0x4200  }
0x378: {  	[hbm4b:s28+s2] =	stream.linear.scatter [tilespmem:s29], [sflag:$0x6], $0x10, $0x38;
	[tilespmem:$0x9980] =	vst v63  }
0x379: {  	s6 =	sadd.s32 $0x20, s25;
	s8 =	simm.s32 $0x4280  }
0x37a: {  	[hbm4b:s6+s2] =	stream.linear.scatter [tilespmem:s8], [sflag:$0x6], $0x10, $0x38;
	[tilespmem:$0x9980] =	vst v63  }
0x37b: {  	s28 =	sadd.s32 $0x30, s25;
	s29 =	simm.s32 $0x4300  }
0x37c: {  	[hbm4b:s28+s2] =	stream.linear.scatter [tilespmem:s29], [sflag:$0x6], $0x10, $0x38;
	[tilespmem:$0x9980] =	vst v63  }
0x37d: {  	s6 =	sadd.s32 $0x40, s25;
	s8 =	simm.s32 $0x4380  }
0x37e: {  	[hbm4b:s6+s2] =	stream.linear.scatter [tilespmem:s8], [sflag:$0x6], $0x10, $0x38;
	[tilespmem:$0x9980] =	vst v63  }
0x37f: {  	s28 =	sadd.s32 $0x50, s25;
	s29 =	simm.s32 $0x4400  }
0x380: {  	[hbm4b:s28+s2] =	stream.linear.scatter [tilespmem:s29], [sflag:$0x6], $0x10, $0x38;
	[tilespmem:$0x9980] =	vst v63  }
0x381: {  	s6 =	sadd.s32 $0x60, s25;
	s8 =	simm.s32 $0x4480  }
0x382: {  	[hbm4b:s6+s2] =	stream.linear.scatter [tilespmem:s8], [sflag:$0x6], $0x10, $0x38;
	[tilespmem:$0x9980] =	vst v63  }
0x383: {  	s28 =	sadd.s32 $0x70, s25;
	s29 =	simm.s32 $0x4500  }
0x384: {  	[hbm4b:s28+s2] =	stream.linear.scatter [tilespmem:s29], [sflag:$0x6], $0x10, $0x38;
	[tilespmem:$0x9980] =	vst v63  }
0x385: {  	_ =	swait.ge [sflag:s1], $0x80  }
0x386: {  	[sflag:s1] =	ssyncset.done $0x0  }
0x387: {  	s8 =	simm.s32 $0x4580;
	[sflag:s1] =	ssyncadd.s32 $0xFFFFFF80  }
0x388: {  	[hbm4b:s26+s2] =	stream.linear.scatter [tilespmem:s8], [sflag:$0x6], $0x10, $0x38;
	[tilespmem:$0x9980] =	vst v63  }
0x389: {  	s28 =	sadd.s32 $0x10, s26;
	s29 =	simm.s32 $0x4600  }
0x38a: {  	[hbm4b:s28+s2] =	stream.linear.scatter [tilespmem:s29], [sflag:$0x6], $0x10, $0x38;
	[tilespmem:$0x9980] =	vst v63  }
0x38b: {  	s6 =	sadd.s32 $0x20, s26;
	s8 =	simm.s32 $0x4680  }
0x38c: {  	[hbm4b:s6+s2] =	stream.linear.scatter [tilespmem:s8], [sflag:$0x6], $0x10, $0x38;
	[tilespmem:$0x9980] =	vst v63  }
0x38d: {  	s28 =	sadd.s32 $0x30, s26;
	s29 =	simm.s32 $0x4700  }
0x38e: {  	[hbm4b:s28+s2] =	stream.linear.scatter [tilespmem:s29], [sflag:$0x6], $0x10, $0x38;
	[tilespmem:$0x9980] =	vst v63  }
0x38f: {  	s6 =	sadd.s32 $0x40, s26;
	s8 =	simm.s32 $0x4780  }
0x390: {  	[hbm4b:s6+s2] =	stream.linear.scatter [tilespmem:s8], [sflag:$0x6], $0x10, $0x38;
	[tilespmem:$0x9980] =	vst v63  }
0x391: {  	s28 =	sadd.s32 $0x50, s26;
	s29 =	simm.s32 $0x4800  }
0x392: {  	[hbm4b:s28+s2] =	stream.linear.scatter [tilespmem:s29], [sflag:$0x6], $0x10, $0x38;
	[tilespmem:$0x9980] =	vst v63  }
0x393: {  	s6 =	sadd.s32 $0x60, s26;
	s8 =	simm.s32 $0x4880  }
0x394: {  	[hbm4b:s6+s2] =	stream.linear.scatter [tilespmem:s8], [sflag:$0x6], $0x10, $0x38;
	[tilespmem:$0x9980] =	vst v63  }
0x395: {  	s28 =	sadd.s32 $0x70, s26;
	s29 =	simm.s32 $0x4900  }
0x396: {  	[hbm4b:s28+s2] =	stream.linear.scatter [tilespmem:s29], [sflag:$0x6], $0x10, $0x38;
	[tilespmem:$0x9980] =	vst v63  }
0x397: {  	_ =	swait.ge [sflag:s1], $0x80  }
0x398: {  	s6 =	sld [smem:$0x7DD]  }
0x399: {  	[sflag:s1] =	ssyncset.done $0x0  }
0x39a: {  	s8 =	simm.s32 $0x4980;
	[sflag:s1] =	ssyncadd.s32 $0xFFFFFF80  }
0x39b: {  	[hbm4b:s6+s2] =	stream.linear.scatter [tilespmem:s8], [sflag:$0x6], $0x10, $0x38;
	[tilespmem:$0x9980] =	vst v63  }
0x39c: {  	s29 =	simm.s32 $0x4A00;
	s28 =	sadd.s32 $0x10, s6  }
0x39d: {  	[hbm4b:s28+s2] =	stream.linear.scatter [tilespmem:s29], [sflag:$0x6], $0x10, $0x38;
	[tilespmem:$0x9980] =	vst v63  }
0x39e: {  	s28 =	sadd.s32 $0x20, s6;
	s29 =	simm.s32 $0x4A80  }
0x39f: {  	[hbm4b:s28+s2] =	stream.linear.scatter [tilespmem:s29], [sflag:$0x6], $0x10, $0x38;
	[tilespmem:$0x9980] =	vst v63  }
0x3a0: {  	s28 =	sadd.s32 $0x30, s6;
	s29 =	simm.s32 $0x4B00  }
0x3a1: {  	[hbm4b:s28+s2] =	stream.linear.scatter [tilespmem:s29], [sflag:$0x6], $0x10, $0x38;
	[tilespmem:$0x9980] =	vst v63  }
0x3a2: {  	s28 =	sadd.s32 $0x40, s6;
	s29 =	simm.s32 $0x4B80  }
0x3a3: {  	[hbm4b:s28+s2] =	stream.linear.scatter [tilespmem:s29], [sflag:$0x6], $0x10, $0x38;
	[tilespmem:$0x9980] =	vst v63  }
0x3a4: {  	s28 =	sadd.s32 $0x50, s6;
	s29 =	simm.s32 $0x4C00  }
0x3a5: {  	[hbm4b:s28+s2] =	stream.linear.scatter [tilespmem:s29], [sflag:$0x6], $0x10, $0x38;
	[tilespmem:$0x9980] =	vst v63  }
.Ltmp5:
0x3a6: {  	s28 =	sadd.s32 $0x60, s6;
	s29 =	simm.s32 $0x4C80;
	(pc) =	sbr.rel .LBB2_7-.Ltmp5, $4  }
0x3a7: {  	[hbm4b:s28+s2] =	stream.linear.scatter [tilespmem:s29], [sflag:$0x6], $0x10, $0x38;
	[tilespmem:$0x9980] =	vst v63  }
0x3a8: {  	_ =	swait.ge [sflag:s1], $0x70  }
0x3a9: {  	[sflag:s1] =	ssyncset.done $0x0  }
0x3aa: {  	[sflag:s1] =	ssyncadd.s32 $0xFFFFFF90  }
.LBB2_8:
0x3ab: {  	_ =	sfence.sel $0x180000  }
0x3ac: {  	[bflag:$0x0] =	sbarrier.arrive $0xFFFF  }
0x3ad: {  	_ =	strace $0x90000047  }
0x3ae: {  	s0 =	stileid.u32;
	[bflag:$0x2] =	sbarrier.arrive $0xFFFF  }
0x3af: {  	p0 =	sne.s32 s0, $0x0;
	s0 =	rddreg [dreg:$0x2]  }
0x3b0: {  	s0 =	sadd.s32 @!p0 $0x100000, s0  }
0x3b1: {  	[sflag:s0] =	ssyncadd.tile.s32 @!p0 $0x1;
	_ =	shalt  }
.Lfunc_end2:
_tile_overlayer_lowered:
.L_overlay_start_2:
0x3b2: {  	(tag) =	ssettag $0x2  }
0x3b3: {  	s0 =	rddreg [dreg:$0x0];
	s2 =	stileid.u32  }
0x3b4: {  	s1 =	rddreg [dreg:$0x1];
	p0 =	sne.s32 s2, $0x0  }
0x3b5: {  	s3 =	rddreg [dreg:$0x2];
	[bflag:$0x3] =	sbarrier.arrive $0xFFFF;
	s2 =	simm.s32 @!p0 $0x1C06  }
0x3b6: {  	[timem:s3], [sflag:s2] =	dma.local @!p0 [hbm:s0], s1  }
0x3b7: {  	s0 =	simm.s32 @!p0 $0x6  }
0x3b8: {  	_ =	swait.ge @!p0 [sflag:s0], s1  }
0x3b9: {  	s1 =	ssub.s32 @!p0 $0x0, s1;
	[sflag:s0] =	ssyncset.done @!p0 $0x0  }
0x3ba: {  	[sflag:s0] =	ssyncadd.s32 @!p0 s1  }
0x3bb: {  	[bflag:$0x3] =	sbarrier.arrive $0xFFFF  }
0x3bc: {  	_ =	shalt  }

</sc_bundles>
